<compile_context>
chip_gen: v7x
topology: tpu7x:2x2x1
jax: 0.10.2.dev20260603
libtpu: 0.0.44.dev20260713+nightly
codegen_flags: <defaults>
</compile_context>

<pallas_src>
import functools

import jax
import jax.numpy as jnp
from jax import lax
from jax.experimental import pallas as pl
from jax.experimental.pallas import tpu as pltpu
from jax.experimental.pallas import tpu_sc as plsc

_BATCH = 32
_LEN = 160000
_CHUNK = 64000
_NBUF = 2

_CHUNKS = []
_off = 0
while _off < _LEN:
    _CHUNKS.append((_off, min(_CHUNK, _LEN - _off)))
    _off += _CHUNK
_NCH = len(_CHUNKS)


def _drop_intervals():
    return [[] for _ in range(_BATCH)]


_INTERVALS = _drop_intervals()


def _fl16(x):
    return x - (x % 16)


def _cl16(x):
    return -(-x // 16) * 16


def _emit_chunk_zeroing(buf, intervals, chunk_lo, chunk_len):
    chunk_hi = chunk_lo + chunk_len
    clipped = [(max(s, chunk_lo) - chunk_lo, min(e, chunk_hi) - chunk_lo)
               for s, e in intervals if s < chunk_hi and e > chunk_lo]
    if not clipped:
        return

    def dropped(t):
        return any(s <= t < e for s, e in clipped)

    wset = set()
    for s, e in clipped:
        if s % 16:
            wset.add(_fl16(s))
        if e % 16:
            wset.add(_fl16(e))
    for w0 in sorted(wset):
        keep = tuple(0.0 if dropped(w0 + lane) else 1.0 for lane in range(16))
        buf[pl.ds(w0, 16)] = buf[pl.ds(w0, 16)] * jnp.asarray(keep, jnp.float32)

    for s, e in clipped:
        a0, a1 = _cl16(s), _fl16(e)
        if a1 > a0:
            def zbody(i, carry):
                buf[pl.ds(i * 16, 16)] = jnp.zeros((16,), jnp.float32)
                return carry

            lax.fori_loop(a0 // 16, a1 // 16, zbody, 0)


def _emit_row(row, in_hbm, out_hbm, bufs, sin, sout):
    base = row * _LEN
    intervals = _INTERVALS[row]
    in_h = [None] * _NCH
    out_h = [None] * _NCH
    out_waited = [False] * _NCH

    def gather(c):
        k = c % _NBUF
        lo, ln = _CHUNKS[c]
        in_h[c] = pltpu.async_copy(
            in_hbm.at[pl.ds(base + lo, ln)], bufs[k].at[pl.ds(0, ln)], sin[k])

    for c in range(min(_NBUF, _NCH)):
        gather(c)
    for c in range(_NCH):
        k = c % _NBUF
        lo, ln = _CHUNKS[c]
        in_h[c].wait()
        _emit_chunk_zeroing(bufs[k], intervals, lo, ln)
        out_h[c] = pltpu.async_copy(
            bufs[k].at[pl.ds(0, ln)], out_hbm.at[pl.ds(base + lo, ln)],
            sout[k])
        g = c + _NBUF - 1
        if _NBUF <= g < _NCH:
            prev = g - _NBUF
            if not out_waited[prev]:
                out_h[prev].wait()
                out_waited[prev] = True
            gather(g)
    for c in range(_NCH):
        if not out_waited[c]:
            out_h[c].wait()
            out_waited[c] = True


def _build_sc_kernel():
    mesh = plsc.VectorSubcoreMesh(core_axis_name="c", subcore_axis_name="s")

    @functools.partial(
        pl.kernel,
        out_type=jax.ShapeDtypeStruct((_BATCH * _LEN,), jnp.float32),
        mesh=mesh,
        scratch_types=[pltpu.VMEM((_CHUNK,), jnp.float32)] * _NBUF
        + [pltpu.SemaphoreType.DMA] * (2 * _NBUF),
    )
    def drop_chunk_sc(in_hbm, out_hbm, *refs):
        wid = lax.axis_index("s") * 2 + lax.axis_index("c")
        bufs = list(refs[:_NBUF])
        sin = list(refs[_NBUF:2 * _NBUF])
        sout = list(refs[2 * _NBUF:3 * _NBUF])
        for b in range(_BATCH):
            @pl.when(wid == b)
            def _(b=b):
                _emit_row(b, in_hbm, out_hbm, bufs, sin, sout)

    return drop_chunk_sc


def kernel(waveforms):
    batch, channels, length = waveforms.shape
    flat = waveforms.reshape(-1)
    out = _build_sc_kernel()(flat)
    return out.reshape(batch, channels, length)

# --- scband reference (transcript-rebuilt; emitter-appended) ---
"""Pipeline reference for scband-drop-chunk-25417616457868 (READ-ONLY COPY).

The authoritative reference and input builder live on the scoring server;
editing this copy changes nothing except your own understanding.
"""

import jax, jax.numpy as jnp
import numpy as np

DROP_LEN_LOW = 1000
DROP_LEN_HIGH = 2000
DROP_CNT_LOW = 1
DROP_CNT_HIGH = 5
P = 0.5


def setup_inputs(seed: int = 0) -> dict:
    key = jax.random.key(seed)
    waveforms = jax.random.normal(key, (32, 1, 160000), dtype=jnp.float32)
    return {"waveforms": waveforms}


def _make_mask(batch, length):
    # Deterministic stand-in for the module's internal torch randomness.
    key = jax.random.key(42)
    k_apply, k_cnt, k_len, k_start = jax.random.split(key, 4)
    apply_flag = jax.random.uniform(k_apply, ()) <= P
    max_drops = DROP_CNT_HIGH
    n_drops = jax.random.randint(k_cnt, (batch,), DROP_CNT_LOW, DROP_CNT_HIGH + 1)
    drop_len = jax.random.randint(
        k_len, (batch, max_drops), DROP_LEN_LOW, min(DROP_LEN_HIGH + 1, length)
    )
    # start ~ Uniform[0, max(1, length - drop_len)) per drop, matching torch semantics
    u = jax.random.uniform(k_start, (batch, max_drops))
    start_range = jnp.maximum(1, length - drop_len)
    start = jnp.floor(u * start_range).astype(jnp.int32)
    active = jnp.arange(max_drops)[None, :] < n_drops[:, None]
    t = jnp.arange(length)
    in_chunk = (
        (t[None, None, :] >= start[:, :, None])
        & (t[None, None, :] < (start + drop_len)[:, :, None])
        & active[:, :, None]
    )
    dropped = jnp.any(in_chunk, axis=1)  # (batch, length)
    mask = jnp.where(dropped, 0.0, 1.0).astype(jnp.float32)
    mask = jnp.where(apply_flag, mask, jnp.ones_like(mask))
    return mask


def reference(waveforms):
    batch, channels, length = waveforms.shape
    mask = _make_mask(batch, length)
    return waveforms * mask[:, None, :]

if __name__ == "__main__":
    import jax
    _d = setup_inputs()
    print(jax.jit(kernel)(*tuple(_d.values())))

</pallas_src>

<mosaic_0001>
#map = affine_map<(d0, d1) -> (0)>
module attributes {stable_mosaic.version = 14 : i64} {
  func.func @drop_chunk_sc(%arg0: i32, %arg1: i32, %arg2: memref<5120000xf32, #tpu.memory_space<hbm>>, %arg3: memref<5120000xf32, #tpu.memory_space<hbm>>, %arg4: memref<64000xf32, #tpu.memory_space<vmem>>, %arg5: memref<64000xf32, #tpu.memory_space<vmem>>, %arg6: memref<!tpu.dma_semaphore, #tpu.memory_space<semaphore_mem>>, %arg7: memref<!tpu.dma_semaphore, #tpu.memory_space<semaphore_mem>>, %arg8: memref<!tpu.dma_semaphore, #tpu.memory_space<semaphore_mem>>, %arg9: memref<!tpu.dma_semaphore, #tpu.memory_space<semaphore_mem>>) attributes {dimension_semantics = [#tpu.dimension_semantics<core_parallel>, #tpu.dimension_semantics<subcore_parallel>], iteration_bounds = array<i64: 2, 16>, scalar_prefetch = 0 : i64, scratch_operands = 6 : i64, tpu.core_type = #tpu.core_type<sc_vector_subcore>, window_params = [{transform_indices = #map}, {transform_indices = #map}]} {
    %mul3A = arith.constant 2 : i32
    %mul3A_0 = arith.muli %arg1, %mul3A : i32
    %add3A = arith.addi %mul3A_0, %arg0 : i32
    %eq3A = arith.constant 0 : i32
    %eq3A_1 = arith.cmpi eq, %add3A, %eq3A : i32
    %convert_element_type3A = arith.extui %eq3A_1 : i1 to i32
    %cond3A = arith.constant 0 : i32
    %cond3A_2 = arith.cmpi ne, %convert_element_type3A, %cond3A : i32
    scf.if %cond3A_2 {
      %dma_start3A = arith.constant 0 : i32
      %dma_start3A_158 = tpu.memref_slice %arg4[%dma_start3A] : memref<64000xf32, #tpu.memory_space<vmem>> -> memref<64000xf32, #tpu.memory_space<vmem>>
      %dma_start3A_159 = arith.constant 0 : i32
      %dma_start3A_160 = tpu.memref_slice %arg2[%dma_start3A_159] : memref<5120000xf32, #tpu.memory_space<hbm>> -> memref<64000xf32, #tpu.memory_space<hbm>>
      %dma_start3A_161 = arith.constant 0 : i32
      %dma_start3A_162 = tpu.memref_slice %arg4[%dma_start3A_161] : memref<64000xf32, #tpu.memory_space<vmem>> -> memref<64000xf32, #tpu.memory_space<vmem>>
      %dma_start3A_163 = arith.constant 0 : i32
      %dma_start3A_164 = tpu.memref_slice %arg2[%dma_start3A_163] : memref<5120000xf32, #tpu.memory_space<hbm>> -> memref<64000xf32, #tpu.memory_space<hbm>>
      tpu.enqueue_dma source(%dma_start3A_164 : memref<64000xf32, #tpu.memory_space<hbm>>) target(%dma_start3A_162 : memref<64000xf32, #tpu.memory_space<vmem>>) target_semaphore(%arg6 : memref<!tpu.dma_semaphore, #tpu.memory_space<semaphore_mem>>)
      %dma_start3A_165 = arith.constant 0 : i32
      %dma_start3A_166 = tpu.memref_slice %arg5[%dma_start3A_165] : memref<64000xf32, #tpu.memory_space<vmem>> -> memref<64000xf32, #tpu.memory_space<vmem>>
      %dma_start3A_167 = arith.constant 64000 : i32
      %dma_start3A_168 = tpu.memref_slice %arg2[%dma_start3A_167] : memref<5120000xf32, #tpu.memory_space<hbm>> -> memref<64000xf32, #tpu.memory_space<hbm>>
      %dma_start3A_169 = arith.constant 0 : i32
      %dma_start3A_170 = tpu.memref_slice %arg5[%dma_start3A_169] : memref<64000xf32, #tpu.memory_space<vmem>> -> memref<64000xf32, #tpu.memory_space<vmem>>
      %dma_start3A_171 = arith.constant 64000 : i32
      %dma_start3A_172 = tpu.memref_slice %arg2[%dma_start3A_171] : memref<5120000xf32, #tpu.memory_space<hbm>> -> memref<64000xf32, #tpu.memory_space<hbm>>
      tpu.enqueue_dma source(%dma_start3A_172 : memref<64000xf32, #tpu.memory_space<hbm>>) target(%dma_start3A_170 : memref<64000xf32, #tpu.memory_space<vmem>>) target_semaphore(%arg7 : memref<!tpu.dma_semaphore, #tpu.memory_space<semaphore_mem>>)
      %dma_wait3A = arith.constant 0 : i32
      %dma_wait3A_173 = tpu.memref_slice %arg4[%dma_wait3A] : memref<64000xf32, #tpu.memory_space<vmem>> -> memref<64000xf32, #tpu.memory_space<vmem>>
      %dma_wait3A_174 = arith.constant 0 : i32
      %dma_wait3A_175 = tpu.memref_slice %arg2[%dma_wait3A_174] : memref<5120000xf32, #tpu.memory_space<hbm>> -> memref<64000xf32, #tpu.memory_space<hbm>>
      %dma_wait3A_176 = arith.constant 0 : i32
      %dma_wait3A_177 = tpu.memref_slice %arg4[%dma_wait3A_176] : memref<64000xf32, #tpu.memory_space<vmem>> -> memref<64000xf32, #tpu.memory_space<vmem>>
      %dma_wait3A_178 = arith.constant 0 : i32
      %dma_wait3A_179 = tpu.memref_slice %arg2[%dma_wait3A_178] : memref<5120000xf32, #tpu.memory_space<hbm>> -> memref<64000xf32, #tpu.memory_space<hbm>>
      tpu.wait_dma2 semaphore(%arg6 : memref<!tpu.dma_semaphore, #tpu.memory_space<semaphore_mem>>) src(%dma_wait3A_179 : memref<64000xf32, #tpu.memory_space<hbm>>) dst(%dma_wait3A_177 : memref<64000xf32, #tpu.memory_space<vmem>>)
      %dma_start3A_180 = arith.constant 0 : i32
      %dma_start3A_181 = tpu.memref_slice %arg4[%dma_start3A_180] : memref<64000xf32, #tpu.memory_space<vmem>> -> memref<64000xf32, #tpu.memory_space<vmem>>
      %dma_start3A_182 = arith.constant 0 : i32
      %dma_start3A_183 = tpu.memref_slice %arg3[%dma_start3A_182] : memref<5120000xf32, #tpu.memory_space<hbm>> -> memref<64000xf32, #tpu.memory_space<hbm>>
      %dma_start3A_184 = arith.constant 0 : i32
      %dma_start3A_185 = tpu.memref_slice %arg3[%dma_start3A_184] : memref<5120000xf32, #tpu.memory_space<hbm>> -> memref<64000xf32, #tpu.memory_space<hbm>>
      %dma_start3A_186 = arith.constant 0 : i32
      %dma_start3A_187 = tpu.memref_slice %arg4[%dma_start3A_186] : memref<64000xf32, #tpu.memory_space<vmem>> -> memref<64000xf32, #tpu.memory_space<vmem>>
      tpu.enqueue_dma source(%dma_start3A_187 : memref<64000xf32, #tpu.memory_space<vmem>>) target(%dma_start3A_185 : memref<64000xf32, #tpu.memory_space<hbm>>) target_semaphore(%arg8 : memref<!tpu.dma_semaphore, #tpu.memory_space<semaphore_mem>>)
      %dma_wait3A_188 = arith.constant 0 : i32
      %dma_wait3A_189 = tpu.memref_slice %arg5[%dma_wait3A_188] : memref<64000xf32, #tpu.memory_space<vmem>> -> memref<64000xf32, #tpu.memory_space<vmem>>
      %dma_wait3A_190 = arith.constant 64000 : i32
      %dma_wait3A_191 = tpu.memref_slice %arg2[%dma_wait3A_190] : memref<5120000xf32, #tpu.memory_space<hbm>> -> memref<64000xf32, #tpu.memory_space<hbm>>
      %dma_wait3A_192 = arith.constant 0 : i32
      %dma_wait3A_193 = tpu.memref_slice %arg5[%dma_wait3A_192] : memref<64000xf32, #tpu.memory_space<vmem>> -> memref<64000xf32, #tpu.memory_space<vmem>>
      %dma_wait3A_194 = arith.constant 64000 : i32
      %dma_wait3A_195 = tpu.memref_slice %arg2[%dma_wait3A_194] : memref<5120000xf32, #tpu.memory_space<hbm>> -> memref<64000xf32, #tpu.memory_space<hbm>>
      tpu.wait_dma2 semaphore(%arg7 : memref<!tpu.dma_semaphore, #tpu.memory_space<semaphore_mem>>) src(%dma_wait3A_195 : memref<64000xf32, #tpu.memory_space<hbm>>) dst(%dma_wait3A_193 : memref<64000xf32, #tpu.memory_space<vmem>>)
      %dma_start3A_196 = arith.constant 0 : i32
      %dma_start3A_197 = tpu.memref_slice %arg5[%dma_start3A_196] : memref<64000xf32, #tpu.memory_space<vmem>> -> memref<64000xf32, #tpu.memory_space<vmem>>
      %dma_start3A_198 = arith.constant 64000 : i32
      %dma_start3A_199 = tpu.memref_slice %arg3[%dma_start3A_198] : memref<5120000xf32, #tpu.memory_space<hbm>> -> memref<64000xf32, #tpu.memory_space<hbm>>
      %dma_start3A_200 = arith.constant 64000 : i32
      %dma_start3A_201 = tpu.memref_slice %arg3[%dma_start3A_200] : memref<5120000xf32, #tpu.memory_space<hbm>> -> memref<64000xf32, #tpu.memory_space<hbm>>
      %dma_start3A_202 = arith.constant 0 : i32
      %dma_start3A_203 = tpu.memref_slice %arg5[%dma_start3A_202] : memref<64000xf32, #tpu.memory_space<vmem>> -> memref<64000xf32, #tpu.memory_space<vmem>>
      tpu.enqueue_dma source(%dma_start3A_203 : memref<64000xf32, #tpu.memory_space<vmem>>) target(%dma_start3A_201 : memref<64000xf32, #tpu.memory_space<hbm>>) target_semaphore(%arg9 : memref<!tpu.dma_semaphore, #tpu.memory_space<semaphore_mem>>)
      %dma_wait3A_204 = arith.constant 0 : i32
      %dma_wait3A_205 = tpu.memref_slice %arg4[%dma_wait3A_204] : memref<64000xf32, #tpu.memory_space<vmem>> -> memref<64000xf32, #tpu.memory_space<vmem>>
      %dma_wait3A_206 = arith.constant 0 : i32
      %dma_wait3A_207 = tpu.memref_slice %arg3[%dma_wait3A_206] : memref<5120000xf32, #tpu.memory_space<hbm>> -> memref<64000xf32, #tpu.memory_space<hbm>>
      %dma_wait3A_208 = arith.constant 0 : i32
      %dma_wait3A_209 = tpu.memref_slice %arg3[%dma_wait3A_208] : memref<5120000xf32, #tpu.memory_space<hbm>> -> memref<64000xf32, #tpu.memory_space<hbm>>
      %dma_wait3A_210 = arith.constant 0 : i32
      %dma_wait3A_211 = tpu.memref_slice %arg4[%dma_wait3A_210] : memref<64000xf32, #tpu.memory_space<vmem>> -> memref<64000xf32, #tpu.memory_space<vmem>>
      tpu.wait_dma2 semaphore(%arg8 : memref<!tpu.dma_semaphore, #tpu.memory_space<semaphore_mem>>) src(%dma_wait3A_211 : memref<64000xf32, #tpu.memory_space<vmem>>) dst(%dma_wait3A_209 : memref<64000xf32, #tpu.memory_space<hbm>>)
      %dma_start3A_212 = arith.constant 0 : i32
      %dma_start3A_213 = tpu.memref_slice %arg4[%dma_start3A_212] : memref<64000xf32, #tpu.memory_space<vmem>> -> memref<32000xf32, #tpu.memory_space<vmem>>
      %dma_start3A_214 = arith.constant 128000 : i32
      %dma_start3A_215 = tpu.memref_slice %arg2[%dma_start3A_214] : memref<5120000xf32, #tpu.memory_space<hbm>> -> memref<32000xf32, #tpu.memory_space<hbm>>
      %dma_start3A_216 = arith.constant 0 : i32
      %dma_start3A_217 = tpu.memref_slice %arg4[%dma_start3A_216] : memref<64000xf32, #tpu.memory_space<vmem>> -> memref<32000xf32, #tpu.memory_space<vmem>>
      %dma_start3A_218 = arith.constant 128000 : i32
      %dma_start3A_219 = tpu.memref_slice %arg2[%dma_start3A_218] : memref<5120000xf32, #tpu.memory_space<hbm>> -> memref<32000xf32, #tpu.memory_space<hbm>>
      tpu.enqueue_dma source(%dma_start3A_219 : memref<32000xf32, #tpu.memory_space<hbm>>) target(%dma_start3A_217 : memref<32000xf32, #tpu.memory_space<vmem>>) target_semaphore(%arg6 : memref<!tpu.dma_semaphore, #tpu.memory_space<semaphore_mem>>)
      %dma_wait3A_220 = arith.constant 0 : i32
      %dma_wait3A_221 = tpu.memref_slice %arg4[%dma_wait3A_220] : memref<64000xf32, #tpu.memory_space<vmem>> -> memref<32000xf32, #tpu.memory_space<vmem>>
      %dma_wait3A_222 = arith.constant 128000 : i32
      %dma_wait3A_223 = tpu.memref_slice %arg2[%dma_wait3A_222] : memref<5120000xf32, #tpu.memory_space<hbm>> -> memref<32000xf32, #tpu.memory_space<hbm>>
      %dma_wait3A_224 = arith.constant 0 : i32
      %dma_wait3A_225 = tpu.memref_slice %arg4[%dma_wait3A_224] : memref<64000xf32, #tpu.memory_space<vmem>> -> memref<32000xf32, #tpu.memory_space<vmem>>
      %dma_wait3A_226 = arith.constant 128000 : i32
      %dma_wait3A_227 = tpu.memref_slice %arg2[%dma_wait3A_226] : memref<5120000xf32, #tpu.memory_space<hbm>> -> memref<32000xf32, #tpu.memory_space<hbm>>
      tpu.wait_dma2 semaphore(%arg6 : memref<!tpu.dma_semaphore, #tpu.memory_space<semaphore_mem>>) src(%dma_wait3A_227 : memref<32000xf32, #tpu.memory_space<hbm>>) dst(%dma_wait3A_225 : memref<32000xf32, #tpu.memory_space<vmem>>)
      %dma_start3A_228 = arith.constant 0 : i32
      %dma_start3A_229 = tpu.memref_slice %arg4[%dma_start3A_228] : memref<64000xf32, #tpu.memory_space<vmem>> -> memref<32000xf32, #tpu.memory_space<vmem>>
      %dma_start3A_230 = arith.constant 128000 : i32
      %dma_start3A_231 = tpu.memref_slice %arg3[%dma_start3A_230] : memref<5120000xf32, #tpu.memory_space<hbm>> -> memref<32000xf32, #tpu.memory_space<hbm>>
      %dma_start3A_232 = arith.constant 128000 : i32
      %dma_start3A_233 = tpu.memref_slice %arg3[%dma_start3A_232] : memref<5120000xf32, #tpu.memory_space<hbm>> -> memref<32000xf32, #tpu.memory_space<hbm>>
      %dma_start3A_234 = arith.constant 0 : i32
      %dma_start3A_235 = tpu.memref_slice %arg4[%dma_start3A_234] : memref<64000xf32, #tpu.memory_space<vmem>> -> memref<32000xf32, #tpu.memory_space<vmem>>
      tpu.enqueue_dma source(%dma_start3A_235 : memref<32000xf32, #tpu.memory_space<vmem>>) target(%dma_start3A_233 : memref<32000xf32, #tpu.memory_space<hbm>>) target_semaphore(%arg8 : memref<!tpu.dma_semaphore, #tpu.memory_space<semaphore_mem>>)
      %dma_wait3A_236 = arith.constant 0 : i32
      %dma_wait3A_237 = tpu.memref_slice %arg5[%dma_wait3A_236] : memref<64000xf32, #tpu.memory_space<vmem>> -> memref<64000xf32, #tpu.memory_space<vmem>>
      %dma_wait3A_238 = arith.constant 64000 : i32
      %dma_wait3A_239 = tpu.memref_slice %arg3[%dma_wait3A_238] : memref<5120000xf32, #tpu.memory_space<hbm>> -> memref<64000xf32, #tpu.memory_space<hbm>>
      %dma_wait3A_240 = arith.constant 64000 : i32
      %dma_wait3A_241 = tpu.memref_slice %arg3[%dma_wait3A_240] : memref<5120000xf32, #tpu.memory_space<hbm>> -> memref<64000xf32, #tpu.memory_space<hbm>>
      %dma_wait3A_242 = arith.constant 0 : i32
      %dma_wait3A_243 = tpu.memref_slice %arg5[%dma_wait3A_242] : memref<64000xf32, #tpu.memory_space<vmem>> -> memref<64000xf32, #tpu.memory_space<vmem>>
      tpu.wait_dma2 semaphore(%arg9 : memref<!tpu.dma_semaphore, #tpu.memory_space<semaphore_mem>>) src(%dma_wait3A_243 : memref<64000xf32, #tpu.memory_space<vmem>>) dst(%dma_wait3A_241 : memref<64000xf32, #tpu.memory_space<hbm>>)
      %dma_wait3A_244 = arith.constant 0 : i32
      %dma_wait3A_245 = tpu.memref_slice %arg4[%dma_wait3A_244] : memref<64000xf32, #tpu.memory_space<vmem>> -> memref<32000xf32, #tpu.memory_space<vmem>>
      %dma_wait3A_246 = arith.constant 128000 : i32
      %dma_wait3A_247 = tpu.memref_slice %arg3[%dma_wait3A_246] : memref<5120000xf32, #tpu.memory_space<hbm>> -> memref<32000xf32, #tpu.memory_space<hbm>>
      %dma_wait3A_248 = arith.constant 128000 : i32
      %dma_wait3A_249 = tpu.memref_slice %arg3[%dma_wait3A_248] : memref<5120000xf32, #tpu.memory_space<hbm>> -> memref<32000xf32, #tpu.memory_space<hbm>>
      %dma_wait3A_250 = arith.constant 0 : i32
      %dma_wait3A_251 = tpu.memref_slice %arg4[%dma_wait3A_250] : memref<64000xf32, #tpu.memory_space<vmem>> -> memref<32000xf32, #tpu.memory_space<vmem>>
      tpu.wait_dma2 semaphore(%arg8 : memref<!tpu.dma_semaphore, #tpu.memory_space<semaphore_mem>>) src(%dma_wait3A_251 : memref<32000xf32, #tpu.memory_space<vmem>>) dst(%dma_wait3A_249 : memref<32000xf32, #tpu.memory_space<hbm>>)
    } else {
    }
    %eq3A_3 = arith.constant 1 : i32
    %eq3A_4 = arith.cmpi eq, %add3A, %eq3A_3 : i32
    %convert_element_type3A_5 = arith.extui %eq3A_4 : i1 to i32
    %cond3A_6 = arith.constant 0 : i32
    %cond3A_7 = arith.cmpi ne, %convert_element_type3A_5, %cond3A_6 : i32
    scf.if %cond3A_7 {
      %dma_start3A = arith.constant 0 : i32
      %dma_start3A_158 = tpu.memref_slice %arg4[%dma_start3A] : memref<64000xf32, #tpu.memory_space<vmem>> -> memref<64000xf32, #tpu.memory_space<vmem>>
      %dma_start3A_159 = arith.constant 160000 : i32
      %dma_start3A_160 = tpu.memref_slice %arg2[%dma_start3A_159] : memref<5120000xf32, #tpu.memory_space<hbm>> -> memref<64000xf32, #tpu.memory_space<hbm>>
      %dma_start3A_161 = arith.constant 0 : i32
      %dma_start3A_162 = tpu.memref_slice %arg4[%dma_start3A_161] : memref<64000xf32, #tpu.memory_space<vmem>> -> memref<64000xf32, #tpu.memory_space<vmem>>
      %dma_start3A_163 = arith.constant 160000 : i32
      %dma_start3A_164 = tpu.memref_slice %arg2[%dma_start3A_163] : memref<5120000xf32, #tpu.memory_space<hbm>> -> memref<64000xf32, #tpu.memory_space<hbm>>
      tpu.enqueue_dma source(%dma_start3A_164 : memref<64000xf32, #tpu.memory_space<hbm>>) target(%dma_start3A_162 : memref<64000xf32, #tpu.memory_space<vmem>>) target_semaphore(%arg6 : memref<!tpu.dma_semaphore, #tpu.memory_space<semaphore_mem>>)
      %dma_start3A_165 = arith.constant 0 : i32
      %dma_start3A_166 = tpu.memref_slice %arg5[%dma_start3A_165] : memref<64000xf32, #tpu.memory_space<vmem>> -> memref<64000xf32, #tpu.memory_space<vmem>>
      %dma_start3A_167 = arith.constant 224000 : i32
      %dma_start3A_168 = tpu.memref_slice %arg2[%dma_start3A_167] : memref<5120000xf32, #tpu.memory_space<hbm>> -> memref<64000xf32, #tpu.memory_space<hbm>>
      %dma_start3A_169 = arith.constant 0 : i32
      %dma_start3A_170 = tpu.memref_slice %arg5[%dma_start3A_169] : memref<64000xf32, #tpu.memory_space<vmem>> -> memref<64000xf32, #tpu.memory_space<vmem>>
      %dma_start3A_171 = arith.constant 224000 : i32
      %dma_start3A_172 = tpu.memref_slice %arg2[%dma_start3A_171] : memref<5120000xf32, #tpu.memory_space<hbm>> -> memref<64000xf32, #tpu.memory_space<hbm>>
      tpu.enqueue_dma source(%dma_start3A_172 : memref<64000xf32, #tpu.memory_space<hbm>>) target(%dma_start3A_170 : memref<64000xf32, #tpu.memory_space<vmem>>) target_semaphore(%arg7 : memref<!tpu.dma_semaphore, #tpu.memory_space<semaphore_mem>>)
      %dma_wait3A = arith.constant 0 : i32
      %dma_wait3A_173 = tpu.memref_slice %arg4[%dma_wait3A] : memref<64000xf32, #tpu.memory_space<vmem>> -> memref<64000xf32, #tpu.memory_space<vmem>>
      %dma_wait3A_174 = arith.constant 160000 : i32
      %dma_wait3A_175 = tpu.memref_slice %arg2[%dma_wait3A_174] : memref<5120000xf32, #tpu.memory_space<hbm>> -> memref<64000xf32, #tpu.memory_space<hbm>>
      %dma_wait3A_176 = arith.constant 0 : i32
      %dma_wait3A_177 = tpu.memref_slice %arg4[%dma_wait3A_176] : memref<64000xf32, #tpu.memory_space<vmem>> -> memref<64000xf32, #tpu.memory_space<vmem>>
      %dma_wait3A_178 = arith.constant 160000 : i32
      %dma_wait3A_179 = tpu.memref_slice %arg2[%dma_wait3A_178] : memref<5120000xf32, #tpu.memory_space<hbm>> -> memref<64000xf32, #tpu.memory_space<hbm>>
      tpu.wait_dma2 semaphore(%arg6 : memref<!tpu.dma_semaphore, #tpu.memory_space<semaphore_mem>>) src(%dma_wait3A_179 : memref<64000xf32, #tpu.memory_space<hbm>>) dst(%dma_wait3A_177 : memref<64000xf32, #tpu.memory_space<vmem>>)
      %dma_start3A_180 = arith.constant 0 : i32
      %dma_start3A_181 = tpu.memref_slice %arg4[%dma_start3A_180] : memref<64000xf32, #tpu.memory_space<vmem>> -> memref<64000xf32, #tpu.memory_space<vmem>>
      %dma_start3A_182 = arith.constant 160000 : i32
      %dma_start3A_183 = tpu.memref_slice %arg3[%dma_start3A_182] : memref<5120000xf32, #tpu.memory_space<hbm>> -> memref<64000xf32, #tpu.memory_space<hbm>>
      %dma_start3A_184 = arith.constant 160000 : i32
      %dma_start3A_185 = tpu.memref_slice %arg3[%dma_start3A_184] : memref<5120000xf32, #tpu.memory_space<hbm>> -> memref<64000xf32, #tpu.memory_space<hbm>>
      %dma_start3A_186 = arith.constant 0 : i32
      %dma_start3A_187 = tpu.memref_slice %arg4[%dma_start3A_186] : memref<64000xf32, #tpu.memory_space<vmem>> -> memref<64000xf32, #tpu.memory_space<vmem>>
      tpu.enqueue_dma source(%dma_start3A_187 : memref<64000xf32, #tpu.memory_space<vmem>>) target(%dma_start3A_185 : memref<64000xf32, #tpu.memory_space<hbm>>) target_semaphore(%arg8 : memref<!tpu.dma_semaphore, #tpu.memory_space<semaphore_mem>>)
      %dma_wait3A_188 = arith.constant 0 : i32
      %dma_wait3A_189 = tpu.memref_slice %arg5[%dma_wait3A_188] : memref<64000xf32, #tpu.memory_space<vmem>> -> memref<64000xf32, #tpu.memory_space<vmem>>
      %dma_wait3A_190 = arith.constant 224000 : i32
      %dma_wait3A_191 = tpu.memref_slice %arg2[%dma_wait3A_190] : memref<5120000xf32, #tpu.memory_space<hbm>> -> memref<64000xf32, #tpu.memory_space<hbm>>
      %dma_wait3A_192 = arith.constant 0 : i32
      %dma_wait3A_193 = tpu.memref_slice %arg5[%dma_wait3A_192] : memref<64000xf32, #tpu.memory_space<vmem>> -> memref<64000xf32, #tpu.memory_space<vmem>>
      %dma_wait3A_194 = arith.constant 224000 : i32
      %dma_wait3A_195 = tpu.memref_slice %arg2[%dma_wait3A_194] : memref<5120000xf32, #tpu.memory_space<hbm>> -> memref<64000xf32, #tpu.memory_space<hbm>>
      tpu.wait_dma2 semaphore(%arg7 : memref<!tpu.dma_semaphore, #tpu.memory_space<semaphore_mem>>) src(%dma_wait3A_195 : memref<64000xf32, #tpu.memory_space<hbm>>) dst(%dma_wait3A_193 : memref<64000xf32, #tpu.memory_space<vmem>>)
      %dma_start3A_196 = arith.constant 0 : i32
      %dma_start3A_197 = tpu.memref_slice %arg5[%dma_start3A_196] : memref<64000xf32, #tpu.memory_space<vmem>> -> memref<64000xf32, #tpu.memory_space<vmem>>
      %dma_start3A_198 = arith.constant 224000 : i32
      %dma_start3A_199 = tpu.memref_slice %arg3[%dma_start3A_198] : memref<5120000xf32, #tpu.memory_space<hbm>> -> memref<64000xf32, #tpu.memory_space<hbm>>
      %dma_start3A_200 = arith.constant 224000 : i32
      %dma_start3A_201 = tpu.memref_slice %arg3[%dma_start3A_200] : memref<5120000xf32, #tpu.memory_space<hbm>> -> memref<64000xf32, #tpu.memory_space<hbm>>
      %dma_start3A_202 = arith.constant 0 : i32
      %dma_start3A_203 = tpu.memref_slice %arg5[%dma_start3A_202] : memref<64000xf32, #tpu.memory_space<vmem>> -> memref<64000xf32, #tpu.memory_space<vmem>>
      tpu.enqueue_dma source(%dma_start3A_203 : memref<64000xf32, #tpu.memory_space<vmem>>) target(%dma_start3A_201 : memref<64000xf32, #tpu.memory_space<hbm>>) target_semaphore(%arg9 : memref<!tpu.dma_semaphore, #tpu.memory_space<semaphore_mem>>)
      %dma_wait3A_204 = arith.constant 0 : i32
      %dma_wait3A_205 = tpu.memref_slice %arg4[%dma_wait3A_204] : memref<64000xf32, #tpu.memory_space<vmem>> -> memref<64000xf32, #tpu.memory_space<vmem>>
      %dma_wait3A_206 = arith.constant 160000 : i32
      %dma_wait3A_207 = tpu.memref_slice %arg3[%dma_wait3A_206] : memref<5120000xf32, #tpu.memory_space<hbm>> -> memref<64000xf32, #tpu.memory_space<hbm>>
      %dma_wait3A_208 = arith.constant 160000 : i32
      %dma_wait3A_209 = tpu.memref_slice %arg3[%dma_wait3A_208] : memref<5120000xf32, #tpu.memory_space<hbm>> -> memref<64000xf32, #tpu.memory_space<hbm>>
      %dma_wait3A_210 = arith.constant 0 : i32
      %dma_wait3A_211 = tpu.memref_slice %arg4[%dma_wait3A_210] : memref<64000xf32, #tpu.memory_space<vmem>> -> memref<64000xf32, #tpu.memory_space<vmem>>
      tpu.wait_dma2 semaphore(%arg8 : memref<!tpu.dma_semaphore, #tpu.memory_space<semaphore_mem>>) src(%dma_wait3A_211 : memref<64000xf32, #tpu.memory_space<vmem>>) dst(%dma_wait3A_209 : memref<64000xf32, #tpu.memory_space<hbm>>)
      %dma_start3A_212 = arith.constant 0 : i32
      %dma_start3A_213 = tpu.memref_slice %arg4[%dma_start3A_212] : memref<64000xf32, #tpu.memory_space<vmem>> -> memref<32000xf32, #tpu.memory_space<vmem>>
      %dma_start3A_214 = arith.constant 288000 : i32
      %dma_start3A_215 = tpu.memref_slice %arg2[%dma_start3A_214] : memref<5120000xf32, #tpu.memory_space<hbm>> -> memref<32000xf32, #tpu.memory_space<hbm>>
      %dma_start3A_216 = arith.constant 0 : i32
      %dma_start3A_217 = tpu.memref_slice %arg4[%dma_start3A_216] : memref<64000xf32, #tpu.memory_space<vmem>> -> memref<32000xf32, #tpu.memory_space<vmem>>
      %dma_start3A_218 = arith.constant 288000 : i32
      %dma_start3A_219 = tpu.memref_slice %arg2[%dma_start3A_218] : memref<5120000xf32, #tpu.memory_space<hbm>> -> memref<32000xf32, #tpu.memory_space<hbm>>
      tpu.enqueue_dma source(%dma_start3A_219 : memref<32000xf32, #tpu.memory_space<hbm>>) target(%dma_start3A_217 : memref<32000xf32, #tpu.memory_space<vmem>>) target_semaphore(%arg6 : memref<!tpu.dma_semaphore, #tpu.memory_space<semaphore_mem>>)
      %dma_wait3A_220 = arith.constant 0 : i32
      %dma_wait3A_221 = tpu.memref_slice %arg4[%dma_wait3A_220] : memref<64000xf32, #tpu.memory_space<vmem>> -> memref<32000xf32, #tpu.memory_space<vmem>>
      %dma_wait3A_222 = arith.constant 288000 : i32
      %dma_wait3A_223 = tpu.memref_slice %arg2[%dma_wait3A_222] : memref<5120000xf32, #tpu.memory_space<hbm>> -> memref<32000xf32, #tpu.memory_space<hbm>>
      %dma_wait3A_224 = arith.constant 0 : i32
      %dma_wait3A_225 = tpu.memref_slice %arg4[%dma_wait3A_224] : memref<64000xf32, #tpu.memory_space<vmem>> -> memref<32000xf32, #tpu.memory_space<vmem>>
      %dma_wait3A_226 = arith.constant 288000 : i32
      %dma_wait3A_227 = tpu.memref_slice %arg2[%dma_wait3A_226] : memref<5120000xf32, #tpu.memory_space<hbm>> -> memref<32000xf32, #tpu.memory_space<hbm>>
      tpu.wait_dma2 semaphore(%arg6 : memref<!tpu.dma_semaphore, #tpu.memory_space<semaphore_mem>>) src(%dma_wait3A_227 : memref<32000xf32, #tpu.memory_space<hbm>>) dst(%dma_wait3A_225 : memref<32000xf32, #tpu.memory_space<vmem>>)
      %dma_start3A_228 = arith.constant 0 : i32
      %dma_start3A_229 = tpu.memref_slice %arg4[%dma_start3A_228] : memref<64000xf32, #tpu.memory_space<vmem>> -> memref<32000xf32, #tpu.memory_space<vmem>>
      %dma_start3A_230 = arith.constant 288000 : i32
      %dma_start3A_231 = tpu.memref_slice %arg3[%dma_start3A_230] : memref<5120000xf32, #tpu.memory_space<hbm>> -> memref<32000xf32, #tpu.memory_space<hbm>>
      %dma_start3A_232 = arith.constant 288000 : i32
      %dma_start3A_233 = tpu.memref_slice %arg3[%dma_start3A_232] : memref<5120000xf32, #tpu.memory_space<hbm>> -> memref<32000xf32, #tpu.memory_space<hbm>>
      %dma_start3A_234 = arith.constant 0 : i32
      %dma_start3A_235 = tpu.memref_slice %arg4[%dma_start3A_234] : memref<64000xf32, #tpu.memory_space<vmem>> -> memref<32000xf32, #tpu.memory_space<vmem>>
      tpu.enqueue_dma source(%dma_start3A_235 : memref<32000xf32, #tpu.memory_space<vmem>>) target(%dma_start3A_233 : memref<32000xf32, #tpu.memory_space<hbm>>) target_semaphore(%arg8 : memref<!tpu.dma_semaphore, #tpu.memory_space<semaphore_mem>>)
      %dma_wait3A_236 = arith.constant 0 : i32
      %dma_wait3A_237 = tpu.memref_slice %arg5[%dma_wait3A_236] : memref<64000xf32, #tpu.memory_space<vmem>> -> memref<64000xf32, #tpu.memory_space<vmem>>
      %dma_wait3A_238 = arith.constant 224000 : i32
      %dma_wait3A_239 = tpu.memref_slice %arg3[%dma_wait3A_238] : memref<5120000xf32, #tpu.memory_space<hbm>> -> memref<64000xf32, #tpu.memory_space<hbm>>
      %dma_wait3A_240 = arith.constant 224000 : i32
      %dma_wait3A_241 = tpu.memref_slice %arg3[%dma_wait3A_240] : memref<5120000xf32, #tpu.memory_space<hbm>> -> memref<64000xf32, #tpu.memory_space<hbm>>
      %dma_wait3A_242 = arith.constant 0 : i32
      %dma_wait3A_243 = tpu.memref_slice %arg5[%dma_wait3A_242] : memref<64000xf32, #tpu.memory_space<vmem>> -> memref<64000xf32, #tpu.memory_space<vmem>>
      tpu.wait_dma2 semaphore(%arg9 : memref<!tpu.dma_semaphore, #tpu.memory_space<semaphore_mem>>) src(%dma_wait3A_243 : memref<64000xf32, #tpu.memory_space<vmem>>) dst(%dma_wait3A_241 : memref<64000xf32, #tpu.memory_space<hbm>>)
      %dma_wait3A_244 = arith.constant 0 : i32
      %dma_wait3A_245 = tpu.memref_slice %arg4[%dma_wait3A_244] : memref<64000xf32, #tpu.memory_space<vmem>> -> memref<32000xf32, #tpu.memory_space<vmem>>
      %dma_wait3A_246 = arith.constant 288000 : i32
      %dma_wait3A_247 = tpu.memref_slice %arg3[%dma_wait3A_246] : memref<5120000xf32, #tpu.memory_space<hbm>> -> memref<32000xf32, #tpu.memory_space<hbm>>
      %dma_wait3A_248 = arith.constant 288000 : i32
      %dma_wait3A_249 = tpu.memref_slice %arg3[%dma_wait3A_248] : memref<5120000xf32, #tpu.memory_space<hbm>> -> memref<32000xf32, #tpu.memory_space<hbm>>
      %dma_wait3A_250 = arith.constant 0 : i32
      %dma_wait3A_251 = tpu.memref_slice %arg4[%dma_wait3A_250] : memref<64000xf32, #tpu.memory_space<vmem>> -> memref<32000xf32, #tpu.memory_space<vmem>>
      tpu.wait_dma2 semaphore(%arg8 : memref<!tpu.dma_semaphore, #tpu.memory_space<semaphore_mem>>) src(%dma_wait3A_251 : memref<32000xf32, #tpu.memory_space<vmem>>) dst(%dma_wait3A_249 : memref<32000xf32, #tpu.memory_space<hbm>>)
    } else {
    }
    %eq3A_8 = arith.constant 2 : i32
    %eq3A_9 = arith.cmpi eq, %add3A, %eq3A_8 : i32
    %convert_element_type3A_10 = arith.extui %eq3A_9 : i1 to i32
    %cond3A_11 = arith.constant 0 : i32
    %cond3A_12 = arith.cmpi ne, %convert_element_type3A_10, %cond3A_11 : i32
    scf.if %cond3A_12 {
      %dma_start3A = arith.constant 0 : i32
      %dma_start3A_158 = tpu.memref_slice %arg4[%dma_start3A] : memref<64000xf32, #tpu.memory_space<vmem>> -> memref<64000xf32, #tpu.memory_space<vmem>>
      %dma_start3A_159 = arith.constant 320000 : i32
      %dma_start3A_160 = tpu.memref_slice %arg2[%dma_start3A_159] : memref<5120000xf32, #tpu.memory_space<hbm>> -> memref<64000xf32, #tpu.memory_space<hbm>>
      %dma_start3A_161 = arith.constant 0 : i32
      %dma_start3A_162 = tpu.memref_slice %arg4[%dma_start3A_161] : memref<64000xf32, #tpu.memory_space<vmem>> -> memref<64000xf32, #tpu.memory_space<vmem>>
      %dma_start3A_163 = arith.constant 320000 : i32
      %dma_start3A_164 = tpu.memref_slice %arg2[%dma_start3A_163] : memref<5120000xf32, #tpu.memory_space<hbm>> -> memref<64000xf32, #tpu.memory_space<hbm>>
      tpu.enqueue_dma source(%dma_start3A_164 : memref<64000xf32, #tpu.memory_space<hbm>>) target(%dma_start3A_162 : memref<64000xf32, #tpu.memory_space<vmem>>) target_semaphore(%arg6 : memref<!tpu.dma_semaphore, #tpu.memory_space<semaphore_mem>>)
      %dma_start3A_165 = arith.constant 0 : i32
      %dma_start3A_166 = tpu.memref_slice %arg5[%dma_start3A_165] : memref<64000xf32, #tpu.memory_space<vmem>> -> memref<64000xf32, #tpu.memory_space<vmem>>
      %dma_start3A_167 = arith.constant 384000 : i32
      %dma_start3A_168 = tpu.memref_slice %arg2[%dma_start3A_167] : memref<5120000xf32, #tpu.memory_space<hbm>> -> memref<64000xf32, #tpu.memory_space<hbm>>
      %dma_start3A_169 = arith.constant 0 : i32
      %dma_start3A_170 = tpu.memref_slice %arg5[%dma_start3A_169] : memref<64000xf32, #tpu.memory_space<vmem>> -> memref<64000xf32, #tpu.memory_space<vmem>>
      %dma_start3A_171 = arith.constant 384000 : i32
      %dma_start3A_172 = tpu.memref_slice %arg2[%dma_start3A_171] : memref<5120000xf32, #tpu.memory_space<hbm>> -> memref<64000xf32, #tpu.memory_space<hbm>>
      tpu.enqueue_dma source(%dma_start3A_172 : memref<64000xf32, #tpu.memory_space<hbm>>) target(%dma_start3A_170 : memref<64000xf32, #tpu.memory_space<vmem>>) target_semaphore(%arg7 : memref<!tpu.dma_semaphore, #tpu.memory_space<semaphore_mem>>)
      %dma_wait3A = arith.constant 0 : i32
      %dma_wait3A_173 = tpu.memref_slice %arg4[%dma_wait3A] : memref<64000xf32, #tpu.memory_space<vmem>> -> memref<64000xf32, #tpu.memory_space<vmem>>
      %dma_wait3A_174 = arith.constant 320000 : i32
      %dma_wait3A_175 = tpu.memref_slice %arg2[%dma_wait3A_174] : memref<5120000xf32, #tpu.memory_space<hbm>> -> memref<64000xf32, #tpu.memory_space<hbm>>
      %dma_wait3A_176 = arith.constant 0 : i32
      %dma_wait3A_177 = tpu.memref_slice %arg4[%dma_wait3A_176] : memref<64000xf32, #tpu.memory_space<vmem>> -> memref<64000xf32, #tpu.memory_space<vmem>>
      %dma_wait3A_178 = arith.constant 320000 : i32
      %dma_wait3A_179 = tpu.memref_slice %arg2[%dma_wait3A_178] : memref<5120000xf32, #tpu.memory_space<hbm>> -> memref<64000xf32, #tpu.memory_space<hbm>>
      tpu.wait_dma2 semaphore(%arg6 : memref<!tpu.dma_semaphore, #tpu.memory_space<semaphore_mem>>) src(%dma_wait3A_179 : memref<64000xf32, #tpu.memory_space<hbm>>) dst(%dma_wait3A_177 : memref<64000xf32, #tpu.memory_space<vmem>>)
      %dma_start3A_180 = arith.constant 0 : i32
      %dma_start3A_181 = tpu.memref_slice %arg4[%dma_start3A_180] : memref<64000xf32, #tpu.memory_space<vmem>> -> memref<64000xf32, #tpu.memory_space<vmem>>
      %dma_start3A_182 = arith.constant 320000 : i32
      %dma_start3A_183 = tpu.memref_slice %arg3[%dma_start3A_182] : memref<5120000xf32, #tpu.memory_space<hbm>> -> memref<64000xf32, #tpu.memory_space<hbm>>
      %dma_start3A_184 = arith.constant 320000 : i32
      %dma_start3A_185 = tpu.memref_slice %arg3[%dma_start3A_184] : memref<5120000xf32, #tpu.memory_space<hbm>> -> memref<64000xf32, #tpu.memory_space<hbm>>
      %dma_start3A_186 = arith.constant 0 : i32
      %dma_start3A_187 = tpu.memref_slice %arg4[%dma_start3A_186] : memref<64000xf32, #tpu.memory_space<vmem>> -> memref<64000xf32, #tpu.memory_space<vmem>>
      tpu.enqueue_dma source(%dma_start3A_187 : memref<64000xf32, #tpu.memory_space<vmem>>) target(%dma_start3A_185 : memref<64000xf32, #tpu.memory_space<hbm>>) target_semaphore(%arg8 : memref<!tpu.dma_semaphore, #tpu.memory_space<semaphore_mem>>)
      %dma_wait3A_188 = arith.constant 0 : i32
      %dma_wait3A_189 = tpu.memref_slice %arg5[%dma_wait3A_188] : memref<64000xf32, #tpu.memory_space<vmem>> -> memref<64000xf32, #tpu.memory_space<vmem>>
      %dma_wait3A_190 = arith.constant 384000 : i32
      %dma_wait3A_191 = tpu.memref_slice %arg2[%dma_wait3A_190] : memref<5120000xf32, #tpu.memory_space<hbm>> -> memref<64000xf32, #tpu.memory_space<hbm>>
      %dma_wait3A_192 = arith.constant 0 : i32
      %dma_wait3A_193 = tpu.memref_slice %arg5[%dma_wait3A_192] : memref<64000xf32, #tpu.memory_space<vmem>> -> memref<64000xf32, #tpu.memory_space<vmem>>
      %dma_wait3A_194 = arith.constant 384000 : i32
      %dma_wait3A_195 = tpu.memref_slice %arg2[%dma_wait3A_194] : memref<5120000xf32, #tpu.memory_space<hbm>> -> memref<64000xf32, #tpu.memory_space<hbm>>
      tpu.wait_dma2 semaphore(%arg7 : memref<!tpu.dma_semaphore, #tpu.memory_space<semaphore_mem>>) src(%dma_wait3A_195 : memref<64000xf32, #tpu.memory_space<hbm>>) dst(%dma_wait3A_193 : memref<64000xf32, #tpu.memory_space<vmem>>)
      %dma_start3A_196 = arith.constant 0 : i32
      %dma_start3A_197 = tpu.memref_slice %arg5[%dma_start3A_196] : memref<64000xf32, #tpu.memory_space<vmem>> -> memref<64000xf32, #tpu.memory_space<vmem>>
      %dma_start3A_198 = arith.constant 384000 : i32
      %dma_start3A_199 = tpu.memref_slice %arg3[%dma_start3A_198] : memref<5120000xf32, #tpu.memory_space<hbm>> -> memref<64000xf32, #tpu.memory_space<hbm>>
      %dma_start3A_200 = arith.constant 384000 : i32
      %dma_start3A_201 = tpu.memref_slice %arg3[%dma_start3A_200] : memref<5120000xf32, #tpu.memory_space<hbm>> -> memref<64000xf32, #tpu.memory_space<hbm>>
      %dma_start3A_202 = arith.constant 0 : i32
      %dma_start3A_203 = tpu.memref_slice %arg5[%dma_start3A_202] : memref<64000xf32, #tpu.memory_space<vmem>> -> memref<64000xf32, #tpu.memory_space<vmem>>
      tpu.enqueue_dma source(%dma_start3A_203 : memref<64000xf32, #tpu.memory_space<vmem>>) target(%dma_start3A_201 : memref<64000xf32, #tpu.memory_space<hbm>>) target_semaphore(%arg9 : memref<!tpu.dma_semaphore, #tpu.memory_space<semaphore_mem>>)
      %dma_wait3A_204 = arith.constant 0 : i32
      %dma_wait3A_205 = tpu.memref_slice %arg4[%dma_wait3A_204] : memref<64000xf32, #tpu.memory_space<vmem>> -> memref<64000xf32, #tpu.memory_space<vmem>>
      %dma_wait3A_206 = arith.constant 320000 : i32
      %dma_wait3A_207 = tpu.memref_slice %arg3[%dma_wait3A_206] : memref<5120000xf32, #tpu.memory_space<hbm>> -> memref<64000xf32, #tpu.memory_space<hbm>>
      %dma_wait3A_208 = arith.constant 320000 : i32
      %dma_wait3A_209 = tpu.memref_slice %arg3[%dma_wait3A_208] : memref<5120000xf32, #tpu.memory_space<hbm>> -> memref<64000xf32, #tpu.memory_space<hbm>>
      %dma_wait3A_210 = arith.constant 0 : i32
      %dma_wait3A_211 = tpu.memref_slice %arg4[%dma_wait3A_210] : memref<64000xf32, #tpu.memory_space<vmem>> -> memref<64000xf32, #tpu.memory_space<vmem>>
      tpu.wait_dma2 semaphore(%arg8 : memref<!tpu.dma_semaphore, #tpu.memory_space<semaphore_mem>>) src(%dma_wait3A_211 : memref<64000xf32, #tpu.memory_space<vmem>>) dst(%dma_wait3A_209 : memref<64000xf32, #tpu.memory_space<hbm>>)
      %dma_start3A_212 = arith.constant 0 : i32
      %dma_start3A_213 = tpu.memref_slice %arg4[%dma_start3A_212] : memref<64000xf32, #tpu.memory_space<vmem>> -> memref<32000xf32, #tpu.memory_space<vmem>>
      %dma_start3A_214 = arith.constant 448000 : i32
      %dma_start3A_215 = tpu.memref_slice %arg2[%dma_start3A_214] : memref<5120000xf32, #tpu.memory_space<hbm>> -> memref<32000xf32, #tpu.memory_space<hbm>>
      %dma_start3A_216 = arith.constant 0 : i32
      %dma_start3A_217 = tpu.memref_slice %arg4[%dma_start3A_216] : memref<64000xf32, #tpu.memory_space<vmem>> -> memref<32000xf32, #tpu.memory_space<vmem>>
      %dma_start3A_218 = arith.constant 448000 : i32
      %dma_start3A_219 = tpu.memref_slice %arg2[%dma_start3A_218] : memref<5120000xf32, #tpu.memory_space<hbm>> -> memref<32000xf32, #tpu.memory_space<hbm>>
      tpu.enqueue_dma source(%dma_start3A_219 : memref<32000xf32, #tpu.memory_space<hbm>>) target(%dma_start3A_217 : memref<32000xf32, #tpu.memory_space<vmem>>) target_semaphore(%arg6 : memref<!tpu.dma_semaphore, #tpu.memory_space<semaphore_mem>>)
      %dma_wait3A_220 = arith.constant 0 : i32
      %dma_wait3A_221 = tpu.memref_slice %arg4[%dma_wait3A_220] : memref<64000xf32, #tpu.memory_space<vmem>> -> memref<32000xf32, #tpu.memory_space<vmem>>
      %dma_wait3A_222 = arith.constant 448000 : i32
      %dma_wait3A_223 = tpu.memref_slice %arg2[%dma_wait3A_222] : memref<5120000xf32, #tpu.memory_space<hbm>> -> memref<32000xf32, #tpu.memory_space<hbm>>
      %dma_wait3A_224 = arith.constant 0 : i32
      %dma_wait3A_225 = tpu.memref_slice %arg4[%dma_wait3A_224] : memref<64000xf32, #tpu.memory_space<vmem>> -> memref<32000xf32, #tpu.memory_space<vmem>>
      %dma_wait3A_226 = arith.constant 448000 : i32
      %dma_wait3A_227 = tpu.memref_slice %arg2[%dma_wait3A_226] : memref<5120000xf32, #tpu.memory_space<hbm>> -> memref<32000xf32, #tpu.memory_space<hbm>>
      tpu.wait_dma2 semaphore(%arg6 : memref<!tpu.dma_semaphore, #tpu.memory_space<semaphore_mem>>) src(%dma_wait3A_227 : memref<32000xf32, #tpu.memory_space<hbm>>) dst(%dma_wait3A_225 : memref<32000xf32, #tpu.memory_space<vmem>>)
      %dma_start3A_228 = arith.constant 0 : i32
      %dma_start3A_229 = tpu.memref_slice %arg4[%dma_start3A_228] : memref<64000xf32, #tpu.memory_space<vmem>> -> memref<32000xf32, #tpu.memory_space<vmem>>
      %dma_start3A_230 = arith.constant 448000 : i32
      %dma_start3A_231 = tpu.memref_slice %arg3[%dma_start3A_230] : memref<5120000xf32, #tpu.memory_space<hbm>> -> memref<32000xf32, #tpu.memory_space<hbm>>
      %dma_start3A_232 = arith.constant 448000 : i32
      %dma_start3A_233 = tpu.memref_slice %arg3[%dma_start3A_232] : memref<5120000xf32, #tpu.memory_space<hbm>> -> memref<32000xf32, #tpu.memory_space<hbm>>
      %dma_start3A_234 = arith.constant 0 : i32
      %dma_start3A_235 = tpu.memref_slice %arg4[%dma_start3A_234] : memref<64000xf32, #tpu.memory_space<vmem>> -> memref<32000xf32, #tpu.memory_space<vmem>>
      tpu.enqueue_dma source(%dma_start3A_235 : memref<32000xf32, #tpu.memory_space<vmem>>) target(%dma_start3A_233 : memref<32000xf32, #tpu.memory_space<hbm>>) target_semaphore(%arg8 : memref<!tpu.dma_semaphore, #tpu.memory_space<semaphore_mem>>)
      %dma_wait3A_236 = arith.constant 0 : i32
      %dma_wait3A_237 = tpu.memref_slice %arg5[%dma_wait3A_236] : memref<64000xf32, #tpu.memory_space<vmem>> -> memref<64000xf32, #tpu.memory_space<vmem>>
      %dma_wait3A_238 = arith.constant 384000 : i32
      %dma_wait3A_239 = tpu.memref_slice %arg3[%dma_wait3A_238] : memref<5120000xf32, #tpu.memory_space<hbm>> -> memref<64000xf32, #tpu.memory_space<hbm>>
      %dma_wait3A_240 = arith.constant 384000 : i32
      %dma_wait3A_241 = tpu.memref_slice %arg3[%dma_wait3A_240] : memref<5120000xf32, #tpu.memory_space<hbm>> -> memref<64000xf32, #tpu.memory_space<hbm>>
      %dma_wait3A_242 = arith.constant 0 : i32
      %dma_wait3A_243 = tpu.memref_slice %arg5[%dma_wait3A_242] : memref<64000xf32, #tpu.memory_space<vmem>> -> memref<64000xf32, #tpu.memory_space<vmem>>
      tpu.wait_dma2 semaphore(%arg9 : memref<!tpu.dma_semaphore, #tpu.memory_space<semaphore_mem>>) src(%dma_wait3A_243 : memref<64000xf32, #tpu.memory_space<vmem>>) dst(%dma_wait3A_241 : memref<64000xf32, #tpu.memory_space<hbm>>)
      %dma_wait3A_244 = arith.constant 0 : i32
      %dma_wait3A_245 = tpu.memref_slice %arg4[%dma_wait3A_244] : memref<64000xf32, #tpu.memory_space<vmem>> -> memref<32000xf32, #tpu.memory_space<vmem>>
      %dma_wait3A_246 = arith.constant 448000 : i32
      %dma_wait3A_247 = tpu.memref_slice %arg3[%dma_wait3A_246] : memref<5120000xf32, #tpu.memory_space<hbm>> -> memref<32000xf32, #tpu.memory_space<hbm>>
      %dma_wait3A_248 = arith.constant 448000 : i32
      %dma_wait3A_249 = tpu.memref_slice %arg3[%dma_wait3A_248] : memref<5120000xf32, #tpu.memory_space<hbm>> -> memref<32000xf32, #tpu.memory_space<hbm>>
      %dma_wait3A_250 = arith.constant 0 : i32
      %dma_wait3A_251 = tpu.memref_slice %arg4[%dma_wait3A_250] : memref<64000xf32, #tpu.memory_space<vmem>> -> memref<32000xf32, #tpu.memory_space<vmem>>
      tpu.wait_dma2 semaphore(%arg8 : memref<!tpu.dma_semaphore, #tpu.memory_space<semaphore_mem>>) src(%dma_wait3A_251 : memref<32000xf32, #tpu.memory_space<vmem>>) dst(%dma_wait3A_249 : memref<32000xf32, #tpu.memory_space<hbm>>)
    } else {
    }
    %eq3A_13 = arith.constant 3 : i32
    %eq3A_14 = arith.cmpi eq, %add3A, %eq3A_13 : i32
    %convert_element_type3A_15 = arith.extui %eq3A_14 : i1 to i32
    %cond3A_16 = arith.constant 0 : i32
    %cond3A_17 = arith.cmpi ne, %convert_element_type3A_15, %cond3A_16 : i32
    scf.if %cond3A_17 {
      %dma_start3A = arith.constant 0 : i32
      %dma_start3A_158 = tpu.memref_slice %arg4[%dma_start3A] : memref<64000xf32, #tpu.memory_space<vmem>> -> memref<64000xf32, #tpu.memory_space<vmem>>
      %dma_start3A_159 = arith.constant 480000 : i32
      %dma_start3A_160 = tpu.memref_slice %arg2[%dma_start3A_159] : memref<5120000xf32, #tpu.memory_space<hbm>> -> memref<64000xf32, #tpu.memory_space<hbm>>
      %dma_start3A_161 = arith.constant 0 : i32
      %dma_start3A_162 = tpu.memref_slice %arg4[%dma_start3A_161] : memref<64000xf32, #tpu.memory_space<vmem>> -> memref<64000xf32, #tpu.memory_space<vmem>>
      %dma_start3A_163 = arith.constant 480000 : i32
      %dma_start3A_164 = tpu.memref_slice %arg2[%dma_start3A_163] : memref<5120000xf32, #tpu.memory_space<hbm>> -> memref<64000xf32, #tpu.memory_space<hbm>>
      tpu.enqueue_dma source(%dma_start3A_164 : memref<64000xf32, #tpu.memory_space<hbm>>) target(%dma_start3A_162 : memref<64000xf32, #tpu.memory_space<vmem>>) target_semaphore(%arg6 : memref<!tpu.dma_semaphore, #tpu.memory_space<semaphore_mem>>)
      %dma_start3A_165 = arith.constant 0 : i32
      %dma_start3A_166 = tpu.memref_slice %arg5[%dma_start3A_165] : memref<64000xf32, #tpu.memory_space<vmem>> -> memref<64000xf32, #tpu.memory_space<vmem>>
      %dma_start3A_167 = arith.constant 544000 : i32
      %dma_start3A_168 = tpu.memref_slice %arg2[%dma_start3A_167] : memref<5120000xf32, #tpu.memory_space<hbm>> -> memref<64000xf32, #tpu.memory_space<hbm>>
      %dma_start3A_169 = arith.constant 0 : i32
      %dma_start3A_170 = tpu.memref_slice %arg5[%dma_start3A_169] : memref<64000xf32, #tpu.memory_space<vmem>> -> memref<64000xf32, #tpu.memory_space<vmem>>
      %dma_start3A_171 = arith.constant 544000 : i32
      %dma_start3A_172 = tpu.memref_slice %arg2[%dma_start3A_171] : memref<5120000xf32, #tpu.memory_space<hbm>> -> memref<64000xf32, #tpu.memory_space<hbm>>
      tpu.enqueue_dma source(%dma_start3A_172 : memref<64000xf32, #tpu.memory_space<hbm>>) target(%dma_start3A_170 : memref<64000xf32, #tpu.memory_space<vmem>>) target_semaphore(%arg7 : memref<!tpu.dma_semaphore, #tpu.memory_space<semaphore_mem>>)
      %dma_wait3A = arith.constant 0 : i32
      %dma_wait3A_173 = tpu.memref_slice %arg4[%dma_wait3A] : memref<64000xf32, #tpu.memory_space<vmem>> -> memref<64000xf32, #tpu.memory_space<vmem>>
      %dma_wait3A_174 = arith.constant 480000 : i32
      %dma_wait3A_175 = tpu.memref_slice %arg2[%dma_wait3A_174] : memref<5120000xf32, #tpu.memory_space<hbm>> -> memref<64000xf32, #tpu.memory_space<hbm>>
      %dma_wait3A_176 = arith.constant 0 : i32
      %dma_wait3A_177 = tpu.memref_slice %arg4[%dma_wait3A_176] : memref<64000xf32, #tpu.memory_space<vmem>> -> memref<64000xf32, #tpu.memory_space<vmem>>
      %dma_wait3A_178 = arith.constant 480000 : i32
      %dma_wait3A_179 = tpu.memref_slice %arg2[%dma_wait3A_178] : memref<5120000xf32, #tpu.memory_space<hbm>> -> memref<64000xf32, #tpu.memory_space<hbm>>
      tpu.wait_dma2 semaphore(%arg6 : memref<!tpu.dma_semaphore, #tpu.memory_space<semaphore_mem>>) src(%dma_wait3A_179 : memref<64000xf32, #tpu.memory_space<hbm>>) dst(%dma_wait3A_177 : memref<64000xf32, #tpu.memory_space<vmem>>)
      %dma_start3A_180 = arith.constant 0 : i32
      %dma_start3A_181 = tpu.memref_slice %arg4[%dma_start3A_180] : memref<64000xf32, #tpu.memory_space<vmem>> -> memref<64000xf32, #tpu.memory_space<vmem>>
      %dma_start3A_182 = arith.constant 480000 : i32
      %dma_start3A_183 = tpu.memref_slice %arg3[%dma_start3A_182] : memref<5120000xf32, #tpu.memory_space<hbm>> -> memref<64000xf32, #tpu.memory_space<hbm>>
      %dma_start3A_184 = arith.constant 480000 : i32
      %dma_start3A_185 = tpu.memref_slice %arg3[%dma_start3A_184] : memref<5120000xf32, #tpu.memory_space<hbm>> -> memref<64000xf32, #tpu.memory_space<hbm>>
      %dma_start3A_186 = arith.constant 0 : i32
      %dma_start3A_187 = tpu.memref_slice %arg4[%dma_start3A_186] : memref<64000xf32, #tpu.memory_space<vmem>> -> memref<64000xf32, #tpu.memory_space<vmem>>
      tpu.enqueue_dma source(%dma_start3A_187 : memref<64000xf32, #tpu.memory_space<vmem>>) target(%dma_start3A_185 : memref<64000xf32, #tpu.memory_space<hbm>>) target_semaphore(%arg8 : memref<!tpu.dma_semaphore, #tpu.memory_space<semaphore_mem>>)
      %dma_wait3A_188 = arith.constant 0 : i32
      %dma_wait3A_189 = tpu.memref_slice %arg5[%dma_wait3A_188] : memref<64000xf32, #tpu.memory_space<vmem>> -> memref<64000xf32, #tpu.memory_space<vmem>>
      %dma_wait3A_190 = arith.constant 544000 : i32
      %dma_wait3A_191 = tpu.memref_slice %arg2[%dma_wait3A_190] : memref<5120000xf32, #tpu.memory_space<hbm>> -> memref<64000xf32, #tpu.memory_space<hbm>>
      %dma_wait3A_192 = arith.constant 0 : i32
      %dma_wait3A_193 = tpu.memref_slice %arg5[%dma_wait3A_192] : memref<64000xf32, #tpu.memory_space<vmem>> -> memref<64000xf32, #tpu.memory_space<vmem>>
      %dma_wait3A_194 = arith.constant 544000 : i32
      %dma_wait3A_195 = tpu.memref_slice %arg2[%dma_wait3A_194] : memref<5120000xf32, #tpu.memory_space<hbm>> -> memref<64000xf32, #tpu.memory_space<hbm>>
      tpu.wait_dma2 semaphore(%arg7 : memref<!tpu.dma_semaphore, #tpu.memory_space<semaphore_mem>>) src(%dma_wait3A_195 : memref<64000xf32, #tpu.memory_space<hbm>>) dst(%dma_wait3A_193 : memref<64000xf32, #tpu.memory_space<vmem>>)
      %dma_start3A_196 = arith.constant 0 : i32
      %dma_start3A_197 = tpu.memref_slice %arg5[%dma_start3A_196] : memref<64000xf32, #tpu.memory_space<vmem>> -> memref<64000xf32, #tpu.memory_space<vmem>>
      %dma_start3A_198 = arith.constant 544000 : i32
      %dma_start3A_199 = tpu.memref_slice %arg3[%dma_start3A_198] : memref<5120000xf32, #tpu.memory_space<hbm>> -> memref<64000xf32, #tpu.memory_space<hbm>>
      %dma_start3A_200 = arith.constant 544000 : i32
      %dma_start3A_201 = tpu.memref_slice %arg3[%dma_start3A_200] : memref<5120000xf32, #tpu.memory_space<hbm>> -> memref<64000xf32, #tpu.memory_space<hbm>>
      %dma_start3A_202 = arith.constant 0 : i32
      %dma_start3A_203 = tpu.memref_slice %arg5[%dma_start3A_202] : memref<64000xf32, #tpu.memory_space<vmem>> -> memref<64000xf32, #tpu.memory_space<vmem>>
      tpu.enqueue_dma source(%dma_start3A_203 : memref<64000xf32, #tpu.memory_space<vmem>>) target(%dma_start3A_201 : memref<64000xf32, #tpu.memory_space<hbm>>) target_semaphore(%arg9 : memref<!tpu.dma_semaphore, #tpu.memory_space<semaphore_mem>>)
      %dma_wait3A_204 = arith.constant 0 : i32
      %dma_wait3A_205 = tpu.memref_slice %arg4[%dma_wait3A_204] : memref<64000xf32, #tpu.memory_space<vmem>> -> memref<64000xf32, #tpu.memory_space<vmem>>
      %dma_wait3A_206 = arith.constant 480000 : i32
      %dma_wait3A_207 = tpu.memref_slice %arg3[%dma_wait3A_206] : memref<5120000xf32, #tpu.memory_space<hbm>> -> memref<64000xf32, #tpu.memory_space<hbm>>
      %dma_wait3A_208 = arith.constant 480000 : i32
      %dma_wait3A_209 = tpu.memref_slice %arg3[%dma_wait3A_208] : memref<5120000xf32, #tpu.memory_space<hbm>> -> memref<64000xf32, #tpu.memory_space<hbm>>
      %dma_wait3A_210 = arith.constant 0 : i32
      %dma_wait3A_211 = tpu.memref_slice %arg4[%dma_wait3A_210] : memref<64000xf32, #tpu.memory_space<vmem>> -> memref<64000xf32, #tpu.memory_space<vmem>>
      tpu.wait_dma2 semaphore(%arg8 : memref<!tpu.dma_semaphore, #tpu.memory_space<semaphore_mem>>) src(%dma_wait3A_211 : memref<64000xf32, #tpu.memory_space<vmem>>) dst(%dma_wait3A_209 : memref<64000xf32, #tpu.memory_space<hbm>>)
      %dma_start3A_212 = arith.constant 0 : i32
      %dma_start3A_213 = tpu.memref_slice %arg4[%dma_start3A_212] : memref<64000xf32, #tpu.memory_space<vmem>> -> memref<32000xf32, #tpu.memory_space<vmem>>
      %dma_start3A_214 = arith.constant 608000 : i32
      %dma_start3A_215 = tpu.memref_slice %arg2[%dma_start3A_214] : memref<5120000xf32, #tpu.memory_space<hbm>> -> memref<32000xf32, #tpu.memory_space<hbm>>
      %dma_start3A_216 = arith.constant 0 : i32
      %dma_start3A_217 = tpu.memref_slice %arg4[%dma_start3A_216] : memref<64000xf32, #tpu.memory_space<vmem>> -> memref<32000xf32, #tpu.memory_space<vmem>>
      %dma_start3A_218 = arith.constant 608000 : i32
      %dma_start3A_219 = tpu.memref_slice %arg2[%dma_start3A_218] : memref<5120000xf32, #tpu.memory_space<hbm>> -> memref<32000xf32, #tpu.memory_space<hbm>>
      tpu.enqueue_dma source(%dma_start3A_219 : memref<32000xf32, #tpu.memory_space<hbm>>) target(%dma_start3A_217 : memref<32000xf32, #tpu.memory_space<vmem>>) target_semaphore(%arg6 : memref<!tpu.dma_semaphore, #tpu.memory_space<semaphore_mem>>)
      %dma_wait3A_220 = arith.constant 0 : i32
      %dma_wait3A_221 = tpu.memref_slice %arg4[%dma_wait3A_220] : memref<64000xf32, #tpu.memory_space<vmem>> -> memref<32000xf32, #tpu.memory_space<vmem>>
      %dma_wait3A_222 = arith.constant 608000 : i32
      %dma_wait3A_223 = tpu.memref_slice %arg2[%dma_wait3A_222] : memref<5120000xf32, #tpu.memory_space<hbm>> -> memref<32000xf32, #tpu.memory_space<hbm>>
      %dma_wait3A_224 = arith.constant 0 : i32
      %dma_wait3A_225 = tpu.memref_slice %arg4[%dma_wait3A_224] : memref<64000xf32, #tpu.memory_space<vmem>> -> memref<32000xf32, #tpu.memory_space<vmem>>
      %dma_wait3A_226 = arith.constant 608000 : i32
      %dma_wait3A_227 = tpu.memref_slice %arg2[%dma_wait3A_226] : memref<5120000xf32, #tpu.memory_space<hbm>> -> memref<32000xf32, #tpu.memory_space<hbm>>
      tpu.wait_dma2 semaphore(%arg6 : memref<!tpu.dma_semaphore, #tpu.memory_space<semaphore_mem>>) src(%dma_wait3A_227 : memref<32000xf32, #tpu.memory_space<hbm>>) dst(%dma_wait3A_225 : memref<32000xf32, #tpu.memory_space<vmem>>)
      %dma_start3A_228 = arith.constant 0 : i32
      %dma_start3A_229 = tpu.memref_slice %arg4[%dma_start3A_228] : memref<64000xf32, #tpu.memory_space<vmem>> -> memref<32000xf32, #tpu.memory_space<vmem>>
      %dma_start3A_230 = arith.constant 608000 : i32
      %dma_start3A_231 = tpu.memref_slice %arg3[%dma_start3A_230] : memref<5120000xf32, #tpu.memory_space<hbm>> -> memref<32000xf32, #tpu.memory_space<hbm>>
      %dma_start3A_232 = arith.constant 608000 : i32
      %dma_start3A_233 = tpu.memref_slice %arg3[%dma_start3A_232] : memref<5120000xf32, #tpu.memory_space<hbm>> -> memref<32000xf32, #tpu.memory_space<hbm>>
      %dma_start3A_234 = arith.constant 0 : i32
      %dma_start3A_235 = tpu.memref_slice %arg4[%dma_start3A_234] : memref<64000xf32, #tpu.memory_space<vmem>> -> memref<32000xf32, #tpu.memory_space<vmem>>
      tpu.enqueue_dma source(%dma_start3A_235 : memref<32000xf32, #tpu.memory_space<vmem>>) target(%dma_start3A_233 : memref<32000xf32, #tpu.memory_space<hbm>>) target_semaphore(%arg8 : memref<!tpu.dma_semaphore, #tpu.memory_space<semaphore_mem>>)
      %dma_wait3A_236 = arith.constant 0 : i32
      %dma_wait3A_237 = tpu.memref_slice %arg5[%dma_wait3A_236] : memref<64000xf32, #tpu.memory_space<vmem>> -> memref<64000xf32, #tpu.memory_space<vmem>>
      %dma_wait3A_238 = arith.constant 544000 : i32
      %dma_wait3A_239 = tpu.memref_slice %arg3[%dma_wait3A_238] : memref<5120000xf32, #tpu.memory_space<hbm>> -> memref<64000xf32, #tpu.memory_space<hbm>>
      %dma_wait3A_240 = arith.constant 544000 : i32
      %dma_wait3A_241 = tpu.memref_slice %arg3[%dma_wait3A_240] : memref<5120000xf32, #tpu.memory_space<hbm>> -> memref<64000xf32, #tpu.memory_space<hbm>>
      %dma_wait3A_242 = arith.constant 0 : i32
      %dma_wait3A_243 = tpu.memref_slice %arg5[%dma_wait3A_242] : memref<64000xf32, #tpu.memory_space<vmem>> -> memref<64000xf32, #tpu.memory_space<vmem>>
      tpu.wait_dma2 semaphore(%arg9 : memref<!tpu.dma_semaphore, #tpu.memory_space<semaphore_mem>>) src(%dma_wait3A_243 : memref<64000xf32, #tpu.memory_space<vmem>>) dst(%dma_wait3A_241 : memref<64000xf32, #tpu.memory_space<hbm>>)
      %dma_wait3A_244 = arith.constant 0 : i32
      %dma_wait3A_245 = tpu.memref_slice %arg4[%dma_wait3A_244] : memref<64000xf32, #tpu.memory_space<vmem>> -> memref<32000xf32, #tpu.memory_space<vmem>>
      %dma_wait3A_246 = arith.constant 608000 : i32
      %dma_wait3A_247 = tpu.memref_slice %arg3[%dma_wait3A_246] : memref<5120000xf32, #tpu.memory_space<hbm>> -> memref<32000xf32, #tpu.memory_space<hbm>>
      %dma_wait3A_248 = arith.constant 608000 : i32
      %dma_wait3A_249 = tpu.memref_slice %arg3[%dma_wait3A_248] : memref<5120000xf32, #tpu.memory_space<hbm>> -> memref<32000xf32, #tpu.memory_space<hbm>>
      %dma_wait3A_250 = arith.constant 0 : i32
      %dma_wait3A_251 = tpu.memref_slice %arg4[%dma_wait3A_250] : memref<64000xf32, #tpu.memory_space<vmem>> -> memref<32000xf32, #tpu.memory_space<vmem>>
      tpu.wait_dma2 semaphore(%arg8 : memref<!tpu.dma_semaphore, #tpu.memory_space<semaphore_mem>>) src(%dma_wait3A_251 : memref<32000xf32, #tpu.memory_space<vmem>>) dst(%dma_wait3A_249 : memref<32000xf32, #tpu.memory_space<hbm>>)
    } else {
    }
    %eq3A_18 = arith.constant 4 : i32
    %eq3A_19 = arith.cmpi eq, %add3A, %eq3A_18 : i32
    %convert_element_type3A_20 = arith.extui %eq3A_19 : i1 to i32
    %cond3A_21 = arith.constant 0 : i32
    %cond3A_22 = arith.cmpi ne, %convert_element_type3A_20, %cond3A_21 : i32
    scf.if %cond3A_22 {
      %dma_start3A = arith.constant 0 : i32
      %dma_start3A_158 = tpu.memref_slice %arg4[%dma_start3A] : memref<64000xf32, #tpu.memory_space<vmem>> -> memref<64000xf32, #tpu.memory_space<vmem>>
      %dma_start3A_159 = arith.constant 640000 : i32
      %dma_start3A_160 = tpu.memref_slice %arg2[%dma_start3A_159] : memref<5120000xf32, #tpu.memory_space<hbm>> -> memref<64000xf32, #tpu.memory_space<hbm>>
      %dma_start3A_161 = arith.constant 0 : i32
      %dma_start3A_162 = tpu.memref_slice %arg4[%dma_start3A_161] : memref<64000xf32, #tpu.memory_space<vmem>> -> memref<64000xf32, #tpu.memory_space<vmem>>
      %dma_start3A_163 = arith.constant 640000 : i32
      %dma_start3A_164 = tpu.memref_slice %arg2[%dma_start3A_163] : memref<5120000xf32, #tpu.memory_space<hbm>> -> memref<64000xf32, #tpu.memory_space<hbm>>
      tpu.enqueue_dma source(%dma_start3A_164 : memref<64000xf32, #tpu.memory_space<hbm>>) target(%dma_start3A_162 : memref<64000xf32, #tpu.memory_space<vmem>>) target_semaphore(%arg6 : memref<!tpu.dma_semaphore, #tpu.memory_space<semaphore_mem>>)
      %dma_start3A_165 = arith.constant 0 : i32
      %dma_start3A_166 = tpu.memref_slice %arg5[%dma_start3A_165] : memref<64000xf32, #tpu.memory_space<vmem>> -> memref<64000xf32, #tpu.memory_space<vmem>>
      %dma_start3A_167 = arith.constant 704000 : i32
      %dma_start3A_168 = tpu.memref_slice %arg2[%dma_start3A_167] : memref<5120000xf32, #tpu.memory_space<hbm>> -> memref<64000xf32, #tpu.memory_space<hbm>>
      %dma_start3A_169 = arith.constant 0 : i32
      %dma_start3A_170 = tpu.memref_slice %arg5[%dma_start3A_169] : memref<64000xf32, #tpu.memory_space<vmem>> -> memref<64000xf32, #tpu.memory_space<vmem>>
      %dma_start3A_171 = arith.constant 704000 : i32
      %dma_start3A_172 = tpu.memref_slice %arg2[%dma_start3A_171] : memref<5120000xf32, #tpu.memory_space<hbm>> -> memref<64000xf32, #tpu.memory_space<hbm>>
      tpu.enqueue_dma source(%dma_start3A_172 : memref<64000xf32, #tpu.memory_space<hbm>>) target(%dma_start3A_170 : memref<64000xf32, #tpu.memory_space<vmem>>) target_semaphore(%arg7 : memref<!tpu.dma_semaphore, #tpu.memory_space<semaphore_mem>>)
      %dma_wait3A = arith.constant 0 : i32
      %dma_wait3A_173 = tpu.memref_slice %arg4[%dma_wait3A] : memref<64000xf32, #tpu.memory_space<vmem>> -> memref<64000xf32, #tpu.memory_space<vmem>>
      %dma_wait3A_174 = arith.constant 640000 : i32
      %dma_wait3A_175 = tpu.memref_slice %arg2[%dma_wait3A_174] : memref<5120000xf32, #tpu.memory_space<hbm>> -> memref<64000xf32, #tpu.memory_space<hbm>>
      %dma_wait3A_176 = arith.constant 0 : i32
      %dma_wait3A_177 = tpu.memref_slice %arg4[%dma_wait3A_176] : memref<64000xf32, #tpu.memory_space<vmem>> -> memref<64000xf32, #tpu.memory_space<vmem>>
      %dma_wait3A_178 = arith.constant 640000 : i32
      %dma_wait3A_179 = tpu.memref_slice %arg2[%dma_wait3A_178] : memref<5120000xf32, #tpu.memory_space<hbm>> -> memref<64000xf32, #tpu.memory_space<hbm>>
      tpu.wait_dma2 semaphore(%arg6 : memref<!tpu.dma_semaphore, #tpu.memory_space<semaphore_mem>>) src(%dma_wait3A_179 : memref<64000xf32, #tpu.memory_space<hbm>>) dst(%dma_wait3A_177 : memref<64000xf32, #tpu.memory_space<vmem>>)
      %dma_start3A_180 = arith.constant 0 : i32
      %dma_start3A_181 = tpu.memref_slice %arg4[%dma_start3A_180] : memref<64000xf32, #tpu.memory_space<vmem>> -> memref<64000xf32, #tpu.memory_space<vmem>>
      %dma_start3A_182 = arith.constant 640000 : i32
      %dma_start3A_183 = tpu.memref_slice %arg3[%dma_start3A_182] : memref<5120000xf32, #tpu.memory_space<hbm>> -> memref<64000xf32, #tpu.memory_space<hbm>>
      %dma_start3A_184 = arith.constant 640000 : i32
      %dma_start3A_185 = tpu.memref_slice %arg3[%dma_start3A_184] : memref<5120000xf32, #tpu.memory_space<hbm>> -> memref<64000xf32, #tpu.memory_space<hbm>>
      %dma_start3A_186 = arith.constant 0 : i32
      %dma_start3A_187 = tpu.memref_slice %arg4[%dma_start3A_186] : memref<64000xf32, #tpu.memory_space<vmem>> -> memref<64000xf32, #tpu.memory_space<vmem>>
      tpu.enqueue_dma source(%dma_start3A_187 : memref<64000xf32, #tpu.memory_space<vmem>>) target(%dma_start3A_185 : memref<64000xf32, #tpu.memory_space<hbm>>) target_semaphore(%arg8 : memref<!tpu.dma_semaphore, #tpu.memory_space<semaphore_mem>>)
      %dma_wait3A_188 = arith.constant 0 : i32
      %dma_wait3A_189 = tpu.memref_slice %arg5[%dma_wait3A_188] : memref<64000xf32, #tpu.memory_space<vmem>> -> memref<64000xf32, #tpu.memory_space<vmem>>
      %dma_wait3A_190 = arith.constant 704000 : i32
      %dma_wait3A_191 = tpu.memref_slice %arg2[%dma_wait3A_190] : memref<5120000xf32, #tpu.memory_space<hbm>> -> memref<64000xf32, #tpu.memory_space<hbm>>
      %dma_wait3A_192 = arith.constant 0 : i32
      %dma_wait3A_193 = tpu.memref_slice %arg5[%dma_wait3A_192] : memref<64000xf32, #tpu.memory_space<vmem>> -> memref<64000xf32, #tpu.memory_space<vmem>>
      %dma_wait3A_194 = arith.constant 704000 : i32
      %dma_wait3A_195 = tpu.memref_slice %arg2[%dma_wait3A_194] : memref<5120000xf32, #tpu.memory_space<hbm>> -> memref<64000xf32, #tpu.memory_space<hbm>>
      tpu.wait_dma2 semaphore(%arg7 : memref<!tpu.dma_semaphore, #tpu.memory_space<semaphore_mem>>) src(%dma_wait3A_195 : memref<64000xf32, #tpu.memory_space<hbm>>) dst(%dma_wait3A_193 : memref<64000xf32, #tpu.memory_space<vmem>>)
      %dma_start3A_196 = arith.constant 0 : i32
      %dma_start3A_197 = tpu.memref_slice %arg5[%dma_start3A_196] : memref<64000xf32, #tpu.memory_space<vmem>> -> memref<64000xf32, #tpu.memory_space<vmem>>
      %dma_start3A_198 = arith.constant 704000 : i32
      %dma_start3A_199 = tpu.memref_slice %arg3[%dma_start3A_198] : memref<5120000xf32, #tpu.memory_space<hbm>> -> memref<64000xf32, #tpu.memory_space<hbm>>
      %dma_start3A_200 = arith.constant 704000 : i32
      %dma_start3A_201 = tpu.memref_slice %arg3[%dma_start3A_200] : memref<5120000xf32, #tpu.memory_space<hbm>> -> memref<64000xf32, #tpu.memory_space<hbm>>
      %dma_start3A_202 = arith.constant 0 : i32
      %dma_start3A_203 = tpu.memref_slice %arg5[%dma_start3A_202] : memref<64000xf32, #tpu.memory_space<vmem>> -> memref<64000xf32, #tpu.memory_space<vmem>>
      tpu.enqueue_dma source(%dma_start3A_203 : memref<64000xf32, #tpu.memory_space<vmem>>) target(%dma_start3A_201 : memref<64000xf32, #tpu.memory_space<hbm>>) target_semaphore(%arg9 : memref<!tpu.dma_semaphore, #tpu.memory_space<semaphore_mem>>)
      %dma_wait3A_204 = arith.constant 0 : i32
      %dma_wait3A_205 = tpu.memref_slice %arg4[%dma_wait3A_204] : memref<64000xf32, #tpu.memory_space<vmem>> -> memref<64000xf32, #tpu.memory_space<vmem>>
      %dma_wait3A_206 = arith.constant 640000 : i32
      %dma_wait3A_207 = tpu.memref_slice %arg3[%dma_wait3A_206] : memref<5120000xf32, #tpu.memory_space<hbm>> -> memref<64000xf32, #tpu.memory_space<hbm>>
      %dma_wait3A_208 = arith.constant 640000 : i32
      %dma_wait3A_209 = tpu.memref_slice %arg3[%dma_wait3A_208] : memref<5120000xf32, #tpu.memory_space<hbm>> -> memref<64000xf32, #tpu.memory_space<hbm>>
      %dma_wait3A_210 = arith.constant 0 : i32
      %dma_wait3A_211 = tpu.memref_slice %arg4[%dma_wait3A_210] : memref<64000xf32, #tpu.memory_space<vmem>> -> memref<64000xf32, #tpu.memory_space<vmem>>
      tpu.wait_dma2 semaphore(%arg8 : memref<!tpu.dma_semaphore, #tpu.memory_space<semaphore_mem>>) src(%dma_wait3A_211 : memref<64000xf32, #tpu.memory_space<vmem>>) dst(%dma_wait3A_209 : memref<64000xf32, #tpu.memory_space<hbm>>)
      %dma_start3A_212 = arith.constant 0 : i32
      %dma_start3A_213 = tpu.memref_slice %arg4[%dma_start3A_212] : memref<64000xf32, #tpu.memory_space<vmem>> -> memref<32000xf32, #tpu.memory_space<vmem>>
      %dma_start3A_214 = arith.constant 768000 : i32
      %dma_start3A_215 = tpu.memref_slice %arg2[%dma_start3A_214] : memref<5120000xf32, #tpu.memory_space<hbm>> -> memref<32000xf32, #tpu.memory_space<hbm>>
      %dma_start3A_216 = arith.constant 0 : i32
      %dma_start3A_217 = tpu.memref_slice %arg4[%dma_start3A_216] : memref<64000xf32, #tpu.memory_space<vmem>> -> memref<32000xf32, #tpu.memory_space<vmem>>
      %dma_start3A_218 = arith.constant 768000 : i32
      %dma_start3A_219 = tpu.memref_slice %arg2[%dma_start3A_218] : memref<5120000xf32, #tpu.memory_space<hbm>> -> memref<32000xf32, #tpu.memory_space<hbm>>
      tpu.enqueue_dma source(%dma_start3A_219 : memref<32000xf32, #tpu.memory_space<hbm>>) target(%dma_start3A_217 : memref<32000xf32, #tpu.memory_space<vmem>>) target_semaphore(%arg6 : memref<!tpu.dma_semaphore, #tpu.memory_space<semaphore_mem>>)
      %dma_wait3A_220 = arith.constant 0 : i32
      %dma_wait3A_221 = tpu.memref_slice %arg4[%dma_wait3A_220] : memref<64000xf32, #tpu.memory_space<vmem>> -> memref<32000xf32, #tpu.memory_space<vmem>>
      %dma_wait3A_222 = arith.constant 768000 : i32
      %dma_wait3A_223 = tpu.memref_slice %arg2[%dma_wait3A_222] : memref<5120000xf32, #tpu.memory_space<hbm>> -> memref<32000xf32, #tpu.memory_space<hbm>>
      %dma_wait3A_224 = arith.constant 0 : i32
      %dma_wait3A_225 = tpu.memref_slice %arg4[%dma_wait3A_224] : memref<64000xf32, #tpu.memory_space<vmem>> -> memref<32000xf32, #tpu.memory_space<vmem>>
      %dma_wait3A_226 = arith.constant 768000 : i32
      %dma_wait3A_227 = tpu.memref_slice %arg2[%dma_wait3A_226] : memref<5120000xf32, #tpu.memory_space<hbm>> -> memref<32000xf32, #tpu.memory_space<hbm>>
      tpu.wait_dma2 semaphore(%arg6 : memref<!tpu.dma_semaphore, #tpu.memory_space<semaphore_mem>>) src(%dma_wait3A_227 : memref<32000xf32, #tpu.memory_space<hbm>>) dst(%dma_wait3A_225 : memref<32000xf32, #tpu.memory_space<vmem>>)
      %dma_start3A_228 = arith.constant 0 : i32
      %dma_start3A_229 = tpu.memref_slice %arg4[%dma_start3A_228] : memref<64000xf32, #tpu.memory_space<vmem>> -> memref<32000xf32, #tpu.memory_space<vmem>>
      %dma_start3A_230 = arith.constant 768000 : i32
      %dma_start3A_231 = tpu.memref_slice %arg3[%dma_start3A_230] : memref<5120000xf32, #tpu.memory_space<hbm>> -> memref<32000xf32, #tpu.memory_space<hbm>>
      %dma_start3A_232 = arith.constant 768000 : i32
      %dma_start3A_233 = tpu.memref_slice %arg3[%dma_start3A_232] : memref<5120000xf32, #tpu.memory_space<hbm>> -> memref<32000xf32, #tpu.memory_space<hbm>>
      %dma_start3A_234 = arith.constant 0 : i32
      %dma_start3A_235 = tpu.memref_slice %arg4[%dma_start3A_234] : memref<64000xf32, #tpu.memory_space<vmem>> -> memref<32000xf32, #tpu.memory_space<vmem>>
      tpu.enqueue_dma source(%dma_start3A_235 : memref<32000xf32, #tpu.memory_space<vmem>>) target(%dma_start3A_233 : memref<32000xf32, #tpu.memory_space<hbm>>) target_semaphore(%arg8 : memref<!tpu.dma_semaphore, #tpu.memory_space<semaphore_mem>>)
      %dma_wait3A_236 = arith.constant 0 : i32
      %dma_wait3A_237 = tpu.memref_slice %arg5[%dma_wait3A_236] : memref<64000xf32, #tpu.memory_space<vmem>> -> memref<64000xf32, #tpu.memory_space<vmem>>
      %dma_wait3A_238 = arith.constant 704000 : i32
      %dma_wait3A_239 = tpu.memref_slice %arg3[%dma_wait3A_238] : memref<5120000xf32, #tpu.memory_space<hbm>> -> memref<64000xf32, #tpu.memory_space<hbm>>
      %dma_wait3A_240 = arith.constant 704000 : i32
      %dma_wait3A_241 = tpu.memref_slice %arg3[%dma_wait3A_240] : memref<5120000xf32, #tpu.memory_space<hbm>> -> memref<64000xf32, #tpu.memory_space<hbm>>
      %dma_wait3A_242 = arith.constant 0 : i32
      %dma_wait3A_243 = tpu.memref_slice %arg5[%dma_wait3A_242] : memref<64000xf32, #tpu.memory_space<vmem>> -> memref<64000xf32, #tpu.memory_space<vmem>>
      tpu.wait_dma2 semaphore(%arg9 : memref<!tpu.dma_semaphore, #tpu.memory_space<semaphore_mem>>) src(%dma_wait3A_243 : memref<64000xf32, #tpu.memory_space<vmem>>) dst(%dma_wait3A_241 : memref<64000xf32, #tpu.memory_space<hbm>>)
      %dma_wait3A_244 = arith.constant 0 : i32
      %dma_wait3A_245 = tpu.memref_slice %arg4[%dma_wait3A_244] : memref<64000xf32, #tpu.memory_space<vmem>> -> memref<32000xf32, #tpu.memory_space<vmem>>
      %dma_wait3A_246 = arith.constant 768000 : i32
      %dma_wait3A_247 = tpu.memref_slice %arg3[%dma_wait3A_246] : memref<5120000xf32, #tpu.memory_space<hbm>> -> memref<32000xf32, #tpu.memory_space<hbm>>
      %dma_wait3A_248 = arith.constant 768000 : i32
      %dma_wait3A_249 = tpu.memref_slice %arg3[%dma_wait3A_248] : memref<5120000xf32, #tpu.memory_space<hbm>> -> memref<32000xf32, #tpu.memory_space<hbm>>
      %dma_wait3A_250 = arith.constant 0 : i32
      %dma_wait3A_251 = tpu.memref_slice %arg4[%dma_wait3A_250] : memref<64000xf32, #tpu.memory_space<vmem>> -> memref<32000xf32, #tpu.memory_space<vmem>>
      tpu.wait_dma2 semaphore(%arg8 : memref<!tpu.dma_semaphore, #tpu.memory_space<semaphore_mem>>) src(%dma_wait3A_251 : memref<32000xf32, #tpu.memory_space<vmem>>) dst(%dma_wait3A_249 : memref<32000xf32, #tpu.memory_space<hbm>>)
    } else {
    }
    %eq3A_23 = arith.constant 5 : i32
    %eq3A_24 = arith.cmpi eq, %add3A, %eq3A_23 : i32
    %convert_element_type3A_25 = arith.extui %eq3A_24 : i1 to i32
    %cond3A_26 = arith.constant 0 : i32
    %cond3A_27 = arith.cmpi ne, %convert_element_type3A_25, %cond3A_26 : i32
    scf.if %cond3A_27 {
      %dma_start3A = arith.constant 0 : i32
      %dma_start3A_158 = tpu.memref_slice %arg4[%dma_start3A] : memref<64000xf32, #tpu.memory_space<vmem>> -> memref<64000xf32, #tpu.memory_space<vmem>>
      %dma_start3A_159 = arith.constant 800000 : i32
      %dma_start3A_160 = tpu.memref_slice %arg2[%dma_start3A_159] : memref<5120000xf32, #tpu.memory_space<hbm>> -> memref<64000xf32, #tpu.memory_space<hbm>>
      %dma_start3A_161 = arith.constant 0 : i32
      %dma_start3A_162 = tpu.memref_slice %arg4[%dma_start3A_161] : memref<64000xf32, #tpu.memory_space<vmem>> -> memref<64000xf32, #tpu.memory_space<vmem>>
      %dma_start3A_163 = arith.constant 800000 : i32
      %dma_start3A_164 = tpu.memref_slice %arg2[%dma_start3A_163] : memref<5120000xf32, #tpu.memory_space<hbm>> -> memref<64000xf32, #tpu.memory_space<hbm>>
      tpu.enqueue_dma source(%dma_start3A_164 : memref<64000xf32, #tpu.memory_space<hbm>>) target(%dma_start3A_162 : memref<64000xf32, #tpu.memory_space<vmem>>) target_semaphore(%arg6 : memref<!tpu.dma_semaphore, #tpu.memory_space<semaphore_mem>>)
      %dma_start3A_165 = arith.constant 0 : i32
      %dma_start3A_166 = tpu.memref_slice %arg5[%dma_start3A_165] : memref<64000xf32, #tpu.memory_space<vmem>> -> memref<64000xf32, #tpu.memory_space<vmem>>
      %dma_start3A_167 = arith.constant 864000 : i32
      %dma_start3A_168 = tpu.memref_slice %arg2[%dma_start3A_167] : memref<5120000xf32, #tpu.memory_space<hbm>> -> memref<64000xf32, #tpu.memory_space<hbm>>
      %dma_start3A_169 = arith.constant 0 : i32
      %dma_start3A_170 = tpu.memref_slice %arg5[%dma_start3A_169] : memref<64000xf32, #tpu.memory_space<vmem>> -> memref<64000xf32, #tpu.memory_space<vmem>>
      %dma_start3A_171 = arith.constant 864000 : i32
      %dma_start3A_172 = tpu.memref_slice %arg2[%dma_start3A_171] : memref<5120000xf32, #tpu.memory_space<hbm>> -> memref<64000xf32, #tpu.memory_space<hbm>>
      tpu.enqueue_dma source(%dma_start3A_172 : memref<64000xf32, #tpu.memory_space<hbm>>) target(%dma_start3A_170 : memref<64000xf32, #tpu.memory_space<vmem>>) target_semaphore(%arg7 : memref<!tpu.dma_semaphore, #tpu.memory_space<semaphore_mem>>)
      %dma_wait3A = arith.constant 0 : i32
      %dma_wait3A_173 = tpu.memref_slice %arg4[%dma_wait3A] : memref<64000xf32, #tpu.memory_space<vmem>> -> memref<64000xf32, #tpu.memory_space<vmem>>
      %dma_wait3A_174 = arith.constant 800000 : i32
      %dma_wait3A_175 = tpu.memref_slice %arg2[%dma_wait3A_174] : memref<5120000xf32, #tpu.memory_space<hbm>> -> memref<64000xf32, #tpu.memory_space<hbm>>
      %dma_wait3A_176 = arith.constant 0 : i32
      %dma_wait3A_177 = tpu.memref_slice %arg4[%dma_wait3A_176] : memref<64000xf32, #tpu.memory_space<vmem>> -> memref<64000xf32, #tpu.memory_space<vmem>>
      %dma_wait3A_178 = arith.constant 800000 : i32
      %dma_wait3A_179 = tpu.memref_slice %arg2[%dma_wait3A_178] : memref<5120000xf32, #tpu.memory_space<hbm>> -> memref<64000xf32, #tpu.memory_space<hbm>>
      tpu.wait_dma2 semaphore(%arg6 : memref<!tpu.dma_semaphore, #tpu.memory_space<semaphore_mem>>) src(%dma_wait3A_179 : memref<64000xf32, #tpu.memory_space<hbm>>) dst(%dma_wait3A_177 : memref<64000xf32, #tpu.memory_space<vmem>>)
      %dma_start3A_180 = arith.constant 0 : i32
      %dma_start3A_181 = tpu.memref_slice %arg4[%dma_start3A_180] : memref<64000xf32, #tpu.memory_space<vmem>> -> memref<64000xf32, #tpu.memory_space<vmem>>
      %dma_start3A_182 = arith.constant 800000 : i32
      %dma_start3A_183 = tpu.memref_slice %arg3[%dma_start3A_182] : memref<5120000xf32, #tpu.memory_space<hbm>> -> memref<64000xf32, #tpu.memory_space<hbm>>
      %dma_start3A_184 = arith.constant 800000 : i32
      %dma_start3A_185 = tpu.memref_slice %arg3[%dma_start3A_184] : memref<5120000xf32, #tpu.memory_space<hbm>> -> memref<64000xf32, #tpu.memory_space<hbm>>
      %dma_start3A_186 = arith.constant 0 : i32
      %dma_start3A_187 = tpu.memref_slice %arg4[%dma_start3A_186] : memref<64000xf32, #tpu.memory_space<vmem>> -> memref<64000xf32, #tpu.memory_space<vmem>>
      tpu.enqueue_dma source(%dma_start3A_187 : memref<64000xf32, #tpu.memory_space<vmem>>) target(%dma_start3A_185 : memref<64000xf32, #tpu.memory_space<hbm>>) target_semaphore(%arg8 : memref<!tpu.dma_semaphore, #tpu.memory_space<semaphore_mem>>)
      %dma_wait3A_188 = arith.constant 0 : i32
      %dma_wait3A_189 = tpu.memref_slice %arg5[%dma_wait3A_188] : memref<64000xf32, #tpu.memory_space<vmem>> -> memref<64000xf32, #tpu.memory_space<vmem>>
      %dma_wait3A_190 = arith.constant 864000 : i32
      %dma_wait3A_191 = tpu.memref_slice %arg2[%dma_wait3A_190] : memref<5120000xf32, #tpu.memory_space<hbm>> -> memref<64000xf32, #tpu.memory_space<hbm>>
      %dma_wait3A_192 = arith.constant 0 : i32
      %dma_wait3A_193 = tpu.memref_slice %arg5[%dma_wait3A_192] : memref<64000xf32, #tpu.memory_space<vmem>> -> memref<64000xf32, #tpu.memory_space<vmem>>
      %dma_wait3A_194 = arith.constant 864000 : i32
      %dma_wait3A_195 = tpu.memref_slice %arg2[%dma_wait3A_194] : memref<5120000xf32, #tpu.memory_space<hbm>> -> memref<64000xf32, #tpu.memory_space<hbm>>
      tpu.wait_dma2 semaphore(%arg7 : memref<!tpu.dma_semaphore, #tpu.memory_space<semaphore_mem>>) src(%dma_wait3A_195 : memref<64000xf32, #tpu.memory_space<hbm>>) dst(%dma_wait3A_193 : memref<64000xf32, #tpu.memory_space<vmem>>)
      %dma_start3A_196 = arith.constant 0 : i32
      %dma_start3A_197 = tpu.memref_slice %arg5[%dma_start3A_196] : memref<64000xf32, #tpu.memory_space<vmem>> -> memref<64000xf32, #tpu.memory_space<vmem>>
      %dma_start3A_198 = arith.constant 864000 : i32
      %dma_start3A_199 = tpu.memref_slice %arg3[%dma_start3A_198] : memref<5120000xf32, #tpu.memory_space<hbm>> -> memref<64000xf32, #tpu.memory_space<hbm>>
      %dma_start3A_200 = arith.constant 864000 : i32
      %dma_start3A_201 = tpu.memref_slice %arg3[%dma_start3A_200] : memref<5120000xf32, #tpu.memory_space<hbm>> -> memref<64000xf32, #tpu.memory_space<hbm>>
      %dma_start3A_202 = arith.constant 0 : i32
      %dma_start3A_203 = tpu.memref_slice %arg5[%dma_start3A_202] : memref<64000xf32, #tpu.memory_space<vmem>> -> memref<64000xf32, #tpu.memory_space<vmem>>
      tpu.enqueue_dma source(%dma_start3A_203 : memref<64000xf32, #tpu.memory_space<vmem>>) target(%dma_start3A_201 : memref<64000xf32, #tpu.memory_space<hbm>>) target_semaphore(%arg9 : memref<!tpu.dma_semaphore, #tpu.memory_space<semaphore_mem>>)
      %dma_wait3A_204 = arith.constant 0 : i32
      %dma_wait3A_205 = tpu.memref_slice %arg4[%dma_wait3A_204] : memref<64000xf32, #tpu.memory_space<vmem>> -> memref<64000xf32, #tpu.memory_space<vmem>>
      %dma_wait3A_206 = arith.constant 800000 : i32
      %dma_wait3A_207 = tpu.memref_slice %arg3[%dma_wait3A_206] : memref<5120000xf32, #tpu.memory_space<hbm>> -> memref<64000xf32, #tpu.memory_space<hbm>>
      %dma_wait3A_208 = arith.constant 800000 : i32
      %dma_wait3A_209 = tpu.memref_slice %arg3[%dma_wait3A_208] : memref<5120000xf32, #tpu.memory_space<hbm>> -> memref<64000xf32, #tpu.memory_space<hbm>>
      %dma_wait3A_210 = arith.constant 0 : i32
      %dma_wait3A_211 = tpu.memref_slice %arg4[%dma_wait3A_210] : memref<64000xf32, #tpu.memory_space<vmem>> -> memref<64000xf32, #tpu.memory_space<vmem>>
      tpu.wait_dma2 semaphore(%arg8 : memref<!tpu.dma_semaphore, #tpu.memory_space<semaphore_mem>>) src(%dma_wait3A_211 : memref<64000xf32, #tpu.memory_space<vmem>>) dst(%dma_wait3A_209 : memref<64000xf32, #tpu.memory_space<hbm>>)
      %dma_start3A_212 = arith.constant 0 : i32
      %dma_start3A_213 = tpu.memref_slice %arg4[%dma_start3A_212] : memref<64000xf32, #tpu.memory_space<vmem>> -> memref<32000xf32, #tpu.memory_space<vmem>>
      %dma_start3A_214 = arith.constant 928000 : i32
      %dma_start3A_215 = tpu.memref_slice %arg2[%dma_start3A_214] : memref<5120000xf32, #tpu.memory_space<hbm>> -> memref<32000xf32, #tpu.memory_space<hbm>>
      %dma_start3A_216 = arith.constant 0 : i32
      %dma_start3A_217 = tpu.memref_slice %arg4[%dma_start3A_216] : memref<64000xf32, #tpu.memory_space<vmem>> -> memref<32000xf32, #tpu.memory_space<vmem>>
      %dma_start3A_218 = arith.constant 928000 : i32
      %dma_start3A_219 = tpu.memref_slice %arg2[%dma_start3A_218] : memref<5120000xf32, #tpu.memory_space<hbm>> -> memref<32000xf32, #tpu.memory_space<hbm>>
      tpu.enqueue_dma source(%dma_start3A_219 : memref<32000xf32, #tpu.memory_space<hbm>>) target(%dma_start3A_217 : memref<32000xf32, #tpu.memory_space<vmem>>) target_semaphore(%arg6 : memref<!tpu.dma_semaphore, #tpu.memory_space<semaphore_mem>>)
      %dma_wait3A_220 = arith.constant 0 : i32
      %dma_wait3A_221 = tpu.memref_slice %arg4[%dma_wait3A_220] : memref<64000xf32, #tpu.memory_space<vmem>> -> memref<32000xf32, #tpu.memory_space<vmem>>
      %dma_wait3A_222 = arith.constant 928000 : i32
      %dma_wait3A_223 = tpu.memref_slice %arg2[%dma_wait3A_222] : memref<5120000xf32, #tpu.memory_space<hbm>> -> memref<32000xf32, #tpu.memory_space<hbm>>
      %dma_wait3A_224 = arith.constant 0 : i32
      %dma_wait3A_225 = tpu.memref_slice %arg4[%dma_wait3A_224] : memref<64000xf32, #tpu.memory_space<vmem>> -> memref<32000xf32, #tpu.memory_space<vmem>>
      %dma_wait3A_226 = arith.constant 928000 : i32
      %dma_wait3A_227 = tpu.memref_slice %arg2[%dma_wait3A_226] : memref<5120000xf32, #tpu.memory_space<hbm>> -> memref<32000xf32, #tpu.memory_space<hbm>>
      tpu.wait_dma2 semaphore(%arg6 : memref<!tpu.dma_semaphore, #tpu.memory_space<semaphore_mem>>) src(%dma_wait3A_227 : memref<32000xf32, #tpu.memory_space<hbm>>) dst(%dma_wait3A_225 : memref<32000xf32, #tpu.memory_space<vmem>>)
      %dma_start3A_228 = arith.constant 0 : i32
      %dma_start3A_229 = tpu.memref_slice %arg4[%dma_start3A_228] : memref<64000xf32, #tpu.memory_space<vmem>> -> memref<32000xf32, #tpu.memory_space<vmem>>
      %dma_start3A_230 = arith.constant 928000 : i32
      %dma_start3A_231 = tpu.memref_slice %arg3[%dma_start3A_230] : memref<5120000xf32, #tpu.memory_space<hbm>> -> memref<32000xf32, #tpu.memory_space<hbm>>
      %dma_start3A_232 = arith.constant 928000 : i32
      %dma_start3A_233 = tpu.memref_slice %arg3[%dma_start3A_232] : memref<5120000xf32, #tpu.memory_space<hbm>> -> memref<32000xf32, #tpu.memory_space<hbm>>
      %dma_start3A_234 = arith.constant 0 : i32
      %dma_start3A_235 = tpu.memref_slice %arg4[%dma_start3A_234] : memref<64000xf32, #tpu.memory_space<vmem>> -> memref<32000xf32, #tpu.memory_space<vmem>>
      tpu.enqueue_dma source(%dma_start3A_235 : memref<32000xf32, #tpu.memory_space<vmem>>) target(%dma_start3A_233 : memref<32000xf32, #tpu.memory_space<hbm>>) target_semaphore(%arg8 : memref<!tpu.dma_semaphore, #tpu.memory_space<semaphore_mem>>)
      %dma_wait3A_236 = arith.constant 0 : i32
      %dma_wait3A_237 = tpu.memref_slice %arg5[%dma_wait3A_236] : memref<64000xf32, #tpu.memory_space<vmem>> -> memref<64000xf32, #tpu.memory_space<vmem>>
      %dma_wait3A_238 = arith.constant 864000 : i32
      %dma_wait3A_239 = tpu.memref_slice %arg3[%dma_wait3A_238] : memref<5120000xf32, #tpu.memory_space<hbm>> -> memref<64000xf32, #tpu.memory_space<hbm>>
      %dma_wait3A_240 = arith.constant 864000 : i32
      %dma_wait3A_241 = tpu.memref_slice %arg3[%dma_wait3A_240] : memref<5120000xf32, #tpu.memory_space<hbm>> -> memref<64000xf32, #tpu.memory_space<hbm>>
      %dma_wait3A_242 = arith.constant 0 : i32
      %dma_wait3A_243 = tpu.memref_slice %arg5[%dma_wait3A_242] : memref<64000xf32, #tpu.memory_space<vmem>> -> memref<64000xf32, #tpu.memory_space<vmem>>
      tpu.wait_dma2 semaphore(%arg9 : memref<!tpu.dma_semaphore, #tpu.memory_space<semaphore_mem>>) src(%dma_wait3A_243 : memref<64000xf32, #tpu.memory_space<vmem>>) dst(%dma_wait3A_241 : memref<64000xf32, #tpu.memory_space<hbm>>)
      %dma_wait3A_244 = arith.constant 0 : i32
      %dma_wait3A_245 = tpu.memref_slice %arg4[%dma_wait3A_244] : memref<64000xf32, #tpu.memory_space<vmem>> -> memref<32000xf32, #tpu.memory_space<vmem>>
      %dma_wait3A_246 = arith.constant 928000 : i32
      %dma_wait3A_247 = tpu.memref_slice %arg3[%dma_wait3A_246] : memref<5120000xf32, #tpu.memory_space<hbm>> -> memref<32000xf32, #tpu.memory_space<hbm>>
      %dma_wait3A_248 = arith.constant 928000 : i32
      %dma_wait3A_249 = tpu.memref_slice %arg3[%dma_wait3A_248] : memref<5120000xf32, #tpu.memory_space<hbm>> -> memref<32000xf32, #tpu.memory_space<hbm>>
      %dma_wait3A_250 = arith.constant 0 : i32
      %dma_wait3A_251 = tpu.memref_slice %arg4[%dma_wait3A_250] : memref<64000xf32, #tpu.memory_space<vmem>> -> memref<32000xf32, #tpu.memory_space<vmem>>
      tpu.wait_dma2 semaphore(%arg8 : memref<!tpu.dma_semaphore, #tpu.memory_space<semaphore_mem>>) src(%dma_wait3A_251 : memref<32000xf32, #tpu.memory_space<vmem>>) dst(%dma_wait3A_249 : memref<32000xf32, #tpu.memory_space<hbm>>)
    } else {
    }
    %eq3A_28 = arith.constant 6 : i32
    %eq3A_29 = arith.cmpi eq, %add3A, %eq3A_28 : i32
    %convert_element_type3A_30 = arith.extui %eq3A_29 : i1 to i32
    %cond3A_31 = arith.constant 0 : i32
    %cond3A_32 = arith.cmpi ne, %convert_element_type3A_30, %cond3A_31 : i32
    scf.if %cond3A_32 {
      %dma_start3A = arith.constant 0 : i32
      %dma_start3A_158 = tpu.memref_slice %arg4[%dma_start3A] : memref<64000xf32, #tpu.memory_space<vmem>> -> memref<64000xf32, #tpu.memory_space<vmem>>
      %dma_start3A_159 = arith.constant 960000 : i32
      %dma_start3A_160 = tpu.memref_slice %arg2[%dma_start3A_159] : memref<5120000xf32, #tpu.memory_space<hbm>> -> memref<64000xf32, #tpu.memory_space<hbm>>
      %dma_start3A_161 = arith.constant 0 : i32
      %dma_start3A_162 = tpu.memref_slice %arg4[%dma_start3A_161] : memref<64000xf32, #tpu.memory_space<vmem>> -> memref<64000xf32, #tpu.memory_space<vmem>>
      %dma_start3A_163 = arith.constant 960000 : i32
      %dma_start3A_164 = tpu.memref_slice %arg2[%dma_start3A_163] : memref<5120000xf32, #tpu.memory_space<hbm>> -> memref<64000xf32, #tpu.memory_space<hbm>>
      tpu.enqueue_dma source(%dma_start3A_164 : memref<64000xf32, #tpu.memory_space<hbm>>) target(%dma_start3A_162 : memref<64000xf32, #tpu.memory_space<vmem>>) target_semaphore(%arg6 : memref<!tpu.dma_semaphore, #tpu.memory_space<semaphore_mem>>)
      %dma_start3A_165 = arith.constant 0 : i32
      %dma_start3A_166 = tpu.memref_slice %arg5[%dma_start3A_165] : memref<64000xf32, #tpu.memory_space<vmem>> -> memref<64000xf32, #tpu.memory_space<vmem>>
      %dma_start3A_167 = arith.constant 1024000 : i32
      %dma_start3A_168 = tpu.memref_slice %arg2[%dma_start3A_167] : memref<5120000xf32, #tpu.memory_space<hbm>> -> memref<64000xf32, #tpu.memory_space<hbm>>
      %dma_start3A_169 = arith.constant 0 : i32
      %dma_start3A_170 = tpu.memref_slice %arg5[%dma_start3A_169] : memref<64000xf32, #tpu.memory_space<vmem>> -> memref<64000xf32, #tpu.memory_space<vmem>>
      %dma_start3A_171 = arith.constant 1024000 : i32
      %dma_start3A_172 = tpu.memref_slice %arg2[%dma_start3A_171] : memref<5120000xf32, #tpu.memory_space<hbm>> -> memref<64000xf32, #tpu.memory_space<hbm>>
      tpu.enqueue_dma source(%dma_start3A_172 : memref<64000xf32, #tpu.memory_space<hbm>>) target(%dma_start3A_170 : memref<64000xf32, #tpu.memory_space<vmem>>) target_semaphore(%arg7 : memref<!tpu.dma_semaphore, #tpu.memory_space<semaphore_mem>>)
      %dma_wait3A = arith.constant 0 : i32
      %dma_wait3A_173 = tpu.memref_slice %arg4[%dma_wait3A] : memref<64000xf32, #tpu.memory_space<vmem>> -> memref<64000xf32, #tpu.memory_space<vmem>>
      %dma_wait3A_174 = arith.constant 960000 : i32
      %dma_wait3A_175 = tpu.memref_slice %arg2[%dma_wait3A_174] : memref<5120000xf32, #tpu.memory_space<hbm>> -> memref<64000xf32, #tpu.memory_space<hbm>>
      %dma_wait3A_176 = arith.constant 0 : i32
      %dma_wait3A_177 = tpu.memref_slice %arg4[%dma_wait3A_176] : memref<64000xf32, #tpu.memory_space<vmem>> -> memref<64000xf32, #tpu.memory_space<vmem>>
      %dma_wait3A_178 = arith.constant 960000 : i32
      %dma_wait3A_179 = tpu.memref_slice %arg2[%dma_wait3A_178] : memref<5120000xf32, #tpu.memory_space<hbm>> -> memref<64000xf32, #tpu.memory_space<hbm>>
      tpu.wait_dma2 semaphore(%arg6 : memref<!tpu.dma_semaphore, #tpu.memory_space<semaphore_mem>>) src(%dma_wait3A_179 : memref<64000xf32, #tpu.memory_space<hbm>>) dst(%dma_wait3A_177 : memref<64000xf32, #tpu.memory_space<vmem>>)
      %dma_start3A_180 = arith.constant 0 : i32
      %dma_start3A_181 = tpu.memref_slice %arg4[%dma_start3A_180] : memref<64000xf32, #tpu.memory_space<vmem>> -> memref<64000xf32, #tpu.memory_space<vmem>>
      %dma_start3A_182 = arith.constant 960000 : i32
      %dma_start3A_183 = tpu.memref_slice %arg3[%dma_start3A_182] : memref<5120000xf32, #tpu.memory_space<hbm>> -> memref<64000xf32, #tpu.memory_space<hbm>>
      %dma_start3A_184 = arith.constant 960000 : i32
      %dma_start3A_185 = tpu.memref_slice %arg3[%dma_start3A_184] : memref<5120000xf32, #tpu.memory_space<hbm>> -> memref<64000xf32, #tpu.memory_space<hbm>>
      %dma_start3A_186 = arith.constant 0 : i32
      %dma_start3A_187 = tpu.memref_slice %arg4[%dma_start3A_186] : memref<64000xf32, #tpu.memory_space<vmem>> -> memref<64000xf32, #tpu.memory_space<vmem>>
      tpu.enqueue_dma source(%dma_start3A_187 : memref<64000xf32, #tpu.memory_space<vmem>>) target(%dma_start3A_185 : memref<64000xf32, #tpu.memory_space<hbm>>) target_semaphore(%arg8 : memref<!tpu.dma_semaphore, #tpu.memory_space<semaphore_mem>>)
      %dma_wait3A_188 = arith.constant 0 : i32
      %dma_wait3A_189 = tpu.memref_slice %arg5[%dma_wait3A_188] : memref<64000xf32, #tpu.memory_space<vmem>> -> memref<64000xf32, #tpu.memory_space<vmem>>
      %dma_wait3A_190 = arith.constant 1024000 : i32
      %dma_wait3A_191 = tpu.memref_slice %arg2[%dma_wait3A_190] : memref<5120000xf32, #tpu.memory_space<hbm>> -> memref<64000xf32, #tpu.memory_space<hbm>>
      %dma_wait3A_192 = arith.constant 0 : i32
      %dma_wait3A_193 = tpu.memref_slice %arg5[%dma_wait3A_192] : memref<64000xf32, #tpu.memory_space<vmem>> -> memref<64000xf32, #tpu.memory_space<vmem>>
      %dma_wait3A_194 = arith.constant 1024000 : i32
      %dma_wait3A_195 = tpu.memref_slice %arg2[%dma_wait3A_194] : memref<5120000xf32, #tpu.memory_space<hbm>> -> memref<64000xf32, #tpu.memory_space<hbm>>
      tpu.wait_dma2 semaphore(%arg7 : memref<!tpu.dma_semaphore, #tpu.memory_space<semaphore_mem>>) src(%dma_wait3A_195 : memref<64000xf32, #tpu.memory_space<hbm>>) dst(%dma_wait3A_193 : memref<64000xf32, #tpu.memory_space<vmem>>)
      %dma_start3A_196 = arith.constant 0 : i32
      %dma_start3A_197 = tpu.memref_slice %arg5[%dma_start3A_196] : memref<64000xf32, #tpu.memory_space<vmem>> -> memref<64000xf32, #tpu.memory_space<vmem>>
      %dma_start3A_198 = arith.constant 1024000 : i32
      %dma_start3A_199 = tpu.memref_slice %arg3[%dma_start3A_198] : memref<5120000xf32, #tpu.memory_space<hbm>> -> memref<64000xf32, #tpu.memory_space<hbm>>
      %dma_start3A_200 = arith.constant 1024000 : i32
      %dma_start3A_201 = tpu.memref_slice %arg3[%dma_start3A_200] : memref<5120000xf32, #tpu.memory_space<hbm>> -> memref<64000xf32, #tpu.memory_space<hbm>>
      %dma_start3A_202 = arith.constant 0 : i32
      %dma_start3A_203 = tpu.memref_slice %arg5[%dma_start3A_202] : memref<64000xf32, #tpu.memory_space<vmem>> -> memref<64000xf32, #tpu.memory_space<vmem>>
      tpu.enqueue_dma source(%dma_start3A_203 : memref<64000xf32, #tpu.memory_space<vmem>>) target(%dma_start3A_201 : memref<64000xf32, #tpu.memory_space<hbm>>) target_semaphore(%arg9 : memref<!tpu.dma_semaphore, #tpu.memory_space<semaphore_mem>>)
      %dma_wait3A_204 = arith.constant 0 : i32
      %dma_wait3A_205 = tpu.memref_slice %arg4[%dma_wait3A_204] : memref<64000xf32, #tpu.memory_space<vmem>> -> memref<64000xf32, #tpu.memory_space<vmem>>
      %dma_wait3A_206 = arith.constant 960000 : i32
      %dma_wait3A_207 = tpu.memref_slice %arg3[%dma_wait3A_206] : memref<5120000xf32, #tpu.memory_space<hbm>> -> memref<64000xf32, #tpu.memory_space<hbm>>
      %dma_wait3A_208 = arith.constant 960000 : i32
      %dma_wait3A_209 = tpu.memref_slice %arg3[%dma_wait3A_208] : memref<5120000xf32, #tpu.memory_space<hbm>> -> memref<64000xf32, #tpu.memory_space<hbm>>
      %dma_wait3A_210 = arith.constant 0 : i32
      %dma_wait3A_211 = tpu.memref_slice %arg4[%dma_wait3A_210] : memref<64000xf32, #tpu.memory_space<vmem>> -> memref<64000xf32, #tpu.memory_space<vmem>>
      tpu.wait_dma2 semaphore(%arg8 : memref<!tpu.dma_semaphore, #tpu.memory_space<semaphore_mem>>) src(%dma_wait3A_211 : memref<64000xf32, #tpu.memory_space<vmem>>) dst(%dma_wait3A_209 : memref<64000xf32, #tpu.memory_space<hbm>>)
      %dma_start3A_212 = arith.constant 0 : i32
      %dma_start3A_213 = tpu.memref_slice %arg4[%dma_start3A_212] : memref<64000xf32, #tpu.memory_space<vmem>> -> memref<32000xf32, #tpu.memory_space<vmem>>
      %dma_start3A_214 = arith.constant 1088000 : i32
      %dma_start3A_215 = tpu.memref_slice %arg2[%dma_start3A_214] : memref<5120000xf32, #tpu.memory_space<hbm>> -> memref<32000xf32, #tpu.memory_space<hbm>>
      %dma_start3A_216 = arith.constant 0 : i32
      %dma_start3A_217 = tpu.memref_slice %arg4[%dma_start3A_216] : memref<64000xf32, #tpu.memory_space<vmem>> -> memref<32000xf32, #tpu.memory_space<vmem>>
      %dma_start3A_218 = arith.constant 1088000 : i32
      %dma_start3A_219 = tpu.memref_slice %arg2[%dma_start3A_218] : memref<5120000xf32, #tpu.memory_space<hbm>> -> memref<32000xf32, #tpu.memory_space<hbm>>
      tpu.enqueue_dma source(%dma_start3A_219 : memref<32000xf32, #tpu.memory_space<hbm>>) target(%dma_start3A_217 : memref<32000xf32, #tpu.memory_space<vmem>>) target_semaphore(%arg6 : memref<!tpu.dma_semaphore, #tpu.memory_space<semaphore_mem>>)
      %dma_wait3A_220 = arith.constant 0 : i32
      %dma_wait3A_221 = tpu.memref_slice %arg4[%dma_wait3A_220] : memref<64000xf32, #tpu.memory_space<vmem>> -> memref<32000xf32, #tpu.memory_space<vmem>>
      %dma_wait3A_222 = arith.constant 1088000 : i32
      %dma_wait3A_223 = tpu.memref_slice %arg2[%dma_wait3A_222] : memref<5120000xf32, #tpu.memory_space<hbm>> -> memref<32000xf32, #tpu.memory_space<hbm>>
      %dma_wait3A_224 = arith.constant 0 : i32
      %dma_wait3A_225 = tpu.memref_slice %arg4[%dma_wait3A_224] : memref<64000xf32, #tpu.memory_space<vmem>> -> memref<32000xf32, #tpu.memory_space<vmem>>
      %dma_wait3A_226 = arith.constant 1088000 : i32
      %dma_wait3A_227 = tpu.memref_slice %arg2[%dma_wait3A_226] : memref<5120000xf32, #tpu.memory_space<hbm>> -> memref<32000xf32, #tpu.memory_space<hbm>>
      tpu.wait_dma2 semaphore(%arg6 : memref<!tpu.dma_semaphore, #tpu.memory_space<semaphore_mem>>) src(%dma_wait3A_227 : memref<32000xf32, #tpu.memory_space<hbm>>) dst(%dma_wait3A_225 : memref<32000xf32, #tpu.memory_space<vmem>>)
      %dma_start3A_228 = arith.constant 0 : i32
      %dma_start3A_229 = tpu.memref_slice %arg4[%dma_start3A_228] : memref<64000xf32, #tpu.memory_space<vmem>> -> memref<32000xf32, #tpu.memory_space<vmem>>
      %dma_start3A_230 = arith.constant 1088000 : i32
      %dma_start3A_231 = tpu.memref_slice %arg3[%dma_start3A_230] : memref<5120000xf32, #tpu.memory_space<hbm>> -> memref<32000xf32, #tpu.memory_space<hbm>>
      %dma_start3A_232 = arith.constant 1088000 : i32
      %dma_start3A_233 = tpu.memref_slice %arg3[%dma_start3A_232] : memref<5120000xf32, #tpu.memory_space<hbm>> -> memref<32000xf32, #tpu.memory_space<hbm>>
      %dma_start3A_234 = arith.constant 0 : i32
      %dma_start3A_235 = tpu.memref_slice %arg4[%dma_start3A_234] : memref<64000xf32, #tpu.memory_space<vmem>> -> memref<32000xf32, #tpu.memory_space<vmem>>
      tpu.enqueue_dma source(%dma_start3A_235 : memref<32000xf32, #tpu.memory_space<vmem>>) target(%dma_start3A_233 : memref<32000xf32, #tpu.memory_space<hbm>>) target_semaphore(%arg8 : memref<!tpu.dma_semaphore, #tpu.memory_space<semaphore_mem>>)
      %dma_wait3A_236 = arith.constant 0 : i32
      %dma_wait3A_237 = tpu.memref_slice %arg5[%dma_wait3A_236] : memref<64000xf32, #tpu.memory_space<vmem>> -> memref<64000xf32, #tpu.memory_space<vmem>>
      %dma_wait3A_238 = arith.constant 1024000 : i32
      %dma_wait3A_239 = tpu.memref_slice %arg3[%dma_wait3A_238] : memref<5120000xf32, #tpu.memory_space<hbm>> -> memref<64000xf32, #tpu.memory_space<hbm>>
      %dma_wait3A_240 = arith.constant 1024000 : i32
      %dma_wait3A_241 = tpu.memref_slice %arg3[%dma_wait3A_240] : memref<5120000xf32, #tpu.memory_space<hbm>> -> memref<64000xf32, #tpu.memory_space<hbm>>
      %dma_wait3A_242 = arith.constant 0 : i32
      %dma_wait3A_243 = tpu.memref_slice %arg5[%dma_wait3A_242] : memref<64000xf32, #tpu.memory_space<vmem>> -> memref<64000xf32, #tpu.memory_space<vmem>>
      tpu.wait_dma2 semaphore(%arg9 : memref<!tpu.dma_semaphore, #tpu.memory_space<semaphore_mem>>) src(%dma_wait3A_243 : memref<64000xf32, #tpu.memory_space<vmem>>) dst(%dma_wait3A_241 : memref<64000xf32, #tpu.memory_space<hbm>>)
      %dma_wait3A_244 = arith.constant 0 : i32
      %dma_wait3A_245 = tpu.memref_slice %arg4[%dma_wait3A_244] : memref<64000xf32, #tpu.memory_space<vmem>> -> memref<32000xf32, #tpu.memory_space<vmem>>
      %dma_wait3A_246 = arith.constant 1088000 : i32
      %dma_wait3A_247 = tpu.memref_slice %arg3[%dma_wait3A_246] : memref<5120000xf32, #tpu.memory_space<hbm>> -> memref<32000xf32, #tpu.memory_space<hbm>>
      %dma_wait3A_248 = arith.constant 1088000 : i32
      %dma_wait3A_249 = tpu.memref_slice %arg3[%dma_wait3A_248] : memref<5120000xf32, #tpu.memory_space<hbm>> -> memref<32000xf32, #tpu.memory_space<hbm>>
      %dma_wait3A_250 = arith.constant 0 : i32
      %dma_wait3A_251 = tpu.memref_slice %arg4[%dma_wait3A_250] : memref<64000xf32, #tpu.memory_space<vmem>> -> memref<32000xf32, #tpu.memory_space<vmem>>
      tpu.wait_dma2 semaphore(%arg8 : memref<!tpu.dma_semaphore, #tpu.memory_space<semaphore_mem>>) src(%dma_wait3A_251 : memref<32000xf32, #tpu.memory_space<vmem>>) dst(%dma_wait3A_249 : memref<32000xf32, #tpu.memory_space<hbm>>)
    } else {
    }
    %eq3A_33 = arith.constant 7 : i32
    %eq3A_34 = arith.cmpi eq, %add3A, %eq3A_33 : i32
    %convert_element_type3A_35 = arith.extui %eq3A_34 : i1 to i32
    %cond3A_36 = arith.constant 0 : i32
    %cond3A_37 = arith.cmpi ne, %convert_element_type3A_35, %cond3A_36 : i32
    scf.if %cond3A_37 {
      %dma_start3A = arith.constant 0 : i32
      %dma_start3A_158 = tpu.memref_slice %arg4[%dma_start3A] : memref<64000xf32, #tpu.memory_space<vmem>> -> memref<64000xf32, #tpu.memory_space<vmem>>
      %dma_start3A_159 = arith.constant 1120000 : i32
      %dma_start3A_160 = tpu.memref_slice %arg2[%dma_start3A_159] : memref<5120000xf32, #tpu.memory_space<hbm>> -> memref<64000xf32, #tpu.memory_space<hbm>>
      %dma_start3A_161 = arith.constant 0 : i32
      %dma_start3A_162 = tpu.memref_slice %arg4[%dma_start3A_161] : memref<64000xf32, #tpu.memory_space<vmem>> -> memref<64000xf32, #tpu.memory_space<vmem>>
      %dma_start3A_163 = arith.constant 1120000 : i32
      %dma_start3A_164 = tpu.memref_slice %arg2[%dma_start3A_163] : memref<5120000xf32, #tpu.memory_space<hbm>> -> memref<64000xf32, #tpu.memory_space<hbm>>
      tpu.enqueue_dma source(%dma_start3A_164 : memref<64000xf32, #tpu.memory_space<hbm>>) target(%dma_start3A_162 : memref<64000xf32, #tpu.memory_space<vmem>>) target_semaphore(%arg6 : memref<!tpu.dma_semaphore, #tpu.memory_space<semaphore_mem>>)
      %dma_start3A_165 = arith.constant 0 : i32
      %dma_start3A_166 = tpu.memref_slice %arg5[%dma_start3A_165] : memref<64000xf32, #tpu.memory_space<vmem>> -> memref<64000xf32, #tpu.memory_space<vmem>>
      %dma_start3A_167 = arith.constant 1184000 : i32
      %dma_start3A_168 = tpu.memref_slice %arg2[%dma_start3A_167] : memref<5120000xf32, #tpu.memory_space<hbm>> -> memref<64000xf32, #tpu.memory_space<hbm>>
      %dma_start3A_169 = arith.constant 0 : i32
      %dma_start3A_170 = tpu.memref_slice %arg5[%dma_start3A_169] : memref<64000xf32, #tpu.memory_space<vmem>> -> memref<64000xf32, #tpu.memory_space<vmem>>
      %dma_start3A_171 = arith.constant 1184000 : i32
      %dma_start3A_172 = tpu.memref_slice %arg2[%dma_start3A_171] : memref<5120000xf32, #tpu.memory_space<hbm>> -> memref<64000xf32, #tpu.memory_space<hbm>>
      tpu.enqueue_dma source(%dma_start3A_172 : memref<64000xf32, #tpu.memory_space<hbm>>) target(%dma_start3A_170 : memref<64000xf32, #tpu.memory_space<vmem>>) target_semaphore(%arg7 : memref<!tpu.dma_semaphore, #tpu.memory_space<semaphore_mem>>)
      %dma_wait3A = arith.constant 0 : i32
      %dma_wait3A_173 = tpu.memref_slice %arg4[%dma_wait3A] : memref<64000xf32, #tpu.memory_space<vmem>> -> memref<64000xf32, #tpu.memory_space<vmem>>
      %dma_wait3A_174 = arith.constant 1120000 : i32
      %dma_wait3A_175 = tpu.memref_slice %arg2[%dma_wait3A_174] : memref<5120000xf32, #tpu.memory_space<hbm>> -> memref<64000xf32, #tpu.memory_space<hbm>>
      %dma_wait3A_176 = arith.constant 0 : i32
      %dma_wait3A_177 = tpu.memref_slice %arg4[%dma_wait3A_176] : memref<64000xf32, #tpu.memory_space<vmem>> -> memref<64000xf32, #tpu.memory_space<vmem>>
      %dma_wait3A_178 = arith.constant 1120000 : i32
      %dma_wait3A_179 = tpu.memref_slice %arg2[%dma_wait3A_178] : memref<5120000xf32, #tpu.memory_space<hbm>> -> memref<64000xf32, #tpu.memory_space<hbm>>
      tpu.wait_dma2 semaphore(%arg6 : memref<!tpu.dma_semaphore, #tpu.memory_space<semaphore_mem>>) src(%dma_wait3A_179 : memref<64000xf32, #tpu.memory_space<hbm>>) dst(%dma_wait3A_177 : memref<64000xf32, #tpu.memory_space<vmem>>)
      %dma_start3A_180 = arith.constant 0 : i32
      %dma_start3A_181 = tpu.memref_slice %arg4[%dma_start3A_180] : memref<64000xf32, #tpu.memory_space<vmem>> -> memref<64000xf32, #tpu.memory_space<vmem>>
      %dma_start3A_182 = arith.constant 1120000 : i32
      %dma_start3A_183 = tpu.memref_slice %arg3[%dma_start3A_182] : memref<5120000xf32, #tpu.memory_space<hbm>> -> memref<64000xf32, #tpu.memory_space<hbm>>
      %dma_start3A_184 = arith.constant 1120000 : i32
      %dma_start3A_185 = tpu.memref_slice %arg3[%dma_start3A_184] : memref<5120000xf32, #tpu.memory_space<hbm>> -> memref<64000xf32, #tpu.memory_space<hbm>>
      %dma_start3A_186 = arith.constant 0 : i32
      %dma_start3A_187 = tpu.memref_slice %arg4[%dma_start3A_186] : memref<64000xf32, #tpu.memory_space<vmem>> -> memref<64000xf32, #tpu.memory_space<vmem>>
      tpu.enqueue_dma source(%dma_start3A_187 : memref<64000xf32, #tpu.memory_space<vmem>>) target(%dma_start3A_185 : memref<64000xf32, #tpu.memory_space<hbm>>) target_semaphore(%arg8 : memref<!tpu.dma_semaphore, #tpu.memory_space<semaphore_mem>>)
      %dma_wait3A_188 = arith.constant 0 : i32
      %dma_wait3A_189 = tpu.memref_slice %arg5[%dma_wait3A_188] : memref<64000xf32, #tpu.memory_space<vmem>> -> memref<64000xf32, #tpu.memory_space<vmem>>
      %dma_wait3A_190 = arith.constant 1184000 : i32
      %dma_wait3A_191 = tpu.memref_slice %arg2[%dma_wait3A_190] : memref<5120000xf32, #tpu.memory_space<hbm>> -> memref<64000xf32, #tpu.memory_space<hbm>>
      %dma_wait3A_192 = arith.constant 0 : i32
      %dma_wait3A_193 = tpu.memref_slice %arg5[%dma_wait3A_192] : memref<64000xf32, #tpu.memory_space<vmem>> -> memref<64000xf32, #tpu.memory_space<vmem>>
      %dma_wait3A_194 = arith.constant 1184000 : i32
      %dma_wait3A_195 = tpu.memref_slice %arg2[%dma_wait3A_194] : memref<5120000xf32, #tpu.memory_space<hbm>> -> memref<64000xf32, #tpu.memory_space<hbm>>
      tpu.wait_dma2 semaphore(%arg7 : memref<!tpu.dma_semaphore, #tpu.memory_space<semaphore_mem>>) src(%dma_wait3A_195 : memref<64000xf32, #tpu.memory_space<hbm>>) dst(%dma_wait3A_193 : memref<64000xf32, #tpu.memory_space<vmem>>)
      %dma_start3A_196 = arith.constant 0 : i32
      %dma_start3A_197 = tpu.memref_slice %arg5[%dma_start3A_196] : memref<64000xf32, #tpu.memory_space<vmem>> -> memref<64000xf32, #tpu.memory_space<vmem>>
      %dma_start3A_198 = arith.constant 1184000 : i32
      %dma_start3A_199 = tpu.memref_slice %arg3[%dma_start3A_198] : memref<5120000xf32, #tpu.memory_space<hbm>> -> memref<64000xf32, #tpu.memory_space<hbm>>
      %dma_start3A_200 = arith.constant 1184000 : i32
      %dma_start3A_201 = tpu.memref_slice %arg3[%dma_start3A_200] : memref<5120000xf32, #tpu.memory_space<hbm>> -> memref<64000xf32, #tpu.memory_space<hbm>>
      %dma_start3A_202 = arith.constant 0 : i32
      %dma_start3A_203 = tpu.memref_slice %arg5[%dma_start3A_202] : memref<64000xf32, #tpu.memory_space<vmem>> -> memref<64000xf32, #tpu.memory_space<vmem>>
      tpu.enqueue_dma source(%dma_start3A_203 : memref<64000xf32, #tpu.memory_space<vmem>>) target(%dma_start3A_201 : memref<64000xf32, #tpu.memory_space<hbm>>) target_semaphore(%arg9 : memref<!tpu.dma_semaphore, #tpu.memory_space<semaphore_mem>>)
      %dma_wait3A_204 = arith.constant 0 : i32
      %dma_wait3A_205 = tpu.memref_slice %arg4[%dma_wait3A_204] : memref<64000xf32, #tpu.memory_space<vmem>> -> memref<64000xf32, #tpu.memory_space<vmem>>
      %dma_wait3A_206 = arith.constant 1120000 : i32
      %dma_wait3A_207 = tpu.memref_slice %arg3[%dma_wait3A_206] : memref<5120000xf32, #tpu.memory_space<hbm>> -> memref<64000xf32, #tpu.memory_space<hbm>>
      %dma_wait3A_208 = arith.constant 1120000 : i32
      %dma_wait3A_209 = tpu.memref_slice %arg3[%dma_wait3A_208] : memref<5120000xf32, #tpu.memory_space<hbm>> -> memref<64000xf32, #tpu.memory_space<hbm>>
      %dma_wait3A_210 = arith.constant 0 : i32
      %dma_wait3A_211 = tpu.memref_slice %arg4[%dma_wait3A_210] : memref<64000xf32, #tpu.memory_space<vmem>> -> memref<64000xf32, #tpu.memory_space<vmem>>
      tpu.wait_dma2 semaphore(%arg8 : memref<!tpu.dma_semaphore, #tpu.memory_space<semaphore_mem>>) src(%dma_wait3A_211 : memref<64000xf32, #tpu.memory_space<vmem>>) dst(%dma_wait3A_209 : memref<64000xf32, #tpu.memory_space<hbm>>)
      %dma_start3A_212 = arith.constant 0 : i32
      %dma_start3A_213 = tpu.memref_slice %arg4[%dma_start3A_212] : memref<64000xf32, #tpu.memory_space<vmem>> -> memref<32000xf32, #tpu.memory_space<vmem>>
      %dma_start3A_214 = arith.constant 1248000 : i32
      %dma_start3A_215 = tpu.memref_slice %arg2[%dma_start3A_214] : memref<5120000xf32, #tpu.memory_space<hbm>> -> memref<32000xf32, #tpu.memory_space<hbm>>
      %dma_start3A_216 = arith.constant 0 : i32
      %dma_start3A_217 = tpu.memref_slice %arg4[%dma_start3A_216] : memref<64000xf32, #tpu.memory_space<vmem>> -> memref<32000xf32, #tpu.memory_space<vmem>>
      %dma_start3A_218 = arith.constant 1248000 : i32
      %dma_start3A_219 = tpu.memref_slice %arg2[%dma_start3A_218] : memref<5120000xf32, #tpu.memory_space<hbm>> -> memref<32000xf32, #tpu.memory_space<hbm>>
      tpu.enqueue_dma source(%dma_start3A_219 : memref<32000xf32, #tpu.memory_space<hbm>>) target(%dma_start3A_217 : memref<32000xf32, #tpu.memory_space<vmem>>) target_semaphore(%arg6 : memref<!tpu.dma_semaphore, #tpu.memory_space<semaphore_mem>>)
      %dma_wait3A_220 = arith.constant 0 : i32
      %dma_wait3A_221 = tpu.memref_slice %arg4[%dma_wait3A_220] : memref<64000xf32, #tpu.memory_space<vmem>> -> memref<32000xf32, #tpu.memory_space<vmem>>
      %dma_wait3A_222 = arith.constant 1248000 : i32
      %dma_wait3A_223 = tpu.memref_slice %arg2[%dma_wait3A_222] : memref<5120000xf32, #tpu.memory_space<hbm>> -> memref<32000xf32, #tpu.memory_space<hbm>>
      %dma_wait3A_224 = arith.constant 0 : i32
      %dma_wait3A_225 = tpu.memref_slice %arg4[%dma_wait3A_224] : memref<64000xf32, #tpu.memory_space<vmem>> -> memref<32000xf32, #tpu.memory_space<vmem>>
      %dma_wait3A_226 = arith.constant 1248000 : i32
      %dma_wait3A_227 = tpu.memref_slice %arg2[%dma_wait3A_226] : memref<5120000xf32, #tpu.memory_space<hbm>> -> memref<32000xf32, #tpu.memory_space<hbm>>
      tpu.wait_dma2 semaphore(%arg6 : memref<!tpu.dma_semaphore, #tpu.memory_space<semaphore_mem>>) src(%dma_wait3A_227 : memref<32000xf32, #tpu.memory_space<hbm>>) dst(%dma_wait3A_225 : memref<32000xf32, #tpu.memory_space<vmem>>)
      %dma_start3A_228 = arith.constant 0 : i32
      %dma_start3A_229 = tpu.memref_slice %arg4[%dma_start3A_228] : memref<64000xf32, #tpu.memory_space<vmem>> -> memref<32000xf32, #tpu.memory_space<vmem>>
      %dma_start3A_230 = arith.constant 1248000 : i32
      %dma_start3A_231 = tpu.memref_slice %arg3[%dma_start3A_230] : memref<5120000xf32, #tpu.memory_space<hbm>> -> memref<32000xf32, #tpu.memory_space<hbm>>
      %dma_start3A_232 = arith.constant 1248000 : i32
      %dma_start3A_233 = tpu.memref_slice %arg3[%dma_start3A_232] : memref<5120000xf32, #tpu.memory_space<hbm>> -> memref<32000xf32, #tpu.memory_space<hbm>>
      %dma_start3A_234 = arith.constant 0 : i32
      %dma_start3A_235 = tpu.memref_slice %arg4[%dma_start3A_234] : memref<64000xf32, #tpu.memory_space<vmem>> -> memref<32000xf32, #tpu.memory_space<vmem>>
      tpu.enqueue_dma source(%dma_start3A_235 : memref<32000xf32, #tpu.memory_space<vmem>>) target(%dma_start3A_233 : memref<32000xf32, #tpu.memory_space<hbm>>) target_semaphore(%arg8 : memref<!tpu.dma_semaphore, #tpu.memory_space<semaphore_mem>>)
      %dma_wait3A_236 = arith.constant 0 : i32
      %dma_wait3A_237 = tpu.memref_slice %arg5[%dma_wait3A_236] : memref<64000xf32, #tpu.memory_space<vmem>> -> memref<64000xf32, #tpu.memory_space<vmem>>
      %dma_wait3A_238 = arith.constant 1184000 : i32
      %dma_wait3A_239 = tpu.memref_slice %arg3[%dma_wait3A_238] : memref<5120000xf32, #tpu.memory_space<hbm>> -> memref<64000xf32, #tpu.memory_space<hbm>>
      %dma_wait3A_240 = arith.constant 1184000 : i32
      %dma_wait3A_241 = tpu.memref_slice %arg3[%dma_wait3A_240] : memref<5120000xf32, #tpu.memory_space<hbm>> -> memref<64000xf32, #tpu.memory_space<hbm>>
      %dma_wait3A_242 = arith.constant 0 : i32
      %dma_wait3A_243 = tpu.memref_slice %arg5[%dma_wait3A_242] : memref<64000xf32, #tpu.memory_space<vmem>> -> memref<64000xf32, #tpu.memory_space<vmem>>
      tpu.wait_dma2 semaphore(%arg9 : memref<!tpu.dma_semaphore, #tpu.memory_space<semaphore_mem>>) src(%dma_wait3A_243 : memref<64000xf32, #tpu.memory_space<vmem>>) dst(%dma_wait3A_241 : memref<64000xf32, #tpu.memory_space<hbm>>)
      %dma_wait3A_244 = arith.constant 0 : i32
      %dma_wait3A_245 = tpu.memref_slice %arg4[%dma_wait3A_244] : memref<64000xf32, #tpu.memory_space<vmem>> -> memref<32000xf32, #tpu.memory_space<vmem>>
      %dma_wait3A_246 = arith.constant 1248000 : i32
      %dma_wait3A_247 = tpu.memref_slice %arg3[%dma_wait3A_246] : memref<5120000xf32, #tpu.memory_space<hbm>> -> memref<32000xf32, #tpu.memory_space<hbm>>
      %dma_wait3A_248 = arith.constant 1248000 : i32
      %dma_wait3A_249 = tpu.memref_slice %arg3[%dma_wait3A_248] : memref<5120000xf32, #tpu.memory_space<hbm>> -> memref<32000xf32, #tpu.memory_space<hbm>>
      %dma_wait3A_250 = arith.constant 0 : i32
      %dma_wait3A_251 = tpu.memref_slice %arg4[%dma_wait3A_250] : memref<64000xf32, #tpu.memory_space<vmem>> -> memref<32000xf32, #tpu.memory_space<vmem>>
      tpu.wait_dma2 semaphore(%arg8 : memref<!tpu.dma_semaphore, #tpu.memory_space<semaphore_mem>>) src(%dma_wait3A_251 : memref<32000xf32, #tpu.memory_space<vmem>>) dst(%dma_wait3A_249 : memref<32000xf32, #tpu.memory_space<hbm>>)
    } else {
    }
    %eq3A_38 = arith.constant 8 : i32
    %eq3A_39 = arith.cmpi eq, %add3A, %eq3A_38 : i32
    %convert_element_type3A_40 = arith.extui %eq3A_39 : i1 to i32
    %cond3A_41 = arith.constant 0 : i32
    %cond3A_42 = arith.cmpi ne, %convert_element_type3A_40, %cond3A_41 : i32
    scf.if %cond3A_42 {
      %dma_start3A = arith.constant 0 : i32
      %dma_start3A_158 = tpu.memref_slice %arg4[%dma_start3A] : memref<64000xf32, #tpu.memory_space<vmem>> -> memref<64000xf32, #tpu.memory_space<vmem>>
      %dma_start3A_159 = arith.constant 1280000 : i32
      %dma_start3A_160 = tpu.memref_slice %arg2[%dma_start3A_159] : memref<5120000xf32, #tpu.memory_space<hbm>> -> memref<64000xf32, #tpu.memory_space<hbm>>
      %dma_start3A_161 = arith.constant 0 : i32
      %dma_start3A_162 = tpu.memref_slice %arg4[%dma_start3A_161] : memref<64000xf32, #tpu.memory_space<vmem>> -> memref<64000xf32, #tpu.memory_space<vmem>>
      %dma_start3A_163 = arith.constant 1280000 : i32
      %dma_start3A_164 = tpu.memref_slice %arg2[%dma_start3A_163] : memref<5120000xf32, #tpu.memory_space<hbm>> -> memref<64000xf32, #tpu.memory_space<hbm>>
      tpu.enqueue_dma source(%dma_start3A_164 : memref<64000xf32, #tpu.memory_space<hbm>>) target(%dma_start3A_162 : memref<64000xf32, #tpu.memory_space<vmem>>) target_semaphore(%arg6 : memref<!tpu.dma_semaphore, #tpu.memory_space<semaphore_mem>>)
      %dma_start3A_165 = arith.constant 0 : i32
      %dma_start3A_166 = tpu.memref_slice %arg5[%dma_start3A_165] : memref<64000xf32, #tpu.memory_space<vmem>> -> memref<64000xf32, #tpu.memory_space<vmem>>
      %dma_start3A_167 = arith.constant 1344000 : i32
      %dma_start3A_168 = tpu.memref_slice %arg2[%dma_start3A_167] : memref<5120000xf32, #tpu.memory_space<hbm>> -> memref<64000xf32, #tpu.memory_space<hbm>>
      %dma_start3A_169 = arith.constant 0 : i32
      %dma_start3A_170 = tpu.memref_slice %arg5[%dma_start3A_169] : memref<64000xf32, #tpu.memory_space<vmem>> -> memref<64000xf32, #tpu.memory_space<vmem>>
      %dma_start3A_171 = arith.constant 1344000 : i32
      %dma_start3A_172 = tpu.memref_slice %arg2[%dma_start3A_171] : memref<5120000xf32, #tpu.memory_space<hbm>> -> memref<64000xf32, #tpu.memory_space<hbm>>
      tpu.enqueue_dma source(%dma_start3A_172 : memref<64000xf32, #tpu.memory_space<hbm>>) target(%dma_start3A_170 : memref<64000xf32, #tpu.memory_space<vmem>>) target_semaphore(%arg7 : memref<!tpu.dma_semaphore, #tpu.memory_space<semaphore_mem>>)
      %dma_wait3A = arith.constant 0 : i32
      %dma_wait3A_173 = tpu.memref_slice %arg4[%dma_wait3A] : memref<64000xf32, #tpu.memory_space<vmem>> -> memref<64000xf32, #tpu.memory_space<vmem>>
      %dma_wait3A_174 = arith.constant 1280000 : i32
      %dma_wait3A_175 = tpu.memref_slice %arg2[%dma_wait3A_174] : memref<5120000xf32, #tpu.memory_space<hbm>> -> memref<64000xf32, #tpu.memory_space<hbm>>
      %dma_wait3A_176 = arith.constant 0 : i32
      %dma_wait3A_177 = tpu.memref_slice %arg4[%dma_wait3A_176] : memref<64000xf32, #tpu.memory_space<vmem>> -> memref<64000xf32, #tpu.memory_space<vmem>>
      %dma_wait3A_178 = arith.constant 1280000 : i32
      %dma_wait3A_179 = tpu.memref_slice %arg2[%dma_wait3A_178] : memref<5120000xf32, #tpu.memory_space<hbm>> -> memref<64000xf32, #tpu.memory_space<hbm>>
      tpu.wait_dma2 semaphore(%arg6 : memref<!tpu.dma_semaphore, #tpu.memory_space<semaphore_mem>>) src(%dma_wait3A_179 : memref<64000xf32, #tpu.memory_space<hbm>>) dst(%dma_wait3A_177 : memref<64000xf32, #tpu.memory_space<vmem>>)
      %dma_start3A_180 = arith.constant 0 : i32
      %dma_start3A_181 = tpu.memref_slice %arg4[%dma_start3A_180] : memref<64000xf32, #tpu.memory_space<vmem>> -> memref<64000xf32, #tpu.memory_space<vmem>>
      %dma_start3A_182 = arith.constant 1280000 : i32
      %dma_start3A_183 = tpu.memref_slice %arg3[%dma_start3A_182] : memref<5120000xf32, #tpu.memory_space<hbm>> -> memref<64000xf32, #tpu.memory_space<hbm>>
      %dma_start3A_184 = arith.constant 1280000 : i32
      %dma_start3A_185 = tpu.memref_slice %arg3[%dma_start3A_184] : memref<5120000xf32, #tpu.memory_space<hbm>> -> memref<64000xf32, #tpu.memory_space<hbm>>
      %dma_start3A_186 = arith.constant 0 : i32
      %dma_start3A_187 = tpu.memref_slice %arg4[%dma_start3A_186] : memref<64000xf32, #tpu.memory_space<vmem>> -> memref<64000xf32, #tpu.memory_space<vmem>>
      tpu.enqueue_dma source(%dma_start3A_187 : memref<64000xf32, #tpu.memory_space<vmem>>) target(%dma_start3A_185 : memref<64000xf32, #tpu.memory_space<hbm>>) target_semaphore(%arg8 : memref<!tpu.dma_semaphore, #tpu.memory_space<semaphore_mem>>)
      %dma_wait3A_188 = arith.constant 0 : i32
      %dma_wait3A_189 = tpu.memref_slice %arg5[%dma_wait3A_188] : memref<64000xf32, #tpu.memory_space<vmem>> -> memref<64000xf32, #tpu.memory_space<vmem>>
      %dma_wait3A_190 = arith.constant 1344000 : i32
      %dma_wait3A_191 = tpu.memref_slice %arg2[%dma_wait3A_190] : memref<5120000xf32, #tpu.memory_space<hbm>> -> memref<64000xf32, #tpu.memory_space<hbm>>
      %dma_wait3A_192 = arith.constant 0 : i32
      %dma_wait3A_193 = tpu.memref_slice %arg5[%dma_wait3A_192] : memref<64000xf32, #tpu.memory_space<vmem>> -> memref<64000xf32, #tpu.memory_space<vmem>>
      %dma_wait3A_194 = arith.constant 1344000 : i32
      %dma_wait3A_195 = tpu.memref_slice %arg2[%dma_wait3A_194] : memref<5120000xf32, #tpu.memory_space<hbm>> -> memref<64000xf32, #tpu.memory_space<hbm>>
      tpu.wait_dma2 semaphore(%arg7 : memref<!tpu.dma_semaphore, #tpu.memory_space<semaphore_mem>>) src(%dma_wait3A_195 : memref<64000xf32, #tpu.memory_space<hbm>>) dst(%dma_wait3A_193 : memref<64000xf32, #tpu.memory_space<vmem>>)
      %dma_start3A_196 = arith.constant 0 : i32
      %dma_start3A_197 = tpu.memref_slice %arg5[%dma_start3A_196] : memref<64000xf32, #tpu.memory_space<vmem>> -> memref<64000xf32, #tpu.memory_space<vmem>>
      %dma_start3A_198 = arith.constant 1344000 : i32
      %dma_start3A_199 = tpu.memref_slice %arg3[%dma_start3A_198] : memref<5120000xf32, #tpu.memory_space<hbm>> -> memref<64000xf32, #tpu.memory_space<hbm>>
      %dma_start3A_200 = arith.constant 1344000 : i32
      %dma_start3A_201 = tpu.memref_slice %arg3[%dma_start3A_200] : memref<5120000xf32, #tpu.memory_space<hbm>> -> memref<64000xf32, #tpu.memory_space<hbm>>
      %dma_start3A_202 = arith.constant 0 : i32
      %dma_start3A_203 = tpu.memref_slice %arg5[%dma_start3A_202] : memref<64000xf32, #tpu.memory_space<vmem>> -> memref<64000xf32, #tpu.memory_space<vmem>>
      tpu.enqueue_dma source(%dma_start3A_203 : memref<64000xf32, #tpu.memory_space<vmem>>) target(%dma_start3A_201 : memref<64000xf32, #tpu.memory_space<hbm>>) target_semaphore(%arg9 : memref<!tpu.dma_semaphore, #tpu.memory_space<semaphore_mem>>)
      %dma_wait3A_204 = arith.constant 0 : i32
      %dma_wait3A_205 = tpu.memref_slice %arg4[%dma_wait3A_204] : memref<64000xf32, #tpu.memory_space<vmem>> -> memref<64000xf32, #tpu.memory_space<vmem>>
      %dma_wait3A_206 = arith.constant 1280000 : i32
      %dma_wait3A_207 = tpu.memref_slice %arg3[%dma_wait3A_206] : memref<5120000xf32, #tpu.memory_space<hbm>> -> memref<64000xf32, #tpu.memory_space<hbm>>
      %dma_wait3A_208 = arith.constant 1280000 : i32
      %dma_wait3A_209 = tpu.memref_slice %arg3[%dma_wait3A_208] : memref<5120000xf32, #tpu.memory_space<hbm>> -> memref<64000xf32, #tpu.memory_space<hbm>>
      %dma_wait3A_210 = arith.constant 0 : i32
      %dma_wait3A_211 = tpu.memref_slice %arg4[%dma_wait3A_210] : memref<64000xf32, #tpu.memory_space<vmem>> -> memref<64000xf32, #tpu.memory_space<vmem>>
      tpu.wait_dma2 semaphore(%arg8 : memref<!tpu.dma_semaphore, #tpu.memory_space<semaphore_mem>>) src(%dma_wait3A_211 : memref<64000xf32, #tpu.memory_space<vmem>>) dst(%dma_wait3A_209 : memref<64000xf32, #tpu.memory_space<hbm>>)
      %dma_start3A_212 = arith.constant 0 : i32
      %dma_start3A_213 = tpu.memref_slice %arg4[%dma_start3A_212] : memref<64000xf32, #tpu.memory_space<vmem>> -> memref<32000xf32, #tpu.memory_space<vmem>>
      %dma_start3A_214 = arith.constant 1408000 : i32
      %dma_start3A_215 = tpu.memref_slice %arg2[%dma_start3A_214] : memref<5120000xf32, #tpu.memory_space<hbm>> -> memref<32000xf32, #tpu.memory_space<hbm>>
      %dma_start3A_216 = arith.constant 0 : i32
      %dma_start3A_217 = tpu.memref_slice %arg4[%dma_start3A_216] : memref<64000xf32, #tpu.memory_space<vmem>> -> memref<32000xf32, #tpu.memory_space<vmem>>
      %dma_start3A_218 = arith.constant 1408000 : i32
      %dma_start3A_219 = tpu.memref_slice %arg2[%dma_start3A_218] : memref<5120000xf32, #tpu.memory_space<hbm>> -> memref<32000xf32, #tpu.memory_space<hbm>>
      tpu.enqueue_dma source(%dma_start3A_219 : memref<32000xf32, #tpu.memory_space<hbm>>) target(%dma_start3A_217 : memref<32000xf32, #tpu.memory_space<vmem>>) target_semaphore(%arg6 : memref<!tpu.dma_semaphore, #tpu.memory_space<semaphore_mem>>)
      %dma_wait3A_220 = arith.constant 0 : i32
      %dma_wait3A_221 = tpu.memref_slice %arg4[%dma_wait3A_220] : memref<64000xf32, #tpu.memory_space<vmem>> -> memref<32000xf32, #tpu.memory_space<vmem>>
      %dma_wait3A_222 = arith.constant 1408000 : i32
      %dma_wait3A_223 = tpu.memref_slice %arg2[%dma_wait3A_222] : memref<5120000xf32, #tpu.memory_space<hbm>> -> memref<32000xf32, #tpu.memory_space<hbm>>
      %dma_wait3A_224 = arith.constant 0 : i32
      %dma_wait3A_225 = tpu.memref_slice %arg4[%dma_wait3A_224] : memref<64000xf32, #tpu.memory_space<vmem>> -> memref<32000xf32, #tpu.memory_space<vmem>>
      %dma_wait3A_226 = arith.constant 1408000 : i32
      %dma_wait3A_227 = tpu.memref_slice %arg2[%dma_wait3A_226] : memref<5120000xf32, #tpu.memory_space<hbm>> -> memref<32000xf32, #tpu.memory_space<hbm>>
      tpu.wait_dma2 semaphore(%arg6 : memref<!tpu.dma_semaphore, #tpu.memory_space<semaphore_mem>>) src(%dma_wait3A_227 : memref<32000xf32, #tpu.memory_space<hbm>>) dst(%dma_wait3A_225 : memref<32000xf32, #tpu.memory_space<vmem>>)
      %dma_start3A_228 = arith.constant 0 : i32
      %dma_start3A_229 = tpu.memref_slice %arg4[%dma_start3A_228] : memref<64000xf32, #tpu.memory_space<vmem>> -> memref<32000xf32, #tpu.memory_space<vmem>>
      %dma_start3A_230 = arith.constant 1408000 : i32
      %dma_start3A_231 = tpu.memref_slice %arg3[%dma_start3A_230] : memref<5120000xf32, #tpu.memory_space<hbm>> -> memref<32000xf32, #tpu.memory_space<hbm>>
      %dma_start3A_232 = arith.constant 1408000 : i32
      %dma_start3A_233 = tpu.memref_slice %arg3[%dma_start3A_232] : memref<5120000xf32, #tpu.memory_space<hbm>> -> memref<32000xf32, #tpu.memory_space<hbm>>
      %dma_start3A_234 = arith.constant 0 : i32
      %dma_start3A_235 = tpu.memref_slice %arg4[%dma_start3A_234] : memref<64000xf32, #tpu.memory_space<vmem>> -> memref<32000xf32, #tpu.memory_space<vmem>>
      tpu.enqueue_dma source(%dma_start3A_235 : memref<32000xf32, #tpu.memory_space<vmem>>) target(%dma_start3A_233 : memref<32000xf32, #tpu.memory_space<hbm>>) target_semaphore(%arg8 : memref<!tpu.dma_semaphore, #tpu.memory_space<semaphore_mem>>)
      %dma_wait3A_236 = arith.constant 0 : i32
      %dma_wait3A_237 = tpu.memref_slice %arg5[%dma_wait3A_236] : memref<64000xf32, #tpu.memory_space<vmem>> -> memref<64000xf32, #tpu.memory_space<vmem>>
      %dma_wait3A_238 = arith.constant 1344000 : i32
      %dma_wait3A_239 = tpu.memref_slice %arg3[%dma_wait3A_238] : memref<5120000xf32, #tpu.memory_space<hbm>> -> memref<64000xf32, #tpu.memory_space<hbm>>
      %dma_wait3A_240 = arith.constant 1344000 : i32
      %dma_wait3A_241 = tpu.memref_slice %arg3[%dma_wait3A_240] : memref<5120000xf32, #tpu.memory_space<hbm>> -> memref<64000xf32, #tpu.memory_space<hbm>>
      %dma_wait3A_242 = arith.constant 0 : i32
      %dma_wait3A_243 = tpu.memref_slice %arg5[%dma_wait3A_242] : memref<64000xf32, #tpu.memory_space<vmem>> -> memref<64000xf32, #tpu.memory_space<vmem>>
      tpu.wait_dma2 semaphore(%arg9 : memref<!tpu.dma_semaphore, #tpu.memory_space<semaphore_mem>>) src(%dma_wait3A_243 : memref<64000xf32, #tpu.memory_space<vmem>>) dst(%dma_wait3A_241 : memref<64000xf32, #tpu.memory_space<hbm>>)
      %dma_wait3A_244 = arith.constant 0 : i32
      %dma_wait3A_245 = tpu.memref_slice %arg4[%dma_wait3A_244] : memref<64000xf32, #tpu.memory_space<vmem>> -> memref<32000xf32, #tpu.memory_space<vmem>>
      %dma_wait3A_246 = arith.constant 1408000 : i32
      %dma_wait3A_247 = tpu.memref_slice %arg3[%dma_wait3A_246] : memref<5120000xf32, #tpu.memory_space<hbm>> -> memref<32000xf32, #tpu.memory_space<hbm>>
      %dma_wait3A_248 = arith.constant 1408000 : i32
      %dma_wait3A_249 = tpu.memref_slice %arg3[%dma_wait3A_248] : memref<5120000xf32, #tpu.memory_space<hbm>> -> memref<32000xf32, #tpu.memory_space<hbm>>
      %dma_wait3A_250 = arith.constant 0 : i32
      %dma_wait3A_251 = tpu.memref_slice %arg4[%dma_wait3A_250] : memref<64000xf32, #tpu.memory_space<vmem>> -> memref<32000xf32, #tpu.memory_space<vmem>>
      tpu.wait_dma2 semaphore(%arg8 : memref<!tpu.dma_semaphore, #tpu.memory_space<semaphore_mem>>) src(%dma_wait3A_251 : memref<32000xf32, #tpu.memory_space<vmem>>) dst(%dma_wait3A_249 : memref<32000xf32, #tpu.memory_space<hbm>>)
    } else {
    }
    %eq3A_43 = arith.constant 9 : i32
    %eq3A_44 = arith.cmpi eq, %add3A, %eq3A_43 : i32
    %convert_element_type3A_45 = arith.extui %eq3A_44 : i1 to i32
    %cond3A_46 = arith.constant 0 : i32
    %cond3A_47 = arith.cmpi ne, %convert_element_type3A_45, %cond3A_46 : i32
    scf.if %cond3A_47 {
      %dma_start3A = arith.constant 0 : i32
      %dma_start3A_158 = tpu.memref_slice %arg4[%dma_start3A] : memref<64000xf32, #tpu.memory_space<vmem>> -> memref<64000xf32, #tpu.memory_space<vmem>>
      %dma_start3A_159 = arith.constant 1440000 : i32
      %dma_start3A_160 = tpu.memref_slice %arg2[%dma_start3A_159] : memref<5120000xf32, #tpu.memory_space<hbm>> -> memref<64000xf32, #tpu.memory_space<hbm>>
      %dma_start3A_161 = arith.constant 0 : i32
      %dma_start3A_162 = tpu.memref_slice %arg4[%dma_start3A_161] : memref<64000xf32, #tpu.memory_space<vmem>> -> memref<64000xf32, #tpu.memory_space<vmem>>
      %dma_start3A_163 = arith.constant 1440000 : i32
      %dma_start3A_164 = tpu.memref_slice %arg2[%dma_start3A_163] : memref<5120000xf32, #tpu.memory_space<hbm>> -> memref<64000xf32, #tpu.memory_space<hbm>>
      tpu.enqueue_dma source(%dma_start3A_164 : memref<64000xf32, #tpu.memory_space<hbm>>) target(%dma_start3A_162 : memref<64000xf32, #tpu.memory_space<vmem>>) target_semaphore(%arg6 : memref<!tpu.dma_semaphore, #tpu.memory_space<semaphore_mem>>)
      %dma_start3A_165 = arith.constant 0 : i32
      %dma_start3A_166 = tpu.memref_slice %arg5[%dma_start3A_165] : memref<64000xf32, #tpu.memory_space<vmem>> -> memref<64000xf32, #tpu.memory_space<vmem>>
      %dma_start3A_167 = arith.constant 1504000 : i32
      %dma_start3A_168 = tpu.memref_slice %arg2[%dma_start3A_167] : memref<5120000xf32, #tpu.memory_space<hbm>> -> memref<64000xf32, #tpu.memory_space<hbm>>
      %dma_start3A_169 = arith.constant 0 : i32
      %dma_start3A_170 = tpu.memref_slice %arg5[%dma_start3A_169] : memref<64000xf32, #tpu.memory_space<vmem>> -> memref<64000xf32, #tpu.memory_space<vmem>>
      %dma_start3A_171 = arith.constant 1504000 : i32
      %dma_start3A_172 = tpu.memref_slice %arg2[%dma_start3A_171] : memref<5120000xf32, #tpu.memory_space<hbm>> -> memref<64000xf32, #tpu.memory_space<hbm>>
      tpu.enqueue_dma source(%dma_start3A_172 : memref<64000xf32, #tpu.memory_space<hbm>>) target(%dma_start3A_170 : memref<64000xf32, #tpu.memory_space<vmem>>) target_semaphore(%arg7 : memref<!tpu.dma_semaphore, #tpu.memory_space<semaphore_mem>>)
      %dma_wait3A = arith.constant 0 : i32
      %dma_wait3A_173 = tpu.memref_slice %arg4[%dma_wait3A] : memref<64000xf32, #tpu.memory_space<vmem>> -> memref<64000xf32, #tpu.memory_space<vmem>>
      %dma_wait3A_174 = arith.constant 1440000 : i32
      %dma_wait3A_175 = tpu.memref_slice %arg2[%dma_wait3A_174] : memref<5120000xf32, #tpu.memory_space<hbm>> -> memref<64000xf32, #tpu.memory_space<hbm>>
      %dma_wait3A_176 = arith.constant 0 : i32
      %dma_wait3A_177 = tpu.memref_slice %arg4[%dma_wait3A_176] : memref<64000xf32, #tpu.memory_space<vmem>> -> memref<64000xf32, #tpu.memory_space<vmem>>
      %dma_wait3A_178 = arith.constant 1440000 : i32
      %dma_wait3A_179 = tpu.memref_slice %arg2[%dma_wait3A_178] : memref<5120000xf32, #tpu.memory_space<hbm>> -> memref<64000xf32, #tpu.memory_space<hbm>>
      tpu.wait_dma2 semaphore(%arg6 : memref<!tpu.dma_semaphore, #tpu.memory_space<semaphore_mem>>) src(%dma_wait3A_179 : memref<64000xf32, #tpu.memory_space<hbm>>) dst(%dma_wait3A_177 : memref<64000xf32, #tpu.memory_space<vmem>>)
      %dma_start3A_180 = arith.constant 0 : i32
      %dma_start3A_181 = tpu.memref_slice %arg4[%dma_start3A_180] : memref<64000xf32, #tpu.memory_space<vmem>> -> memref<64000xf32, #tpu.memory_space<vmem>>
      %dma_start3A_182 = arith.constant 1440000 : i32
      %dma_start3A_183 = tpu.memref_slice %arg3[%dma_start3A_182] : memref<5120000xf32, #tpu.memory_space<hbm>> -> memref<64000xf32, #tpu.memory_space<hbm>>
      %dma_start3A_184 = arith.constant 1440000 : i32
      %dma_start3A_185 = tpu.memref_slice %arg3[%dma_start3A_184] : memref<5120000xf32, #tpu.memory_space<hbm>> -> memref<64000xf32, #tpu.memory_space<hbm>>
      %dma_start3A_186 = arith.constant 0 : i32
      %dma_start3A_187 = tpu.memref_slice %arg4[%dma_start3A_186] : memref<64000xf32, #tpu.memory_space<vmem>> -> memref<64000xf32, #tpu.memory_space<vmem>>
      tpu.enqueue_dma source(%dma_start3A_187 : memref<64000xf32, #tpu.memory_space<vmem>>) target(%dma_start3A_185 : memref<64000xf32, #tpu.memory_space<hbm>>) target_semaphore(%arg8 : memref<!tpu.dma_semaphore, #tpu.memory_space<semaphore_mem>>)
      %dma_wait3A_188 = arith.constant 0 : i32
      %dma_wait3A_189 = tpu.memref_slice %arg5[%dma_wait3A_188] : memref<64000xf32, #tpu.memory_space<vmem>> -> memref<64000xf32, #tpu.memory_space<vmem>>
      %dma_wait3A_190 = arith.constant 1504000 : i32
      %dma_wait3A_191 = tpu.memref_slice %arg2[%dma_wait3A_190] : memref<5120000xf32, #tpu.memory_space<hbm>> -> memref<64000xf32, #tpu.memory_space<hbm>>
      %dma_wait3A_192 = arith.constant 0 : i32
      %dma_wait3A_193 = tpu.memref_slice %arg5[%dma_wait3A_192] : memref<64000xf32, #tpu.memory_space<vmem>> -> memref<64000xf32, #tpu.memory_space<vmem>>
      %dma_wait3A_194 = arith.constant 1504000 : i32
      %dma_wait3A_195 = tpu.memref_slice %arg2[%dma_wait3A_194] : memref<5120000xf32, #tpu.memory_space<hbm>> -> memref<64000xf32, #tpu.memory_space<hbm>>
      tpu.wait_dma2 semaphore(%arg7 : memref<!tpu.dma_semaphore, #tpu.memory_space<semaphore_mem>>) src(%dma_wait3A_195 : memref<64000xf32, #tpu.memory_space<hbm>>) dst(%dma_wait3A_193 : memref<64000xf32, #tpu.memory_space<vmem>>)
      %dma_start3A_196 = arith.constant 0 : i32
      %dma_start3A_197 = tpu.memref_slice %arg5[%dma_start3A_196] : memref<64000xf32, #tpu.memory_space<vmem>> -> memref<64000xf32, #tpu.memory_space<vmem>>
      %dma_start3A_198 = arith.constant 1504000 : i32
      %dma_start3A_199 = tpu.memref_slice %arg3[%dma_start3A_198] : memref<5120000xf32, #tpu.memory_space<hbm>> -> memref<64000xf32, #tpu.memory_space<hbm>>
      %dma_start3A_200 = arith.constant 1504000 : i32
      %dma_start3A_201 = tpu.memref_slice %arg3[%dma_start3A_200] : memref<5120000xf32, #tpu.memory_space<hbm>> -> memref<64000xf32, #tpu.memory_space<hbm>>
      %dma_start3A_202 = arith.constant 0 : i32
      %dma_start3A_203 = tpu.memref_slice %arg5[%dma_start3A_202] : memref<64000xf32, #tpu.memory_space<vmem>> -> memref<64000xf32, #tpu.memory_space<vmem>>
      tpu.enqueue_dma source(%dma_start3A_203 : memref<64000xf32, #tpu.memory_space<vmem>>) target(%dma_start3A_201 : memref<64000xf32, #tpu.memory_space<hbm>>) target_semaphore(%arg9 : memref<!tpu.dma_semaphore, #tpu.memory_space<semaphore_mem>>)
      %dma_wait3A_204 = arith.constant 0 : i32
      %dma_wait3A_205 = tpu.memref_slice %arg4[%dma_wait3A_204] : memref<64000xf32, #tpu.memory_space<vmem>> -> memref<64000xf32, #tpu.memory_space<vmem>>
      %dma_wait3A_206 = arith.constant 1440000 : i32
      %dma_wait3A_207 = tpu.memref_slice %arg3[%dma_wait3A_206] : memref<5120000xf32, #tpu.memory_space<hbm>> -> memref<64000xf32, #tpu.memory_space<hbm>>
      %dma_wait3A_208 = arith.constant 1440000 : i32
      %dma_wait3A_209 = tpu.memref_slice %arg3[%dma_wait3A_208] : memref<5120000xf32, #tpu.memory_space<hbm>> -> memref<64000xf32, #tpu.memory_space<hbm>>
      %dma_wait3A_210 = arith.constant 0 : i32
      %dma_wait3A_211 = tpu.memref_slice %arg4[%dma_wait3A_210] : memref<64000xf32, #tpu.memory_space<vmem>> -> memref<64000xf32, #tpu.memory_space<vmem>>
      tpu.wait_dma2 semaphore(%arg8 : memref<!tpu.dma_semaphore, #tpu.memory_space<semaphore_mem>>) src(%dma_wait3A_211 : memref<64000xf32, #tpu.memory_space<vmem>>) dst(%dma_wait3A_209 : memref<64000xf32, #tpu.memory_space<hbm>>)
      %dma_start3A_212 = arith.constant 0 : i32
      %dma_start3A_213 = tpu.memref_slice %arg4[%dma_start3A_212] : memref<64000xf32, #tpu.memory_space<vmem>> -> memref<32000xf32, #tpu.memory_space<vmem>>
      %dma_start3A_214 = arith.constant 1568000 : i32
      %dma_start3A_215 = tpu.memref_slice %arg2[%dma_start3A_214] : memref<5120000xf32, #tpu.memory_space<hbm>> -> memref<32000xf32, #tpu.memory_space<hbm>>
      %dma_start3A_216 = arith.constant 0 : i32
      %dma_start3A_217 = tpu.memref_slice %arg4[%dma_start3A_216] : memref<64000xf32, #tpu.memory_space<vmem>> -> memref<32000xf32, #tpu.memory_space<vmem>>
      %dma_start3A_218 = arith.constant 1568000 : i32
      %dma_start3A_219 = tpu.memref_slice %arg2[%dma_start3A_218] : memref<5120000xf32, #tpu.memory_space<hbm>> -> memref<32000xf32, #tpu.memory_space<hbm>>
      tpu.enqueue_dma source(%dma_start3A_219 : memref<32000xf32, #tpu.memory_space<hbm>>) target(%dma_start3A_217 : memref<32000xf32, #tpu.memory_space<vmem>>) target_semaphore(%arg6 : memref<!tpu.dma_semaphore, #tpu.memory_space<semaphore_mem>>)
      %dma_wait3A_220 = arith.constant 0 : i32
      %dma_wait3A_221 = tpu.memref_slice %arg4[%dma_wait3A_220] : memref<64000xf32, #tpu.memory_space<vmem>> -> memref<32000xf32, #tpu.memory_space<vmem>>
      %dma_wait3A_222 = arith.constant 1568000 : i32
      %dma_wait3A_223 = tpu.memref_slice %arg2[%dma_wait3A_222] : memref<5120000xf32, #tpu.memory_space<hbm>> -> memref<32000xf32, #tpu.memory_space<hbm>>
      %dma_wait3A_224 = arith.constant 0 : i32
      %dma_wait3A_225 = tpu.memref_slice %arg4[%dma_wait3A_224] : memref<64000xf32, #tpu.memory_space<vmem>> -> memref<32000xf32, #tpu.memory_space<vmem>>
      %dma_wait3A_226 = arith.constant 1568000 : i32
      %dma_wait3A_227 = tpu.memref_slice %arg2[%dma_wait3A_226] : memref<5120000xf32, #tpu.memory_space<hbm>> -> memref<32000xf32, #tpu.memory_space<hbm>>
      tpu.wait_dma2 semaphore(%arg6 : memref<!tpu.dma_semaphore, #tpu.memory_space<semaphore_mem>>) src(%dma_wait3A_227 : memref<32000xf32, #tpu.memory_space<hbm>>) dst(%dma_wait3A_225 : memref<32000xf32, #tpu.memory_space<vmem>>)
      %dma_start3A_228 = arith.constant 0 : i32
      %dma_start3A_229 = tpu.memref_slice %arg4[%dma_start3A_228] : memref<64000xf32, #tpu.memory_space<vmem>> -> memref<32000xf32, #tpu.memory_space<vmem>>
      %dma_start3A_230 = arith.constant 1568000 : i32
      %dma_start3A_231 = tpu.memref_slice %arg3[%dma_start3A_230] : memref<5120000xf32, #tpu.memory_space<hbm>> -> memref<32000xf32, #tpu.memory_space<hbm>>
      %dma_start3A_232 = arith.constant 1568000 : i32
      %dma_start3A_233 = tpu.memref_slice %arg3[%dma_start3A_232] : memref<5120000xf32, #tpu.memory_space<hbm>> -> memref<32000xf32, #tpu.memory_space<hbm>>
      %dma_start3A_234 = arith.constant 0 : i32
      %dma_start3A_235 = tpu.memref_slice %arg4[%dma_start3A_234] : memref<64000xf32, #tpu.memory_space<vmem>> -> memref<32000xf32, #tpu.memory_space<vmem>>
      tpu.enqueue_dma source(%dma_start3A_235 : memref<32000xf32, #tpu.memory_space<vmem>>) target(%dma_start3A_233 : memref<32000xf32, #tpu.memory_space<hbm>>) target_semaphore(%arg8 : memref<!tpu.dma_semaphore, #tpu.memory_space<semaphore_mem>>)
      %dma_wait3A_236 = arith.constant 0 : i32
      %dma_wait3A_237 = tpu.memref_slice %arg5[%dma_wait3A_236] : memref<64000xf32, #tpu.memory_space<vmem>> -> memref<64000xf32, #tpu.memory_space<vmem>>
      %dma_wait3A_238 = arith.constant 1504000 : i32
      %dma_wait3A_239 = tpu.memref_slice %arg3[%dma_wait3A_238] : memref<5120000xf32, #tpu.memory_space<hbm>> -> memref<64000xf32, #tpu.memory_space<hbm>>
      %dma_wait3A_240 = arith.constant 1504000 : i32
      %dma_wait3A_241 = tpu.memref_slice %arg3[%dma_wait3A_240] : memref<5120000xf32, #tpu.memory_space<hbm>> -> memref<64000xf32, #tpu.memory_space<hbm>>
      %dma_wait3A_242 = arith.constant 0 : i32
      %dma_wait3A_243 = tpu.memref_slice %arg5[%dma_wait3A_242] : memref<64000xf32, #tpu.memory_space<vmem>> -> memref<64000xf32, #tpu.memory_space<vmem>>
      tpu.wait_dma2 semaphore(%arg9 : memref<!tpu.dma_semaphore, #tpu.memory_space<semaphore_mem>>) src(%dma_wait3A_243 : memref<64000xf32, #tpu.memory_space<vmem>>) dst(%dma_wait3A_241 : memref<64000xf32, #tpu.memory_space<hbm>>)
      %dma_wait3A_244 = arith.constant 0 : i32
      %dma_wait3A_245 = tpu.memref_slice %arg4[%dma_wait3A_244] : memref<64000xf32, #tpu.memory_space<vmem>> -> memref<32000xf32, #tpu.memory_space<vmem>>
      %dma_wait3A_246 = arith.constant 1568000 : i32
      %dma_wait3A_247 = tpu.memref_slice %arg3[%dma_wait3A_246] : memref<5120000xf32, #tpu.memory_space<hbm>> -> memref<32000xf32, #tpu.memory_space<hbm>>
      %dma_wait3A_248 = arith.constant 1568000 : i32
      %dma_wait3A_249 = tpu.memref_slice %arg3[%dma_wait3A_248] : memref<5120000xf32, #tpu.memory_space<hbm>> -> memref<32000xf32, #tpu.memory_space<hbm>>
      %dma_wait3A_250 = arith.constant 0 : i32
      %dma_wait3A_251 = tpu.memref_slice %arg4[%dma_wait3A_250] : memref<64000xf32, #tpu.memory_space<vmem>> -> memref<32000xf32, #tpu.memory_space<vmem>>
      tpu.wait_dma2 semaphore(%arg8 : memref<!tpu.dma_semaphore, #tpu.memory_space<semaphore_mem>>) src(%dma_wait3A_251 : memref<32000xf32, #tpu.memory_space<vmem>>) dst(%dma_wait3A_249 : memref<32000xf32, #tpu.memory_space<hbm>>)
    } else {
    }
    %eq3A_48 = arith.constant 10 : i32
    %eq3A_49 = arith.cmpi eq, %add3A, %eq3A_48 : i32
    %convert_element_type3A_50 = arith.extui %eq3A_49 : i1 to i32
    %cond3A_51 = arith.constant 0 : i32
    %cond3A_52 = arith.cmpi ne, %convert_element_type3A_50, %cond3A_51 : i32
    scf.if %cond3A_52 {
      %dma_start3A = arith.constant 0 : i32
      %dma_start3A_158 = tpu.memref_slice %arg4[%dma_start3A] : memref<64000xf32, #tpu.memory_space<vmem>> -> memref<64000xf32, #tpu.memory_space<vmem>>
      %dma_start3A_159 = arith.constant 1600000 : i32
      %dma_start3A_160 = tpu.memref_slice %arg2[%dma_start3A_159] : memref<5120000xf32, #tpu.memory_space<hbm>> -> memref<64000xf32, #tpu.memory_space<hbm>>
      %dma_start3A_161 = arith.constant 0 : i32
      %dma_start3A_162 = tpu.memref_slice %arg4[%dma_start3A_161] : memref<64000xf32, #tpu.memory_space<vmem>> -> memref<64000xf32, #tpu.memory_space<vmem>>
      %dma_start3A_163 = arith.constant 1600000 : i32
      %dma_start3A_164 = tpu.memref_slice %arg2[%dma_start3A_163] : memref<5120000xf32, #tpu.memory_space<hbm>> -> memref<64000xf32, #tpu.memory_space<hbm>>
      tpu.enqueue_dma source(%dma_start3A_164 : memref<64000xf32, #tpu.memory_space<hbm>>) target(%dma_start3A_162 : memref<64000xf32, #tpu.memory_space<vmem>>) target_semaphore(%arg6 : memref<!tpu.dma_semaphore, #tpu.memory_space<semaphore_mem>>)
      %dma_start3A_165 = arith.constant 0 : i32
      %dma_start3A_166 = tpu.memref_slice %arg5[%dma_start3A_165] : memref<64000xf32, #tpu.memory_space<vmem>> -> memref<64000xf32, #tpu.memory_space<vmem>>
      %dma_start3A_167 = arith.constant 1664000 : i32
      %dma_start3A_168 = tpu.memref_slice %arg2[%dma_start3A_167] : memref<5120000xf32, #tpu.memory_space<hbm>> -> memref<64000xf32, #tpu.memory_space<hbm>>
      %dma_start3A_169 = arith.constant 0 : i32
      %dma_start3A_170 = tpu.memref_slice %arg5[%dma_start3A_169] : memref<64000xf32, #tpu.memory_space<vmem>> -> memref<64000xf32, #tpu.memory_space<vmem>>
      %dma_start3A_171 = arith.constant 1664000 : i32
      %dma_start3A_172 = tpu.memref_slice %arg2[%dma_start3A_171] : memref<5120000xf32, #tpu.memory_space<hbm>> -> memref<64000xf32, #tpu.memory_space<hbm>>
      tpu.enqueue_dma source(%dma_start3A_172 : memref<64000xf32, #tpu.memory_space<hbm>>) target(%dma_start3A_170 : memref<64000xf32, #tpu.memory_space<vmem>>) target_semaphore(%arg7 : memref<!tpu.dma_semaphore, #tpu.memory_space<semaphore_mem>>)
      %dma_wait3A = arith.constant 0 : i32
      %dma_wait3A_173 = tpu.memref_slice %arg4[%dma_wait3A] : memref<64000xf32, #tpu.memory_space<vmem>> -> memref<64000xf32, #tpu.memory_space<vmem>>
      %dma_wait3A_174 = arith.constant 1600000 : i32
      %dma_wait3A_175 = tpu.memref_slice %arg2[%dma_wait3A_174] : memref<5120000xf32, #tpu.memory_space<hbm>> -> memref<64000xf32, #tpu.memory_space<hbm>>
      %dma_wait3A_176 = arith.constant 0 : i32
      %dma_wait3A_177 = tpu.memref_slice %arg4[%dma_wait3A_176] : memref<64000xf32, #tpu.memory_space<vmem>> -> memref<64000xf32, #tpu.memory_space<vmem>>
      %dma_wait3A_178 = arith.constant 1600000 : i32
      %dma_wait3A_179 = tpu.memref_slice %arg2[%dma_wait3A_178] : memref<5120000xf32, #tpu.memory_space<hbm>> -> memref<64000xf32, #tpu.memory_space<hbm>>
      tpu.wait_dma2 semaphore(%arg6 : memref<!tpu.dma_semaphore, #tpu.memory_space<semaphore_mem>>) src(%dma_wait3A_179 : memref<64000xf32, #tpu.memory_space<hbm>>) dst(%dma_wait3A_177 : memref<64000xf32, #tpu.memory_space<vmem>>)
      %dma_start3A_180 = arith.constant 0 : i32
      %dma_start3A_181 = tpu.memref_slice %arg4[%dma_start3A_180] : memref<64000xf32, #tpu.memory_space<vmem>> -> memref<64000xf32, #tpu.memory_space<vmem>>
      %dma_start3A_182 = arith.constant 1600000 : i32
      %dma_start3A_183 = tpu.memref_slice %arg3[%dma_start3A_182] : memref<5120000xf32, #tpu.memory_space<hbm>> -> memref<64000xf32, #tpu.memory_space<hbm>>
      %dma_start3A_184 = arith.constant 1600000 : i32
      %dma_start3A_185 = tpu.memref_slice %arg3[%dma_start3A_184] : memref<5120000xf32, #tpu.memory_space<hbm>> -> memref<64000xf32, #tpu.memory_space<hbm>>
      %dma_start3A_186 = arith.constant 0 : i32
      %dma_start3A_187 = tpu.memref_slice %arg4[%dma_start3A_186] : memref<64000xf32, #tpu.memory_space<vmem>> -> memref<64000xf32, #tpu.memory_space<vmem>>
      tpu.enqueue_dma source(%dma_start3A_187 : memref<64000xf32, #tpu.memory_space<vmem>>) target(%dma_start3A_185 : memref<64000xf32, #tpu.memory_space<hbm>>) target_semaphore(%arg8 : memref<!tpu.dma_semaphore, #tpu.memory_space<semaphore_mem>>)
      %dma_wait3A_188 = arith.constant 0 : i32
      %dma_wait3A_189 = tpu.memref_slice %arg5[%dma_wait3A_188] : memref<64000xf32, #tpu.memory_space<vmem>> -> memref<64000xf32, #tpu.memory_space<vmem>>
      %dma_wait3A_190 = arith.constant 1664000 : i32
      %dma_wait3A_191 = tpu.memref_slice %arg2[%dma_wait3A_190] : memref<5120000xf32, #tpu.memory_space<hbm>> -> memref<64000xf32, #tpu.memory_space<hbm>>
      %dma_wait3A_192 = arith.constant 0 : i32
      %dma_wait3A_193 = tpu.memref_slice %arg5[%dma_wait3A_192] : memref<64000xf32, #tpu.memory_space<vmem>> -> memref<64000xf32, #tpu.memory_space<vmem>>
      %dma_wait3A_194 = arith.constant 1664000 : i32
      %dma_wait3A_195 = tpu.memref_slice %arg2[%dma_wait3A_194] : memref<5120000xf32, #tpu.memory_space<hbm>> -> memref<64000xf32, #tpu.memory_space<hbm>>
      tpu.wait_dma2 semaphore(%arg7 : memref<!tpu.dma_semaphore, #tpu.memory_space<semaphore_mem>>) src(%dma_wait3A_195 : memref<64000xf32, #tpu.memory_space<hbm>>) dst(%dma_wait3A_193 : memref<64000xf32, #tpu.memory_space<vmem>>)
      %dma_start3A_196 = arith.constant 0 : i32
      %dma_start3A_197 = tpu.memref_slice %arg5[%dma_start3A_196] : memref<64000xf32, #tpu.memory_space<vmem>> -> memref<64000xf32, #tpu.memory_space<vmem>>
      %dma_start3A_198 = arith.constant 1664000 : i32
      %dma_start3A_199 = tpu.memref_slice %arg3[%dma_start3A_198] : memref<5120000xf32, #tpu.memory_space<hbm>> -> memref<64000xf32, #tpu.memory_space<hbm>>
      %dma_start3A_200 = arith.constant 1664000 : i32
      %dma_start3A_201 = tpu.memref_slice %arg3[%dma_start3A_200] : memref<5120000xf32, #tpu.memory_space<hbm>> -> memref<64000xf32, #tpu.memory_space<hbm>>
      %dma_start3A_202 = arith.constant 0 : i32
      %dma_start3A_203 = tpu.memref_slice %arg5[%dma_start3A_202] : memref<64000xf32, #tpu.memory_space<vmem>> -> memref<64000xf32, #tpu.memory_space<vmem>>
      tpu.enqueue_dma source(%dma_start3A_203 : memref<64000xf32, #tpu.memory_space<vmem>>) target(%dma_start3A_201 : memref<64000xf32, #tpu.memory_space<hbm>>) target_semaphore(%arg9 : memref<!tpu.dma_semaphore, #tpu.memory_space<semaphore_mem>>)
      %dma_wait3A_204 = arith.constant 0 : i32
      %dma_wait3A_205 = tpu.memref_slice %arg4[%dma_wait3A_204] : memref<64000xf32, #tpu.memory_space<vmem>> -> memref<64000xf32, #tpu.memory_space<vmem>>
      %dma_wait3A_206 = arith.constant 1600000 : i32
      %dma_wait3A_207 = tpu.memref_slice %arg3[%dma_wait3A_206] : memref<5120000xf32, #tpu.memory_space<hbm>> -> memref<64000xf32, #tpu.memory_space<hbm>>
      %dma_wait3A_208 = arith.constant 1600000 : i32
      %dma_wait3A_209 = tpu.memref_slice %arg3[%dma_wait3A_208] : memref<5120000xf32, #tpu.memory_space<hbm>> -> memref<64000xf32, #tpu.memory_space<hbm>>
      %dma_wait3A_210 = arith.constant 0 : i32
      %dma_wait3A_211 = tpu.memref_slice %arg4[%dma_wait3A_210] : memref<64000xf32, #tpu.memory_space<vmem>> -> memref<64000xf32, #tpu.memory_space<vmem>>
      tpu.wait_dma2 semaphore(%arg8 : memref<!tpu.dma_semaphore, #tpu.memory_space<semaphore_mem>>) src(%dma_wait3A_211 : memref<64000xf32, #tpu.memory_space<vmem>>) dst(%dma_wait3A_209 : memref<64000xf32, #tpu.memory_space<hbm>>)
      %dma_start3A_212 = arith.constant 0 : i32
      %dma_start3A_213 = tpu.memref_slice %arg4[%dma_start3A_212] : memref<64000xf32, #tpu.memory_space<vmem>> -> memref<32000xf32, #tpu.memory_space<vmem>>
      %dma_start3A_214 = arith.constant 1728000 : i32
      %dma_start3A_215 = tpu.memref_slice %arg2[%dma_start3A_214] : memref<5120000xf32, #tpu.memory_space<hbm>> -> memref<32000xf32, #tpu.memory_space<hbm>>
      %dma_start3A_216 = arith.constant 0 : i32
      %dma_start3A_217 = tpu.memref_slice %arg4[%dma_start3A_216] : memref<64000xf32, #tpu.memory_space<vmem>> -> memref<32000xf32, #tpu.memory_space<vmem>>
      %dma_start3A_218 = arith.constant 1728000 : i32
      %dma_start3A_219 = tpu.memref_slice %arg2[%dma_start3A_218] : memref<5120000xf32, #tpu.memory_space<hbm>> -> memref<32000xf32, #tpu.memory_space<hbm>>
      tpu.enqueue_dma source(%dma_start3A_219 : memref<32000xf32, #tpu.memory_space<hbm>>) target(%dma_start3A_217 : memref<32000xf32, #tpu.memory_space<vmem>>) target_semaphore(%arg6 : memref<!tpu.dma_semaphore, #tpu.memory_space<semaphore_mem>>)
      %dma_wait3A_220 = arith.constant 0 : i32
      %dma_wait3A_221 = tpu.memref_slice %arg4[%dma_wait3A_220] : memref<64000xf32, #tpu.memory_space<vmem>> -> memref<32000xf32, #tpu.memory_space<vmem>>
      %dma_wait3A_222 = arith.constant 1728000 : i32
      %dma_wait3A_223 = tpu.memref_slice %arg2[%dma_wait3A_222] : memref<5120000xf32, #tpu.memory_space<hbm>> -> memref<32000xf32, #tpu.memory_space<hbm>>
      %dma_wait3A_224 = arith.constant 0 : i32
      %dma_wait3A_225 = tpu.memref_slice %arg4[%dma_wait3A_224] : memref<64000xf32, #tpu.memory_space<vmem>> -> memref<32000xf32, #tpu.memory_space<vmem>>
      %dma_wait3A_226 = arith.constant 1728000 : i32
      %dma_wait3A_227 = tpu.memref_slice %arg2[%dma_wait3A_226] : memref<5120000xf32, #tpu.memory_space<hbm>> -> memref<32000xf32, #tpu.memory_space<hbm>>
      tpu.wait_dma2 semaphore(%arg6 : memref<!tpu.dma_semaphore, #tpu.memory_space<semaphore_mem>>) src(%dma_wait3A_227 : memref<32000xf32, #tpu.memory_space<hbm>>) dst(%dma_wait3A_225 : memref<32000xf32, #tpu.memory_space<vmem>>)
      %dma_start3A_228 = arith.constant 0 : i32
      %dma_start3A_229 = tpu.memref_slice %arg4[%dma_start3A_228] : memref<64000xf32, #tpu.memory_space<vmem>> -> memref<32000xf32, #tpu.memory_space<vmem>>
      %dma_start3A_230 = arith.constant 1728000 : i32
      %dma_start3A_231 = tpu.memref_slice %arg3[%dma_start3A_230] : memref<5120000xf32, #tpu.memory_space<hbm>> -> memref<32000xf32, #tpu.memory_space<hbm>>
      %dma_start3A_232 = arith.constant 1728000 : i32
      %dma_start3A_233 = tpu.memref_slice %arg3[%dma_start3A_232] : memref<5120000xf32, #tpu.memory_space<hbm>> -> memref<32000xf32, #tpu.memory_space<hbm>>
      %dma_start3A_234 = arith.constant 0 : i32
      %dma_start3A_235 = tpu.memref_slice %arg4[%dma_start3A_234] : memref<64000xf32, #tpu.memory_space<vmem>> -> memref<32000xf32, #tpu.memory_space<vmem>>
      tpu.enqueue_dma source(%dma_start3A_235 : memref<32000xf32, #tpu.memory_space<vmem>>) target(%dma_start3A_233 : memref<32000xf32, #tpu.memory_space<hbm>>) target_semaphore(%arg8 : memref<!tpu.dma_semaphore, #tpu.memory_space<semaphore_mem>>)
      %dma_wait3A_236 = arith.constant 0 : i32
      %dma_wait3A_237 = tpu.memref_slice %arg5[%dma_wait3A_236] : memref<64000xf32, #tpu.memory_space<vmem>> -> memref<64000xf32, #tpu.memory_space<vmem>>
      %dma_wait3A_238 = arith.constant 1664000 : i32
      %dma_wait3A_239 = tpu.memref_slice %arg3[%dma_wait3A_238] : memref<5120000xf32, #tpu.memory_space<hbm>> -> memref<64000xf32, #tpu.memory_space<hbm>>
      %dma_wait3A_240 = arith.constant 1664000 : i32
      %dma_wait3A_241 = tpu.memref_slice %arg3[%dma_wait3A_240] : memref<5120000xf32, #tpu.memory_space<hbm>> -> memref<64000xf32, #tpu.memory_space<hbm>>
      %dma_wait3A_242 = arith.constant 0 : i32
      %dma_wait3A_243 = tpu.memref_slice %arg5[%dma_wait3A_242] : memref<64000xf32, #tpu.memory_space<vmem>> -> memref<64000xf32, #tpu.memory_space<vmem>>
      tpu.wait_dma2 semaphore(%arg9 : memref<!tpu.dma_semaphore, #tpu.memory_space<semaphore_mem>>) src(%dma_wait3A_243 : memref<64000xf32, #tpu.memory_space<vmem>>) dst(%dma_wait3A_241 : memref<64000xf32, #tpu.memory_space<hbm>>)
      %dma_wait3A_244 = arith.constant 0 : i32
      %dma_wait3A_245 = tpu.memref_slice %arg4[%dma_wait3A_244] : memref<64000xf32, #tpu.memory_space<vmem>> -> memref<32000xf32, #tpu.memory_space<vmem>>
      %dma_wait3A_246 = arith.constant 1728000 : i32
      %dma_wait3A_247 = tpu.memref_slice %arg3[%dma_wait3A_246] : memref<5120000xf32, #tpu.memory_space<hbm>> -> memref<32000xf32, #tpu.memory_space<hbm>>
      %dma_wait3A_248 = arith.constant 1728000 : i32
      %dma_wait3A_249 = tpu.memref_slice %arg3[%dma_wait3A_248] : memref<5120000xf32, #tpu.memory_space<hbm>> -> memref<32000xf32, #tpu.memory_space<hbm>>
      %dma_wait3A_250 = arith.constant 0 : i32
      %dma_wait3A_251 = tpu.memref_slice %arg4[%dma_wait3A_250] : memref<64000xf32, #tpu.memory_space<vmem>> -> memref<32000xf32, #tpu.memory_space<vmem>>
      tpu.wait_dma2 semaphore(%arg8 : memref<!tpu.dma_semaphore, #tpu.memory_space<semaphore_mem>>) src(%dma_wait3A_251 : memref<32000xf32, #tpu.memory_space<vmem>>) dst(%dma_wait3A_249 : memref<32000xf32, #tpu.memory_space<hbm>>)
    } else {
    }
    %eq3A_53 = arith.constant 11 : i32
    %eq3A_54 = arith.cmpi eq, %add3A, %eq3A_53 : i32
    %convert_element_type3A_55 = arith.extui %eq3A_54 : i1 to i32
    %cond3A_56 = arith.constant 0 : i32
    %cond3A_57 = arith.cmpi ne, %convert_element_type3A_55, %cond3A_56 : i32
    scf.if %cond3A_57 {
      %dma_start3A = arith.constant 0 : i32
      %dma_start3A_158 = tpu.memref_slice %arg4[%dma_start3A] : memref<64000xf32, #tpu.memory_space<vmem>> -> memref<64000xf32, #tpu.memory_space<vmem>>
      %dma_start3A_159 = arith.constant 1760000 : i32
      %dma_start3A_160 = tpu.memref_slice %arg2[%dma_start3A_159] : memref<5120000xf32, #tpu.memory_space<hbm>> -> memref<64000xf32, #tpu.memory_space<hbm>>
      %dma_start3A_161 = arith.constant 0 : i32
      %dma_start3A_162 = tpu.memref_slice %arg4[%dma_start3A_161] : memref<64000xf32, #tpu.memory_space<vmem>> -> memref<64000xf32, #tpu.memory_space<vmem>>
      %dma_start3A_163 = arith.constant 1760000 : i32
      %dma_start3A_164 = tpu.memref_slice %arg2[%dma_start3A_163] : memref<5120000xf32, #tpu.memory_space<hbm>> -> memref<64000xf32, #tpu.memory_space<hbm>>
      tpu.enqueue_dma source(%dma_start3A_164 : memref<64000xf32, #tpu.memory_space<hbm>>) target(%dma_start3A_162 : memref<64000xf32, #tpu.memory_space<vmem>>) target_semaphore(%arg6 : memref<!tpu.dma_semaphore, #tpu.memory_space<semaphore_mem>>)
      %dma_start3A_165 = arith.constant 0 : i32
      %dma_start3A_166 = tpu.memref_slice %arg5[%dma_start3A_165] : memref<64000xf32, #tpu.memory_space<vmem>> -> memref<64000xf32, #tpu.memory_space<vmem>>
      %dma_start3A_167 = arith.constant 1824000 : i32
      %dma_start3A_168 = tpu.memref_slice %arg2[%dma_start3A_167] : memref<5120000xf32, #tpu.memory_space<hbm>> -> memref<64000xf32, #tpu.memory_space<hbm>>
      %dma_start3A_169 = arith.constant 0 : i32
      %dma_start3A_170 = tpu.memref_slice %arg5[%dma_start3A_169] : memref<64000xf32, #tpu.memory_space<vmem>> -> memref<64000xf32, #tpu.memory_space<vmem>>
      %dma_start3A_171 = arith.constant 1824000 : i32
      %dma_start3A_172 = tpu.memref_slice %arg2[%dma_start3A_171] : memref<5120000xf32, #tpu.memory_space<hbm>> -> memref<64000xf32, #tpu.memory_space<hbm>>
      tpu.enqueue_dma source(%dma_start3A_172 : memref<64000xf32, #tpu.memory_space<hbm>>) target(%dma_start3A_170 : memref<64000xf32, #tpu.memory_space<vmem>>) target_semaphore(%arg7 : memref<!tpu.dma_semaphore, #tpu.memory_space<semaphore_mem>>)
      %dma_wait3A = arith.constant 0 : i32
      %dma_wait3A_173 = tpu.memref_slice %arg4[%dma_wait3A] : memref<64000xf32, #tpu.memory_space<vmem>> -> memref<64000xf32, #tpu.memory_space<vmem>>
      %dma_wait3A_174 = arith.constant 1760000 : i32
      %dma_wait3A_175 = tpu.memref_slice %arg2[%dma_wait3A_174] : memref<5120000xf32, #tpu.memory_space<hbm>> -> memref<64000xf32, #tpu.memory_space<hbm>>
      %dma_wait3A_176 = arith.constant 0 : i32
      %dma_wait3A_177 = tpu.memref_slice %arg4[%dma_wait3A_176] : memref<64000xf32, #tpu.memory_space<vmem>> -> memref<64000xf32, #tpu.memory_space<vmem>>
      %dma_wait3A_178 = arith.constant 1760000 : i32
      %dma_wait3A_179 = tpu.memref_slice %arg2[%dma_wait3A_178] : memref<5120000xf32, #tpu.memory_space<hbm>> -> memref<64000xf32, #tpu.memory_space<hbm>>
      tpu.wait_dma2 semaphore(%arg6 : memref<!tpu.dma_semaphore, #tpu.memory_space<semaphore_mem>>) src(%dma_wait3A_179 : memref<64000xf32, #tpu.memory_space<hbm>>) dst(%dma_wait3A_177 : memref<64000xf32, #tpu.memory_space<vmem>>)
      %dma_start3A_180 = arith.constant 0 : i32
      %dma_start3A_181 = tpu.memref_slice %arg4[%dma_start3A_180] : memref<64000xf32, #tpu.memory_space<vmem>> -> memref<64000xf32, #tpu.memory_space<vmem>>
      %dma_start3A_182 = arith.constant 1760000 : i32
      %dma_start3A_183 = tpu.memref_slice %arg3[%dma_start3A_182] : memref<5120000xf32, #tpu.memory_space<hbm>> -> memref<64000xf32, #tpu.memory_space<hbm>>
      %dma_start3A_184 = arith.constant 1760000 : i32
      %dma_start3A_185 = tpu.memref_slice %arg3[%dma_start3A_184] : memref<5120000xf32, #tpu.memory_space<hbm>> -> memref<64000xf32, #tpu.memory_space<hbm>>
      %dma_start3A_186 = arith.constant 0 : i32
      %dma_start3A_187 = tpu.memref_slice %arg4[%dma_start3A_186] : memref<64000xf32, #tpu.memory_space<vmem>> -> memref<64000xf32, #tpu.memory_space<vmem>>
      tpu.enqueue_dma source(%dma_start3A_187 : memref<64000xf32, #tpu.memory_space<vmem>>) target(%dma_start3A_185 : memref<64000xf32, #tpu.memory_space<hbm>>) target_semaphore(%arg8 : memref<!tpu.dma_semaphore, #tpu.memory_space<semaphore_mem>>)
      %dma_wait3A_188 = arith.constant 0 : i32
      %dma_wait3A_189 = tpu.memref_slice %arg5[%dma_wait3A_188] : memref<64000xf32, #tpu.memory_space<vmem>> -> memref<64000xf32, #tpu.memory_space<vmem>>
      %dma_wait3A_190 = arith.constant 1824000 : i32
      %dma_wait3A_191 = tpu.memref_slice %arg2[%dma_wait3A_190] : memref<5120000xf32, #tpu.memory_space<hbm>> -> memref<64000xf32, #tpu.memory_space<hbm>>
      %dma_wait3A_192 = arith.constant 0 : i32
      %dma_wait3A_193 = tpu.memref_slice %arg5[%dma_wait3A_192] : memref<64000xf32, #tpu.memory_space<vmem>> -> memref<64000xf32, #tpu.memory_space<vmem>>
      %dma_wait3A_194 = arith.constant 1824000 : i32
      %dma_wait3A_195 = tpu.memref_slice %arg2[%dma_wait3A_194] : memref<5120000xf32, #tpu.memory_space<hbm>> -> memref<64000xf32, #tpu.memory_space<hbm>>
      tpu.wait_dma2 semaphore(%arg7 : memref<!tpu.dma_semaphore, #tpu.memory_space<semaphore_mem>>) src(%dma_wait3A_195 : memref<64000xf32, #tpu.memory_space<hbm>>) dst(%dma_wait3A_193 : memref<64000xf32, #tpu.memory_space<vmem>>)
      %dma_start3A_196 = arith.constant 0 : i32
      %dma_start3A_197 = tpu.memref_slice %arg5[%dma_start3A_196] : memref<64000xf32, #tpu.memory_space<vmem>> -> memref<64000xf32, #tpu.memory_space<vmem>>
      %dma_start3A_198 = arith.constant 1824000 : i32
      %dma_start3A_199 = tpu.memref_slice %arg3[%dma_start3A_198] : memref<5120000xf32, #tpu.memory_space<hbm>> -> memref<64000xf32, #tpu.memory_space<hbm>>
      %dma_start3A_200 = arith.constant 1824000 : i32
      %dma_start3A_201 = tpu.memref_slice %arg3[%dma_start3A_200] : memref<5120000xf32, #tpu.memory_space<hbm>> -> memref<64000xf32, #tpu.memory_space<hbm>>
      %dma_start3A_202 = arith.constant 0 : i32
      %dma_start3A_203 = tpu.memref_slice %arg5[%dma_start3A_202] : memref<64000xf32, #tpu.memory_space<vmem>> -> memref<64000xf32, #tpu.memory_space<vmem>>
      tpu.enqueue_dma source(%dma_start3A_203 : memref<64000xf32, #tpu.memory_space<vmem>>) target(%dma_start3A_201 : memref<64000xf32, #tpu.memory_space<hbm>>) target_semaphore(%arg9 : memref<!tpu.dma_semaphore, #tpu.memory_space<semaphore_mem>>)
      %dma_wait3A_204 = arith.constant 0 : i32
      %dma_wait3A_205 = tpu.memref_slice %arg4[%dma_wait3A_204] : memref<64000xf32, #tpu.memory_space<vmem>> -> memref<64000xf32, #tpu.memory_space<vmem>>
      %dma_wait3A_206 = arith.constant 1760000 : i32
      %dma_wait3A_207 = tpu.memref_slice %arg3[%dma_wait3A_206] : memref<5120000xf32, #tpu.memory_space<hbm>> -> memref<64000xf32, #tpu.memory_space<hbm>>
      %dma_wait3A_208 = arith.constant 1760000 : i32
      %dma_wait3A_209 = tpu.memref_slice %arg3[%dma_wait3A_208] : memref<5120000xf32, #tpu.memory_space<hbm>> -> memref<64000xf32, #tpu.memory_space<hbm>>
      %dma_wait3A_210 = arith.constant 0 : i32
      %dma_wait3A_211 = tpu.memref_slice %arg4[%dma_wait3A_210] : memref<64000xf32, #tpu.memory_space<vmem>> -> memref<64000xf32, #tpu.memory_space<vmem>>
      tpu.wait_dma2 semaphore(%arg8 : memref<!tpu.dma_semaphore, #tpu.memory_space<semaphore_mem>>) src(%dma_wait3A_211 : memref<64000xf32, #tpu.memory_space<vmem>>) dst(%dma_wait3A_209 : memref<64000xf32, #tpu.memory_space<hbm>>)
      %dma_start3A_212 = arith.constant 0 : i32
      %dma_start3A_213 = tpu.memref_slice %arg4[%dma_start3A_212] : memref<64000xf32, #tpu.memory_space<vmem>> -> memref<32000xf32, #tpu.memory_space<vmem>>
      %dma_start3A_214 = arith.constant 1888000 : i32
      %dma_start3A_215 = tpu.memref_slice %arg2[%dma_start3A_214] : memref<5120000xf32, #tpu.memory_space<hbm>> -> memref<32000xf32, #tpu.memory_space<hbm>>
      %dma_start3A_216 = arith.constant 0 : i32
      %dma_start3A_217 = tpu.memref_slice %arg4[%dma_start3A_216] : memref<64000xf32, #tpu.memory_space<vmem>> -> memref<32000xf32, #tpu.memory_space<vmem>>
      %dma_start3A_218 = arith.constant 1888000 : i32
      %dma_start3A_219 = tpu.memref_slice %arg2[%dma_start3A_218] : memref<5120000xf32, #tpu.memory_space<hbm>> -> memref<32000xf32, #tpu.memory_space<hbm>>
      tpu.enqueue_dma source(%dma_start3A_219 : memref<32000xf32, #tpu.memory_space<hbm>>) target(%dma_start3A_217 : memref<32000xf32, #tpu.memory_space<vmem>>) target_semaphore(%arg6 : memref<!tpu.dma_semaphore, #tpu.memory_space<semaphore_mem>>)
      %dma_wait3A_220 = arith.constant 0 : i32
      %dma_wait3A_221 = tpu.memref_slice %arg4[%dma_wait3A_220] : memref<64000xf32, #tpu.memory_space<vmem>> -> memref<32000xf32, #tpu.memory_space<vmem>>
      %dma_wait3A_222 = arith.constant 1888000 : i32
      %dma_wait3A_223 = tpu.memref_slice %arg2[%dma_wait3A_222] : memref<5120000xf32, #tpu.memory_space<hbm>> -> memref<32000xf32, #tpu.memory_space<hbm>>
      %dma_wait3A_224 = arith.constant 0 : i32
      %dma_wait3A_225 = tpu.memref_slice %arg4[%dma_wait3A_224] : memref<64000xf32, #tpu.memory_space<vmem>> -> memref<32000xf32, #tpu.memory_space<vmem>>
      %dma_wait3A_226 = arith.constant 1888000 : i32
      %dma_wait3A_227 = tpu.memref_slice %arg2[%dma_wait3A_226] : memref<5120000xf32, #tpu.memory_space<hbm>> -> memref<32000xf32, #tpu.memory_space<hbm>>
      tpu.wait_dma2 semaphore(%arg6 : memref<!tpu.dma_semaphore, #tpu.memory_space<semaphore_mem>>) src(%dma_wait3A_227 : memref<32000xf32, #tpu.memory_space<hbm>>) dst(%dma_wait3A_225 : memref<32000xf32, #tpu.memory_space<vmem>>)
      %dma_start3A_228 = arith.constant 0 : i32
      %dma_start3A_229 = tpu.memref_slice %arg4[%dma_start3A_228] : memref<64000xf32, #tpu.memory_space<vmem>> -> memref<32000xf32, #tpu.memory_space<vmem>>
      %dma_start3A_230 = arith.constant 1888000 : i32
      %dma_start3A_231 = tpu.memref_slice %arg3[%dma_start3A_230] : memref<5120000xf32, #tpu.memory_space<hbm>> -> memref<32000xf32, #tpu.memory_space<hbm>>
      %dma_start3A_232 = arith.constant 1888000 : i32
      %dma_start3A_233 = tpu.memref_slice %arg3[%dma_start3A_232] : memref<5120000xf32, #tpu.memory_space<hbm>> -> memref<32000xf32, #tpu.memory_space<hbm>>
      %dma_start3A_234 = arith.constant 0 : i32
      %dma_start3A_235 = tpu.memref_slice %arg4[%dma_start3A_234] : memref<64000xf32, #tpu.memory_space<vmem>> -> memref<32000xf32, #tpu.memory_space<vmem>>
      tpu.enqueue_dma source(%dma_start3A_235 : memref<32000xf32, #tpu.memory_space<vmem>>) target(%dma_start3A_233 : memref<32000xf32, #tpu.memory_space<hbm>>) target_semaphore(%arg8 : memref<!tpu.dma_semaphore, #tpu.memory_space<semaphore_mem>>)
      %dma_wait3A_236 = arith.constant 0 : i32
      %dma_wait3A_237 = tpu.memref_slice %arg5[%dma_wait3A_236] : memref<64000xf32, #tpu.memory_space<vmem>> -> memref<64000xf32, #tpu.memory_space<vmem>>
      %dma_wait3A_238 = arith.constant 1824000 : i32
      %dma_wait3A_239 = tpu.memref_slice %arg3[%dma_wait3A_238] : memref<5120000xf32, #tpu.memory_space<hbm>> -> memref<64000xf32, #tpu.memory_space<hbm>>
      %dma_wait3A_240 = arith.constant 1824000 : i32
      %dma_wait3A_241 = tpu.memref_slice %arg3[%dma_wait3A_240] : memref<5120000xf32, #tpu.memory_space<hbm>> -> memref<64000xf32, #tpu.memory_space<hbm>>
      %dma_wait3A_242 = arith.constant 0 : i32
      %dma_wait3A_243 = tpu.memref_slice %arg5[%dma_wait3A_242] : memref<64000xf32, #tpu.memory_space<vmem>> -> memref<64000xf32, #tpu.memory_space<vmem>>
      tpu.wait_dma2 semaphore(%arg9 : memref<!tpu.dma_semaphore, #tpu.memory_space<semaphore_mem>>) src(%dma_wait3A_243 : memref<64000xf32, #tpu.memory_space<vmem>>) dst(%dma_wait3A_241 : memref<64000xf32, #tpu.memory_space<hbm>>)
      %dma_wait3A_244 = arith.constant 0 : i32
      %dma_wait3A_245 = tpu.memref_slice %arg4[%dma_wait3A_244] : memref<64000xf32, #tpu.memory_space<vmem>> -> memref<32000xf32, #tpu.memory_space<vmem>>
      %dma_wait3A_246 = arith.constant 1888000 : i32
      %dma_wait3A_247 = tpu.memref_slice %arg3[%dma_wait3A_246] : memref<5120000xf32, #tpu.memory_space<hbm>> -> memref<32000xf32, #tpu.memory_space<hbm>>
      %dma_wait3A_248 = arith.constant 1888000 : i32
      %dma_wait3A_249 = tpu.memref_slice %arg3[%dma_wait3A_248] : memref<5120000xf32, #tpu.memory_space<hbm>> -> memref<32000xf32, #tpu.memory_space<hbm>>
      %dma_wait3A_250 = arith.constant 0 : i32
      %dma_wait3A_251 = tpu.memref_slice %arg4[%dma_wait3A_250] : memref<64000xf32, #tpu.memory_space<vmem>> -> memref<32000xf32, #tpu.memory_space<vmem>>
      tpu.wait_dma2 semaphore(%arg8 : memref<!tpu.dma_semaphore, #tpu.memory_space<semaphore_mem>>) src(%dma_wait3A_251 : memref<32000xf32, #tpu.memory_space<vmem>>) dst(%dma_wait3A_249 : memref<32000xf32, #tpu.memory_space<hbm>>)
    } else {
    }
    %eq3A_58 = arith.constant 12 : i32
    %eq3A_59 = arith.cmpi eq, %add3A, %eq3A_58 : i32
    %convert_element_type3A_60 = arith.extui %eq3A_59 : i1 to i32
    %cond3A_61 = arith.constant 0 : i32
    %cond3A_62 = arith.cmpi ne, %convert_element_type3A_60, %cond3A_61 : i32
    scf.if %cond3A_62 {
      %dma_start3A = arith.constant 0 : i32
      %dma_start3A_158 = tpu.memref_slice %arg4[%dma_start3A] : memref<64000xf32, #tpu.memory_space<vmem>> -> memref<64000xf32, #tpu.memory_space<vmem>>
      %dma_start3A_159 = arith.constant 1920000 : i32
      %dma_start3A_160 = tpu.memref_slice %arg2[%dma_start3A_159] : memref<5120000xf32, #tpu.memory_space<hbm>> -> memref<64000xf32, #tpu.memory_space<hbm>>
      %dma_start3A_161 = arith.constant 0 : i32
      %dma_start3A_162 = tpu.memref_slice %arg4[%dma_start3A_161] : memref<64000xf32, #tpu.memory_space<vmem>> -> memref<64000xf32, #tpu.memory_space<vmem>>
      %dma_start3A_163 = arith.constant 1920000 : i32
      %dma_start3A_164 = tpu.memref_slice %arg2[%dma_start3A_163] : memref<5120000xf32, #tpu.memory_space<hbm>> -> memref<64000xf32, #tpu.memory_space<hbm>>
      tpu.enqueue_dma source(%dma_start3A_164 : memref<64000xf32, #tpu.memory_space<hbm>>) target(%dma_start3A_162 : memref<64000xf32, #tpu.memory_space<vmem>>) target_semaphore(%arg6 : memref<!tpu.dma_semaphore, #tpu.memory_space<semaphore_mem>>)
      %dma_start3A_165 = arith.constant 0 : i32
      %dma_start3A_166 = tpu.memref_slice %arg5[%dma_start3A_165] : memref<64000xf32, #tpu.memory_space<vmem>> -> memref<64000xf32, #tpu.memory_space<vmem>>
      %dma_start3A_167 = arith.constant 1984000 : i32
      %dma_start3A_168 = tpu.memref_slice %arg2[%dma_start3A_167] : memref<5120000xf32, #tpu.memory_space<hbm>> -> memref<64000xf32, #tpu.memory_space<hbm>>
      %dma_start3A_169 = arith.constant 0 : i32
      %dma_start3A_170 = tpu.memref_slice %arg5[%dma_start3A_169] : memref<64000xf32, #tpu.memory_space<vmem>> -> memref<64000xf32, #tpu.memory_space<vmem>>
      %dma_start3A_171 = arith.constant 1984000 : i32
      %dma_start3A_172 = tpu.memref_slice %arg2[%dma_start3A_171] : memref<5120000xf32, #tpu.memory_space<hbm>> -> memref<64000xf32, #tpu.memory_space<hbm>>
      tpu.enqueue_dma source(%dma_start3A_172 : memref<64000xf32, #tpu.memory_space<hbm>>) target(%dma_start3A_170 : memref<64000xf32, #tpu.memory_space<vmem>>) target_semaphore(%arg7 : memref<!tpu.dma_semaphore, #tpu.memory_space<semaphore_mem>>)
      %dma_wait3A = arith.constant 0 : i32
      %dma_wait3A_173 = tpu.memref_slice %arg4[%dma_wait3A] : memref<64000xf32, #tpu.memory_space<vmem>> -> memref<64000xf32, #tpu.memory_space<vmem>>
      %dma_wait3A_174 = arith.constant 1920000 : i32
      %dma_wait3A_175 = tpu.memref_slice %arg2[%dma_wait3A_174] : memref<5120000xf32, #tpu.memory_space<hbm>> -> memref<64000xf32, #tpu.memory_space<hbm>>
      %dma_wait3A_176 = arith.constant 0 : i32
      %dma_wait3A_177 = tpu.memref_slice %arg4[%dma_wait3A_176] : memref<64000xf32, #tpu.memory_space<vmem>> -> memref<64000xf32, #tpu.memory_space<vmem>>
      %dma_wait3A_178 = arith.constant 1920000 : i32
      %dma_wait3A_179 = tpu.memref_slice %arg2[%dma_wait3A_178] : memref<5120000xf32, #tpu.memory_space<hbm>> -> memref<64000xf32, #tpu.memory_space<hbm>>
      tpu.wait_dma2 semaphore(%arg6 : memref<!tpu.dma_semaphore, #tpu.memory_space<semaphore_mem>>) src(%dma_wait3A_179 : memref<64000xf32, #tpu.memory_space<hbm>>) dst(%dma_wait3A_177 : memref<64000xf32, #tpu.memory_space<vmem>>)
      %dma_start3A_180 = arith.constant 0 : i32
      %dma_start3A_181 = tpu.memref_slice %arg4[%dma_start3A_180] : memref<64000xf32, #tpu.memory_space<vmem>> -> memref<64000xf32, #tpu.memory_space<vmem>>
      %dma_start3A_182 = arith.constant 1920000 : i32
      %dma_start3A_183 = tpu.memref_slice %arg3[%dma_start3A_182] : memref<5120000xf32, #tpu.memory_space<hbm>> -> memref<64000xf32, #tpu.memory_space<hbm>>
      %dma_start3A_184 = arith.constant 1920000 : i32
      %dma_start3A_185 = tpu.memref_slice %arg3[%dma_start3A_184] : memref<5120000xf32, #tpu.memory_space<hbm>> -> memref<64000xf32, #tpu.memory_space<hbm>>
      %dma_start3A_186 = arith.constant 0 : i32
      %dma_start3A_187 = tpu.memref_slice %arg4[%dma_start3A_186] : memref<64000xf32, #tpu.memory_space<vmem>> -> memref<64000xf32, #tpu.memory_space<vmem>>
      tpu.enqueue_dma source(%dma_start3A_187 : memref<64000xf32, #tpu.memory_space<vmem>>) target(%dma_start3A_185 : memref<64000xf32, #tpu.memory_space<hbm>>) target_semaphore(%arg8 : memref<!tpu.dma_semaphore, #tpu.memory_space<semaphore_mem>>)
      %dma_wait3A_188 = arith.constant 0 : i32
      %dma_wait3A_189 = tpu.memref_slice %arg5[%dma_wait3A_188] : memref<64000xf32, #tpu.memory_space<vmem>> -> memref<64000xf32, #tpu.memory_space<vmem>>
      %dma_wait3A_190 = arith.constant 1984000 : i32
      %dma_wait3A_191 = tpu.memref_slice %arg2[%dma_wait3A_190] : memref<5120000xf32, #tpu.memory_space<hbm>> -> memref<64000xf32, #tpu.memory_space<hbm>>
      %dma_wait3A_192 = arith.constant 0 : i32
      %dma_wait3A_193 = tpu.memref_slice %arg5[%dma_wait3A_192] : memref<64000xf32, #tpu.memory_space<vmem>> -> memref<64000xf32, #tpu.memory_space<vmem>>
      %dma_wait3A_194 = arith.constant 1984000 : i32
      %dma_wait3A_195 = tpu.memref_slice %arg2[%dma_wait3A_194] : memref<5120000xf32, #tpu.memory_space<hbm>> -> memref<64000xf32, #tpu.memory_space<hbm>>
      tpu.wait_dma2 semaphore(%arg7 : memref<!tpu.dma_semaphore, #tpu.memory_space<semaphore_mem>>) src(%dma_wait3A_195 : memref<64000xf32, #tpu.memory_space<hbm>>) dst(%dma_wait3A_193 : memref<64000xf32, #tpu.memory_space<vmem>>)
      %dma_start3A_196 = arith.constant 0 : i32
      %dma_start3A_197 = tpu.memref_slice %arg5[%dma_start3A_196] : memref<64000xf32, #tpu.memory_space<vmem>> -> memref<64000xf32, #tpu.memory_space<vmem>>
      %dma_start3A_198 = arith.constant 1984000 : i32
      %dma_start3A_199 = tpu.memref_slice %arg3[%dma_start3A_198] : memref<5120000xf32, #tpu.memory_space<hbm>> -> memref<64000xf32, #tpu.memory_space<hbm>>
      %dma_start3A_200 = arith.constant 1984000 : i32
      %dma_start3A_201 = tpu.memref_slice %arg3[%dma_start3A_200] : memref<5120000xf32, #tpu.memory_space<hbm>> -> memref<64000xf32, #tpu.memory_space<hbm>>
      %dma_start3A_202 = arith.constant 0 : i32
      %dma_start3A_203 = tpu.memref_slice %arg5[%dma_start3A_202] : memref<64000xf32, #tpu.memory_space<vmem>> -> memref<64000xf32, #tpu.memory_space<vmem>>
      tpu.enqueue_dma source(%dma_start3A_203 : memref<64000xf32, #tpu.memory_space<vmem>>) target(%dma_start3A_201 : memref<64000xf32, #tpu.memory_space<hbm>>) target_semaphore(%arg9 : memref<!tpu.dma_semaphore, #tpu.memory_space<semaphore_mem>>)
      %dma_wait3A_204 = arith.constant 0 : i32
      %dma_wait3A_205 = tpu.memref_slice %arg4[%dma_wait3A_204] : memref<64000xf32, #tpu.memory_space<vmem>> -> memref<64000xf32, #tpu.memory_space<vmem>>
      %dma_wait3A_206 = arith.constant 1920000 : i32
      %dma_wait3A_207 = tpu.memref_slice %arg3[%dma_wait3A_206] : memref<5120000xf32, #tpu.memory_space<hbm>> -> memref<64000xf32, #tpu.memory_space<hbm>>
      %dma_wait3A_208 = arith.constant 1920000 : i32
      %dma_wait3A_209 = tpu.memref_slice %arg3[%dma_wait3A_208] : memref<5120000xf32, #tpu.memory_space<hbm>> -> memref<64000xf32, #tpu.memory_space<hbm>>
      %dma_wait3A_210 = arith.constant 0 : i32
      %dma_wait3A_211 = tpu.memref_slice %arg4[%dma_wait3A_210] : memref<64000xf32, #tpu.memory_space<vmem>> -> memref<64000xf32, #tpu.memory_space<vmem>>
      tpu.wait_dma2 semaphore(%arg8 : memref<!tpu.dma_semaphore, #tpu.memory_space<semaphore_mem>>) src(%dma_wait3A_211 : memref<64000xf32, #tpu.memory_space<vmem>>) dst(%dma_wait3A_209 : memref<64000xf32, #tpu.memory_space<hbm>>)
      %dma_start3A_212 = arith.constant 0 : i32
      %dma_start3A_213 = tpu.memref_slice %arg4[%dma_start3A_212] : memref<64000xf32, #tpu.memory_space<vmem>> -> memref<32000xf32, #tpu.memory_space<vmem>>
      %dma_start3A_214 = arith.constant 2048000 : i32
      %dma_start3A_215 = tpu.memref_slice %arg2[%dma_start3A_214] : memref<5120000xf32, #tpu.memory_space<hbm>> -> memref<32000xf32, #tpu.memory_space<hbm>>
      %dma_start3A_216 = arith.constant 0 : i32
      %dma_start3A_217 = tpu.memref_slice %arg4[%dma_start3A_216] : memref<64000xf32, #tpu.memory_space<vmem>> -> memref<32000xf32, #tpu.memory_space<vmem>>
      %dma_start3A_218 = arith.constant 2048000 : i32
      %dma_start3A_219 = tpu.memref_slice %arg2[%dma_start3A_218] : memref<5120000xf32, #tpu.memory_space<hbm>> -> memref<32000xf32, #tpu.memory_space<hbm>>
      tpu.enqueue_dma source(%dma_start3A_219 : memref<32000xf32, #tpu.memory_space<hbm>>) target(%dma_start3A_217 : memref<32000xf32, #tpu.memory_space<vmem>>) target_semaphore(%arg6 : memref<!tpu.dma_semaphore, #tpu.memory_space<semaphore_mem>>)
      %dma_wait3A_220 = arith.constant 0 : i32
      %dma_wait3A_221 = tpu.memref_slice %arg4[%dma_wait3A_220] : memref<64000xf32, #tpu.memory_space<vmem>> -> memref<32000xf32, #tpu.memory_space<vmem>>
      %dma_wait3A_222 = arith.constant 2048000 : i32
      %dma_wait3A_223 = tpu.memref_slice %arg2[%dma_wait3A_222] : memref<5120000xf32, #tpu.memory_space<hbm>> -> memref<32000xf32, #tpu.memory_space<hbm>>
      %dma_wait3A_224 = arith.constant 0 : i32
      %dma_wait3A_225 = tpu.memref_slice %arg4[%dma_wait3A_224] : memref<64000xf32, #tpu.memory_space<vmem>> -> memref<32000xf32, #tpu.memory_space<vmem>>
      %dma_wait3A_226 = arith.constant 2048000 : i32
      %dma_wait3A_227 = tpu.memref_slice %arg2[%dma_wait3A_226] : memref<5120000xf32, #tpu.memory_space<hbm>> -> memref<32000xf32, #tpu.memory_space<hbm>>
      tpu.wait_dma2 semaphore(%arg6 : memref<!tpu.dma_semaphore, #tpu.memory_space<semaphore_mem>>) src(%dma_wait3A_227 : memref<32000xf32, #tpu.memory_space<hbm>>) dst(%dma_wait3A_225 : memref<32000xf32, #tpu.memory_space<vmem>>)
      %dma_start3A_228 = arith.constant 0 : i32
      %dma_start3A_229 = tpu.memref_slice %arg4[%dma_start3A_228] : memref<64000xf32, #tpu.memory_space<vmem>> -> memref<32000xf32, #tpu.memory_space<vmem>>
      %dma_start3A_230 = arith.constant 2048000 : i32
      %dma_start3A_231 = tpu.memref_slice %arg3[%dma_start3A_230] : memref<5120000xf32, #tpu.memory_space<hbm>> -> memref<32000xf32, #tpu.memory_space<hbm>>
      %dma_start3A_232 = arith.constant 2048000 : i32
      %dma_start3A_233 = tpu.memref_slice %arg3[%dma_start3A_232] : memref<5120000xf32, #tpu.memory_space<hbm>> -> memref<32000xf32, #tpu.memory_space<hbm>>
      %dma_start3A_234 = arith.constant 0 : i32
      %dma_start3A_235 = tpu.memref_slice %arg4[%dma_start3A_234] : memref<64000xf32, #tpu.memory_space<vmem>> -> memref<32000xf32, #tpu.memory_space<vmem>>
      tpu.enqueue_dma source(%dma_start3A_235 : memref<32000xf32, #tpu.memory_space<vmem>>) target(%dma_start3A_233 : memref<32000xf32, #tpu.memory_space<hbm>>) target_semaphore(%arg8 : memref<!tpu.dma_semaphore, #tpu.memory_space<semaphore_mem>>)
      %dma_wait3A_236 = arith.constant 0 : i32
      %dma_wait3A_237 = tpu.memref_slice %arg5[%dma_wait3A_236] : memref<64000xf32, #tpu.memory_space<vmem>> -> memref<64000xf32, #tpu.memory_space<vmem>>
      %dma_wait3A_238 = arith.constant 1984000 : i32
      %dma_wait3A_239 = tpu.memref_slice %arg3[%dma_wait3A_238] : memref<5120000xf32, #tpu.memory_space<hbm>> -> memref<64000xf32, #tpu.memory_space<hbm>>
      %dma_wait3A_240 = arith.constant 1984000 : i32
      %dma_wait3A_241 = tpu.memref_slice %arg3[%dma_wait3A_240] : memref<5120000xf32, #tpu.memory_space<hbm>> -> memref<64000xf32, #tpu.memory_space<hbm>>
      %dma_wait3A_242 = arith.constant 0 : i32
      %dma_wait3A_243 = tpu.memref_slice %arg5[%dma_wait3A_242] : memref<64000xf32, #tpu.memory_space<vmem>> -> memref<64000xf32, #tpu.memory_space<vmem>>
      tpu.wait_dma2 semaphore(%arg9 : memref<!tpu.dma_semaphore, #tpu.memory_space<semaphore_mem>>) src(%dma_wait3A_243 : memref<64000xf32, #tpu.memory_space<vmem>>) dst(%dma_wait3A_241 : memref<64000xf32, #tpu.memory_space<hbm>>)
      %dma_wait3A_244 = arith.constant 0 : i32
      %dma_wait3A_245 = tpu.memref_slice %arg4[%dma_wait3A_244] : memref<64000xf32, #tpu.memory_space<vmem>> -> memref<32000xf32, #tpu.memory_space<vmem>>
      %dma_wait3A_246 = arith.constant 2048000 : i32
      %dma_wait3A_247 = tpu.memref_slice %arg3[%dma_wait3A_246] : memref<5120000xf32, #tpu.memory_space<hbm>> -> memref<32000xf32, #tpu.memory_space<hbm>>
      %dma_wait3A_248 = arith.constant 2048000 : i32
      %dma_wait3A_249 = tpu.memref_slice %arg3[%dma_wait3A_248] : memref<5120000xf32, #tpu.memory_space<hbm>> -> memref<32000xf32, #tpu.memory_space<hbm>>
      %dma_wait3A_250 = arith.constant 0 : i32
      %dma_wait3A_251 = tpu.memref_slice %arg4[%dma_wait3A_250] : memref<64000xf32, #tpu.memory_space<vmem>> -> memref<32000xf32, #tpu.memory_space<vmem>>
      tpu.wait_dma2 semaphore(%arg8 : memref<!tpu.dma_semaphore, #tpu.memory_space<semaphore_mem>>) src(%dma_wait3A_251 : memref<32000xf32, #tpu.memory_space<vmem>>) dst(%dma_wait3A_249 : memref<32000xf32, #tpu.memory_space<hbm>>)
    } else {
    }
    %eq3A_63 = arith.constant 13 : i32
    %eq3A_64 = arith.cmpi eq, %add3A, %eq3A_63 : i32
    %convert_element_type3A_65 = arith.extui %eq3A_64 : i1 to i32
    %cond3A_66 = arith.constant 0 : i32
    %cond3A_67 = arith.cmpi ne, %convert_element_type3A_65, %cond3A_66 : i32
    scf.if %cond3A_67 {
      %dma_start3A = arith.constant 0 : i32
      %dma_start3A_158 = tpu.memref_slice %arg4[%dma_start3A] : memref<64000xf32, #tpu.memory_space<vmem>> -> memref<64000xf32, #tpu.memory_space<vmem>>
      %dma_start3A_159 = arith.constant 2080000 : i32
      %dma_start3A_160 = tpu.memref_slice %arg2[%dma_start3A_159] : memref<5120000xf32, #tpu.memory_space<hbm>> -> memref<64000xf32, #tpu.memory_space<hbm>>
      %dma_start3A_161 = arith.constant 0 : i32
      %dma_start3A_162 = tpu.memref_slice %arg4[%dma_start3A_161] : memref<64000xf32, #tpu.memory_space<vmem>> -> memref<64000xf32, #tpu.memory_space<vmem>>
      %dma_start3A_163 = arith.constant 2080000 : i32
      %dma_start3A_164 = tpu.memref_slice %arg2[%dma_start3A_163] : memref<5120000xf32, #tpu.memory_space<hbm>> -> memref<64000xf32, #tpu.memory_space<hbm>>
      tpu.enqueue_dma source(%dma_start3A_164 : memref<64000xf32, #tpu.memory_space<hbm>>) target(%dma_start3A_162 : memref<64000xf32, #tpu.memory_space<vmem>>) target_semaphore(%arg6 : memref<!tpu.dma_semaphore, #tpu.memory_space<semaphore_mem>>)
      %dma_start3A_165 = arith.constant 0 : i32
      %dma_start3A_166 = tpu.memref_slice %arg5[%dma_start3A_165] : memref<64000xf32, #tpu.memory_space<vmem>> -> memref<64000xf32, #tpu.memory_space<vmem>>
      %dma_start3A_167 = arith.constant 2144000 : i32
      %dma_start3A_168 = tpu.memref_slice %arg2[%dma_start3A_167] : memref<5120000xf32, #tpu.memory_space<hbm>> -> memref<64000xf32, #tpu.memory_space<hbm>>
      %dma_start3A_169 = arith.constant 0 : i32
      %dma_start3A_170 = tpu.memref_slice %arg5[%dma_start3A_169] : memref<64000xf32, #tpu.memory_space<vmem>> -> memref<64000xf32, #tpu.memory_space<vmem>>
      %dma_start3A_171 = arith.constant 2144000 : i32
      %dma_start3A_172 = tpu.memref_slice %arg2[%dma_start3A_171] : memref<5120000xf32, #tpu.memory_space<hbm>> -> memref<64000xf32, #tpu.memory_space<hbm>>
      tpu.enqueue_dma source(%dma_start3A_172 : memref<64000xf32, #tpu.memory_space<hbm>>) target(%dma_start3A_170 : memref<64000xf32, #tpu.memory_space<vmem>>) target_semaphore(%arg7 : memref<!tpu.dma_semaphore, #tpu.memory_space<semaphore_mem>>)
      %dma_wait3A = arith.constant 0 : i32
      %dma_wait3A_173 = tpu.memref_slice %arg4[%dma_wait3A] : memref<64000xf32, #tpu.memory_space<vmem>> -> memref<64000xf32, #tpu.memory_space<vmem>>
      %dma_wait3A_174 = arith.constant 2080000 : i32
      %dma_wait3A_175 = tpu.memref_slice %arg2[%dma_wait3A_174] : memref<5120000xf32, #tpu.memory_space<hbm>> -> memref<64000xf32, #tpu.memory_space<hbm>>
      %dma_wait3A_176 = arith.constant 0 : i32
      %dma_wait3A_177 = tpu.memref_slice %arg4[%dma_wait3A_176] : memref<64000xf32, #tpu.memory_space<vmem>> -> memref<64000xf32, #tpu.memory_space<vmem>>
      %dma_wait3A_178 = arith.constant 2080000 : i32
      %dma_wait3A_179 = tpu.memref_slice %arg2[%dma_wait3A_178] : memref<5120000xf32, #tpu.memory_space<hbm>> -> memref<64000xf32, #tpu.memory_space<hbm>>
      tpu.wait_dma2 semaphore(%arg6 : memref<!tpu.dma_semaphore, #tpu.memory_space<semaphore_mem>>) src(%dma_wait3A_179 : memref<64000xf32, #tpu.memory_space<hbm>>) dst(%dma_wait3A_177 : memref<64000xf32, #tpu.memory_space<vmem>>)
      %dma_start3A_180 = arith.constant 0 : i32
      %dma_start3A_181 = tpu.memref_slice %arg4[%dma_start3A_180] : memref<64000xf32, #tpu.memory_space<vmem>> -> memref<64000xf32, #tpu.memory_space<vmem>>
      %dma_start3A_182 = arith.constant 2080000 : i32
      %dma_start3A_183 = tpu.memref_slice %arg3[%dma_start3A_182] : memref<5120000xf32, #tpu.memory_space<hbm>> -> memref<64000xf32, #tpu.memory_space<hbm>>
      %dma_start3A_184 = arith.constant 2080000 : i32
      %dma_start3A_185 = tpu.memref_slice %arg3[%dma_start3A_184] : memref<5120000xf32, #tpu.memory_space<hbm>> -> memref<64000xf32, #tpu.memory_space<hbm>>
      %dma_start3A_186 = arith.constant 0 : i32
      %dma_start3A_187 = tpu.memref_slice %arg4[%dma_start3A_186] : memref<64000xf32, #tpu.memory_space<vmem>> -> memref<64000xf32, #tpu.memory_space<vmem>>
      tpu.enqueue_dma source(%dma_start3A_187 : memref<64000xf32, #tpu.memory_space<vmem>>) target(%dma_start3A_185 : memref<64000xf32, #tpu.memory_space<hbm>>) target_semaphore(%arg8 : memref<!tpu.dma_semaphore, #tpu.memory_space<semaphore_mem>>)
      %dma_wait3A_188 = arith.constant 0 : i32
      %dma_wait3A_189 = tpu.memref_slice %arg5[%dma_wait3A_188] : memref<64000xf32, #tpu.memory_space<vmem>> -> memref<64000xf32, #tpu.memory_space<vmem>>
      %dma_wait3A_190 = arith.constant 2144000 : i32
      %dma_wait3A_191 = tpu.memref_slice %arg2[%dma_wait3A_190] : memref<5120000xf32, #tpu.memory_space<hbm>> -> memref<64000xf32, #tpu.memory_space<hbm>>
      %dma_wait3A_192 = arith.constant 0 : i32
      %dma_wait3A_193 = tpu.memref_slice %arg5[%dma_wait3A_192] : memref<64000xf32, #tpu.memory_space<vmem>> -> memref<64000xf32, #tpu.memory_space<vmem>>
      %dma_wait3A_194 = arith.constant 2144000 : i32
      %dma_wait3A_195 = tpu.memref_slice %arg2[%dma_wait3A_194] : memref<5120000xf32, #tpu.memory_space<hbm>> -> memref<64000xf32, #tpu.memory_space<hbm>>
      tpu.wait_dma2 semaphore(%arg7 : memref<!tpu.dma_semaphore, #tpu.memory_space<semaphore_mem>>) src(%dma_wait3A_195 : memref<64000xf32, #tpu.memory_space<hbm>>) dst(%dma_wait3A_193 : memref<64000xf32, #tpu.memory_space<vmem>>)
      %dma_start3A_196 = arith.constant 0 : i32
      %dma_start3A_197 = tpu.memref_slice %arg5[%dma_start3A_196] : memref<64000xf32, #tpu.memory_space<vmem>> -> memref<64000xf32, #tpu.memory_space<vmem>>
      %dma_start3A_198 = arith.constant 2144000 : i32
      %dma_start3A_199 = tpu.memref_slice %arg3[%dma_start3A_198] : memref<5120000xf32, #tpu.memory_space<hbm>> -> memref<64000xf32, #tpu.memory_space<hbm>>
      %dma_start3A_200 = arith.constant 2144000 : i32
      %dma_start3A_201 = tpu.memref_slice %arg3[%dma_start3A_200] : memref<5120000xf32, #tpu.memory_space<hbm>> -> memref<64000xf32, #tpu.memory_space<hbm>>
      %dma_start3A_202 = arith.constant 0 : i32
      %dma_start3A_203 = tpu.memref_slice %arg5[%dma_start3A_202] : memref<64000xf32, #tpu.memory_space<vmem>> -> memref<64000xf32, #tpu.memory_space<vmem>>
      tpu.enqueue_dma source(%dma_start3A_203 : memref<64000xf32, #tpu.memory_space<vmem>>) target(%dma_start3A_201 : memref<64000xf32, #tpu.memory_space<hbm>>) target_semaphore(%arg9 : memref<!tpu.dma_semaphore, #tpu.memory_space<semaphore_mem>>)
      %dma_wait3A_204 = arith.constant 0 : i32
      %dma_wait3A_205 = tpu.memref_slice %arg4[%dma_wait3A_204] : memref<64000xf32, #tpu.memory_space<vmem>> -> memref<64000xf32, #tpu.memory_space<vmem>>
      %dma_wait3A_206 = arith.constant 2080000 : i32
      %dma_wait3A_207 = tpu.memref_slice %arg3[%dma_wait3A_206] : memref<5120000xf32, #tpu.memory_space<hbm>> -> memref<64000xf32, #tpu.memory_space<hbm>>
      %dma_wait3A_208 = arith.constant 2080000 : i32
      %dma_wait3A_209 = tpu.memref_slice %arg3[%dma_wait3A_208] : memref<5120000xf32, #tpu.memory_space<hbm>> -> memref<64000xf32, #tpu.memory_space<hbm>>
      %dma_wait3A_210 = arith.constant 0 : i32
      %dma_wait3A_211 = tpu.memref_slice %arg4[%dma_wait3A_210] : memref<64000xf32, #tpu.memory_space<vmem>> -> memref<64000xf32, #tpu.memory_space<vmem>>
      tpu.wait_dma2 semaphore(%arg8 : memref<!tpu.dma_semaphore, #tpu.memory_space<semaphore_mem>>) src(%dma_wait3A_211 : memref<64000xf32, #tpu.memory_space<vmem>>) dst(%dma_wait3A_209 : memref<64000xf32, #tpu.memory_space<hbm>>)
      %dma_start3A_212 = arith.constant 0 : i32
      %dma_start3A_213 = tpu.memref_slice %arg4[%dma_start3A_212] : memref<64000xf32, #tpu.memory_space<vmem>> -> memref<32000xf32, #tpu.memory_space<vmem>>
      %dma_start3A_214 = arith.constant 2208000 : i32
      %dma_start3A_215 = tpu.memref_slice %arg2[%dma_start3A_214] : memref<5120000xf32, #tpu.memory_space<hbm>> -> memref<32000xf32, #tpu.memory_space<hbm>>
      %dma_start3A_216 = arith.constant 0 : i32
      %dma_start3A_217 = tpu.memref_slice %arg4[%dma_start3A_216] : memref<64000xf32, #tpu.memory_space<vmem>> -> memref<32000xf32, #tpu.memory_space<vmem>>
      %dma_start3A_218 = arith.constant 2208000 : i32
      %dma_start3A_219 = tpu.memref_slice %arg2[%dma_start3A_218] : memref<5120000xf32, #tpu.memory_space<hbm>> -> memref<32000xf32, #tpu.memory_space<hbm>>
      tpu.enqueue_dma source(%dma_start3A_219 : memref<32000xf32, #tpu.memory_space<hbm>>) target(%dma_start3A_217 : memref<32000xf32, #tpu.memory_space<vmem>>) target_semaphore(%arg6 : memref<!tpu.dma_semaphore, #tpu.memory_space<semaphore_mem>>)
      %dma_wait3A_220 = arith.constant 0 : i32
      %dma_wait3A_221 = tpu.memref_slice %arg4[%dma_wait3A_220] : memref<64000xf32, #tpu.memory_space<vmem>> -> memref<32000xf32, #tpu.memory_space<vmem>>
      %dma_wait3A_222 = arith.constant 2208000 : i32
      %dma_wait3A_223 = tpu.memref_slice %arg2[%dma_wait3A_222] : memref<5120000xf32, #tpu.memory_space<hbm>> -> memref<32000xf32, #tpu.memory_space<hbm>>
      %dma_wait3A_224 = arith.constant 0 : i32
      %dma_wait3A_225 = tpu.memref_slice %arg4[%dma_wait3A_224] : memref<64000xf32, #tpu.memory_space<vmem>> -> memref<32000xf32, #tpu.memory_space<vmem>>
      %dma_wait3A_226 = arith.constant 2208000 : i32
      %dma_wait3A_227 = tpu.memref_slice %arg2[%dma_wait3A_226] : memref<5120000xf32, #tpu.memory_space<hbm>> -> memref<32000xf32, #tpu.memory_space<hbm>>
      tpu.wait_dma2 semaphore(%arg6 : memref<!tpu.dma_semaphore, #tpu.memory_space<semaphore_mem>>) src(%dma_wait3A_227 : memref<32000xf32, #tpu.memory_space<hbm>>) dst(%dma_wait3A_225 : memref<32000xf32, #tpu.memory_space<vmem>>)
      %dma_start3A_228 = arith.constant 0 : i32
      %dma_start3A_229 = tpu.memref_slice %arg4[%dma_start3A_228] : memref<64000xf32, #tpu.memory_space<vmem>> -> memref<32000xf32, #tpu.memory_space<vmem>>
      %dma_start3A_230 = arith.constant 2208000 : i32
      %dma_start3A_231 = tpu.memref_slice %arg3[%dma_start3A_230] : memref<5120000xf32, #tpu.memory_space<hbm>> -> memref<32000xf32, #tpu.memory_space<hbm>>
      %dma_start3A_232 = arith.constant 2208000 : i32
      %dma_start3A_233 = tpu.memref_slice %arg3[%dma_start3A_232] : memref<5120000xf32, #tpu.memory_space<hbm>> -> memref<32000xf32, #tpu.memory_space<hbm>>
      %dma_start3A_234 = arith.constant 0 : i32
      %dma_start3A_235 = tpu.memref_slice %arg4[%dma_start3A_234] : memref<64000xf32, #tpu.memory_space<vmem>> -> memref<32000xf32, #tpu.memory_space<vmem>>
      tpu.enqueue_dma source(%dma_start3A_235 : memref<32000xf32, #tpu.memory_space<vmem>>) target(%dma_start3A_233 : memref<32000xf32, #tpu.memory_space<hbm>>) target_semaphore(%arg8 : memref<!tpu.dma_semaphore, #tpu.memory_space<semaphore_mem>>)
      %dma_wait3A_236 = arith.constant 0 : i32
      %dma_wait3A_237 = tpu.memref_slice %arg5[%dma_wait3A_236] : memref<64000xf32, #tpu.memory_space<vmem>> -> memref<64000xf32, #tpu.memory_space<vmem>>
      %dma_wait3A_238 = arith.constant 2144000 : i32
      %dma_wait3A_239 = tpu.memref_slice %arg3[%dma_wait3A_238] : memref<5120000xf32, #tpu.memory_space<hbm>> -> memref<64000xf32, #tpu.memory_space<hbm>>
      %dma_wait3A_240 = arith.constant 2144000 : i32
      %dma_wait3A_241 = tpu.memref_slice %arg3[%dma_wait3A_240] : memref<5120000xf32, #tpu.memory_space<hbm>> -> memref<64000xf32, #tpu.memory_space<hbm>>
      %dma_wait3A_242 = arith.constant 0 : i32
      %dma_wait3A_243 = tpu.memref_slice %arg5[%dma_wait3A_242] : memref<64000xf32, #tpu.memory_space<vmem>> -> memref<64000xf32, #tpu.memory_space<vmem>>
      tpu.wait_dma2 semaphore(%arg9 : memref<!tpu.dma_semaphore, #tpu.memory_space<semaphore_mem>>) src(%dma_wait3A_243 : memref<64000xf32, #tpu.memory_space<vmem>>) dst(%dma_wait3A_241 : memref<64000xf32, #tpu.memory_space<hbm>>)
      %dma_wait3A_244 = arith.constant 0 : i32
      %dma_wait3A_245 = tpu.memref_slice %arg4[%dma_wait3A_244] : memref<64000xf32, #tpu.memory_space<vmem>> -> memref<32000xf32, #tpu.memory_space<vmem>>
      %dma_wait3A_246 = arith.constant 2208000 : i32
      %dma_wait3A_247 = tpu.memref_slice %arg3[%dma_wait3A_246] : memref<5120000xf32, #tpu.memory_space<hbm>> -> memref<32000xf32, #tpu.memory_space<hbm>>
      %dma_wait3A_248 = arith.constant 2208000 : i32
      %dma_wait3A_249 = tpu.memref_slice %arg3[%dma_wait3A_248] : memref<5120000xf32, #tpu.memory_space<hbm>> -> memref<32000xf32, #tpu.memory_space<hbm>>
      %dma_wait3A_250 = arith.constant 0 : i32
      %dma_wait3A_251 = tpu.memref_slice %arg4[%dma_wait3A_250] : memref<64000xf32, #tpu.memory_space<vmem>> -> memref<32000xf32, #tpu.memory_space<vmem>>
      tpu.wait_dma2 semaphore(%arg8 : memref<!tpu.dma_semaphore, #tpu.memory_space<semaphore_mem>>) src(%dma_wait3A_251 : memref<32000xf32, #tpu.memory_space<vmem>>) dst(%dma_wait3A_249 : memref<32000xf32, #tpu.memory_space<hbm>>)
    } else {
    }
    %eq3A_68 = arith.constant 14 : i32
    %eq3A_69 = arith.cmpi eq, %add3A, %eq3A_68 : i32
    %convert_element_type3A_70 = arith.extui %eq3A_69 : i1 to i32
    %cond3A_71 = arith.constant 0 : i32
    %cond3A_72 = arith.cmpi ne, %convert_element_type3A_70, %cond3A_71 : i32
    scf.if %cond3A_72 {
      %dma_start3A = arith.constant 0 : i32
      %dma_start3A_158 = tpu.memref_slice %arg4[%dma_start3A] : memref<64000xf32, #tpu.memory_space<vmem>> -> memref<64000xf32, #tpu.memory_space<vmem>>
      %dma_start3A_159 = arith.constant 2240000 : i32
      %dma_start3A_160 = tpu.memref_slice %arg2[%dma_start3A_159] : memref<5120000xf32, #tpu.memory_space<hbm>> -> memref<64000xf32, #tpu.memory_space<hbm>>
      %dma_start3A_161 = arith.constant 0 : i32
      %dma_start3A_162 = tpu.memref_slice %arg4[%dma_start3A_161] : memref<64000xf32, #tpu.memory_space<vmem>> -> memref<64000xf32, #tpu.memory_space<vmem>>
      %dma_start3A_163 = arith.constant 2240000 : i32
      %dma_start3A_164 = tpu.memref_slice %arg2[%dma_start3A_163] : memref<5120000xf32, #tpu.memory_space<hbm>> -> memref<64000xf32, #tpu.memory_space<hbm>>
      tpu.enqueue_dma source(%dma_start3A_164 : memref<64000xf32, #tpu.memory_space<hbm>>) target(%dma_start3A_162 : memref<64000xf32, #tpu.memory_space<vmem>>) target_semaphore(%arg6 : memref<!tpu.dma_semaphore, #tpu.memory_space<semaphore_mem>>)
      %dma_start3A_165 = arith.constant 0 : i32
      %dma_start3A_166 = tpu.memref_slice %arg5[%dma_start3A_165] : memref<64000xf32, #tpu.memory_space<vmem>> -> memref<64000xf32, #tpu.memory_space<vmem>>
      %dma_start3A_167 = arith.constant 2304000 : i32
      %dma_start3A_168 = tpu.memref_slice %arg2[%dma_start3A_167] : memref<5120000xf32, #tpu.memory_space<hbm>> -> memref<64000xf32, #tpu.memory_space<hbm>>
      %dma_start3A_169 = arith.constant 0 : i32
      %dma_start3A_170 = tpu.memref_slice %arg5[%dma_start3A_169] : memref<64000xf32, #tpu.memory_space<vmem>> -> memref<64000xf32, #tpu.memory_space<vmem>>
      %dma_start3A_171 = arith.constant 2304000 : i32
      %dma_start3A_172 = tpu.memref_slice %arg2[%dma_start3A_171] : memref<5120000xf32, #tpu.memory_space<hbm>> -> memref<64000xf32, #tpu.memory_space<hbm>>
      tpu.enqueue_dma source(%dma_start3A_172 : memref<64000xf32, #tpu.memory_space<hbm>>) target(%dma_start3A_170 : memref<64000xf32, #tpu.memory_space<vmem>>) target_semaphore(%arg7 : memref<!tpu.dma_semaphore, #tpu.memory_space<semaphore_mem>>)
      %dma_wait3A = arith.constant 0 : i32
      %dma_wait3A_173 = tpu.memref_slice %arg4[%dma_wait3A] : memref<64000xf32, #tpu.memory_space<vmem>> -> memref<64000xf32, #tpu.memory_space<vmem>>
      %dma_wait3A_174 = arith.constant 2240000 : i32
      %dma_wait3A_175 = tpu.memref_slice %arg2[%dma_wait3A_174] : memref<5120000xf32, #tpu.memory_space<hbm>> -> memref<64000xf32, #tpu.memory_space<hbm>>
      %dma_wait3A_176 = arith.constant 0 : i32
      %dma_wait3A_177 = tpu.memref_slice %arg4[%dma_wait3A_176] : memref<64000xf32, #tpu.memory_space<vmem>> -> memref<64000xf32, #tpu.memory_space<vmem>>
      %dma_wait3A_178 = arith.constant 2240000 : i32
      %dma_wait3A_179 = tpu.memref_slice %arg2[%dma_wait3A_178] : memref<5120000xf32, #tpu.memory_space<hbm>> -> memref<64000xf32, #tpu.memory_space<hbm>>
      tpu.wait_dma2 semaphore(%arg6 : memref<!tpu.dma_semaphore, #tpu.memory_space<semaphore_mem>>) src(%dma_wait3A_179 : memref<64000xf32, #tpu.memory_space<hbm>>) dst(%dma_wait3A_177 : memref<64000xf32, #tpu.memory_space<vmem>>)
      %dma_start3A_180 = arith.constant 0 : i32
      %dma_start3A_181 = tpu.memref_slice %arg4[%dma_start3A_180] : memref<64000xf32, #tpu.memory_space<vmem>> -> memref<64000xf32, #tpu.memory_space<vmem>>
      %dma_start3A_182 = arith.constant 2240000 : i32
      %dma_start3A_183 = tpu.memref_slice %arg3[%dma_start3A_182] : memref<5120000xf32, #tpu.memory_space<hbm>> -> memref<64000xf32, #tpu.memory_space<hbm>>
      %dma_start3A_184 = arith.constant 2240000 : i32
      %dma_start3A_185 = tpu.memref_slice %arg3[%dma_start3A_184] : memref<5120000xf32, #tpu.memory_space<hbm>> -> memref<64000xf32, #tpu.memory_space<hbm>>
      %dma_start3A_186 = arith.constant 0 : i32
      %dma_start3A_187 = tpu.memref_slice %arg4[%dma_start3A_186] : memref<64000xf32, #tpu.memory_space<vmem>> -> memref<64000xf32, #tpu.memory_space<vmem>>
      tpu.enqueue_dma source(%dma_start3A_187 : memref<64000xf32, #tpu.memory_space<vmem>>) target(%dma_start3A_185 : memref<64000xf32, #tpu.memory_space<hbm>>) target_semaphore(%arg8 : memref<!tpu.dma_semaphore, #tpu.memory_space<semaphore_mem>>)
      %dma_wait3A_188 = arith.constant 0 : i32
      %dma_wait3A_189 = tpu.memref_slice %arg5[%dma_wait3A_188] : memref<64000xf32, #tpu.memory_space<vmem>> -> memref<64000xf32, #tpu.memory_space<vmem>>
      %dma_wait3A_190 = arith.constant 2304000 : i32
      %dma_wait3A_191 = tpu.memref_slice %arg2[%dma_wait3A_190] : memref<5120000xf32, #tpu.memory_space<hbm>> -> memref<64000xf32, #tpu.memory_space<hbm>>
      %dma_wait3A_192 = arith.constant 0 : i32
      %dma_wait3A_193 = tpu.memref_slice %arg5[%dma_wait3A_192] : memref<64000xf32, #tpu.memory_space<vmem>> -> memref<64000xf32, #tpu.memory_space<vmem>>
      %dma_wait3A_194 = arith.constant 2304000 : i32
      %dma_wait3A_195 = tpu.memref_slice %arg2[%dma_wait3A_194] : memref<5120000xf32, #tpu.memory_space<hbm>> -> memref<64000xf32, #tpu.memory_space<hbm>>
      tpu.wait_dma2 semaphore(%arg7 : memref<!tpu.dma_semaphore, #tpu.memory_space<semaphore_mem>>) src(%dma_wait3A_195 : memref<64000xf32, #tpu.memory_space<hbm>>) dst(%dma_wait3A_193 : memref<64000xf32, #tpu.memory_space<vmem>>)
      %dma_start3A_196 = arith.constant 0 : i32
      %dma_start3A_197 = tpu.memref_slice %arg5[%dma_start3A_196] : memref<64000xf32, #tpu.memory_space<vmem>> -> memref<64000xf32, #tpu.memory_space<vmem>>
      %dma_start3A_198 = arith.constant 2304000 : i32
      %dma_start3A_199 = tpu.memref_slice %arg3[%dma_start3A_198] : memref<5120000xf32, #tpu.memory_space<hbm>> -> memref<64000xf32, #tpu.memory_space<hbm>>
      %dma_start3A_200 = arith.constant 2304000 : i32
      %dma_start3A_201 = tpu.memref_slice %arg3[%dma_start3A_200] : memref<5120000xf32, #tpu.memory_space<hbm>> -> memref<64000xf32, #tpu.memory_space<hbm>>
      %dma_start3A_202 = arith.constant 0 : i32
      %dma_start3A_203 = tpu.memref_slice %arg5[%dma_start3A_202] : memref<64000xf32, #tpu.memory_space<vmem>> -> memref<64000xf32, #tpu.memory_space<vmem>>
      tpu.enqueue_dma source(%dma_start3A_203 : memref<64000xf32, #tpu.memory_space<vmem>>) target(%dma_start3A_201 : memref<64000xf32, #tpu.memory_space<hbm>>) target_semaphore(%arg9 : memref<!tpu.dma_semaphore, #tpu.memory_space<semaphore_mem>>)
      %dma_wait3A_204 = arith.constant 0 : i32
      %dma_wait3A_205 = tpu.memref_slice %arg4[%dma_wait3A_204] : memref<64000xf32, #tpu.memory_space<vmem>> -> memref<64000xf32, #tpu.memory_space<vmem>>
      %dma_wait3A_206 = arith.constant 2240000 : i32
      %dma_wait3A_207 = tpu.memref_slice %arg3[%dma_wait3A_206] : memref<5120000xf32, #tpu.memory_space<hbm>> -> memref<64000xf32, #tpu.memory_space<hbm>>
      %dma_wait3A_208 = arith.constant 2240000 : i32
      %dma_wait3A_209 = tpu.memref_slice %arg3[%dma_wait3A_208] : memref<5120000xf32, #tpu.memory_space<hbm>> -> memref<64000xf32, #tpu.memory_space<hbm>>
      %dma_wait3A_210 = arith.constant 0 : i32
      %dma_wait3A_211 = tpu.memref_slice %arg4[%dma_wait3A_210] : memref<64000xf32, #tpu.memory_space<vmem>> -> memref<64000xf32, #tpu.memory_space<vmem>>
      tpu.wait_dma2 semaphore(%arg8 : memref<!tpu.dma_semaphore, #tpu.memory_space<semaphore_mem>>) src(%dma_wait3A_211 : memref<64000xf32, #tpu.memory_space<vmem>>) dst(%dma_wait3A_209 : memref<64000xf32, #tpu.memory_space<hbm>>)
      %dma_start3A_212 = arith.constant 0 : i32
      %dma_start3A_213 = tpu.memref_slice %arg4[%dma_start3A_212] : memref<64000xf32, #tpu.memory_space<vmem>> -> memref<32000xf32, #tpu.memory_space<vmem>>
      %dma_start3A_214 = arith.constant 2368000 : i32
      %dma_start3A_215 = tpu.memref_slice %arg2[%dma_start3A_214] : memref<5120000xf32, #tpu.memory_space<hbm>> -> memref<32000xf32, #tpu.memory_space<hbm>>
      %dma_start3A_216 = arith.constant 0 : i32
      %dma_start3A_217 = tpu.memref_slice %arg4[%dma_start3A_216] : memref<64000xf32, #tpu.memory_space<vmem>> -> memref<32000xf32, #tpu.memory_space<vmem>>
      %dma_start3A_218 = arith.constant 2368000 : i32
      %dma_start3A_219 = tpu.memref_slice %arg2[%dma_start3A_218] : memref<5120000xf32, #tpu.memory_space<hbm>> -> memref<32000xf32, #tpu.memory_space<hbm>>
      tpu.enqueue_dma source(%dma_start3A_219 : memref<32000xf32, #tpu.memory_space<hbm>>) target(%dma_start3A_217 : memref<32000xf32, #tpu.memory_space<vmem>>) target_semaphore(%arg6 : memref<!tpu.dma_semaphore, #tpu.memory_space<semaphore_mem>>)
      %dma_wait3A_220 = arith.constant 0 : i32
      %dma_wait3A_221 = tpu.memref_slice %arg4[%dma_wait3A_220] : memref<64000xf32, #tpu.memory_space<vmem>> -> memref<32000xf32, #tpu.memory_space<vmem>>
      %dma_wait3A_222 = arith.constant 2368000 : i32
      %dma_wait3A_223 = tpu.memref_slice %arg2[%dma_wait3A_222] : memref<5120000xf32, #tpu.memory_space<hbm>> -> memref<32000xf32, #tpu.memory_space<hbm>>
      %dma_wait3A_224 = arith.constant 0 : i32
      %dma_wait3A_225 = tpu.memref_slice %arg4[%dma_wait3A_224] : memref<64000xf32, #tpu.memory_space<vmem>> -> memref<32000xf32, #tpu.memory_space<vmem>>
      %dma_wait3A_226 = arith.constant 2368000 : i32
      %dma_wait3A_227 = tpu.memref_slice %arg2[%dma_wait3A_226] : memref<5120000xf32, #tpu.memory_space<hbm>> -> memref<32000xf32, #tpu.memory_space<hbm>>
      tpu.wait_dma2 semaphore(%arg6 : memref<!tpu.dma_semaphore, #tpu.memory_space<semaphore_mem>>) src(%dma_wait3A_227 : memref<32000xf32, #tpu.memory_space<hbm>>) dst(%dma_wait3A_225 : memref<32000xf32, #tpu.memory_space<vmem>>)
      %dma_start3A_228 = arith.constant 0 : i32
      %dma_start3A_229 = tpu.memref_slice %arg4[%dma_start3A_228] : memref<64000xf32, #tpu.memory_space<vmem>> -> memref<32000xf32, #tpu.memory_space<vmem>>
      %dma_start3A_230 = arith.constant 2368000 : i32
      %dma_start3A_231 = tpu.memref_slice %arg3[%dma_start3A_230] : memref<5120000xf32, #tpu.memory_space<hbm>> -> memref<32000xf32, #tpu.memory_space<hbm>>
      %dma_start3A_232 = arith.constant 2368000 : i32
      %dma_start3A_233 = tpu.memref_slice %arg3[%dma_start3A_232] : memref<5120000xf32, #tpu.memory_space<hbm>> -> memref<32000xf32, #tpu.memory_space<hbm>>
      %dma_start3A_234 = arith.constant 0 : i32
      %dma_start3A_235 = tpu.memref_slice %arg4[%dma_start3A_234] : memref<64000xf32, #tpu.memory_space<vmem>> -> memref<32000xf32, #tpu.memory_space<vmem>>
      tpu.enqueue_dma source(%dma_start3A_235 : memref<32000xf32, #tpu.memory_space<vmem>>) target(%dma_start3A_233 : memref<32000xf32, #tpu.memory_space<hbm>>) target_semaphore(%arg8 : memref<!tpu.dma_semaphore, #tpu.memory_space<semaphore_mem>>)
      %dma_wait3A_236 = arith.constant 0 : i32
      %dma_wait3A_237 = tpu.memref_slice %arg5[%dma_wait3A_236] : memref<64000xf32, #tpu.memory_space<vmem>> -> memref<64000xf32, #tpu.memory_space<vmem>>
      %dma_wait3A_238 = arith.constant 2304000 : i32
      %dma_wait3A_239 = tpu.memref_slice %arg3[%dma_wait3A_238] : memref<5120000xf32, #tpu.memory_space<hbm>> -> memref<64000xf32, #tpu.memory_space<hbm>>
      %dma_wait3A_240 = arith.constant 2304000 : i32
      %dma_wait3A_241 = tpu.memref_slice %arg3[%dma_wait3A_240] : memref<5120000xf32, #tpu.memory_space<hbm>> -> memref<64000xf32, #tpu.memory_space<hbm>>
      %dma_wait3A_242 = arith.constant 0 : i32
      %dma_wait3A_243 = tpu.memref_slice %arg5[%dma_wait3A_242] : memref<64000xf32, #tpu.memory_space<vmem>> -> memref<64000xf32, #tpu.memory_space<vmem>>
      tpu.wait_dma2 semaphore(%arg9 : memref<!tpu.dma_semaphore, #tpu.memory_space<semaphore_mem>>) src(%dma_wait3A_243 : memref<64000xf32, #tpu.memory_space<vmem>>) dst(%dma_wait3A_241 : memref<64000xf32, #tpu.memory_space<hbm>>)
      %dma_wait3A_244 = arith.constant 0 : i32
      %dma_wait3A_245 = tpu.memref_slice %arg4[%dma_wait3A_244] : memref<64000xf32, #tpu.memory_space<vmem>> -> memref<32000xf32, #tpu.memory_space<vmem>>
      %dma_wait3A_246 = arith.constant 2368000 : i32
      %dma_wait3A_247 = tpu.memref_slice %arg3[%dma_wait3A_246] : memref<5120000xf32, #tpu.memory_space<hbm>> -> memref<32000xf32, #tpu.memory_space<hbm>>
      %dma_wait3A_248 = arith.constant 2368000 : i32
      %dma_wait3A_249 = tpu.memref_slice %arg3[%dma_wait3A_248] : memref<5120000xf32, #tpu.memory_space<hbm>> -> memref<32000xf32, #tpu.memory_space<hbm>>
      %dma_wait3A_250 = arith.constant 0 : i32
      %dma_wait3A_251 = tpu.memref_slice %arg4[%dma_wait3A_250] : memref<64000xf32, #tpu.memory_space<vmem>> -> memref<32000xf32, #tpu.memory_space<vmem>>
      tpu.wait_dma2 semaphore(%arg8 : memref<!tpu.dma_semaphore, #tpu.memory_space<semaphore_mem>>) src(%dma_wait3A_251 : memref<32000xf32, #tpu.memory_space<vmem>>) dst(%dma_wait3A_249 : memref<32000xf32, #tpu.memory_space<hbm>>)
    } else {
    }
    %eq3A_73 = arith.constant 15 : i32
    %eq3A_74 = arith.cmpi eq, %add3A, %eq3A_73 : i32
    %convert_element_type3A_75 = arith.extui %eq3A_74 : i1 to i32
    %cond3A_76 = arith.constant 0 : i32
    %cond3A_77 = arith.cmpi ne, %convert_element_type3A_75, %cond3A_76 : i32
    scf.if %cond3A_77 {
      %dma_start3A = arith.constant 0 : i32
      %dma_start3A_158 = tpu.memref_slice %arg4[%dma_start3A] : memref<64000xf32, #tpu.memory_space<vmem>> -> memref<64000xf32, #tpu.memory_space<vmem>>
      %dma_start3A_159 = arith.constant 2400000 : i32
      %dma_start3A_160 = tpu.memref_slice %arg2[%dma_start3A_159] : memref<5120000xf32, #tpu.memory_space<hbm>> -> memref<64000xf32, #tpu.memory_space<hbm>>
      %dma_start3A_161 = arith.constant 0 : i32
      %dma_start3A_162 = tpu.memref_slice %arg4[%dma_start3A_161] : memref<64000xf32, #tpu.memory_space<vmem>> -> memref<64000xf32, #tpu.memory_space<vmem>>
      %dma_start3A_163 = arith.constant 2400000 : i32
      %dma_start3A_164 = tpu.memref_slice %arg2[%dma_start3A_163] : memref<5120000xf32, #tpu.memory_space<hbm>> -> memref<64000xf32, #tpu.memory_space<hbm>>
      tpu.enqueue_dma source(%dma_start3A_164 : memref<64000xf32, #tpu.memory_space<hbm>>) target(%dma_start3A_162 : memref<64000xf32, #tpu.memory_space<vmem>>) target_semaphore(%arg6 : memref<!tpu.dma_semaphore, #tpu.memory_space<semaphore_mem>>)
      %dma_start3A_165 = arith.constant 0 : i32
      %dma_start3A_166 = tpu.memref_slice %arg5[%dma_start3A_165] : memref<64000xf32, #tpu.memory_space<vmem>> -> memref<64000xf32, #tpu.memory_space<vmem>>
      %dma_start3A_167 = arith.constant 2464000 : i32
      %dma_start3A_168 = tpu.memref_slice %arg2[%dma_start3A_167] : memref<5120000xf32, #tpu.memory_space<hbm>> -> memref<64000xf32, #tpu.memory_space<hbm>>
      %dma_start3A_169 = arith.constant 0 : i32
      %dma_start3A_170 = tpu.memref_slice %arg5[%dma_start3A_169] : memref<64000xf32, #tpu.memory_space<vmem>> -> memref<64000xf32, #tpu.memory_space<vmem>>
      %dma_start3A_171 = arith.constant 2464000 : i32
      %dma_start3A_172 = tpu.memref_slice %arg2[%dma_start3A_171] : memref<5120000xf32, #tpu.memory_space<hbm>> -> memref<64000xf32, #tpu.memory_space<hbm>>
      tpu.enqueue_dma source(%dma_start3A_172 : memref<64000xf32, #tpu.memory_space<hbm>>) target(%dma_start3A_170 : memref<64000xf32, #tpu.memory_space<vmem>>) target_semaphore(%arg7 : memref<!tpu.dma_semaphore, #tpu.memory_space<semaphore_mem>>)
      %dma_wait3A = arith.constant 0 : i32
      %dma_wait3A_173 = tpu.memref_slice %arg4[%dma_wait3A] : memref<64000xf32, #tpu.memory_space<vmem>> -> memref<64000xf32, #tpu.memory_space<vmem>>
      %dma_wait3A_174 = arith.constant 2400000 : i32
      %dma_wait3A_175 = tpu.memref_slice %arg2[%dma_wait3A_174] : memref<5120000xf32, #tpu.memory_space<hbm>> -> memref<64000xf32, #tpu.memory_space<hbm>>
      %dma_wait3A_176 = arith.constant 0 : i32
      %dma_wait3A_177 = tpu.memref_slice %arg4[%dma_wait3A_176] : memref<64000xf32, #tpu.memory_space<vmem>> -> memref<64000xf32, #tpu.memory_space<vmem>>
      %dma_wait3A_178 = arith.constant 2400000 : i32
      %dma_wait3A_179 = tpu.memref_slice %arg2[%dma_wait3A_178] : memref<5120000xf32, #tpu.memory_space<hbm>> -> memref<64000xf32, #tpu.memory_space<hbm>>
      tpu.wait_dma2 semaphore(%arg6 : memref<!tpu.dma_semaphore, #tpu.memory_space<semaphore_mem>>) src(%dma_wait3A_179 : memref<64000xf32, #tpu.memory_space<hbm>>) dst(%dma_wait3A_177 : memref<64000xf32, #tpu.memory_space<vmem>>)
      %dma_start3A_180 = arith.constant 0 : i32
      %dma_start3A_181 = tpu.memref_slice %arg4[%dma_start3A_180] : memref<64000xf32, #tpu.memory_space<vmem>> -> memref<64000xf32, #tpu.memory_space<vmem>>
      %dma_start3A_182 = arith.constant 2400000 : i32
      %dma_start3A_183 = tpu.memref_slice %arg3[%dma_start3A_182] : memref<5120000xf32, #tpu.memory_space<hbm>> -> memref<64000xf32, #tpu.memory_space<hbm>>
      %dma_start3A_184 = arith.constant 2400000 : i32
      %dma_start3A_185 = tpu.memref_slice %arg3[%dma_start3A_184] : memref<5120000xf32, #tpu.memory_space<hbm>> -> memref<64000xf32, #tpu.memory_space<hbm>>
      %dma_start3A_186 = arith.constant 0 : i32
      %dma_start3A_187 = tpu.memref_slice %arg4[%dma_start3A_186] : memref<64000xf32, #tpu.memory_space<vmem>> -> memref<64000xf32, #tpu.memory_space<vmem>>
      tpu.enqueue_dma source(%dma_start3A_187 : memref<64000xf32, #tpu.memory_space<vmem>>) target(%dma_start3A_185 : memref<64000xf32, #tpu.memory_space<hbm>>) target_semaphore(%arg8 : memref<!tpu.dma_semaphore, #tpu.memory_space<semaphore_mem>>)
      %dma_wait3A_188 = arith.constant 0 : i32
      %dma_wait3A_189 = tpu.memref_slice %arg5[%dma_wait3A_188] : memref<64000xf32, #tpu.memory_space<vmem>> -> memref<64000xf32, #tpu.memory_space<vmem>>
      %dma_wait3A_190 = arith.constant 2464000 : i32
      %dma_wait3A_191 = tpu.memref_slice %arg2[%dma_wait3A_190] : memref<5120000xf32, #tpu.memory_space<hbm>> -> memref<64000xf32, #tpu.memory_space<hbm>>
      %dma_wait3A_192 = arith.constant 0 : i32
      %dma_wait3A_193 = tpu.memref_slice %arg5[%dma_wait3A_192] : memref<64000xf32, #tpu.memory_space<vmem>> -> memref<64000xf32, #tpu.memory_space<vmem>>
      %dma_wait3A_194 = arith.constant 2464000 : i32
      %dma_wait3A_195 = tpu.memref_slice %arg2[%dma_wait3A_194] : memref<5120000xf32, #tpu.memory_space<hbm>> -> memref<64000xf32, #tpu.memory_space<hbm>>
      tpu.wait_dma2 semaphore(%arg7 : memref<!tpu.dma_semaphore, #tpu.memory_space<semaphore_mem>>) src(%dma_wait3A_195 : memref<64000xf32, #tpu.memory_space<hbm>>) dst(%dma_wait3A_193 : memref<64000xf32, #tpu.memory_space<vmem>>)
      %dma_start3A_196 = arith.constant 0 : i32
      %dma_start3A_197 = tpu.memref_slice %arg5[%dma_start3A_196] : memref<64000xf32, #tpu.memory_space<vmem>> -> memref<64000xf32, #tpu.memory_space<vmem>>
      %dma_start3A_198 = arith.constant 2464000 : i32
      %dma_start3A_199 = tpu.memref_slice %arg3[%dma_start3A_198] : memref<5120000xf32, #tpu.memory_space<hbm>> -> memref<64000xf32, #tpu.memory_space<hbm>>
      %dma_start3A_200 = arith.constant 2464000 : i32
      %dma_start3A_201 = tpu.memref_slice %arg3[%dma_start3A_200] : memref<5120000xf32, #tpu.memory_space<hbm>> -> memref<64000xf32, #tpu.memory_space<hbm>>
      %dma_start3A_202 = arith.constant 0 : i32
      %dma_start3A_203 = tpu.memref_slice %arg5[%dma_start3A_202] : memref<64000xf32, #tpu.memory_space<vmem>> -> memref<64000xf32, #tpu.memory_space<vmem>>
      tpu.enqueue_dma source(%dma_start3A_203 : memref<64000xf32, #tpu.memory_space<vmem>>) target(%dma_start3A_201 : memref<64000xf32, #tpu.memory_space<hbm>>) target_semaphore(%arg9 : memref<!tpu.dma_semaphore, #tpu.memory_space<semaphore_mem>>)
      %dma_wait3A_204 = arith.constant 0 : i32
      %dma_wait3A_205 = tpu.memref_slice %arg4[%dma_wait3A_204] : memref<64000xf32, #tpu.memory_space<vmem>> -> memref<64000xf32, #tpu.memory_space<vmem>>
      %dma_wait3A_206 = arith.constant 2400000 : i32
      %dma_wait3A_207 = tpu.memref_slice %arg3[%dma_wait3A_206] : memref<5120000xf32, #tpu.memory_space<hbm>> -> memref<64000xf32, #tpu.memory_space<hbm>>
      %dma_wait3A_208 = arith.constant 2400000 : i32
      %dma_wait3A_209 = tpu.memref_slice %arg3[%dma_wait3A_208] : memref<5120000xf32, #tpu.memory_space<hbm>> -> memref<64000xf32, #tpu.memory_space<hbm>>
      %dma_wait3A_210 = arith.constant 0 : i32
      %dma_wait3A_211 = tpu.memref_slice %arg4[%dma_wait3A_210] : memref<64000xf32, #tpu.memory_space<vmem>> -> memref<64000xf32, #tpu.memory_space<vmem>>
      tpu.wait_dma2 semaphore(%arg8 : memref<!tpu.dma_semaphore, #tpu.memory_space<semaphore_mem>>) src(%dma_wait3A_211 : memref<64000xf32, #tpu.memory_space<vmem>>) dst(%dma_wait3A_209 : memref<64000xf32, #tpu.memory_space<hbm>>)
      %dma_start3A_212 = arith.constant 0 : i32
      %dma_start3A_213 = tpu.memref_slice %arg4[%dma_start3A_212] : memref<64000xf32, #tpu.memory_space<vmem>> -> memref<32000xf32, #tpu.memory_space<vmem>>
      %dma_start3A_214 = arith.constant 2528000 : i32
      %dma_start3A_215 = tpu.memref_slice %arg2[%dma_start3A_214] : memref<5120000xf32, #tpu.memory_space<hbm>> -> memref<32000xf32, #tpu.memory_space<hbm>>
      %dma_start3A_216 = arith.constant 0 : i32
      %dma_start3A_217 = tpu.memref_slice %arg4[%dma_start3A_216] : memref<64000xf32, #tpu.memory_space<vmem>> -> memref<32000xf32, #tpu.memory_space<vmem>>
      %dma_start3A_218 = arith.constant 2528000 : i32
      %dma_start3A_219 = tpu.memref_slice %arg2[%dma_start3A_218] : memref<5120000xf32, #tpu.memory_space<hbm>> -> memref<32000xf32, #tpu.memory_space<hbm>>
      tpu.enqueue_dma source(%dma_start3A_219 : memref<32000xf32, #tpu.memory_space<hbm>>) target(%dma_start3A_217 : memref<32000xf32, #tpu.memory_space<vmem>>) target_semaphore(%arg6 : memref<!tpu.dma_semaphore, #tpu.memory_space<semaphore_mem>>)
      %dma_wait3A_220 = arith.constant 0 : i32
      %dma_wait3A_221 = tpu.memref_slice %arg4[%dma_wait3A_220] : memref<64000xf32, #tpu.memory_space<vmem>> -> memref<32000xf32, #tpu.memory_space<vmem>>
      %dma_wait3A_222 = arith.constant 2528000 : i32
      %dma_wait3A_223 = tpu.memref_slice %arg2[%dma_wait3A_222] : memref<5120000xf32, #tpu.memory_space<hbm>> -> memref<32000xf32, #tpu.memory_space<hbm>>
      %dma_wait3A_224 = arith.constant 0 : i32
      %dma_wait3A_225 = tpu.memref_slice %arg4[%dma_wait3A_224] : memref<64000xf32, #tpu.memory_space<vmem>> -> memref<32000xf32, #tpu.memory_space<vmem>>
      %dma_wait3A_226 = arith.constant 2528000 : i32
      %dma_wait3A_227 = tpu.memref_slice %arg2[%dma_wait3A_226] : memref<5120000xf32, #tpu.memory_space<hbm>> -> memref<32000xf32, #tpu.memory_space<hbm>>
      tpu.wait_dma2 semaphore(%arg6 : memref<!tpu.dma_semaphore, #tpu.memory_space<semaphore_mem>>) src(%dma_wait3A_227 : memref<32000xf32, #tpu.memory_space<hbm>>) dst(%dma_wait3A_225 : memref<32000xf32, #tpu.memory_space<vmem>>)
      %dma_start3A_228 = arith.constant 0 : i32
      %dma_start3A_229 = tpu.memref_slice %arg4[%dma_start3A_228] : memref<64000xf32, #tpu.memory_space<vmem>> -> memref<32000xf32, #tpu.memory_space<vmem>>
      %dma_start3A_230 = arith.constant 2528000 : i32
      %dma_start3A_231 = tpu.memref_slice %arg3[%dma_start3A_230] : memref<5120000xf32, #tpu.memory_space<hbm>> -> memref<32000xf32, #tpu.memory_space<hbm>>
      %dma_start3A_232 = arith.constant 2528000 : i32
      %dma_start3A_233 = tpu.memref_slice %arg3[%dma_start3A_232] : memref<5120000xf32, #tpu.memory_space<hbm>> -> memref<32000xf32, #tpu.memory_space<hbm>>
      %dma_start3A_234 = arith.constant 0 : i32
      %dma_start3A_235 = tpu.memref_slice %arg4[%dma_start3A_234] : memref<64000xf32, #tpu.memory_space<vmem>> -> memref<32000xf32, #tpu.memory_space<vmem>>
      tpu.enqueue_dma source(%dma_start3A_235 : memref<32000xf32, #tpu.memory_space<vmem>>) target(%dma_start3A_233 : memref<32000xf32, #tpu.memory_space<hbm>>) target_semaphore(%arg8 : memref<!tpu.dma_semaphore, #tpu.memory_space<semaphore_mem>>)
      %dma_wait3A_236 = arith.constant 0 : i32
      %dma_wait3A_237 = tpu.memref_slice %arg5[%dma_wait3A_236] : memref<64000xf32, #tpu.memory_space<vmem>> -> memref<64000xf32, #tpu.memory_space<vmem>>
      %dma_wait3A_238 = arith.constant 2464000 : i32
      %dma_wait3A_239 = tpu.memref_slice %arg3[%dma_wait3A_238] : memref<5120000xf32, #tpu.memory_space<hbm>> -> memref<64000xf32, #tpu.memory_space<hbm>>
      %dma_wait3A_240 = arith.constant 2464000 : i32
      %dma_wait3A_241 = tpu.memref_slice %arg3[%dma_wait3A_240] : memref<5120000xf32, #tpu.memory_space<hbm>> -> memref<64000xf32, #tpu.memory_space<hbm>>
      %dma_wait3A_242 = arith.constant 0 : i32
      %dma_wait3A_243 = tpu.memref_slice %arg5[%dma_wait3A_242] : memref<64000xf32, #tpu.memory_space<vmem>> -> memref<64000xf32, #tpu.memory_space<vmem>>
      tpu.wait_dma2 semaphore(%arg9 : memref<!tpu.dma_semaphore, #tpu.memory_space<semaphore_mem>>) src(%dma_wait3A_243 : memref<64000xf32, #tpu.memory_space<vmem>>) dst(%dma_wait3A_241 : memref<64000xf32, #tpu.memory_space<hbm>>)
      %dma_wait3A_244 = arith.constant 0 : i32
      %dma_wait3A_245 = tpu.memref_slice %arg4[%dma_wait3A_244] : memref<64000xf32, #tpu.memory_space<vmem>> -> memref<32000xf32, #tpu.memory_space<vmem>>
      %dma_wait3A_246 = arith.constant 2528000 : i32
      %dma_wait3A_247 = tpu.memref_slice %arg3[%dma_wait3A_246] : memref<5120000xf32, #tpu.memory_space<hbm>> -> memref<32000xf32, #tpu.memory_space<hbm>>
      %dma_wait3A_248 = arith.constant 2528000 : i32
      %dma_wait3A_249 = tpu.memref_slice %arg3[%dma_wait3A_248] : memref<5120000xf32, #tpu.memory_space<hbm>> -> memref<32000xf32, #tpu.memory_space<hbm>>
      %dma_wait3A_250 = arith.constant 0 : i32
      %dma_wait3A_251 = tpu.memref_slice %arg4[%dma_wait3A_250] : memref<64000xf32, #tpu.memory_space<vmem>> -> memref<32000xf32, #tpu.memory_space<vmem>>
      tpu.wait_dma2 semaphore(%arg8 : memref<!tpu.dma_semaphore, #tpu.memory_space<semaphore_mem>>) src(%dma_wait3A_251 : memref<32000xf32, #tpu.memory_space<vmem>>) dst(%dma_wait3A_249 : memref<32000xf32, #tpu.memory_space<hbm>>)
    } else {
    }
    %eq3A_78 = arith.constant 16 : i32
    %eq3A_79 = arith.cmpi eq, %add3A, %eq3A_78 : i32
    %convert_element_type3A_80 = arith.extui %eq3A_79 : i1 to i32
    %cond3A_81 = arith.constant 0 : i32
    %cond3A_82 = arith.cmpi ne, %convert_element_type3A_80, %cond3A_81 : i32
    scf.if %cond3A_82 {
      %dma_start3A = arith.constant 0 : i32
      %dma_start3A_158 = tpu.memref_slice %arg4[%dma_start3A] : memref<64000xf32, #tpu.memory_space<vmem>> -> memref<64000xf32, #tpu.memory_space<vmem>>
      %dma_start3A_159 = arith.constant 2560000 : i32
      %dma_start3A_160 = tpu.memref_slice %arg2[%dma_start3A_159] : memref<5120000xf32, #tpu.memory_space<hbm>> -> memref<64000xf32, #tpu.memory_space<hbm>>
      %dma_start3A_161 = arith.constant 0 : i32
      %dma_start3A_162 = tpu.memref_slice %arg4[%dma_start3A_161] : memref<64000xf32, #tpu.memory_space<vmem>> -> memref<64000xf32, #tpu.memory_space<vmem>>
      %dma_start3A_163 = arith.constant 2560000 : i32
      %dma_start3A_164 = tpu.memref_slice %arg2[%dma_start3A_163] : memref<5120000xf32, #tpu.memory_space<hbm>> -> memref<64000xf32, #tpu.memory_space<hbm>>
      tpu.enqueue_dma source(%dma_start3A_164 : memref<64000xf32, #tpu.memory_space<hbm>>) target(%dma_start3A_162 : memref<64000xf32, #tpu.memory_space<vmem>>) target_semaphore(%arg6 : memref<!tpu.dma_semaphore, #tpu.memory_space<semaphore_mem>>)
      %dma_start3A_165 = arith.constant 0 : i32
      %dma_start3A_166 = tpu.memref_slice %arg5[%dma_start3A_165] : memref<64000xf32, #tpu.memory_space<vmem>> -> memref<64000xf32, #tpu.memory_space<vmem>>
      %dma_start3A_167 = arith.constant 2624000 : i32
      %dma_start3A_168 = tpu.memref_slice %arg2[%dma_start3A_167] : memref<5120000xf32, #tpu.memory_space<hbm>> -> memref<64000xf32, #tpu.memory_space<hbm>>
      %dma_start3A_169 = arith.constant 0 : i32
      %dma_start3A_170 = tpu.memref_slice %arg5[%dma_start3A_169] : memref<64000xf32, #tpu.memory_space<vmem>> -> memref<64000xf32, #tpu.memory_space<vmem>>
      %dma_start3A_171 = arith.constant 2624000 : i32
      %dma_start3A_172 = tpu.memref_slice %arg2[%dma_start3A_171] : memref<5120000xf32, #tpu.memory_space<hbm>> -> memref<64000xf32, #tpu.memory_space<hbm>>
      tpu.enqueue_dma source(%dma_start3A_172 : memref<64000xf32, #tpu.memory_space<hbm>>) target(%dma_start3A_170 : memref<64000xf32, #tpu.memory_space<vmem>>) target_semaphore(%arg7 : memref<!tpu.dma_semaphore, #tpu.memory_space<semaphore_mem>>)
      %dma_wait3A = arith.constant 0 : i32
      %dma_wait3A_173 = tpu.memref_slice %arg4[%dma_wait3A] : memref<64000xf32, #tpu.memory_space<vmem>> -> memref<64000xf32, #tpu.memory_space<vmem>>
      %dma_wait3A_174 = arith.constant 2560000 : i32
      %dma_wait3A_175 = tpu.memref_slice %arg2[%dma_wait3A_174] : memref<5120000xf32, #tpu.memory_space<hbm>> -> memref<64000xf32, #tpu.memory_space<hbm>>
      %dma_wait3A_176 = arith.constant 0 : i32
      %dma_wait3A_177 = tpu.memref_slice %arg4[%dma_wait3A_176] : memref<64000xf32, #tpu.memory_space<vmem>> -> memref<64000xf32, #tpu.memory_space<vmem>>
      %dma_wait3A_178 = arith.constant 2560000 : i32
      %dma_wait3A_179 = tpu.memref_slice %arg2[%dma_wait3A_178] : memref<5120000xf32, #tpu.memory_space<hbm>> -> memref<64000xf32, #tpu.memory_space<hbm>>
      tpu.wait_dma2 semaphore(%arg6 : memref<!tpu.dma_semaphore, #tpu.memory_space<semaphore_mem>>) src(%dma_wait3A_179 : memref<64000xf32, #tpu.memory_space<hbm>>) dst(%dma_wait3A_177 : memref<64000xf32, #tpu.memory_space<vmem>>)
      %dma_start3A_180 = arith.constant 0 : i32
      %dma_start3A_181 = tpu.memref_slice %arg4[%dma_start3A_180] : memref<64000xf32, #tpu.memory_space<vmem>> -> memref<64000xf32, #tpu.memory_space<vmem>>
      %dma_start3A_182 = arith.constant 2560000 : i32
      %dma_start3A_183 = tpu.memref_slice %arg3[%dma_start3A_182] : memref<5120000xf32, #tpu.memory_space<hbm>> -> memref<64000xf32, #tpu.memory_space<hbm>>
      %dma_start3A_184 = arith.constant 2560000 : i32
      %dma_start3A_185 = tpu.memref_slice %arg3[%dma_start3A_184] : memref<5120000xf32, #tpu.memory_space<hbm>> -> memref<64000xf32, #tpu.memory_space<hbm>>
      %dma_start3A_186 = arith.constant 0 : i32
      %dma_start3A_187 = tpu.memref_slice %arg4[%dma_start3A_186] : memref<64000xf32, #tpu.memory_space<vmem>> -> memref<64000xf32, #tpu.memory_space<vmem>>
      tpu.enqueue_dma source(%dma_start3A_187 : memref<64000xf32, #tpu.memory_space<vmem>>) target(%dma_start3A_185 : memref<64000xf32, #tpu.memory_space<hbm>>) target_semaphore(%arg8 : memref<!tpu.dma_semaphore, #tpu.memory_space<semaphore_mem>>)
      %dma_wait3A_188 = arith.constant 0 : i32
      %dma_wait3A_189 = tpu.memref_slice %arg5[%dma_wait3A_188] : memref<64000xf32, #tpu.memory_space<vmem>> -> memref<64000xf32, #tpu.memory_space<vmem>>
      %dma_wait3A_190 = arith.constant 2624000 : i32
      %dma_wait3A_191 = tpu.memref_slice %arg2[%dma_wait3A_190] : memref<5120000xf32, #tpu.memory_space<hbm>> -> memref<64000xf32, #tpu.memory_space<hbm>>
      %dma_wait3A_192 = arith.constant 0 : i32
      %dma_wait3A_193 = tpu.memref_slice %arg5[%dma_wait3A_192] : memref<64000xf32, #tpu.memory_space<vmem>> -> memref<64000xf32, #tpu.memory_space<vmem>>
      %dma_wait3A_194 = arith.constant 2624000 : i32
      %dma_wait3A_195 = tpu.memref_slice %arg2[%dma_wait3A_194] : memref<5120000xf32, #tpu.memory_space<hbm>> -> memref<64000xf32, #tpu.memory_space<hbm>>
      tpu.wait_dma2 semaphore(%arg7 : memref<!tpu.dma_semaphore, #tpu.memory_space<semaphore_mem>>) src(%dma_wait3A_195 : memref<64000xf32, #tpu.memory_space<hbm>>) dst(%dma_wait3A_193 : memref<64000xf32, #tpu.memory_space<vmem>>)
      %dma_start3A_196 = arith.constant 0 : i32
      %dma_start3A_197 = tpu.memref_slice %arg5[%dma_start3A_196] : memref<64000xf32, #tpu.memory_space<vmem>> -> memref<64000xf32, #tpu.memory_space<vmem>>
      %dma_start3A_198 = arith.constant 2624000 : i32
      %dma_start3A_199 = tpu.memref_slice %arg3[%dma_start3A_198] : memref<5120000xf32, #tpu.memory_space<hbm>> -> memref<64000xf32, #tpu.memory_space<hbm>>
      %dma_start3A_200 = arith.constant 2624000 : i32
      %dma_start3A_201 = tpu.memref_slice %arg3[%dma_start3A_200] : memref<5120000xf32, #tpu.memory_space<hbm>> -> memref<64000xf32, #tpu.memory_space<hbm>>
      %dma_start3A_202 = arith.constant 0 : i32
      %dma_start3A_203 = tpu.memref_slice %arg5[%dma_start3A_202] : memref<64000xf32, #tpu.memory_space<vmem>> -> memref<64000xf32, #tpu.memory_space<vmem>>
      tpu.enqueue_dma source(%dma_start3A_203 : memref<64000xf32, #tpu.memory_space<vmem>>) target(%dma_start3A_201 : memref<64000xf32, #tpu.memory_space<hbm>>) target_semaphore(%arg9 : memref<!tpu.dma_semaphore, #tpu.memory_space<semaphore_mem>>)
      %dma_wait3A_204 = arith.constant 0 : i32
      %dma_wait3A_205 = tpu.memref_slice %arg4[%dma_wait3A_204] : memref<64000xf32, #tpu.memory_space<vmem>> -> memref<64000xf32, #tpu.memory_space<vmem>>
      %dma_wait3A_206 = arith.constant 2560000 : i32
      %dma_wait3A_207 = tpu.memref_slice %arg3[%dma_wait3A_206] : memref<5120000xf32, #tpu.memory_space<hbm>> -> memref<64000xf32, #tpu.memory_space<hbm>>
      %dma_wait3A_208 = arith.constant 2560000 : i32
      %dma_wait3A_209 = tpu.memref_slice %arg3[%dma_wait3A_208] : memref<5120000xf32, #tpu.memory_space<hbm>> -> memref<64000xf32, #tpu.memory_space<hbm>>
      %dma_wait3A_210 = arith.constant 0 : i32
      %dma_wait3A_211 = tpu.memref_slice %arg4[%dma_wait3A_210] : memref<64000xf32, #tpu.memory_space<vmem>> -> memref<64000xf32, #tpu.memory_space<vmem>>
      tpu.wait_dma2 semaphore(%arg8 : memref<!tpu.dma_semaphore, #tpu.memory_space<semaphore_mem>>) src(%dma_wait3A_211 : memref<64000xf32, #tpu.memory_space<vmem>>) dst(%dma_wait3A_209 : memref<64000xf32, #tpu.memory_space<hbm>>)
      %dma_start3A_212 = arith.constant 0 : i32
      %dma_start3A_213 = tpu.memref_slice %arg4[%dma_start3A_212] : memref<64000xf32, #tpu.memory_space<vmem>> -> memref<32000xf32, #tpu.memory_space<vmem>>
      %dma_start3A_214 = arith.constant 2688000 : i32
      %dma_start3A_215 = tpu.memref_slice %arg2[%dma_start3A_214] : memref<5120000xf32, #tpu.memory_space<hbm>> -> memref<32000xf32, #tpu.memory_space<hbm>>
      %dma_start3A_216 = arith.constant 0 : i32
      %dma_start3A_217 = tpu.memref_slice %arg4[%dma_start3A_216] : memref<64000xf32, #tpu.memory_space<vmem>> -> memref<32000xf32, #tpu.memory_space<vmem>>
      %dma_start3A_218 = arith.constant 2688000 : i32
      %dma_start3A_219 = tpu.memref_slice %arg2[%dma_start3A_218] : memref<5120000xf32, #tpu.memory_space<hbm>> -> memref<32000xf32, #tpu.memory_space<hbm>>
      tpu.enqueue_dma source(%dma_start3A_219 : memref<32000xf32, #tpu.memory_space<hbm>>) target(%dma_start3A_217 : memref<32000xf32, #tpu.memory_space<vmem>>) target_semaphore(%arg6 : memref<!tpu.dma_semaphore, #tpu.memory_space<semaphore_mem>>)
      %dma_wait3A_220 = arith.constant 0 : i32
      %dma_wait3A_221 = tpu.memref_slice %arg4[%dma_wait3A_220] : memref<64000xf32, #tpu.memory_space<vmem>> -> memref<32000xf32, #tpu.memory_space<vmem>>
      %dma_wait3A_222 = arith.constant 2688000 : i32
      %dma_wait3A_223 = tpu.memref_slice %arg2[%dma_wait3A_222] : memref<5120000xf32, #tpu.memory_space<hbm>> -> memref<32000xf32, #tpu.memory_space<hbm>>
      %dma_wait3A_224 = arith.constant 0 : i32
      %dma_wait3A_225 = tpu.memref_slice %arg4[%dma_wait3A_224] : memref<64000xf32, #tpu.memory_space<vmem>> -> memref<32000xf32, #tpu.memory_space<vmem>>
      %dma_wait3A_226 = arith.constant 2688000 : i32
      %dma_wait3A_227 = tpu.memref_slice %arg2[%dma_wait3A_226] : memref<5120000xf32, #tpu.memory_space<hbm>> -> memref<32000xf32, #tpu.memory_space<hbm>>
      tpu.wait_dma2 semaphore(%arg6 : memref<!tpu.dma_semaphore, #tpu.memory_space<semaphore_mem>>) src(%dma_wait3A_227 : memref<32000xf32, #tpu.memory_space<hbm>>) dst(%dma_wait3A_225 : memref<32000xf32, #tpu.memory_space<vmem>>)
      %dma_start3A_228 = arith.constant 0 : i32
      %dma_start3A_229 = tpu.memref_slice %arg4[%dma_start3A_228] : memref<64000xf32, #tpu.memory_space<vmem>> -> memref<32000xf32, #tpu.memory_space<vmem>>
      %dma_start3A_230 = arith.constant 2688000 : i32
      %dma_start3A_231 = tpu.memref_slice %arg3[%dma_start3A_230] : memref<5120000xf32, #tpu.memory_space<hbm>> -> memref<32000xf32, #tpu.memory_space<hbm>>
      %dma_start3A_232 = arith.constant 2688000 : i32
      %dma_start3A_233 = tpu.memref_slice %arg3[%dma_start3A_232] : memref<5120000xf32, #tpu.memory_space<hbm>> -> memref<32000xf32, #tpu.memory_space<hbm>>
      %dma_start3A_234 = arith.constant 0 : i32
      %dma_start3A_235 = tpu.memref_slice %arg4[%dma_start3A_234] : memref<64000xf32, #tpu.memory_space<vmem>> -> memref<32000xf32, #tpu.memory_space<vmem>>
      tpu.enqueue_dma source(%dma_start3A_235 : memref<32000xf32, #tpu.memory_space<vmem>>) target(%dma_start3A_233 : memref<32000xf32, #tpu.memory_space<hbm>>) target_semaphore(%arg8 : memref<!tpu.dma_semaphore, #tpu.memory_space<semaphore_mem>>)
      %dma_wait3A_236 = arith.constant 0 : i32
      %dma_wait3A_237 = tpu.memref_slice %arg5[%dma_wait3A_236] : memref<64000xf32, #tpu.memory_space<vmem>> -> memref<64000xf32, #tpu.memory_space<vmem>>
      %dma_wait3A_238 = arith.constant 2624000 : i32
      %dma_wait3A_239 = tpu.memref_slice %arg3[%dma_wait3A_238] : memref<5120000xf32, #tpu.memory_space<hbm>> -> memref<64000xf32, #tpu.memory_space<hbm>>
      %dma_wait3A_240 = arith.constant 2624000 : i32
      %dma_wait3A_241 = tpu.memref_slice %arg3[%dma_wait3A_240] : memref<5120000xf32, #tpu.memory_space<hbm>> -> memref<64000xf32, #tpu.memory_space<hbm>>
      %dma_wait3A_242 = arith.constant 0 : i32
      %dma_wait3A_243 = tpu.memref_slice %arg5[%dma_wait3A_242] : memref<64000xf32, #tpu.memory_space<vmem>> -> memref<64000xf32, #tpu.memory_space<vmem>>
      tpu.wait_dma2 semaphore(%arg9 : memref<!tpu.dma_semaphore, #tpu.memory_space<semaphore_mem>>) src(%dma_wait3A_243 : memref<64000xf32, #tpu.memory_space<vmem>>) dst(%dma_wait3A_241 : memref<64000xf32, #tpu.memory_space<hbm>>)
      %dma_wait3A_244 = arith.constant 0 : i32
      %dma_wait3A_245 = tpu.memref_slice %arg4[%dma_wait3A_244] : memref<64000xf32, #tpu.memory_space<vmem>> -> memref<32000xf32, #tpu.memory_space<vmem>>
      %dma_wait3A_246 = arith.constant 2688000 : i32
      %dma_wait3A_247 = tpu.memref_slice %arg3[%dma_wait3A_246] : memref<5120000xf32, #tpu.memory_space<hbm>> -> memref<32000xf32, #tpu.memory_space<hbm>>
      %dma_wait3A_248 = arith.constant 2688000 : i32
      %dma_wait3A_249 = tpu.memref_slice %arg3[%dma_wait3A_248] : memref<5120000xf32, #tpu.memory_space<hbm>> -> memref<32000xf32, #tpu.memory_space<hbm>>
      %dma_wait3A_250 = arith.constant 0 : i32
      %dma_wait3A_251 = tpu.memref_slice %arg4[%dma_wait3A_250] : memref<64000xf32, #tpu.memory_space<vmem>> -> memref<32000xf32, #tpu.memory_space<vmem>>
      tpu.wait_dma2 semaphore(%arg8 : memref<!tpu.dma_semaphore, #tpu.memory_space<semaphore_mem>>) src(%dma_wait3A_251 : memref<32000xf32, #tpu.memory_space<vmem>>) dst(%dma_wait3A_249 : memref<32000xf32, #tpu.memory_space<hbm>>)
    } else {
    }
    %eq3A_83 = arith.constant 17 : i32
    %eq3A_84 = arith.cmpi eq, %add3A, %eq3A_83 : i32
    %convert_element_type3A_85 = arith.extui %eq3A_84 : i1 to i32
    %cond3A_86 = arith.constant 0 : i32
    %cond3A_87 = arith.cmpi ne, %convert_element_type3A_85, %cond3A_86 : i32
    scf.if %cond3A_87 {
      %dma_start3A = arith.constant 0 : i32
      %dma_start3A_158 = tpu.memref_slice %arg4[%dma_start3A] : memref<64000xf32, #tpu.memory_space<vmem>> -> memref<64000xf32, #tpu.memory_space<vmem>>
      %dma_start3A_159 = arith.constant 2720000 : i32
      %dma_start3A_160 = tpu.memref_slice %arg2[%dma_start3A_159] : memref<5120000xf32, #tpu.memory_space<hbm>> -> memref<64000xf32, #tpu.memory_space<hbm>>
      %dma_start3A_161 = arith.constant 0 : i32
      %dma_start3A_162 = tpu.memref_slice %arg4[%dma_start3A_161] : memref<64000xf32, #tpu.memory_space<vmem>> -> memref<64000xf32, #tpu.memory_space<vmem>>
      %dma_start3A_163 = arith.constant 2720000 : i32
      %dma_start3A_164 = tpu.memref_slice %arg2[%dma_start3A_163] : memref<5120000xf32, #tpu.memory_space<hbm>> -> memref<64000xf32, #tpu.memory_space<hbm>>
      tpu.enqueue_dma source(%dma_start3A_164 : memref<64000xf32, #tpu.memory_space<hbm>>) target(%dma_start3A_162 : memref<64000xf32, #tpu.memory_space<vmem>>) target_semaphore(%arg6 : memref<!tpu.dma_semaphore, #tpu.memory_space<semaphore_mem>>)
      %dma_start3A_165 = arith.constant 0 : i32
      %dma_start3A_166 = tpu.memref_slice %arg5[%dma_start3A_165] : memref<64000xf32, #tpu.memory_space<vmem>> -> memref<64000xf32, #tpu.memory_space<vmem>>
      %dma_start3A_167 = arith.constant 2784000 : i32
      %dma_start3A_168 = tpu.memref_slice %arg2[%dma_start3A_167] : memref<5120000xf32, #tpu.memory_space<hbm>> -> memref<64000xf32, #tpu.memory_space<hbm>>
      %dma_start3A_169 = arith.constant 0 : i32
      %dma_start3A_170 = tpu.memref_slice %arg5[%dma_start3A_169] : memref<64000xf32, #tpu.memory_space<vmem>> -> memref<64000xf32, #tpu.memory_space<vmem>>
      %dma_start3A_171 = arith.constant 2784000 : i32
      %dma_start3A_172 = tpu.memref_slice %arg2[%dma_start3A_171] : memref<5120000xf32, #tpu.memory_space<hbm>> -> memref<64000xf32, #tpu.memory_space<hbm>>
      tpu.enqueue_dma source(%dma_start3A_172 : memref<64000xf32, #tpu.memory_space<hbm>>) target(%dma_start3A_170 : memref<64000xf32, #tpu.memory_space<vmem>>) target_semaphore(%arg7 : memref<!tpu.dma_semaphore, #tpu.memory_space<semaphore_mem>>)
      %dma_wait3A = arith.constant 0 : i32
      %dma_wait3A_173 = tpu.memref_slice %arg4[%dma_wait3A] : memref<64000xf32, #tpu.memory_space<vmem>> -> memref<64000xf32, #tpu.memory_space<vmem>>
      %dma_wait3A_174 = arith.constant 2720000 : i32
      %dma_wait3A_175 = tpu.memref_slice %arg2[%dma_wait3A_174] : memref<5120000xf32, #tpu.memory_space<hbm>> -> memref<64000xf32, #tpu.memory_space<hbm>>
      %dma_wait3A_176 = arith.constant 0 : i32
      %dma_wait3A_177 = tpu.memref_slice %arg4[%dma_wait3A_176] : memref<64000xf32, #tpu.memory_space<vmem>> -> memref<64000xf32, #tpu.memory_space<vmem>>
      %dma_wait3A_178 = arith.constant 2720000 : i32
      %dma_wait3A_179 = tpu.memref_slice %arg2[%dma_wait3A_178] : memref<5120000xf32, #tpu.memory_space<hbm>> -> memref<64000xf32, #tpu.memory_space<hbm>>
      tpu.wait_dma2 semaphore(%arg6 : memref<!tpu.dma_semaphore, #tpu.memory_space<semaphore_mem>>) src(%dma_wait3A_179 : memref<64000xf32, #tpu.memory_space<hbm>>) dst(%dma_wait3A_177 : memref<64000xf32, #tpu.memory_space<vmem>>)
      %dma_start3A_180 = arith.constant 0 : i32
      %dma_start3A_181 = tpu.memref_slice %arg4[%dma_start3A_180] : memref<64000xf32, #tpu.memory_space<vmem>> -> memref<64000xf32, #tpu.memory_space<vmem>>
      %dma_start3A_182 = arith.constant 2720000 : i32
      %dma_start3A_183 = tpu.memref_slice %arg3[%dma_start3A_182] : memref<5120000xf32, #tpu.memory_space<hbm>> -> memref<64000xf32, #tpu.memory_space<hbm>>
      %dma_start3A_184 = arith.constant 2720000 : i32
      %dma_start3A_185 = tpu.memref_slice %arg3[%dma_start3A_184] : memref<5120000xf32, #tpu.memory_space<hbm>> -> memref<64000xf32, #tpu.memory_space<hbm>>
      %dma_start3A_186 = arith.constant 0 : i32
      %dma_start3A_187 = tpu.memref_slice %arg4[%dma_start3A_186] : memref<64000xf32, #tpu.memory_space<vmem>> -> memref<64000xf32, #tpu.memory_space<vmem>>
      tpu.enqueue_dma source(%dma_start3A_187 : memref<64000xf32, #tpu.memory_space<vmem>>) target(%dma_start3A_185 : memref<64000xf32, #tpu.memory_space<hbm>>) target_semaphore(%arg8 : memref<!tpu.dma_semaphore, #tpu.memory_space<semaphore_mem>>)
      %dma_wait3A_188 = arith.constant 0 : i32
      %dma_wait3A_189 = tpu.memref_slice %arg5[%dma_wait3A_188] : memref<64000xf32, #tpu.memory_space<vmem>> -> memref<64000xf32, #tpu.memory_space<vmem>>
      %dma_wait3A_190 = arith.constant 2784000 : i32
      %dma_wait3A_191 = tpu.memref_slice %arg2[%dma_wait3A_190] : memref<5120000xf32, #tpu.memory_space<hbm>> -> memref<64000xf32, #tpu.memory_space<hbm>>
      %dma_wait3A_192 = arith.constant 0 : i32
      %dma_wait3A_193 = tpu.memref_slice %arg5[%dma_wait3A_192] : memref<64000xf32, #tpu.memory_space<vmem>> -> memref<64000xf32, #tpu.memory_space<vmem>>
      %dma_wait3A_194 = arith.constant 2784000 : i32
      %dma_wait3A_195 = tpu.memref_slice %arg2[%dma_wait3A_194] : memref<5120000xf32, #tpu.memory_space<hbm>> -> memref<64000xf32, #tpu.memory_space<hbm>>
      tpu.wait_dma2 semaphore(%arg7 : memref<!tpu.dma_semaphore, #tpu.memory_space<semaphore_mem>>) src(%dma_wait3A_195 : memref<64000xf32, #tpu.memory_space<hbm>>) dst(%dma_wait3A_193 : memref<64000xf32, #tpu.memory_space<vmem>>)
      %dma_start3A_196 = arith.constant 0 : i32
      %dma_start3A_197 = tpu.memref_slice %arg5[%dma_start3A_196] : memref<64000xf32, #tpu.memory_space<vmem>> -> memref<64000xf32, #tpu.memory_space<vmem>>
      %dma_start3A_198 = arith.constant 2784000 : i32
      %dma_start3A_199 = tpu.memref_slice %arg3[%dma_start3A_198] : memref<5120000xf32, #tpu.memory_space<hbm>> -> memref<64000xf32, #tpu.memory_space<hbm>>
      %dma_start3A_200 = arith.constant 2784000 : i32
      %dma_start3A_201 = tpu.memref_slice %arg3[%dma_start3A_200] : memref<5120000xf32, #tpu.memory_space<hbm>> -> memref<64000xf32, #tpu.memory_space<hbm>>
      %dma_start3A_202 = arith.constant 0 : i32
      %dma_start3A_203 = tpu.memref_slice %arg5[%dma_start3A_202] : memref<64000xf32, #tpu.memory_space<vmem>> -> memref<64000xf32, #tpu.memory_space<vmem>>
      tpu.enqueue_dma source(%dma_start3A_203 : memref<64000xf32, #tpu.memory_space<vmem>>) target(%dma_start3A_201 : memref<64000xf32, #tpu.memory_space<hbm>>) target_semaphore(%arg9 : memref<!tpu.dma_semaphore, #tpu.memory_space<semaphore_mem>>)
      %dma_wait3A_204 = arith.constant 0 : i32
      %dma_wait3A_205 = tpu.memref_slice %arg4[%dma_wait3A_204] : memref<64000xf32, #tpu.memory_space<vmem>> -> memref<64000xf32, #tpu.memory_space<vmem>>
      %dma_wait3A_206 = arith.constant 2720000 : i32
      %dma_wait3A_207 = tpu.memref_slice %arg3[%dma_wait3A_206] : memref<5120000xf32, #tpu.memory_space<hbm>> -> memref<64000xf32, #tpu.memory_space<hbm>>
      %dma_wait3A_208 = arith.constant 2720000 : i32
      %dma_wait3A_209 = tpu.memref_slice %arg3[%dma_wait3A_208] : memref<5120000xf32, #tpu.memory_space<hbm>> -> memref<64000xf32, #tpu.memory_space<hbm>>
      %dma_wait3A_210 = arith.constant 0 : i32
      %dma_wait3A_211 = tpu.memref_slice %arg4[%dma_wait3A_210] : memref<64000xf32, #tpu.memory_space<vmem>> -> memref<64000xf32, #tpu.memory_space<vmem>>
      tpu.wait_dma2 semaphore(%arg8 : memref<!tpu.dma_semaphore, #tpu.memory_space<semaphore_mem>>) src(%dma_wait3A_211 : memref<64000xf32, #tpu.memory_space<vmem>>) dst(%dma_wait3A_209 : memref<64000xf32, #tpu.memory_space<hbm>>)
      %dma_start3A_212 = arith.constant 0 : i32
      %dma_start3A_213 = tpu.memref_slice %arg4[%dma_start3A_212] : memref<64000xf32, #tpu.memory_space<vmem>> -> memref<32000xf32, #tpu.memory_space<vmem>>
      %dma_start3A_214 = arith.constant 2848000 : i32
      %dma_start3A_215 = tpu.memref_slice %arg2[%dma_start3A_214] : memref<5120000xf32, #tpu.memory_space<hbm>> -> memref<32000xf32, #tpu.memory_space<hbm>>
      %dma_start3A_216 = arith.constant 0 : i32
      %dma_start3A_217 = tpu.memref_slice %arg4[%dma_start3A_216] : memref<64000xf32, #tpu.memory_space<vmem>> -> memref<32000xf32, #tpu.memory_space<vmem>>
      %dma_start3A_218 = arith.constant 2848000 : i32
      %dma_start3A_219 = tpu.memref_slice %arg2[%dma_start3A_218] : memref<5120000xf32, #tpu.memory_space<hbm>> -> memref<32000xf32, #tpu.memory_space<hbm>>
      tpu.enqueue_dma source(%dma_start3A_219 : memref<32000xf32, #tpu.memory_space<hbm>>) target(%dma_start3A_217 : memref<32000xf32, #tpu.memory_space<vmem>>) target_semaphore(%arg6 : memref<!tpu.dma_semaphore, #tpu.memory_space<semaphore_mem>>)
      %dma_wait3A_220 = arith.constant 0 : i32
      %dma_wait3A_221 = tpu.memref_slice %arg4[%dma_wait3A_220] : memref<64000xf32, #tpu.memory_space<vmem>> -> memref<32000xf32, #tpu.memory_space<vmem>>
      %dma_wait3A_222 = arith.constant 2848000 : i32
      %dma_wait3A_223 = tpu.memref_slice %arg2[%dma_wait3A_222] : memref<5120000xf32, #tpu.memory_space<hbm>> -> memref<32000xf32, #tpu.memory_space<hbm>>
      %dma_wait3A_224 = arith.constant 0 : i32
      %dma_wait3A_225 = tpu.memref_slice %arg4[%dma_wait3A_224] : memref<64000xf32, #tpu.memory_space<vmem>> -> memref<32000xf32, #tpu.memory_space<vmem>>
      %dma_wait3A_226 = arith.constant 2848000 : i32
      %dma_wait3A_227 = tpu.memref_slice %arg2[%dma_wait3A_226] : memref<5120000xf32, #tpu.memory_space<hbm>> -> memref<32000xf32, #tpu.memory_space<hbm>>
      tpu.wait_dma2 semaphore(%arg6 : memref<!tpu.dma_semaphore, #tpu.memory_space<semaphore_mem>>) src(%dma_wait3A_227 : memref<32000xf32, #tpu.memory_space<hbm>>) dst(%dma_wait3A_225 : memref<32000xf32, #tpu.memory_space<vmem>>)
      %dma_start3A_228 = arith.constant 0 : i32
      %dma_start3A_229 = tpu.memref_slice %arg4[%dma_start3A_228] : memref<64000xf32, #tpu.memory_space<vmem>> -> memref<32000xf32, #tpu.memory_space<vmem>>
      %dma_start3A_230 = arith.constant 2848000 : i32
      %dma_start3A_231 = tpu.memref_slice %arg3[%dma_start3A_230] : memref<5120000xf32, #tpu.memory_space<hbm>> -> memref<32000xf32, #tpu.memory_space<hbm>>
      %dma_start3A_232 = arith.constant 2848000 : i32
      %dma_start3A_233 = tpu.memref_slice %arg3[%dma_start3A_232] : memref<5120000xf32, #tpu.memory_space<hbm>> -> memref<32000xf32, #tpu.memory_space<hbm>>
      %dma_start3A_234 = arith.constant 0 : i32
      %dma_start3A_235 = tpu.memref_slice %arg4[%dma_start3A_234] : memref<64000xf32, #tpu.memory_space<vmem>> -> memref<32000xf32, #tpu.memory_space<vmem>>
      tpu.enqueue_dma source(%dma_start3A_235 : memref<32000xf32, #tpu.memory_space<vmem>>) target(%dma_start3A_233 : memref<32000xf32, #tpu.memory_space<hbm>>) target_semaphore(%arg8 : memref<!tpu.dma_semaphore, #tpu.memory_space<semaphore_mem>>)
      %dma_wait3A_236 = arith.constant 0 : i32
      %dma_wait3A_237 = tpu.memref_slice %arg5[%dma_wait3A_236] : memref<64000xf32, #tpu.memory_space<vmem>> -> memref<64000xf32, #tpu.memory_space<vmem>>
      %dma_wait3A_238 = arith.constant 2784000 : i32
      %dma_wait3A_239 = tpu.memref_slice %arg3[%dma_wait3A_238] : memref<5120000xf32, #tpu.memory_space<hbm>> -> memref<64000xf32, #tpu.memory_space<hbm>>
      %dma_wait3A_240 = arith.constant 2784000 : i32
      %dma_wait3A_241 = tpu.memref_slice %arg3[%dma_wait3A_240] : memref<5120000xf32, #tpu.memory_space<hbm>> -> memref<64000xf32, #tpu.memory_space<hbm>>
      %dma_wait3A_242 = arith.constant 0 : i32
      %dma_wait3A_243 = tpu.memref_slice %arg5[%dma_wait3A_242] : memref<64000xf32, #tpu.memory_space<vmem>> -> memref<64000xf32, #tpu.memory_space<vmem>>
      tpu.wait_dma2 semaphore(%arg9 : memref<!tpu.dma_semaphore, #tpu.memory_space<semaphore_mem>>) src(%dma_wait3A_243 : memref<64000xf32, #tpu.memory_space<vmem>>) dst(%dma_wait3A_241 : memref<64000xf32, #tpu.memory_space<hbm>>)
      %dma_wait3A_244 = arith.constant 0 : i32
      %dma_wait3A_245 = tpu.memref_slice %arg4[%dma_wait3A_244] : memref<64000xf32, #tpu.memory_space<vmem>> -> memref<32000xf32, #tpu.memory_space<vmem>>
      %dma_wait3A_246 = arith.constant 2848000 : i32
      %dma_wait3A_247 = tpu.memref_slice %arg3[%dma_wait3A_246] : memref<5120000xf32, #tpu.memory_space<hbm>> -> memref<32000xf32, #tpu.memory_space<hbm>>
      %dma_wait3A_248 = arith.constant 2848000 : i32
      %dma_wait3A_249 = tpu.memref_slice %arg3[%dma_wait3A_248] : memref<5120000xf32, #tpu.memory_space<hbm>> -> memref<32000xf32, #tpu.memory_space<hbm>>
      %dma_wait3A_250 = arith.constant 0 : i32
      %dma_wait3A_251 = tpu.memref_slice %arg4[%dma_wait3A_250] : memref<64000xf32, #tpu.memory_space<vmem>> -> memref<32000xf32, #tpu.memory_space<vmem>>
      tpu.wait_dma2 semaphore(%arg8 : memref<!tpu.dma_semaphore, #tpu.memory_space<semaphore_mem>>) src(%dma_wait3A_251 : memref<32000xf32, #tpu.memory_space<vmem>>) dst(%dma_wait3A_249 : memref<32000xf32, #tpu.memory_space<hbm>>)
    } else {
    }
    %eq3A_88 = arith.constant 18 : i32
    %eq3A_89 = arith.cmpi eq, %add3A, %eq3A_88 : i32
    %convert_element_type3A_90 = arith.extui %eq3A_89 : i1 to i32
    %cond3A_91 = arith.constant 0 : i32
    %cond3A_92 = arith.cmpi ne, %convert_element_type3A_90, %cond3A_91 : i32
    scf.if %cond3A_92 {
      %dma_start3A = arith.constant 0 : i32
      %dma_start3A_158 = tpu.memref_slice %arg4[%dma_start3A] : memref<64000xf32, #tpu.memory_space<vmem>> -> memref<64000xf32, #tpu.memory_space<vmem>>
      %dma_start3A_159 = arith.constant 2880000 : i32
      %dma_start3A_160 = tpu.memref_slice %arg2[%dma_start3A_159] : memref<5120000xf32, #tpu.memory_space<hbm>> -> memref<64000xf32, #tpu.memory_space<hbm>>
      %dma_start3A_161 = arith.constant 0 : i32
      %dma_start3A_162 = tpu.memref_slice %arg4[%dma_start3A_161] : memref<64000xf32, #tpu.memory_space<vmem>> -> memref<64000xf32, #tpu.memory_space<vmem>>
      %dma_start3A_163 = arith.constant 2880000 : i32
      %dma_start3A_164 = tpu.memref_slice %arg2[%dma_start3A_163] : memref<5120000xf32, #tpu.memory_space<hbm>> -> memref<64000xf32, #tpu.memory_space<hbm>>
      tpu.enqueue_dma source(%dma_start3A_164 : memref<64000xf32, #tpu.memory_space<hbm>>) target(%dma_start3A_162 : memref<64000xf32, #tpu.memory_space<vmem>>) target_semaphore(%arg6 : memref<!tpu.dma_semaphore, #tpu.memory_space<semaphore_mem>>)
      %dma_start3A_165 = arith.constant 0 : i32
      %dma_start3A_166 = tpu.memref_slice %arg5[%dma_start3A_165] : memref<64000xf32, #tpu.memory_space<vmem>> -> memref<64000xf32, #tpu.memory_space<vmem>>
      %dma_start3A_167 = arith.constant 2944000 : i32
      %dma_start3A_168 = tpu.memref_slice %arg2[%dma_start3A_167] : memref<5120000xf32, #tpu.memory_space<hbm>> -> memref<64000xf32, #tpu.memory_space<hbm>>
      %dma_start3A_169 = arith.constant 0 : i32
      %dma_start3A_170 = tpu.memref_slice %arg5[%dma_start3A_169] : memref<64000xf32, #tpu.memory_space<vmem>> -> memref<64000xf32, #tpu.memory_space<vmem>>
      %dma_start3A_171 = arith.constant 2944000 : i32
      %dma_start3A_172 = tpu.memref_slice %arg2[%dma_start3A_171] : memref<5120000xf32, #tpu.memory_space<hbm>> -> memref<64000xf32, #tpu.memory_space<hbm>>
      tpu.enqueue_dma source(%dma_start3A_172 : memref<64000xf32, #tpu.memory_space<hbm>>) target(%dma_start3A_170 : memref<64000xf32, #tpu.memory_space<vmem>>) target_semaphore(%arg7 : memref<!tpu.dma_semaphore, #tpu.memory_space<semaphore_mem>>)
      %dma_wait3A = arith.constant 0 : i32
      %dma_wait3A_173 = tpu.memref_slice %arg4[%dma_wait3A] : memref<64000xf32, #tpu.memory_space<vmem>> -> memref<64000xf32, #tpu.memory_space<vmem>>
      %dma_wait3A_174 = arith.constant 2880000 : i32
      %dma_wait3A_175 = tpu.memref_slice %arg2[%dma_wait3A_174] : memref<5120000xf32, #tpu.memory_space<hbm>> -> memref<64000xf32, #tpu.memory_space<hbm>>
      %dma_wait3A_176 = arith.constant 0 : i32
      %dma_wait3A_177 = tpu.memref_slice %arg4[%dma_wait3A_176] : memref<64000xf32, #tpu.memory_space<vmem>> -> memref<64000xf32, #tpu.memory_space<vmem>>
      %dma_wait3A_178 = arith.constant 2880000 : i32
      %dma_wait3A_179 = tpu.memref_slice %arg2[%dma_wait3A_178] : memref<5120000xf32, #tpu.memory_space<hbm>> -> memref<64000xf32, #tpu.memory_space<hbm>>
      tpu.wait_dma2 semaphore(%arg6 : memref<!tpu.dma_semaphore, #tpu.memory_space<semaphore_mem>>) src(%dma_wait3A_179 : memref<64000xf32, #tpu.memory_space<hbm>>) dst(%dma_wait3A_177 : memref<64000xf32, #tpu.memory_space<vmem>>)
      %dma_start3A_180 = arith.constant 0 : i32
      %dma_start3A_181 = tpu.memref_slice %arg4[%dma_start3A_180] : memref<64000xf32, #tpu.memory_space<vmem>> -> memref<64000xf32, #tpu.memory_space<vmem>>
      %dma_start3A_182 = arith.constant 2880000 : i32
      %dma_start3A_183 = tpu.memref_slice %arg3[%dma_start3A_182] : memref<5120000xf32, #tpu.memory_space<hbm>> -> memref<64000xf32, #tpu.memory_space<hbm>>
      %dma_start3A_184 = arith.constant 2880000 : i32
      %dma_start3A_185 = tpu.memref_slice %arg3[%dma_start3A_184] : memref<5120000xf32, #tpu.memory_space<hbm>> -> memref<64000xf32, #tpu.memory_space<hbm>>
      %dma_start3A_186 = arith.constant 0 : i32
      %dma_start3A_187 = tpu.memref_slice %arg4[%dma_start3A_186] : memref<64000xf32, #tpu.memory_space<vmem>> -> memref<64000xf32, #tpu.memory_space<vmem>>
      tpu.enqueue_dma source(%dma_start3A_187 : memref<64000xf32, #tpu.memory_space<vmem>>) target(%dma_start3A_185 : memref<64000xf32, #tpu.memory_space<hbm>>) target_semaphore(%arg8 : memref<!tpu.dma_semaphore, #tpu.memory_space<semaphore_mem>>)
      %dma_wait3A_188 = arith.constant 0 : i32
      %dma_wait3A_189 = tpu.memref_slice %arg5[%dma_wait3A_188] : memref<64000xf32, #tpu.memory_space<vmem>> -> memref<64000xf32, #tpu.memory_space<vmem>>
      %dma_wait3A_190 = arith.constant 2944000 : i32
      %dma_wait3A_191 = tpu.memref_slice %arg2[%dma_wait3A_190] : memref<5120000xf32, #tpu.memory_space<hbm>> -> memref<64000xf32, #tpu.memory_space<hbm>>
      %dma_wait3A_192 = arith.constant 0 : i32
      %dma_wait3A_193 = tpu.memref_slice %arg5[%dma_wait3A_192] : memref<64000xf32, #tpu.memory_space<vmem>> -> memref<64000xf32, #tpu.memory_space<vmem>>
      %dma_wait3A_194 = arith.constant 2944000 : i32
      %dma_wait3A_195 = tpu.memref_slice %arg2[%dma_wait3A_194] : memref<5120000xf32, #tpu.memory_space<hbm>> -> memref<64000xf32, #tpu.memory_space<hbm>>
      tpu.wait_dma2 semaphore(%arg7 : memref<!tpu.dma_semaphore, #tpu.memory_space<semaphore_mem>>) src(%dma_wait3A_195 : memref<64000xf32, #tpu.memory_space<hbm>>) dst(%dma_wait3A_193 : memref<64000xf32, #tpu.memory_space<vmem>>)
      %dma_start3A_196 = arith.constant 0 : i32
      %dma_start3A_197 = tpu.memref_slice %arg5[%dma_start3A_196] : memref<64000xf32, #tpu.memory_space<vmem>> -> memref<64000xf32, #tpu.memory_space<vmem>>
      %dma_start3A_198 = arith.constant 2944000 : i32
      %dma_start3A_199 = tpu.memref_slice %arg3[%dma_start3A_198] : memref<5120000xf32, #tpu.memory_space<hbm>> -> memref<64000xf32, #tpu.memory_space<hbm>>
      %dma_start3A_200 = arith.constant 2944000 : i32
      %dma_start3A_201 = tpu.memref_slice %arg3[%dma_start3A_200] : memref<5120000xf32, #tpu.memory_space<hbm>> -> memref<64000xf32, #tpu.memory_space<hbm>>
      %dma_start3A_202 = arith.constant 0 : i32
      %dma_start3A_203 = tpu.memref_slice %arg5[%dma_start3A_202] : memref<64000xf32, #tpu.memory_space<vmem>> -> memref<64000xf32, #tpu.memory_space<vmem>>
      tpu.enqueue_dma source(%dma_start3A_203 : memref<64000xf32, #tpu.memory_space<vmem>>) target(%dma_start3A_201 : memref<64000xf32, #tpu.memory_space<hbm>>) target_semaphore(%arg9 : memref<!tpu.dma_semaphore, #tpu.memory_space<semaphore_mem>>)
      %dma_wait3A_204 = arith.constant 0 : i32
      %dma_wait3A_205 = tpu.memref_slice %arg4[%dma_wait3A_204] : memref<64000xf32, #tpu.memory_space<vmem>> -> memref<64000xf32, #tpu.memory_space<vmem>>
      %dma_wait3A_206 = arith.constant 2880000 : i32
      %dma_wait3A_207 = tpu.memref_slice %arg3[%dma_wait3A_206] : memref<5120000xf32, #tpu.memory_space<hbm>> -> memref<64000xf32, #tpu.memory_space<hbm>>
      %dma_wait3A_208 = arith.constant 2880000 : i32
      %dma_wait3A_209 = tpu.memref_slice %arg3[%dma_wait3A_208] : memref<5120000xf32, #tpu.memory_space<hbm>> -> memref<64000xf32, #tpu.memory_space<hbm>>
      %dma_wait3A_210 = arith.constant 0 : i32
      %dma_wait3A_211 = tpu.memref_slice %arg4[%dma_wait3A_210] : memref<64000xf32, #tpu.memory_space<vmem>> -> memref<64000xf32, #tpu.memory_space<vmem>>
      tpu.wait_dma2 semaphore(%arg8 : memref<!tpu.dma_semaphore, #tpu.memory_space<semaphore_mem>>) src(%dma_wait3A_211 : memref<64000xf32, #tpu.memory_space<vmem>>) dst(%dma_wait3A_209 : memref<64000xf32, #tpu.memory_space<hbm>>)
      %dma_start3A_212 = arith.constant 0 : i32
      %dma_start3A_213 = tpu.memref_slice %arg4[%dma_start3A_212] : memref<64000xf32, #tpu.memory_space<vmem>> -> memref<32000xf32, #tpu.memory_space<vmem>>
      %dma_start3A_214 = arith.constant 3008000 : i32
      %dma_start3A_215 = tpu.memref_slice %arg2[%dma_start3A_214] : memref<5120000xf32, #tpu.memory_space<hbm>> -> memref<32000xf32, #tpu.memory_space<hbm>>
      %dma_start3A_216 = arith.constant 0 : i32
      %dma_start3A_217 = tpu.memref_slice %arg4[%dma_start3A_216] : memref<64000xf32, #tpu.memory_space<vmem>> -> memref<32000xf32, #tpu.memory_space<vmem>>
      %dma_start3A_218 = arith.constant 3008000 : i32
      %dma_start3A_219 = tpu.memref_slice %arg2[%dma_start3A_218] : memref<5120000xf32, #tpu.memory_space<hbm>> -> memref<32000xf32, #tpu.memory_space<hbm>>
      tpu.enqueue_dma source(%dma_start3A_219 : memref<32000xf32, #tpu.memory_space<hbm>>) target(%dma_start3A_217 : memref<32000xf32, #tpu.memory_space<vmem>>) target_semaphore(%arg6 : memref<!tpu.dma_semaphore, #tpu.memory_space<semaphore_mem>>)
      %dma_wait3A_220 = arith.constant 0 : i32
      %dma_wait3A_221 = tpu.memref_slice %arg4[%dma_wait3A_220] : memref<64000xf32, #tpu.memory_space<vmem>> -> memref<32000xf32, #tpu.memory_space<vmem>>
      %dma_wait3A_222 = arith.constant 3008000 : i32
      %dma_wait3A_223 = tpu.memref_slice %arg2[%dma_wait3A_222] : memref<5120000xf32, #tpu.memory_space<hbm>> -> memref<32000xf32, #tpu.memory_space<hbm>>
      %dma_wait3A_224 = arith.constant 0 : i32
      %dma_wait3A_225 = tpu.memref_slice %arg4[%dma_wait3A_224] : memref<64000xf32, #tpu.memory_space<vmem>> -> memref<32000xf32, #tpu.memory_space<vmem>>
      %dma_wait3A_226 = arith.constant 3008000 : i32
      %dma_wait3A_227 = tpu.memref_slice %arg2[%dma_wait3A_226] : memref<5120000xf32, #tpu.memory_space<hbm>> -> memref<32000xf32, #tpu.memory_space<hbm>>
      tpu.wait_dma2 semaphore(%arg6 : memref<!tpu.dma_semaphore, #tpu.memory_space<semaphore_mem>>) src(%dma_wait3A_227 : memref<32000xf32, #tpu.memory_space<hbm>>) dst(%dma_wait3A_225 : memref<32000xf32, #tpu.memory_space<vmem>>)
      %dma_start3A_228 = arith.constant 0 : i32
      %dma_start3A_229 = tpu.memref_slice %arg4[%dma_start3A_228] : memref<64000xf32, #tpu.memory_space<vmem>> -> memref<32000xf32, #tpu.memory_space<vmem>>
      %dma_start3A_230 = arith.constant 3008000 : i32
      %dma_start3A_231 = tpu.memref_slice %arg3[%dma_start3A_230] : memref<5120000xf32, #tpu.memory_space<hbm>> -> memref<32000xf32, #tpu.memory_space<hbm>>
      %dma_start3A_232 = arith.constant 3008000 : i32
      %dma_start3A_233 = tpu.memref_slice %arg3[%dma_start3A_232] : memref<5120000xf32, #tpu.memory_space<hbm>> -> memref<32000xf32, #tpu.memory_space<hbm>>
      %dma_start3A_234 = arith.constant 0 : i32
      %dma_start3A_235 = tpu.memref_slice %arg4[%dma_start3A_234] : memref<64000xf32, #tpu.memory_space<vmem>> -> memref<32000xf32, #tpu.memory_space<vmem>>
      tpu.enqueue_dma source(%dma_start3A_235 : memref<32000xf32, #tpu.memory_space<vmem>>) target(%dma_start3A_233 : memref<32000xf32, #tpu.memory_space<hbm>>) target_semaphore(%arg8 : memref<!tpu.dma_semaphore, #tpu.memory_space<semaphore_mem>>)
      %dma_wait3A_236 = arith.constant 0 : i32
      %dma_wait3A_237 = tpu.memref_slice %arg5[%dma_wait3A_236] : memref<64000xf32, #tpu.memory_space<vmem>> -> memref<64000xf32, #tpu.memory_space<vmem>>
      %dma_wait3A_238 = arith.constant 2944000 : i32
      %dma_wait3A_239 = tpu.memref_slice %arg3[%dma_wait3A_238] : memref<5120000xf32, #tpu.memory_space<hbm>> -> memref<64000xf32, #tpu.memory_space<hbm>>
      %dma_wait3A_240 = arith.constant 2944000 : i32
      %dma_wait3A_241 = tpu.memref_slice %arg3[%dma_wait3A_240] : memref<5120000xf32, #tpu.memory_space<hbm>> -> memref<64000xf32, #tpu.memory_space<hbm>>
      %dma_wait3A_242 = arith.constant 0 : i32
      %dma_wait3A_243 = tpu.memref_slice %arg5[%dma_wait3A_242] : memref<64000xf32, #tpu.memory_space<vmem>> -> memref<64000xf32, #tpu.memory_space<vmem>>
      tpu.wait_dma2 semaphore(%arg9 : memref<!tpu.dma_semaphore, #tpu.memory_space<semaphore_mem>>) src(%dma_wait3A_243 : memref<64000xf32, #tpu.memory_space<vmem>>) dst(%dma_wait3A_241 : memref<64000xf32, #tpu.memory_space<hbm>>)
      %dma_wait3A_244 = arith.constant 0 : i32
      %dma_wait3A_245 = tpu.memref_slice %arg4[%dma_wait3A_244] : memref<64000xf32, #tpu.memory_space<vmem>> -> memref<32000xf32, #tpu.memory_space<vmem>>
      %dma_wait3A_246 = arith.constant 3008000 : i32
      %dma_wait3A_247 = tpu.memref_slice %arg3[%dma_wait3A_246] : memref<5120000xf32, #tpu.memory_space<hbm>> -> memref<32000xf32, #tpu.memory_space<hbm>>
      %dma_wait3A_248 = arith.constant 3008000 : i32
      %dma_wait3A_249 = tpu.memref_slice %arg3[%dma_wait3A_248] : memref<5120000xf32, #tpu.memory_space<hbm>> -> memref<32000xf32, #tpu.memory_space<hbm>>
      %dma_wait3A_250 = arith.constant 0 : i32
      %dma_wait3A_251 = tpu.memref_slice %arg4[%dma_wait3A_250] : memref<64000xf32, #tpu.memory_space<vmem>> -> memref<32000xf32, #tpu.memory_space<vmem>>
      tpu.wait_dma2 semaphore(%arg8 : memref<!tpu.dma_semaphore, #tpu.memory_space<semaphore_mem>>) src(%dma_wait3A_251 : memref<32000xf32, #tpu.memory_space<vmem>>) dst(%dma_wait3A_249 : memref<32000xf32, #tpu.memory_space<hbm>>)
    } else {
    }
    %eq3A_93 = arith.constant 19 : i32
    %eq3A_94 = arith.cmpi eq, %add3A, %eq3A_93 : i32
    %convert_element_type3A_95 = arith.extui %eq3A_94 : i1 to i32
    %cond3A_96 = arith.constant 0 : i32
    %cond3A_97 = arith.cmpi ne, %convert_element_type3A_95, %cond3A_96 : i32
    scf.if %cond3A_97 {
      %dma_start3A = arith.constant 0 : i32
      %dma_start3A_158 = tpu.memref_slice %arg4[%dma_start3A] : memref<64000xf32, #tpu.memory_space<vmem>> -> memref<64000xf32, #tpu.memory_space<vmem>>
      %dma_start3A_159 = arith.constant 3040000 : i32
      %dma_start3A_160 = tpu.memref_slice %arg2[%dma_start3A_159] : memref<5120000xf32, #tpu.memory_space<hbm>> -> memref<64000xf32, #tpu.memory_space<hbm>>
      %dma_start3A_161 = arith.constant 0 : i32
      %dma_start3A_162 = tpu.memref_slice %arg4[%dma_start3A_161] : memref<64000xf32, #tpu.memory_space<vmem>> -> memref<64000xf32, #tpu.memory_space<vmem>>
      %dma_start3A_163 = arith.constant 3040000 : i32
      %dma_start3A_164 = tpu.memref_slice %arg2[%dma_start3A_163] : memref<5120000xf32, #tpu.memory_space<hbm>> -> memref<64000xf32, #tpu.memory_space<hbm>>
      tpu.enqueue_dma source(%dma_start3A_164 : memref<64000xf32, #tpu.memory_space<hbm>>) target(%dma_start3A_162 : memref<64000xf32, #tpu.memory_space<vmem>>) target_semaphore(%arg6 : memref<!tpu.dma_semaphore, #tpu.memory_space<semaphore_mem>>)
      %dma_start3A_165 = arith.constant 0 : i32
      %dma_start3A_166 = tpu.memref_slice %arg5[%dma_start3A_165] : memref<64000xf32, #tpu.memory_space<vmem>> -> memref<64000xf32, #tpu.memory_space<vmem>>
      %dma_start3A_167 = arith.constant 3104000 : i32
      %dma_start3A_168 = tpu.memref_slice %arg2[%dma_start3A_167] : memref<5120000xf32, #tpu.memory_space<hbm>> -> memref<64000xf32, #tpu.memory_space<hbm>>
      %dma_start3A_169 = arith.constant 0 : i32
      %dma_start3A_170 = tpu.memref_slice %arg5[%dma_start3A_169] : memref<64000xf32, #tpu.memory_space<vmem>> -> memref<64000xf32, #tpu.memory_space<vmem>>
      %dma_start3A_171 = arith.constant 3104000 : i32
      %dma_start3A_172 = tpu.memref_slice %arg2[%dma_start3A_171] : memref<5120000xf32, #tpu.memory_space<hbm>> -> memref<64000xf32, #tpu.memory_space<hbm>>
      tpu.enqueue_dma source(%dma_start3A_172 : memref<64000xf32, #tpu.memory_space<hbm>>) target(%dma_start3A_170 : memref<64000xf32, #tpu.memory_space<vmem>>) target_semaphore(%arg7 : memref<!tpu.dma_semaphore, #tpu.memory_space<semaphore_mem>>)
      %dma_wait3A = arith.constant 0 : i32
      %dma_wait3A_173 = tpu.memref_slice %arg4[%dma_wait3A] : memref<64000xf32, #tpu.memory_space<vmem>> -> memref<64000xf32, #tpu.memory_space<vmem>>
      %dma_wait3A_174 = arith.constant 3040000 : i32
      %dma_wait3A_175 = tpu.memref_slice %arg2[%dma_wait3A_174] : memref<5120000xf32, #tpu.memory_space<hbm>> -> memref<64000xf32, #tpu.memory_space<hbm>>
      %dma_wait3A_176 = arith.constant 0 : i32
      %dma_wait3A_177 = tpu.memref_slice %arg4[%dma_wait3A_176] : memref<64000xf32, #tpu.memory_space<vmem>> -> memref<64000xf32, #tpu.memory_space<vmem>>
      %dma_wait3A_178 = arith.constant 3040000 : i32
      %dma_wait3A_179 = tpu.memref_slice %arg2[%dma_wait3A_178] : memref<5120000xf32, #tpu.memory_space<hbm>> -> memref<64000xf32, #tpu.memory_space<hbm>>
      tpu.wait_dma2 semaphore(%arg6 : memref<!tpu.dma_semaphore, #tpu.memory_space<semaphore_mem>>) src(%dma_wait3A_179 : memref<64000xf32, #tpu.memory_space<hbm>>) dst(%dma_wait3A_177 : memref<64000xf32, #tpu.memory_space<vmem>>)
      %dma_start3A_180 = arith.constant 0 : i32
      %dma_start3A_181 = tpu.memref_slice %arg4[%dma_start3A_180] : memref<64000xf32, #tpu.memory_space<vmem>> -> memref<64000xf32, #tpu.memory_space<vmem>>
      %dma_start3A_182 = arith.constant 3040000 : i32
      %dma_start3A_183 = tpu.memref_slice %arg3[%dma_start3A_182] : memref<5120000xf32, #tpu.memory_space<hbm>> -> memref<64000xf32, #tpu.memory_space<hbm>>
      %dma_start3A_184 = arith.constant 3040000 : i32
      %dma_start3A_185 = tpu.memref_slice %arg3[%dma_start3A_184] : memref<5120000xf32, #tpu.memory_space<hbm>> -> memref<64000xf32, #tpu.memory_space<hbm>>
      %dma_start3A_186 = arith.constant 0 : i32
      %dma_start3A_187 = tpu.memref_slice %arg4[%dma_start3A_186] : memref<64000xf32, #tpu.memory_space<vmem>> -> memref<64000xf32, #tpu.memory_space<vmem>>
      tpu.enqueue_dma source(%dma_start3A_187 : memref<64000xf32, #tpu.memory_space<vmem>>) target(%dma_start3A_185 : memref<64000xf32, #tpu.memory_space<hbm>>) target_semaphore(%arg8 : memref<!tpu.dma_semaphore, #tpu.memory_space<semaphore_mem>>)
      %dma_wait3A_188 = arith.constant 0 : i32
      %dma_wait3A_189 = tpu.memref_slice %arg5[%dma_wait3A_188] : memref<64000xf32, #tpu.memory_space<vmem>> -> memref<64000xf32, #tpu.memory_space<vmem>>
      %dma_wait3A_190 = arith.constant 3104000 : i32
      %dma_wait3A_191 = tpu.memref_slice %arg2[%dma_wait3A_190] : memref<5120000xf32, #tpu.memory_space<hbm>> -> memref<64000xf32, #tpu.memory_space<hbm>>
      %dma_wait3A_192 = arith.constant 0 : i32
      %dma_wait3A_193 = tpu.memref_slice %arg5[%dma_wait3A_192] : memref<64000xf32, #tpu.memory_space<vmem>> -> memref<64000xf32, #tpu.memory_space<vmem>>
      %dma_wait3A_194 = arith.constant 3104000 : i32
      %dma_wait3A_195 = tpu.memref_slice %arg2[%dma_wait3A_194] : memref<5120000xf32, #tpu.memory_space<hbm>> -> memref<64000xf32, #tpu.memory_space<hbm>>
      tpu.wait_dma2 semaphore(%arg7 : memref<!tpu.dma_semaphore, #tpu.memory_space<semaphore_mem>>) src(%dma_wait3A_195 : memref<64000xf32, #tpu.memory_space<hbm>>) dst(%dma_wait3A_193 : memref<64000xf32, #tpu.memory_space<vmem>>)
      %dma_start3A_196 = arith.constant 0 : i32
      %dma_start3A_197 = tpu.memref_slice %arg5[%dma_start3A_196] : memref<64000xf32, #tpu.memory_space<vmem>> -> memref<64000xf32, #tpu.memory_space<vmem>>
      %dma_start3A_198 = arith.constant 3104000 : i32
      %dma_start3A_199 = tpu.memref_slice %arg3[%dma_start3A_198] : memref<5120000xf32, #tpu.memory_space<hbm>> -> memref<64000xf32, #tpu.memory_space<hbm>>
      %dma_start3A_200 = arith.constant 3104000 : i32
      %dma_start3A_201 = tpu.memref_slice %arg3[%dma_start3A_200] : memref<5120000xf32, #tpu.memory_space<hbm>> -> memref<64000xf32, #tpu.memory_space<hbm>>
      %dma_start3A_202 = arith.constant 0 : i32
      %dma_start3A_203 = tpu.memref_slice %arg5[%dma_start3A_202] : memref<64000xf32, #tpu.memory_space<vmem>> -> memref<64000xf32, #tpu.memory_space<vmem>>
      tpu.enqueue_dma source(%dma_start3A_203 : memref<64000xf32, #tpu.memory_space<vmem>>) target(%dma_start3A_201 : memref<64000xf32, #tpu.memory_space<hbm>>) target_semaphore(%arg9 : memref<!tpu.dma_semaphore, #tpu.memory_space<semaphore_mem>>)
      %dma_wait3A_204 = arith.constant 0 : i32
      %dma_wait3A_205 = tpu.memref_slice %arg4[%dma_wait3A_204] : memref<64000xf32, #tpu.memory_space<vmem>> -> memref<64000xf32, #tpu.memory_space<vmem>>
      %dma_wait3A_206 = arith.constant 3040000 : i32
      %dma_wait3A_207 = tpu.memref_slice %arg3[%dma_wait3A_206] : memref<5120000xf32, #tpu.memory_space<hbm>> -> memref<64000xf32, #tpu.memory_space<hbm>>
      %dma_wait3A_208 = arith.constant 3040000 : i32
      %dma_wait3A_209 = tpu.memref_slice %arg3[%dma_wait3A_208] : memref<5120000xf32, #tpu.memory_space<hbm>> -> memref<64000xf32, #tpu.memory_space<hbm>>
      %dma_wait3A_210 = arith.constant 0 : i32
      %dma_wait3A_211 = tpu.memref_slice %arg4[%dma_wait3A_210] : memref<64000xf32, #tpu.memory_space<vmem>> -> memref<64000xf32, #tpu.memory_space<vmem>>
      tpu.wait_dma2 semaphore(%arg8 : memref<!tpu.dma_semaphore, #tpu.memory_space<semaphore_mem>>) src(%dma_wait3A_211 : memref<64000xf32, #tpu.memory_space<vmem>>) dst(%dma_wait3A_209 : memref<64000xf32, #tpu.memory_space<hbm>>)
      %dma_start3A_212 = arith.constant 0 : i32
      %dma_start3A_213 = tpu.memref_slice %arg4[%dma_start3A_212] : memref<64000xf32, #tpu.memory_space<vmem>> -> memref<32000xf32, #tpu.memory_space<vmem>>
      %dma_start3A_214 = arith.constant 3168000 : i32
      %dma_start3A_215 = tpu.memref_slice %arg2[%dma_start3A_214] : memref<5120000xf32, #tpu.memory_space<hbm>> -> memref<32000xf32, #tpu.memory_space<hbm>>
      %dma_start3A_216 = arith.constant 0 : i32
      %dma_start3A_217 = tpu.memref_slice %arg4[%dma_start3A_216] : memref<64000xf32, #tpu.memory_space<vmem>> -> memref<32000xf32, #tpu.memory_space<vmem>>
      %dma_start3A_218 = arith.constant 3168000 : i32
      %dma_start3A_219 = tpu.memref_slice %arg2[%dma_start3A_218] : memref<5120000xf32, #tpu.memory_space<hbm>> -> memref<32000xf32, #tpu.memory_space<hbm>>
      tpu.enqueue_dma source(%dma_start3A_219 : memref<32000xf32, #tpu.memory_space<hbm>>) target(%dma_start3A_217 : memref<32000xf32, #tpu.memory_space<vmem>>) target_semaphore(%arg6 : memref<!tpu.dma_semaphore, #tpu.memory_space<semaphore_mem>>)
      %dma_wait3A_220 = arith.constant 0 : i32
      %dma_wait3A_221 = tpu.memref_slice %arg4[%dma_wait3A_220] : memref<64000xf32, #tpu.memory_space<vmem>> -> memref<32000xf32, #tpu.memory_space<vmem>>
      %dma_wait3A_222 = arith.constant 3168000 : i32
      %dma_wait3A_223 = tpu.memref_slice %arg2[%dma_wait3A_222] : memref<5120000xf32, #tpu.memory_space<hbm>> -> memref<32000xf32, #tpu.memory_space<hbm>>
      %dma_wait3A_224 = arith.constant 0 : i32
      %dma_wait3A_225 = tpu.memref_slice %arg4[%dma_wait3A_224] : memref<64000xf32, #tpu.memory_space<vmem>> -> memref<32000xf32, #tpu.memory_space<vmem>>
      %dma_wait3A_226 = arith.constant 3168000 : i32
      %dma_wait3A_227 = tpu.memref_slice %arg2[%dma_wait3A_226] : memref<5120000xf32, #tpu.memory_space<hbm>> -> memref<32000xf32, #tpu.memory_space<hbm>>
      tpu.wait_dma2 semaphore(%arg6 : memref<!tpu.dma_semaphore, #tpu.memory_space<semaphore_mem>>) src(%dma_wait3A_227 : memref<32000xf32, #tpu.memory_space<hbm>>) dst(%dma_wait3A_225 : memref<32000xf32, #tpu.memory_space<vmem>>)
      %dma_start3A_228 = arith.constant 0 : i32
      %dma_start3A_229 = tpu.memref_slice %arg4[%dma_start3A_228] : memref<64000xf32, #tpu.memory_space<vmem>> -> memref<32000xf32, #tpu.memory_space<vmem>>
      %dma_start3A_230 = arith.constant 3168000 : i32
      %dma_start3A_231 = tpu.memref_slice %arg3[%dma_start3A_230] : memref<5120000xf32, #tpu.memory_space<hbm>> -> memref<32000xf32, #tpu.memory_space<hbm>>
      %dma_start3A_232 = arith.constant 3168000 : i32
      %dma_start3A_233 = tpu.memref_slice %arg3[%dma_start3A_232] : memref<5120000xf32, #tpu.memory_space<hbm>> -> memref<32000xf32, #tpu.memory_space<hbm>>
      %dma_start3A_234 = arith.constant 0 : i32
      %dma_start3A_235 = tpu.memref_slice %arg4[%dma_start3A_234] : memref<64000xf32, #tpu.memory_space<vmem>> -> memref<32000xf32, #tpu.memory_space<vmem>>
      tpu.enqueue_dma source(%dma_start3A_235 : memref<32000xf32, #tpu.memory_space<vmem>>) target(%dma_start3A_233 : memref<32000xf32, #tpu.memory_space<hbm>>) target_semaphore(%arg8 : memref<!tpu.dma_semaphore, #tpu.memory_space<semaphore_mem>>)
      %dma_wait3A_236 = arith.constant 0 : i32
      %dma_wait3A_237 = tpu.memref_slice %arg5[%dma_wait3A_236] : memref<64000xf32, #tpu.memory_space<vmem>> -> memref<64000xf32, #tpu.memory_space<vmem>>
      %dma_wait3A_238 = arith.constant 3104000 : i32
      %dma_wait3A_239 = tpu.memref_slice %arg3[%dma_wait3A_238] : memref<5120000xf32, #tpu.memory_space<hbm>> -> memref<64000xf32, #tpu.memory_space<hbm>>
      %dma_wait3A_240 = arith.constant 3104000 : i32
      %dma_wait3A_241 = tpu.memref_slice %arg3[%dma_wait3A_240] : memref<5120000xf32, #tpu.memory_space<hbm>> -> memref<64000xf32, #tpu.memory_space<hbm>>
      %dma_wait3A_242 = arith.constant 0 : i32
      %dma_wait3A_243 = tpu.memref_slice %arg5[%dma_wait3A_242] : memref<64000xf32, #tpu.memory_space<vmem>> -> memref<64000xf32, #tpu.memory_space<vmem>>
      tpu.wait_dma2 semaphore(%arg9 : memref<!tpu.dma_semaphore, #tpu.memory_space<semaphore_mem>>) src(%dma_wait3A_243 : memref<64000xf32, #tpu.memory_space<vmem>>) dst(%dma_wait3A_241 : memref<64000xf32, #tpu.memory_space<hbm>>)
      %dma_wait3A_244 = arith.constant 0 : i32
      %dma_wait3A_245 = tpu.memref_slice %arg4[%dma_wait3A_244] : memref<64000xf32, #tpu.memory_space<vmem>> -> memref<32000xf32, #tpu.memory_space<vmem>>
      %dma_wait3A_246 = arith.constant 3168000 : i32
      %dma_wait3A_247 = tpu.memref_slice %arg3[%dma_wait3A_246] : memref<5120000xf32, #tpu.memory_space<hbm>> -> memref<32000xf32, #tpu.memory_space<hbm>>
      %dma_wait3A_248 = arith.constant 3168000 : i32
      %dma_wait3A_249 = tpu.memref_slice %arg3[%dma_wait3A_248] : memref<5120000xf32, #tpu.memory_space<hbm>> -> memref<32000xf32, #tpu.memory_space<hbm>>
      %dma_wait3A_250 = arith.constant 0 : i32
      %dma_wait3A_251 = tpu.memref_slice %arg4[%dma_wait3A_250] : memref<64000xf32, #tpu.memory_space<vmem>> -> memref<32000xf32, #tpu.memory_space<vmem>>
      tpu.wait_dma2 semaphore(%arg8 : memref<!tpu.dma_semaphore, #tpu.memory_space<semaphore_mem>>) src(%dma_wait3A_251 : memref<32000xf32, #tpu.memory_space<vmem>>) dst(%dma_wait3A_249 : memref<32000xf32, #tpu.memory_space<hbm>>)
    } else {
    }
    %eq3A_98 = arith.constant 20 : i32
    %eq3A_99 = arith.cmpi eq, %add3A, %eq3A_98 : i32
    %convert_element_type3A_100 = arith.extui %eq3A_99 : i1 to i32
    %cond3A_101 = arith.constant 0 : i32
    %cond3A_102 = arith.cmpi ne, %convert_element_type3A_100, %cond3A_101 : i32
    scf.if %cond3A_102 {
      %dma_start3A = arith.constant 0 : i32
      %dma_start3A_158 = tpu.memref_slice %arg4[%dma_start3A] : memref<64000xf32, #tpu.memory_space<vmem>> -> memref<64000xf32, #tpu.memory_space<vmem>>
      %dma_start3A_159 = arith.constant 3200000 : i32
      %dma_start3A_160 = tpu.memref_slice %arg2[%dma_start3A_159] : memref<5120000xf32, #tpu.memory_space<hbm>> -> memref<64000xf32, #tpu.memory_space<hbm>>
      %dma_start3A_161 = arith.constant 0 : i32
      %dma_start3A_162 = tpu.memref_slice %arg4[%dma_start3A_161] : memref<64000xf32, #tpu.memory_space<vmem>> -> memref<64000xf32, #tpu.memory_space<vmem>>
      %dma_start3A_163 = arith.constant 3200000 : i32
      %dma_start3A_164 = tpu.memref_slice %arg2[%dma_start3A_163] : memref<5120000xf32, #tpu.memory_space<hbm>> -> memref<64000xf32, #tpu.memory_space<hbm>>
      tpu.enqueue_dma source(%dma_start3A_164 : memref<64000xf32, #tpu.memory_space<hbm>>) target(%dma_start3A_162 : memref<64000xf32, #tpu.memory_space<vmem>>) target_semaphore(%arg6 : memref<!tpu.dma_semaphore, #tpu.memory_space<semaphore_mem>>)
      %dma_start3A_165 = arith.constant 0 : i32
      %dma_start3A_166 = tpu.memref_slice %arg5[%dma_start3A_165] : memref<64000xf32, #tpu.memory_space<vmem>> -> memref<64000xf32, #tpu.memory_space<vmem>>
      %dma_start3A_167 = arith.constant 3264000 : i32
      %dma_start3A_168 = tpu.memref_slice %arg2[%dma_start3A_167] : memref<5120000xf32, #tpu.memory_space<hbm>> -> memref<64000xf32, #tpu.memory_space<hbm>>
      %dma_start3A_169 = arith.constant 0 : i32
      %dma_start3A_170 = tpu.memref_slice %arg5[%dma_start3A_169] : memref<64000xf32, #tpu.memory_space<vmem>> -> memref<64000xf32, #tpu.memory_space<vmem>>
      %dma_start3A_171 = arith.constant 3264000 : i32
      %dma_start3A_172 = tpu.memref_slice %arg2[%dma_start3A_171] : memref<5120000xf32, #tpu.memory_space<hbm>> -> memref<64000xf32, #tpu.memory_space<hbm>>
      tpu.enqueue_dma source(%dma_start3A_172 : memref<64000xf32, #tpu.memory_space<hbm>>) target(%dma_start3A_170 : memref<64000xf32, #tpu.memory_space<vmem>>) target_semaphore(%arg7 : memref<!tpu.dma_semaphore, #tpu.memory_space<semaphore_mem>>)
      %dma_wait3A = arith.constant 0 : i32
      %dma_wait3A_173 = tpu.memref_slice %arg4[%dma_wait3A] : memref<64000xf32, #tpu.memory_space<vmem>> -> memref<64000xf32, #tpu.memory_space<vmem>>
      %dma_wait3A_174 = arith.constant 3200000 : i32
      %dma_wait3A_175 = tpu.memref_slice %arg2[%dma_wait3A_174] : memref<5120000xf32, #tpu.memory_space<hbm>> -> memref<64000xf32, #tpu.memory_space<hbm>>
      %dma_wait3A_176 = arith.constant 0 : i32
      %dma_wait3A_177 = tpu.memref_slice %arg4[%dma_wait3A_176] : memref<64000xf32, #tpu.memory_space<vmem>> -> memref<64000xf32, #tpu.memory_space<vmem>>
      %dma_wait3A_178 = arith.constant 3200000 : i32
      %dma_wait3A_179 = tpu.memref_slice %arg2[%dma_wait3A_178] : memref<5120000xf32, #tpu.memory_space<hbm>> -> memref<64000xf32, #tpu.memory_space<hbm>>
      tpu.wait_dma2 semaphore(%arg6 : memref<!tpu.dma_semaphore, #tpu.memory_space<semaphore_mem>>) src(%dma_wait3A_179 : memref<64000xf32, #tpu.memory_space<hbm>>) dst(%dma_wait3A_177 : memref<64000xf32, #tpu.memory_space<vmem>>)
      %dma_start3A_180 = arith.constant 0 : i32
      %dma_start3A_181 = tpu.memref_slice %arg4[%dma_start3A_180] : memref<64000xf32, #tpu.memory_space<vmem>> -> memref<64000xf32, #tpu.memory_space<vmem>>
      %dma_start3A_182 = arith.constant 3200000 : i32
      %dma_start3A_183 = tpu.memref_slice %arg3[%dma_start3A_182] : memref<5120000xf32, #tpu.memory_space<hbm>> -> memref<64000xf32, #tpu.memory_space<hbm>>
      %dma_start3A_184 = arith.constant 3200000 : i32
      %dma_start3A_185 = tpu.memref_slice %arg3[%dma_start3A_184] : memref<5120000xf32, #tpu.memory_space<hbm>> -> memref<64000xf32, #tpu.memory_space<hbm>>
      %dma_start3A_186 = arith.constant 0 : i32
      %dma_start3A_187 = tpu.memref_slice %arg4[%dma_start3A_186] : memref<64000xf32, #tpu.memory_space<vmem>> -> memref<64000xf32, #tpu.memory_space<vmem>>
      tpu.enqueue_dma source(%dma_start3A_187 : memref<64000xf32, #tpu.memory_space<vmem>>) target(%dma_start3A_185 : memref<64000xf32, #tpu.memory_space<hbm>>) target_semaphore(%arg8 : memref<!tpu.dma_semaphore, #tpu.memory_space<semaphore_mem>>)
      %dma_wait3A_188 = arith.constant 0 : i32
      %dma_wait3A_189 = tpu.memref_slice %arg5[%dma_wait3A_188] : memref<64000xf32, #tpu.memory_space<vmem>> -> memref<64000xf32, #tpu.memory_space<vmem>>
      %dma_wait3A_190 = arith.constant 3264000 : i32
      %dma_wait3A_191 = tpu.memref_slice %arg2[%dma_wait3A_190] : memref<5120000xf32, #tpu.memory_space<hbm>> -> memref<64000xf32, #tpu.memory_space<hbm>>
      %dma_wait3A_192 = arith.constant 0 : i32
      %dma_wait3A_193 = tpu.memref_slice %arg5[%dma_wait3A_192] : memref<64000xf32, #tpu.memory_space<vmem>> -> memref<64000xf32, #tpu.memory_space<vmem>>
      %dma_wait3A_194 = arith.constant 3264000 : i32
      %dma_wait3A_195 = tpu.memref_slice %arg2[%dma_wait3A_194] : memref<5120000xf32, #tpu.memory_space<hbm>> -> memref<64000xf32, #tpu.memory_space<hbm>>
      tpu.wait_dma2 semaphore(%arg7 : memref<!tpu.dma_semaphore, #tpu.memory_space<semaphore_mem>>) src(%dma_wait3A_195 : memref<64000xf32, #tpu.memory_space<hbm>>) dst(%dma_wait3A_193 : memref<64000xf32, #tpu.memory_space<vmem>>)
      %dma_start3A_196 = arith.constant 0 : i32
      %dma_start3A_197 = tpu.memref_slice %arg5[%dma_start3A_196] : memref<64000xf32, #tpu.memory_space<vmem>> -> memref<64000xf32, #tpu.memory_space<vmem>>
      %dma_start3A_198 = arith.constant 3264000 : i32
      %dma_start3A_199 = tpu.memref_slice %arg3[%dma_start3A_198] : memref<5120000xf32, #tpu.memory_space<hbm>> -> memref<64000xf32, #tpu.memory_space<hbm>>
      %dma_start3A_200 = arith.constant 3264000 : i32
      %dma_start3A_201 = tpu.memref_slice %arg3[%dma_start3A_200] : memref<5120000xf32, #tpu.memory_space<hbm>> -> memref<64000xf32, #tpu.memory_space<hbm>>
      %dma_start3A_202 = arith.constant 0 : i32
      %dma_start3A_203 = tpu.memref_slice %arg5[%dma_start3A_202] : memref<64000xf32, #tpu.memory_space<vmem>> -> memref<64000xf32, #tpu.memory_space<vmem>>
      tpu.enqueue_dma source(%dma_start3A_203 : memref<64000xf32, #tpu.memory_space<vmem>>) target(%dma_start3A_201 : memref<64000xf32, #tpu.memory_space<hbm>>) target_semaphore(%arg9 : memref<!tpu.dma_semaphore, #tpu.memory_space<semaphore_mem>>)
      %dma_wait3A_204 = arith.constant 0 : i32
      %dma_wait3A_205 = tpu.memref_slice %arg4[%dma_wait3A_204] : memref<64000xf32, #tpu.memory_space<vmem>> -> memref<64000xf32, #tpu.memory_space<vmem>>
      %dma_wait3A_206 = arith.constant 3200000 : i32
      %dma_wait3A_207 = tpu.memref_slice %arg3[%dma_wait3A_206] : memref<5120000xf32, #tpu.memory_space<hbm>> -> memref<64000xf32, #tpu.memory_space<hbm>>
      %dma_wait3A_208 = arith.constant 3200000 : i32
      %dma_wait3A_209 = tpu.memref_slice %arg3[%dma_wait3A_208] : memref<5120000xf32, #tpu.memory_space<hbm>> -> memref<64000xf32, #tpu.memory_space<hbm>>
      %dma_wait3A_210 = arith.constant 0 : i32
      %dma_wait3A_211 = tpu.memref_slice %arg4[%dma_wait3A_210] : memref<64000xf32, #tpu.memory_space<vmem>> -> memref<64000xf32, #tpu.memory_space<vmem>>
      tpu.wait_dma2 semaphore(%arg8 : memref<!tpu.dma_semaphore, #tpu.memory_space<semaphore_mem>>) src(%dma_wait3A_211 : memref<64000xf32, #tpu.memory_space<vmem>>) dst(%dma_wait3A_209 : memref<64000xf32, #tpu.memory_space<hbm>>)
      %dma_start3A_212 = arith.constant 0 : i32
      %dma_start3A_213 = tpu.memref_slice %arg4[%dma_start3A_212] : memref<64000xf32, #tpu.memory_space<vmem>> -> memref<32000xf32, #tpu.memory_space<vmem>>
      %dma_start3A_214 = arith.constant 3328000 : i32
      %dma_start3A_215 = tpu.memref_slice %arg2[%dma_start3A_214] : memref<5120000xf32, #tpu.memory_space<hbm>> -> memref<32000xf32, #tpu.memory_space<hbm>>
      %dma_start3A_216 = arith.constant 0 : i32
      %dma_start3A_217 = tpu.memref_slice %arg4[%dma_start3A_216] : memref<64000xf32, #tpu.memory_space<vmem>> -> memref<32000xf32, #tpu.memory_space<vmem>>
      %dma_start3A_218 = arith.constant 3328000 : i32
      %dma_start3A_219 = tpu.memref_slice %arg2[%dma_start3A_218] : memref<5120000xf32, #tpu.memory_space<hbm>> -> memref<32000xf32, #tpu.memory_space<hbm>>
      tpu.enqueue_dma source(%dma_start3A_219 : memref<32000xf32, #tpu.memory_space<hbm>>) target(%dma_start3A_217 : memref<32000xf32, #tpu.memory_space<vmem>>) target_semaphore(%arg6 : memref<!tpu.dma_semaphore, #tpu.memory_space<semaphore_mem>>)
      %dma_wait3A_220 = arith.constant 0 : i32
      %dma_wait3A_221 = tpu.memref_slice %arg4[%dma_wait3A_220] : memref<64000xf32, #tpu.memory_space<vmem>> -> memref<32000xf32, #tpu.memory_space<vmem>>
      %dma_wait3A_222 = arith.constant 3328000 : i32
      %dma_wait3A_223 = tpu.memref_slice %arg2[%dma_wait3A_222] : memref<5120000xf32, #tpu.memory_space<hbm>> -> memref<32000xf32, #tpu.memory_space<hbm>>
      %dma_wait3A_224 = arith.constant 0 : i32
      %dma_wait3A_225 = tpu.memref_slice %arg4[%dma_wait3A_224] : memref<64000xf32, #tpu.memory_space<vmem>> -> memref<32000xf32, #tpu.memory_space<vmem>>
      %dma_wait3A_226 = arith.constant 3328000 : i32
      %dma_wait3A_227 = tpu.memref_slice %arg2[%dma_wait3A_226] : memref<5120000xf32, #tpu.memory_space<hbm>> -> memref<32000xf32, #tpu.memory_space<hbm>>
      tpu.wait_dma2 semaphore(%arg6 : memref<!tpu.dma_semaphore, #tpu.memory_space<semaphore_mem>>) src(%dma_wait3A_227 : memref<32000xf32, #tpu.memory_space<hbm>>) dst(%dma_wait3A_225 : memref<32000xf32, #tpu.memory_space<vmem>>)
      %dma_start3A_228 = arith.constant 0 : i32
      %dma_start3A_229 = tpu.memref_slice %arg4[%dma_start3A_228] : memref<64000xf32, #tpu.memory_space<vmem>> -> memref<32000xf32, #tpu.memory_space<vmem>>
      %dma_start3A_230 = arith.constant 3328000 : i32
      %dma_start3A_231 = tpu.memref_slice %arg3[%dma_start3A_230] : memref<5120000xf32, #tpu.memory_space<hbm>> -> memref<32000xf32, #tpu.memory_space<hbm>>
      %dma_start3A_232 = arith.constant 3328000 : i32
      %dma_start3A_233 = tpu.memref_slice %arg3[%dma_start3A_232] : memref<5120000xf32, #tpu.memory_space<hbm>> -> memref<32000xf32, #tpu.memory_space<hbm>>
      %dma_start3A_234 = arith.constant 0 : i32
      %dma_start3A_235 = tpu.memref_slice %arg4[%dma_start3A_234] : memref<64000xf32, #tpu.memory_space<vmem>> -> memref<32000xf32, #tpu.memory_space<vmem>>
      tpu.enqueue_dma source(%dma_start3A_235 : memref<32000xf32, #tpu.memory_space<vmem>>) target(%dma_start3A_233 : memref<32000xf32, #tpu.memory_space<hbm>>) target_semaphore(%arg8 : memref<!tpu.dma_semaphore, #tpu.memory_space<semaphore_mem>>)
      %dma_wait3A_236 = arith.constant 0 : i32
      %dma_wait3A_237 = tpu.memref_slice %arg5[%dma_wait3A_236] : memref<64000xf32, #tpu.memory_space<vmem>> -> memref<64000xf32, #tpu.memory_space<vmem>>
      %dma_wait3A_238 = arith.constant 3264000 : i32
      %dma_wait3A_239 = tpu.memref_slice %arg3[%dma_wait3A_238] : memref<5120000xf32, #tpu.memory_space<hbm>> -> memref<64000xf32, #tpu.memory_space<hbm>>
      %dma_wait3A_240 = arith.constant 3264000 : i32
      %dma_wait3A_241 = tpu.memref_slice %arg3[%dma_wait3A_240] : memref<5120000xf32, #tpu.memory_space<hbm>> -> memref<64000xf32, #tpu.memory_space<hbm>>
      %dma_wait3A_242 = arith.constant 0 : i32
      %dma_wait3A_243 = tpu.memref_slice %arg5[%dma_wait3A_242] : memref<64000xf32, #tpu.memory_space<vmem>> -> memref<64000xf32, #tpu.memory_space<vmem>>
      tpu.wait_dma2 semaphore(%arg9 : memref<!tpu.dma_semaphore, #tpu.memory_space<semaphore_mem>>) src(%dma_wait3A_243 : memref<64000xf32, #tpu.memory_space<vmem>>) dst(%dma_wait3A_241 : memref<64000xf32, #tpu.memory_space<hbm>>)
      %dma_wait3A_244 = arith.constant 0 : i32
      %dma_wait3A_245 = tpu.memref_slice %arg4[%dma_wait3A_244] : memref<64000xf32, #tpu.memory_space<vmem>> -> memref<32000xf32, #tpu.memory_space<vmem>>
      %dma_wait3A_246 = arith.constant 3328000 : i32
      %dma_wait3A_247 = tpu.memref_slice %arg3[%dma_wait3A_246] : memref<5120000xf32, #tpu.memory_space<hbm>> -> memref<32000xf32, #tpu.memory_space<hbm>>
      %dma_wait3A_248 = arith.constant 3328000 : i32
      %dma_wait3A_249 = tpu.memref_slice %arg3[%dma_wait3A_248] : memref<5120000xf32, #tpu.memory_space<hbm>> -> memref<32000xf32, #tpu.memory_space<hbm>>
      %dma_wait3A_250 = arith.constant 0 : i32
      %dma_wait3A_251 = tpu.memref_slice %arg4[%dma_wait3A_250] : memref<64000xf32, #tpu.memory_space<vmem>> -> memref<32000xf32, #tpu.memory_space<vmem>>
      tpu.wait_dma2 semaphore(%arg8 : memref<!tpu.dma_semaphore, #tpu.memory_space<semaphore_mem>>) src(%dma_wait3A_251 : memref<32000xf32, #tpu.memory_space<vmem>>) dst(%dma_wait3A_249 : memref<32000xf32, #tpu.memory_space<hbm>>)
    } else {
    }
    %eq3A_103 = arith.constant 21 : i32
    %eq3A_104 = arith.cmpi eq, %add3A, %eq3A_103 : i32
    %convert_element_type3A_105 = arith.extui %eq3A_104 : i1 to i32
    %cond3A_106 = arith.constant 0 : i32
    %cond3A_107 = arith.cmpi ne, %convert_element_type3A_105, %cond3A_106 : i32
    scf.if %cond3A_107 {
      %dma_start3A = arith.constant 0 : i32
      %dma_start3A_158 = tpu.memref_slice %arg4[%dma_start3A] : memref<64000xf32, #tpu.memory_space<vmem>> -> memref<64000xf32, #tpu.memory_space<vmem>>
      %dma_start3A_159 = arith.constant 3360000 : i32
      %dma_start3A_160 = tpu.memref_slice %arg2[%dma_start3A_159] : memref<5120000xf32, #tpu.memory_space<hbm>> -> memref<64000xf32, #tpu.memory_space<hbm>>
      %dma_start3A_161 = arith.constant 0 : i32
      %dma_start3A_162 = tpu.memref_slice %arg4[%dma_start3A_161] : memref<64000xf32, #tpu.memory_space<vmem>> -> memref<64000xf32, #tpu.memory_space<vmem>>
      %dma_start3A_163 = arith.constant 3360000 : i32
      %dma_start3A_164 = tpu.memref_slice %arg2[%dma_start3A_163] : memref<5120000xf32, #tpu.memory_space<hbm>> -> memref<64000xf32, #tpu.memory_space<hbm>>
      tpu.enqueue_dma source(%dma_start3A_164 : memref<64000xf32, #tpu.memory_space<hbm>>) target(%dma_start3A_162 : memref<64000xf32, #tpu.memory_space<vmem>>) target_semaphore(%arg6 : memref<!tpu.dma_semaphore, #tpu.memory_space<semaphore_mem>>)
      %dma_start3A_165 = arith.constant 0 : i32
      %dma_start3A_166 = tpu.memref_slice %arg5[%dma_start3A_165] : memref<64000xf32, #tpu.memory_space<vmem>> -> memref<64000xf32, #tpu.memory_space<vmem>>
      %dma_start3A_167 = arith.constant 3424000 : i32
      %dma_start3A_168 = tpu.memref_slice %arg2[%dma_start3A_167] : memref<5120000xf32, #tpu.memory_space<hbm>> -> memref<64000xf32, #tpu.memory_space<hbm>>
      %dma_start3A_169 = arith.constant 0 : i32
      %dma_start3A_170 = tpu.memref_slice %arg5[%dma_start3A_169] : memref<64000xf32, #tpu.memory_space<vmem>> -> memref<64000xf32, #tpu.memory_space<vmem>>
      %dma_start3A_171 = arith.constant 3424000 : i32
      %dma_start3A_172 = tpu.memref_slice %arg2[%dma_start3A_171] : memref<5120000xf32, #tpu.memory_space<hbm>> -> memref<64000xf32, #tpu.memory_space<hbm>>
      tpu.enqueue_dma source(%dma_start3A_172 : memref<64000xf32, #tpu.memory_space<hbm>>) target(%dma_start3A_170 : memref<64000xf32, #tpu.memory_space<vmem>>) target_semaphore(%arg7 : memref<!tpu.dma_semaphore, #tpu.memory_space<semaphore_mem>>)
      %dma_wait3A = arith.constant 0 : i32
      %dma_wait3A_173 = tpu.memref_slice %arg4[%dma_wait3A] : memref<64000xf32, #tpu.memory_space<vmem>> -> memref<64000xf32, #tpu.memory_space<vmem>>
      %dma_wait3A_174 = arith.constant 3360000 : i32
      %dma_wait3A_175 = tpu.memref_slice %arg2[%dma_wait3A_174] : memref<5120000xf32, #tpu.memory_space<hbm>> -> memref<64000xf32, #tpu.memory_space<hbm>>
      %dma_wait3A_176 = arith.constant 0 : i32
      %dma_wait3A_177 = tpu.memref_slice %arg4[%dma_wait3A_176] : memref<64000xf32, #tpu.memory_space<vmem>> -> memref<64000xf32, #tpu.memory_space<vmem>>
      %dma_wait3A_178 = arith.constant 3360000 : i32
      %dma_wait3A_179 = tpu.memref_slice %arg2[%dma_wait3A_178] : memref<5120000xf32, #tpu.memory_space<hbm>> -> memref<64000xf32, #tpu.memory_space<hbm>>
      tpu.wait_dma2 semaphore(%arg6 : memref<!tpu.dma_semaphore, #tpu.memory_space<semaphore_mem>>) src(%dma_wait3A_179 : memref<64000xf32, #tpu.memory_space<hbm>>) dst(%dma_wait3A_177 : memref<64000xf32, #tpu.memory_space<vmem>>)
      %dma_start3A_180 = arith.constant 0 : i32
      %dma_start3A_181 = tpu.memref_slice %arg4[%dma_start3A_180] : memref<64000xf32, #tpu.memory_space<vmem>> -> memref<64000xf32, #tpu.memory_space<vmem>>
      %dma_start3A_182 = arith.constant 3360000 : i32
      %dma_start3A_183 = tpu.memref_slice %arg3[%dma_start3A_182] : memref<5120000xf32, #tpu.memory_space<hbm>> -> memref<64000xf32, #tpu.memory_space<hbm>>
      %dma_start3A_184 = arith.constant 3360000 : i32
      %dma_start3A_185 = tpu.memref_slice %arg3[%dma_start3A_184] : memref<5120000xf32, #tpu.memory_space<hbm>> -> memref<64000xf32, #tpu.memory_space<hbm>>
      %dma_start3A_186 = arith.constant 0 : i32
      %dma_start3A_187 = tpu.memref_slice %arg4[%dma_start3A_186] : memref<64000xf32, #tpu.memory_space<vmem>> -> memref<64000xf32, #tpu.memory_space<vmem>>
      tpu.enqueue_dma source(%dma_start3A_187 : memref<64000xf32, #tpu.memory_space<vmem>>) target(%dma_start3A_185 : memref<64000xf32, #tpu.memory_space<hbm>>) target_semaphore(%arg8 : memref<!tpu.dma_semaphore, #tpu.memory_space<semaphore_mem>>)
      %dma_wait3A_188 = arith.constant 0 : i32
      %dma_wait3A_189 = tpu.memref_slice %arg5[%dma_wait3A_188] : memref<64000xf32, #tpu.memory_space<vmem>> -> memref<64000xf32, #tpu.memory_space<vmem>>
      %dma_wait3A_190 = arith.constant 3424000 : i32
      %dma_wait3A_191 = tpu.memref_slice %arg2[%dma_wait3A_190] : memref<5120000xf32, #tpu.memory_space<hbm>> -> memref<64000xf32, #tpu.memory_space<hbm>>
      %dma_wait3A_192 = arith.constant 0 : i32
      %dma_wait3A_193 = tpu.memref_slice %arg5[%dma_wait3A_192] : memref<64000xf32, #tpu.memory_space<vmem>> -> memref<64000xf32, #tpu.memory_space<vmem>>
      %dma_wait3A_194 = arith.constant 3424000 : i32
      %dma_wait3A_195 = tpu.memref_slice %arg2[%dma_wait3A_194] : memref<5120000xf32, #tpu.memory_space<hbm>> -> memref<64000xf32, #tpu.memory_space<hbm>>
      tpu.wait_dma2 semaphore(%arg7 : memref<!tpu.dma_semaphore, #tpu.memory_space<semaphore_mem>>) src(%dma_wait3A_195 : memref<64000xf32, #tpu.memory_space<hbm>>) dst(%dma_wait3A_193 : memref<64000xf32, #tpu.memory_space<vmem>>)
      %dma_start3A_196 = arith.constant 0 : i32
      %dma_start3A_197 = tpu.memref_slice %arg5[%dma_start3A_196] : memref<64000xf32, #tpu.memory_space<vmem>> -> memref<64000xf32, #tpu.memory_space<vmem>>
      %dma_start3A_198 = arith.constant 3424000 : i32
      %dma_start3A_199 = tpu.memref_slice %arg3[%dma_start3A_198] : memref<5120000xf32, #tpu.memory_space<hbm>> -> memref<64000xf32, #tpu.memory_space<hbm>>
      %dma_start3A_200 = arith.constant 3424000 : i32
      %dma_start3A_201 = tpu.memref_slice %arg3[%dma_start3A_200] : memref<5120000xf32, #tpu.memory_space<hbm>> -> memref<64000xf32, #tpu.memory_space<hbm>>
      %dma_start3A_202 = arith.constant 0 : i32
      %dma_start3A_203 = tpu.memref_slice %arg5[%dma_start3A_202] : memref<64000xf32, #tpu.memory_space<vmem>> -> memref<64000xf32, #tpu.memory_space<vmem>>
      tpu.enqueue_dma source(%dma_start3A_203 : memref<64000xf32, #tpu.memory_space<vmem>>) target(%dma_start3A_201 : memref<64000xf32, #tpu.memory_space<hbm>>) target_semaphore(%arg9 : memref<!tpu.dma_semaphore, #tpu.memory_space<semaphore_mem>>)
      %dma_wait3A_204 = arith.constant 0 : i32
      %dma_wait3A_205 = tpu.memref_slice %arg4[%dma_wait3A_204] : memref<64000xf32, #tpu.memory_space<vmem>> -> memref<64000xf32, #tpu.memory_space<vmem>>
      %dma_wait3A_206 = arith.constant 3360000 : i32
      %dma_wait3A_207 = tpu.memref_slice %arg3[%dma_wait3A_206] : memref<5120000xf32, #tpu.memory_space<hbm>> -> memref<64000xf32, #tpu.memory_space<hbm>>
      %dma_wait3A_208 = arith.constant 3360000 : i32
      %dma_wait3A_209 = tpu.memref_slice %arg3[%dma_wait3A_208] : memref<5120000xf32, #tpu.memory_space<hbm>> -> memref<64000xf32, #tpu.memory_space<hbm>>
      %dma_wait3A_210 = arith.constant 0 : i32
      %dma_wait3A_211 = tpu.memref_slice %arg4[%dma_wait3A_210] : memref<64000xf32, #tpu.memory_space<vmem>> -> memref<64000xf32, #tpu.memory_space<vmem>>
      tpu.wait_dma2 semaphore(%arg8 : memref<!tpu.dma_semaphore, #tpu.memory_space<semaphore_mem>>) src(%dma_wait3A_211 : memref<64000xf32, #tpu.memory_space<vmem>>) dst(%dma_wait3A_209 : memref<64000xf32, #tpu.memory_space<hbm>>)
      %dma_start3A_212 = arith.constant 0 : i32
      %dma_start3A_213 = tpu.memref_slice %arg4[%dma_start3A_212] : memref<64000xf32, #tpu.memory_space<vmem>> -> memref<32000xf32, #tpu.memory_space<vmem>>
      %dma_start3A_214 = arith.constant 3488000 : i32
      %dma_start3A_215 = tpu.memref_slice %arg2[%dma_start3A_214] : memref<5120000xf32, #tpu.memory_space<hbm>> -> memref<32000xf32, #tpu.memory_space<hbm>>
      %dma_start3A_216 = arith.constant 0 : i32
      %dma_start3A_217 = tpu.memref_slice %arg4[%dma_start3A_216] : memref<64000xf32, #tpu.memory_space<vmem>> -> memref<32000xf32, #tpu.memory_space<vmem>>
      %dma_start3A_218 = arith.constant 3488000 : i32
      %dma_start3A_219 = tpu.memref_slice %arg2[%dma_start3A_218] : memref<5120000xf32, #tpu.memory_space<hbm>> -> memref<32000xf32, #tpu.memory_space<hbm>>
      tpu.enqueue_dma source(%dma_start3A_219 : memref<32000xf32, #tpu.memory_space<hbm>>) target(%dma_start3A_217 : memref<32000xf32, #tpu.memory_space<vmem>>) target_semaphore(%arg6 : memref<!tpu.dma_semaphore, #tpu.memory_space<semaphore_mem>>)
      %dma_wait3A_220 = arith.constant 0 : i32
      %dma_wait3A_221 = tpu.memref_slice %arg4[%dma_wait3A_220] : memref<64000xf32, #tpu.memory_space<vmem>> -> memref<32000xf32, #tpu.memory_space<vmem>>
      %dma_wait3A_222 = arith.constant 3488000 : i32
      %dma_wait3A_223 = tpu.memref_slice %arg2[%dma_wait3A_222] : memref<5120000xf32, #tpu.memory_space<hbm>> -> memref<32000xf32, #tpu.memory_space<hbm>>
      %dma_wait3A_224 = arith.constant 0 : i32
      %dma_wait3A_225 = tpu.memref_slice %arg4[%dma_wait3A_224] : memref<64000xf32, #tpu.memory_space<vmem>> -> memref<32000xf32, #tpu.memory_space<vmem>>
      %dma_wait3A_226 = arith.constant 3488000 : i32
      %dma_wait3A_227 = tpu.memref_slice %arg2[%dma_wait3A_226] : memref<5120000xf32, #tpu.memory_space<hbm>> -> memref<32000xf32, #tpu.memory_space<hbm>>
      tpu.wait_dma2 semaphore(%arg6 : memref<!tpu.dma_semaphore, #tpu.memory_space<semaphore_mem>>) src(%dma_wait3A_227 : memref<32000xf32, #tpu.memory_space<hbm>>) dst(%dma_wait3A_225 : memref<32000xf32, #tpu.memory_space<vmem>>)
      %dma_start3A_228 = arith.constant 0 : i32
      %dma_start3A_229 = tpu.memref_slice %arg4[%dma_start3A_228] : memref<64000xf32, #tpu.memory_space<vmem>> -> memref<32000xf32, #tpu.memory_space<vmem>>
      %dma_start3A_230 = arith.constant 3488000 : i32
      %dma_start3A_231 = tpu.memref_slice %arg3[%dma_start3A_230] : memref<5120000xf32, #tpu.memory_space<hbm>> -> memref<32000xf32, #tpu.memory_space<hbm>>
      %dma_start3A_232 = arith.constant 3488000 : i32
      %dma_start3A_233 = tpu.memref_slice %arg3[%dma_start3A_232] : memref<5120000xf32, #tpu.memory_space<hbm>> -> memref<32000xf32, #tpu.memory_space<hbm>>
      %dma_start3A_234 = arith.constant 0 : i32
      %dma_start3A_235 = tpu.memref_slice %arg4[%dma_start3A_234] : memref<64000xf32, #tpu.memory_space<vmem>> -> memref<32000xf32, #tpu.memory_space<vmem>>
      tpu.enqueue_dma source(%dma_start3A_235 : memref<32000xf32, #tpu.memory_space<vmem>>) target(%dma_start3A_233 : memref<32000xf32, #tpu.memory_space<hbm>>) target_semaphore(%arg8 : memref<!tpu.dma_semaphore, #tpu.memory_space<semaphore_mem>>)
      %dma_wait3A_236 = arith.constant 0 : i32
      %dma_wait3A_237 = tpu.memref_slice %arg5[%dma_wait3A_236] : memref<64000xf32, #tpu.memory_space<vmem>> -> memref<64000xf32, #tpu.memory_space<vmem>>
      %dma_wait3A_238 = arith.constant 3424000 : i32
      %dma_wait3A_239 = tpu.memref_slice %arg3[%dma_wait3A_238] : memref<5120000xf32, #tpu.memory_space<hbm>> -> memref<64000xf32, #tpu.memory_space<hbm>>
      %dma_wait3A_240 = arith.constant 3424000 : i32
      %dma_wait3A_241 = tpu.memref_slice %arg3[%dma_wait3A_240] : memref<5120000xf32, #tpu.memory_space<hbm>> -> memref<64000xf32, #tpu.memory_space<hbm>>
      %dma_wait3A_242 = arith.constant 0 : i32
      %dma_wait3A_243 = tpu.memref_slice %arg5[%dma_wait3A_242] : memref<64000xf32, #tpu.memory_space<vmem>> -> memref<64000xf32, #tpu.memory_space<vmem>>
      tpu.wait_dma2 semaphore(%arg9 : memref<!tpu.dma_semaphore, #tpu.memory_space<semaphore_mem>>) src(%dma_wait3A_243 : memref<64000xf32, #tpu.memory_space<vmem>>) dst(%dma_wait3A_241 : memref<64000xf32, #tpu.memory_space<hbm>>)
      %dma_wait3A_244 = arith.constant 0 : i32
      %dma_wait3A_245 = tpu.memref_slice %arg4[%dma_wait3A_244] : memref<64000xf32, #tpu.memory_space<vmem>> -> memref<32000xf32, #tpu.memory_space<vmem>>
      %dma_wait3A_246 = arith.constant 3488000 : i32
      %dma_wait3A_247 = tpu.memref_slice %arg3[%dma_wait3A_246] : memref<5120000xf32, #tpu.memory_space<hbm>> -> memref<32000xf32, #tpu.memory_space<hbm>>
      %dma_wait3A_248 = arith.constant 3488000 : i32
      %dma_wait3A_249 = tpu.memref_slice %arg3[%dma_wait3A_248] : memref<5120000xf32, #tpu.memory_space<hbm>> -> memref<32000xf32, #tpu.memory_space<hbm>>
      %dma_wait3A_250 = arith.constant 0 : i32
      %dma_wait3A_251 = tpu.memref_slice %arg4[%dma_wait3A_250] : memref<64000xf32, #tpu.memory_space<vmem>> -> memref<32000xf32, #tpu.memory_space<vmem>>
      tpu.wait_dma2 semaphore(%arg8 : memref<!tpu.dma_semaphore, #tpu.memory_space<semaphore_mem>>) src(%dma_wait3A_251 : memref<32000xf32, #tpu.memory_space<vmem>>) dst(%dma_wait3A_249 : memref<32000xf32, #tpu.memory_space<hbm>>)
    } else {
    }
    %eq3A_108 = arith.constant 22 : i32
    %eq3A_109 = arith.cmpi eq, %add3A, %eq3A_108 : i32
    %convert_element_type3A_110 = arith.extui %eq3A_109 : i1 to i32
    %cond3A_111 = arith.constant 0 : i32
    %cond3A_112 = arith.cmpi ne, %convert_element_type3A_110, %cond3A_111 : i32
    scf.if %cond3A_112 {
      %dma_start3A = arith.constant 0 : i32
      %dma_start3A_158 = tpu.memref_slice %arg4[%dma_start3A] : memref<64000xf32, #tpu.memory_space<vmem>> -> memref<64000xf32, #tpu.memory_space<vmem>>
      %dma_start3A_159 = arith.constant 3520000 : i32
      %dma_start3A_160 = tpu.memref_slice %arg2[%dma_start3A_159] : memref<5120000xf32, #tpu.memory_space<hbm>> -> memref<64000xf32, #tpu.memory_space<hbm>>
      %dma_start3A_161 = arith.constant 0 : i32
      %dma_start3A_162 = tpu.memref_slice %arg4[%dma_start3A_161] : memref<64000xf32, #tpu.memory_space<vmem>> -> memref<64000xf32, #tpu.memory_space<vmem>>
      %dma_start3A_163 = arith.constant 3520000 : i32
      %dma_start3A_164 = tpu.memref_slice %arg2[%dma_start3A_163] : memref<5120000xf32, #tpu.memory_space<hbm>> -> memref<64000xf32, #tpu.memory_space<hbm>>
      tpu.enqueue_dma source(%dma_start3A_164 : memref<64000xf32, #tpu.memory_space<hbm>>) target(%dma_start3A_162 : memref<64000xf32, #tpu.memory_space<vmem>>) target_semaphore(%arg6 : memref<!tpu.dma_semaphore, #tpu.memory_space<semaphore_mem>>)
      %dma_start3A_165 = arith.constant 0 : i32
      %dma_start3A_166 = tpu.memref_slice %arg5[%dma_start3A_165] : memref<64000xf32, #tpu.memory_space<vmem>> -> memref<64000xf32, #tpu.memory_space<vmem>>
      %dma_start3A_167 = arith.constant 3584000 : i32
      %dma_start3A_168 = tpu.memref_slice %arg2[%dma_start3A_167] : memref<5120000xf32, #tpu.memory_space<hbm>> -> memref<64000xf32, #tpu.memory_space<hbm>>
      %dma_start3A_169 = arith.constant 0 : i32
      %dma_start3A_170 = tpu.memref_slice %arg5[%dma_start3A_169] : memref<64000xf32, #tpu.memory_space<vmem>> -> memref<64000xf32, #tpu.memory_space<vmem>>
      %dma_start3A_171 = arith.constant 3584000 : i32
      %dma_start3A_172 = tpu.memref_slice %arg2[%dma_start3A_171] : memref<5120000xf32, #tpu.memory_space<hbm>> -> memref<64000xf32, #tpu.memory_space<hbm>>
      tpu.enqueue_dma source(%dma_start3A_172 : memref<64000xf32, #tpu.memory_space<hbm>>) target(%dma_start3A_170 : memref<64000xf32, #tpu.memory_space<vmem>>) target_semaphore(%arg7 : memref<!tpu.dma_semaphore, #tpu.memory_space<semaphore_mem>>)
      %dma_wait3A = arith.constant 0 : i32
      %dma_wait3A_173 = tpu.memref_slice %arg4[%dma_wait3A] : memref<64000xf32, #tpu.memory_space<vmem>> -> memref<64000xf32, #tpu.memory_space<vmem>>
      %dma_wait3A_174 = arith.constant 3520000 : i32
      %dma_wait3A_175 = tpu.memref_slice %arg2[%dma_wait3A_174] : memref<5120000xf32, #tpu.memory_space<hbm>> -> memref<64000xf32, #tpu.memory_space<hbm>>
      %dma_wait3A_176 = arith.constant 0 : i32
      %dma_wait3A_177 = tpu.memref_slice %arg4[%dma_wait3A_176] : memref<64000xf32, #tpu.memory_space<vmem>> -> memref<64000xf32, #tpu.memory_space<vmem>>
      %dma_wait3A_178 = arith.constant 3520000 : i32
      %dma_wait3A_179 = tpu.memref_slice %arg2[%dma_wait3A_178] : memref<5120000xf32, #tpu.memory_space<hbm>> -> memref<64000xf32, #tpu.memory_space<hbm>>
      tpu.wait_dma2 semaphore(%arg6 : memref<!tpu.dma_semaphore, #tpu.memory_space<semaphore_mem>>) src(%dma_wait3A_179 : memref<64000xf32, #tpu.memory_space<hbm>>) dst(%dma_wait3A_177 : memref<64000xf32, #tpu.memory_space<vmem>>)
      %dma_start3A_180 = arith.constant 0 : i32
      %dma_start3A_181 = tpu.memref_slice %arg4[%dma_start3A_180] : memref<64000xf32, #tpu.memory_space<vmem>> -> memref<64000xf32, #tpu.memory_space<vmem>>
      %dma_start3A_182 = arith.constant 3520000 : i32
      %dma_start3A_183 = tpu.memref_slice %arg3[%dma_start3A_182] : memref<5120000xf32, #tpu.memory_space<hbm>> -> memref<64000xf32, #tpu.memory_space<hbm>>
      %dma_start3A_184 = arith.constant 3520000 : i32
      %dma_start3A_185 = tpu.memref_slice %arg3[%dma_start3A_184] : memref<5120000xf32, #tpu.memory_space<hbm>> -> memref<64000xf32, #tpu.memory_space<hbm>>
      %dma_start3A_186 = arith.constant 0 : i32
      %dma_start3A_187 = tpu.memref_slice %arg4[%dma_start3A_186] : memref<64000xf32, #tpu.memory_space<vmem>> -> memref<64000xf32, #tpu.memory_space<vmem>>
      tpu.enqueue_dma source(%dma_start3A_187 : memref<64000xf32, #tpu.memory_space<vmem>>) target(%dma_start3A_185 : memref<64000xf32, #tpu.memory_space<hbm>>) target_semaphore(%arg8 : memref<!tpu.dma_semaphore, #tpu.memory_space<semaphore_mem>>)
      %dma_wait3A_188 = arith.constant 0 : i32
      %dma_wait3A_189 = tpu.memref_slice %arg5[%dma_wait3A_188] : memref<64000xf32, #tpu.memory_space<vmem>> -> memref<64000xf32, #tpu.memory_space<vmem>>
      %dma_wait3A_190 = arith.constant 3584000 : i32
      %dma_wait3A_191 = tpu.memref_slice %arg2[%dma_wait3A_190] : memref<5120000xf32, #tpu.memory_space<hbm>> -> memref<64000xf32, #tpu.memory_space<hbm>>
      %dma_wait3A_192 = arith.constant 0 : i32
      %dma_wait3A_193 = tpu.memref_slice %arg5[%dma_wait3A_192] : memref<64000xf32, #tpu.memory_space<vmem>> -> memref<64000xf32, #tpu.memory_space<vmem>>
      %dma_wait3A_194 = arith.constant 3584000 : i32
      %dma_wait3A_195 = tpu.memref_slice %arg2[%dma_wait3A_194] : memref<5120000xf32, #tpu.memory_space<hbm>> -> memref<64000xf32, #tpu.memory_space<hbm>>
      tpu.wait_dma2 semaphore(%arg7 : memref<!tpu.dma_semaphore, #tpu.memory_space<semaphore_mem>>) src(%dma_wait3A_195 : memref<64000xf32, #tpu.memory_space<hbm>>) dst(%dma_wait3A_193 : memref<64000xf32, #tpu.memory_space<vmem>>)
      %dma_start3A_196 = arith.constant 0 : i32
      %dma_start3A_197 = tpu.memref_slice %arg5[%dma_start3A_196] : memref<64000xf32, #tpu.memory_space<vmem>> -> memref<64000xf32, #tpu.memory_space<vmem>>
      %dma_start3A_198 = arith.constant 3584000 : i32
      %dma_start3A_199 = tpu.memref_slice %arg3[%dma_start3A_198] : memref<5120000xf32, #tpu.memory_space<hbm>> -> memref<64000xf32, #tpu.memory_space<hbm>>
      %dma_start3A_200 = arith.constant 3584000 : i32
      %dma_start3A_201 = tpu.memref_slice %arg3[%dma_start3A_200] : memref<5120000xf32, #tpu.memory_space<hbm>> -> memref<64000xf32, #tpu.memory_space<hbm>>
      %dma_start3A_202 = arith.constant 0 : i32
      %dma_start3A_203 = tpu.memref_slice %arg5[%dma_start3A_202] : memref<64000xf32, #tpu.memory_space<vmem>> -> memref<64000xf32, #tpu.memory_space<vmem>>
      tpu.enqueue_dma source(%dma_start3A_203 : memref<64000xf32, #tpu.memory_space<vmem>>) target(%dma_start3A_201 : memref<64000xf32, #tpu.memory_space<hbm>>) target_semaphore(%arg9 : memref<!tpu.dma_semaphore, #tpu.memory_space<semaphore_mem>>)
      %dma_wait3A_204 = arith.constant 0 : i32
      %dma_wait3A_205 = tpu.memref_slice %arg4[%dma_wait3A_204] : memref<64000xf32, #tpu.memory_space<vmem>> -> memref<64000xf32, #tpu.memory_space<vmem>>
      %dma_wait3A_206 = arith.constant 3520000 : i32
      %dma_wait3A_207 = tpu.memref_slice %arg3[%dma_wait3A_206] : memref<5120000xf32, #tpu.memory_space<hbm>> -> memref<64000xf32, #tpu.memory_space<hbm>>
      %dma_wait3A_208 = arith.constant 3520000 : i32
      %dma_wait3A_209 = tpu.memref_slice %arg3[%dma_wait3A_208] : memref<5120000xf32, #tpu.memory_space<hbm>> -> memref<64000xf32, #tpu.memory_space<hbm>>
      %dma_wait3A_210 = arith.constant 0 : i32
      %dma_wait3A_211 = tpu.memref_slice %arg4[%dma_wait3A_210] : memref<64000xf32, #tpu.memory_space<vmem>> -> memref<64000xf32, #tpu.memory_space<vmem>>
      tpu.wait_dma2 semaphore(%arg8 : memref<!tpu.dma_semaphore, #tpu.memory_space<semaphore_mem>>) src(%dma_wait3A_211 : memref<64000xf32, #tpu.memory_space<vmem>>) dst(%dma_wait3A_209 : memref<64000xf32, #tpu.memory_space<hbm>>)
      %dma_start3A_212 = arith.constant 0 : i32
      %dma_start3A_213 = tpu.memref_slice %arg4[%dma_start3A_212] : memref<64000xf32, #tpu.memory_space<vmem>> -> memref<32000xf32, #tpu.memory_space<vmem>>
      %dma_start3A_214 = arith.constant 3648000 : i32
      %dma_start3A_215 = tpu.memref_slice %arg2[%dma_start3A_214] : memref<5120000xf32, #tpu.memory_space<hbm>> -> memref<32000xf32, #tpu.memory_space<hbm>>
      %dma_start3A_216 = arith.constant 0 : i32
      %dma_start3A_217 = tpu.memref_slice %arg4[%dma_start3A_216] : memref<64000xf32, #tpu.memory_space<vmem>> -> memref<32000xf32, #tpu.memory_space<vmem>>
      %dma_start3A_218 = arith.constant 3648000 : i32
      %dma_start3A_219 = tpu.memref_slice %arg2[%dma_start3A_218] : memref<5120000xf32, #tpu.memory_space<hbm>> -> memref<32000xf32, #tpu.memory_space<hbm>>
      tpu.enqueue_dma source(%dma_start3A_219 : memref<32000xf32, #tpu.memory_space<hbm>>) target(%dma_start3A_217 : memref<32000xf32, #tpu.memory_space<vmem>>) target_semaphore(%arg6 : memref<!tpu.dma_semaphore, #tpu.memory_space<semaphore_mem>>)
      %dma_wait3A_220 = arith.constant 0 : i32
      %dma_wait3A_221 = tpu.memref_slice %arg4[%dma_wait3A_220] : memref<64000xf32, #tpu.memory_space<vmem>> -> memref<32000xf32, #tpu.memory_space<vmem>>
      %dma_wait3A_222 = arith.constant 3648000 : i32
      %dma_wait3A_223 = tpu.memref_slice %arg2[%dma_wait3A_222] : memref<5120000xf32, #tpu.memory_space<hbm>> -> memref<32000xf32, #tpu.memory_space<hbm>>
      %dma_wait3A_224 = arith.constant 0 : i32
      %dma_wait3A_225 = tpu.memref_slice %arg4[%dma_wait3A_224] : memref<64000xf32, #tpu.memory_space<vmem>> -> memref<32000xf32, #tpu.memory_space<vmem>>
      %dma_wait3A_226 = arith.constant 3648000 : i32
      %dma_wait3A_227 = tpu.memref_slice %arg2[%dma_wait3A_226] : memref<5120000xf32, #tpu.memory_space<hbm>> -> memref<32000xf32, #tpu.memory_space<hbm>>
      tpu.wait_dma2 semaphore(%arg6 : memref<!tpu.dma_semaphore, #tpu.memory_space<semaphore_mem>>) src(%dma_wait3A_227 : memref<32000xf32, #tpu.memory_space<hbm>>) dst(%dma_wait3A_225 : memref<32000xf32, #tpu.memory_space<vmem>>)
      %dma_start3A_228 = arith.constant 0 : i32
      %dma_start3A_229 = tpu.memref_slice %arg4[%dma_start3A_228] : memref<64000xf32, #tpu.memory_space<vmem>> -> memref<32000xf32, #tpu.memory_space<vmem>>
      %dma_start3A_230 = arith.constant 3648000 : i32
      %dma_start3A_231 = tpu.memref_slice %arg3[%dma_start3A_230] : memref<5120000xf32, #tpu.memory_space<hbm>> -> memref<32000xf32, #tpu.memory_space<hbm>>
      %dma_start3A_232 = arith.constant 3648000 : i32
      %dma_start3A_233 = tpu.memref_slice %arg3[%dma_start3A_232] : memref<5120000xf32, #tpu.memory_space<hbm>> -> memref<32000xf32, #tpu.memory_space<hbm>>
      %dma_start3A_234 = arith.constant 0 : i32
      %dma_start3A_235 = tpu.memref_slice %arg4[%dma_start3A_234] : memref<64000xf32, #tpu.memory_space<vmem>> -> memref<32000xf32, #tpu.memory_space<vmem>>
      tpu.enqueue_dma source(%dma_start3A_235 : memref<32000xf32, #tpu.memory_space<vmem>>) target(%dma_start3A_233 : memref<32000xf32, #tpu.memory_space<hbm>>) target_semaphore(%arg8 : memref<!tpu.dma_semaphore, #tpu.memory_space<semaphore_mem>>)
      %dma_wait3A_236 = arith.constant 0 : i32
      %dma_wait3A_237 = tpu.memref_slice %arg5[%dma_wait3A_236] : memref<64000xf32, #tpu.memory_space<vmem>> -> memref<64000xf32, #tpu.memory_space<vmem>>
      %dma_wait3A_238 = arith.constant 3584000 : i32
      %dma_wait3A_239 = tpu.memref_slice %arg3[%dma_wait3A_238] : memref<5120000xf32, #tpu.memory_space<hbm>> -> memref<64000xf32, #tpu.memory_space<hbm>>
      %dma_wait3A_240 = arith.constant 3584000 : i32
      %dma_wait3A_241 = tpu.memref_slice %arg3[%dma_wait3A_240] : memref<5120000xf32, #tpu.memory_space<hbm>> -> memref<64000xf32, #tpu.memory_space<hbm>>
      %dma_wait3A_242 = arith.constant 0 : i32
      %dma_wait3A_243 = tpu.memref_slice %arg5[%dma_wait3A_242] : memref<64000xf32, #tpu.memory_space<vmem>> -> memref<64000xf32, #tpu.memory_space<vmem>>
      tpu.wait_dma2 semaphore(%arg9 : memref<!tpu.dma_semaphore, #tpu.memory_space<semaphore_mem>>) src(%dma_wait3A_243 : memref<64000xf32, #tpu.memory_space<vmem>>) dst(%dma_wait3A_241 : memref<64000xf32, #tpu.memory_space<hbm>>)
      %dma_wait3A_244 = arith.constant 0 : i32
      %dma_wait3A_245 = tpu.memref_slice %arg4[%dma_wait3A_244] : memref<64000xf32, #tpu.memory_space<vmem>> -> memref<32000xf32, #tpu.memory_space<vmem>>
      %dma_wait3A_246 = arith.constant 3648000 : i32
      %dma_wait3A_247 = tpu.memref_slice %arg3[%dma_wait3A_246] : memref<5120000xf32, #tpu.memory_space<hbm>> -> memref<32000xf32, #tpu.memory_space<hbm>>
      %dma_wait3A_248 = arith.constant 3648000 : i32
      %dma_wait3A_249 = tpu.memref_slice %arg3[%dma_wait3A_248] : memref<5120000xf32, #tpu.memory_space<hbm>> -> memref<32000xf32, #tpu.memory_space<hbm>>
      %dma_wait3A_250 = arith.constant 0 : i32
      %dma_wait3A_251 = tpu.memref_slice %arg4[%dma_wait3A_250] : memref<64000xf32, #tpu.memory_space<vmem>> -> memref<32000xf32, #tpu.memory_space<vmem>>
      tpu.wait_dma2 semaphore(%arg8 : memref<!tpu.dma_semaphore, #tpu.memory_space<semaphore_mem>>) src(%dma_wait3A_251 : memref<32000xf32, #tpu.memory_space<vmem>>) dst(%dma_wait3A_249 : memref<32000xf32, #tpu.memory_space<hbm>>)
    } else {
    }
    %eq3A_113 = arith.constant 23 : i32
    %eq3A_114 = arith.cmpi eq, %add3A, %eq3A_113 : i32
    %convert_element_type3A_115 = arith.extui %eq3A_114 : i1 to i32
    %cond3A_116 = arith.constant 0 : i32
    %cond3A_117 = arith.cmpi ne, %convert_element_type3A_115, %cond3A_116 : i32
    scf.if %cond3A_117 {
      %dma_start3A = arith.constant 0 : i32
      %dma_start3A_158 = tpu.memref_slice %arg4[%dma_start3A] : memref<64000xf32, #tpu.memory_space<vmem>> -> memref<64000xf32, #tpu.memory_space<vmem>>
      %dma_start3A_159 = arith.constant 3680000 : i32
      %dma_start3A_160 = tpu.memref_slice %arg2[%dma_start3A_159] : memref<5120000xf32, #tpu.memory_space<hbm>> -> memref<64000xf32, #tpu.memory_space<hbm>>
      %dma_start3A_161 = arith.constant 0 : i32
      %dma_start3A_162 = tpu.memref_slice %arg4[%dma_start3A_161] : memref<64000xf32, #tpu.memory_space<vmem>> -> memref<64000xf32, #tpu.memory_space<vmem>>
      %dma_start3A_163 = arith.constant 3680000 : i32
      %dma_start3A_164 = tpu.memref_slice %arg2[%dma_start3A_163] : memref<5120000xf32, #tpu.memory_space<hbm>> -> memref<64000xf32, #tpu.memory_space<hbm>>
      tpu.enqueue_dma source(%dma_start3A_164 : memref<64000xf32, #tpu.memory_space<hbm>>) target(%dma_start3A_162 : memref<64000xf32, #tpu.memory_space<vmem>>) target_semaphore(%arg6 : memref<!tpu.dma_semaphore, #tpu.memory_space<semaphore_mem>>)
      %dma_start3A_165 = arith.constant 0 : i32
      %dma_start3A_166 = tpu.memref_slice %arg5[%dma_start3A_165] : memref<64000xf32, #tpu.memory_space<vmem>> -> memref<64000xf32, #tpu.memory_space<vmem>>
      %dma_start3A_167 = arith.constant 3744000 : i32
      %dma_start3A_168 = tpu.memref_slice %arg2[%dma_start3A_167] : memref<5120000xf32, #tpu.memory_space<hbm>> -> memref<64000xf32, #tpu.memory_space<hbm>>
      %dma_start3A_169 = arith.constant 0 : i32
      %dma_start3A_170 = tpu.memref_slice %arg5[%dma_start3A_169] : memref<64000xf32, #tpu.memory_space<vmem>> -> memref<64000xf32, #tpu.memory_space<vmem>>
      %dma_start3A_171 = arith.constant 3744000 : i32
      %dma_start3A_172 = tpu.memref_slice %arg2[%dma_start3A_171] : memref<5120000xf32, #tpu.memory_space<hbm>> -> memref<64000xf32, #tpu.memory_space<hbm>>
      tpu.enqueue_dma source(%dma_start3A_172 : memref<64000xf32, #tpu.memory_space<hbm>>) target(%dma_start3A_170 : memref<64000xf32, #tpu.memory_space<vmem>>) target_semaphore(%arg7 : memref<!tpu.dma_semaphore, #tpu.memory_space<semaphore_mem>>)
      %dma_wait3A = arith.constant 0 : i32
      %dma_wait3A_173 = tpu.memref_slice %arg4[%dma_wait3A] : memref<64000xf32, #tpu.memory_space<vmem>> -> memref<64000xf32, #tpu.memory_space<vmem>>
      %dma_wait3A_174 = arith.constant 3680000 : i32
      %dma_wait3A_175 = tpu.memref_slice %arg2[%dma_wait3A_174] : memref<5120000xf32, #tpu.memory_space<hbm>> -> memref<64000xf32, #tpu.memory_space<hbm>>
      %dma_wait3A_176 = arith.constant 0 : i32
      %dma_wait3A_177 = tpu.memref_slice %arg4[%dma_wait3A_176] : memref<64000xf32, #tpu.memory_space<vmem>> -> memref<64000xf32, #tpu.memory_space<vmem>>
      %dma_wait3A_178 = arith.constant 3680000 : i32
      %dma_wait3A_179 = tpu.memref_slice %arg2[%dma_wait3A_178] : memref<5120000xf32, #tpu.memory_space<hbm>> -> memref<64000xf32, #tpu.memory_space<hbm>>
      tpu.wait_dma2 semaphore(%arg6 : memref<!tpu.dma_semaphore, #tpu.memory_space<semaphore_mem>>) src(%dma_wait3A_179 : memref<64000xf32, #tpu.memory_space<hbm>>) dst(%dma_wait3A_177 : memref<64000xf32, #tpu.memory_space<vmem>>)
      %dma_start3A_180 = arith.constant 0 : i32
      %dma_start3A_181 = tpu.memref_slice %arg4[%dma_start3A_180] : memref<64000xf32, #tpu.memory_space<vmem>> -> memref<64000xf32, #tpu.memory_space<vmem>>
      %dma_start3A_182 = arith.constant 3680000 : i32
      %dma_start3A_183 = tpu.memref_slice %arg3[%dma_start3A_182] : memref<5120000xf32, #tpu.memory_space<hbm>> -> memref<64000xf32, #tpu.memory_space<hbm>>
      %dma_start3A_184 = arith.constant 3680000 : i32
      %dma_start3A_185 = tpu.memref_slice %arg3[%dma_start3A_184] : memref<5120000xf32, #tpu.memory_space<hbm>> -> memref<64000xf32, #tpu.memory_space<hbm>>
      %dma_start3A_186 = arith.constant 0 : i32
      %dma_start3A_187 = tpu.memref_slice %arg4[%dma_start3A_186] : memref<64000xf32, #tpu.memory_space<vmem>> -> memref<64000xf32, #tpu.memory_space<vmem>>
      tpu.enqueue_dma source(%dma_start3A_187 : memref<64000xf32, #tpu.memory_space<vmem>>) target(%dma_start3A_185 : memref<64000xf32, #tpu.memory_space<hbm>>) target_semaphore(%arg8 : memref<!tpu.dma_semaphore, #tpu.memory_space<semaphore_mem>>)
      %dma_wait3A_188 = arith.constant 0 : i32
      %dma_wait3A_189 = tpu.memref_slice %arg5[%dma_wait3A_188] : memref<64000xf32, #tpu.memory_space<vmem>> -> memref<64000xf32, #tpu.memory_space<vmem>>
      %dma_wait3A_190 = arith.constant 3744000 : i32
      %dma_wait3A_191 = tpu.memref_slice %arg2[%dma_wait3A_190] : memref<5120000xf32, #tpu.memory_space<hbm>> -> memref<64000xf32, #tpu.memory_space<hbm>>
      %dma_wait3A_192 = arith.constant 0 : i32
      %dma_wait3A_193 = tpu.memref_slice %arg5[%dma_wait3A_192] : memref<64000xf32, #tpu.memory_space<vmem>> -> memref<64000xf32, #tpu.memory_space<vmem>>
      %dma_wait3A_194 = arith.constant 3744000 : i32
      %dma_wait3A_195 = tpu.memref_slice %arg2[%dma_wait3A_194] : memref<5120000xf32, #tpu.memory_space<hbm>> -> memref<64000xf32, #tpu.memory_space<hbm>>
      tpu.wait_dma2 semaphore(%arg7 : memref<!tpu.dma_semaphore, #tpu.memory_space<semaphore_mem>>) src(%dma_wait3A_195 : memref<64000xf32, #tpu.memory_space<hbm>>) dst(%dma_wait3A_193 : memref<64000xf32, #tpu.memory_space<vmem>>)
      %dma_start3A_196 = arith.constant 0 : i32
      %dma_start3A_197 = tpu.memref_slice %arg5[%dma_start3A_196] : memref<64000xf32, #tpu.memory_space<vmem>> -> memref<64000xf32, #tpu.memory_space<vmem>>
      %dma_start3A_198 = arith.constant 3744000 : i32
      %dma_start3A_199 = tpu.memref_slice %arg3[%dma_start3A_198] : memref<5120000xf32, #tpu.memory_space<hbm>> -> memref<64000xf32, #tpu.memory_space<hbm>>
      %dma_start3A_200 = arith.constant 3744000 : i32
      %dma_start3A_201 = tpu.memref_slice %arg3[%dma_start3A_200] : memref<5120000xf32, #tpu.memory_space<hbm>> -> memref<64000xf32, #tpu.memory_space<hbm>>
      %dma_start3A_202 = arith.constant 0 : i32
      %dma_start3A_203 = tpu.memref_slice %arg5[%dma_start3A_202] : memref<64000xf32, #tpu.memory_space<vmem>> -> memref<64000xf32, #tpu.memory_space<vmem>>
      tpu.enqueue_dma source(%dma_start3A_203 : memref<64000xf32, #tpu.memory_space<vmem>>) target(%dma_start3A_201 : memref<64000xf32, #tpu.memory_space<hbm>>) target_semaphore(%arg9 : memref<!tpu.dma_semaphore, #tpu.memory_space<semaphore_mem>>)
      %dma_wait3A_204 = arith.constant 0 : i32
      %dma_wait3A_205 = tpu.memref_slice %arg4[%dma_wait3A_204] : memref<64000xf32, #tpu.memory_space<vmem>> -> memref<64000xf32, #tpu.memory_space<vmem>>
      %dma_wait3A_206 = arith.constant 3680000 : i32
      %dma_wait3A_207 = tpu.memref_slice %arg3[%dma_wait3A_206] : memref<5120000xf32, #tpu.memory_space<hbm>> -> memref<64000xf32, #tpu.memory_space<hbm>>
      %dma_wait3A_208 = arith.constant 3680000 : i32
      %dma_wait3A_209 = tpu.memref_slice %arg3[%dma_wait3A_208] : memref<5120000xf32, #tpu.memory_space<hbm>> -> memref<64000xf32, #tpu.memory_space<hbm>>
      %dma_wait3A_210 = arith.constant 0 : i32
      %dma_wait3A_211 = tpu.memref_slice %arg4[%dma_wait3A_210] : memref<64000xf32, #tpu.memory_space<vmem>> -> memref<64000xf32, #tpu.memory_space<vmem>>
      tpu.wait_dma2 semaphore(%arg8 : memref<!tpu.dma_semaphore, #tpu.memory_space<semaphore_mem>>) src(%dma_wait3A_211 : memref<64000xf32, #tpu.memory_space<vmem>>) dst(%dma_wait3A_209 : memref<64000xf32, #tpu.memory_space<hbm>>)
      %dma_start3A_212 = arith.constant 0 : i32
      %dma_start3A_213 = tpu.memref_slice %arg4[%dma_start3A_212] : memref<64000xf32, #tpu.memory_space<vmem>> -> memref<32000xf32, #tpu.memory_space<vmem>>
      %dma_start3A_214 = arith.constant 3808000 : i32
      %dma_start3A_215 = tpu.memref_slice %arg2[%dma_start3A_214] : memref<5120000xf32, #tpu.memory_space<hbm>> -> memref<32000xf32, #tpu.memory_space<hbm>>
      %dma_start3A_216 = arith.constant 0 : i32
      %dma_start3A_217 = tpu.memref_slice %arg4[%dma_start3A_216] : memref<64000xf32, #tpu.memory_space<vmem>> -> memref<32000xf32, #tpu.memory_space<vmem>>
      %dma_start3A_218 = arith.constant 3808000 : i32
      %dma_start3A_219 = tpu.memref_slice %arg2[%dma_start3A_218] : memref<5120000xf32, #tpu.memory_space<hbm>> -> memref<32000xf32, #tpu.memory_space<hbm>>
      tpu.enqueue_dma source(%dma_start3A_219 : memref<32000xf32, #tpu.memory_space<hbm>>) target(%dma_start3A_217 : memref<32000xf32, #tpu.memory_space<vmem>>) target_semaphore(%arg6 : memref<!tpu.dma_semaphore, #tpu.memory_space<semaphore_mem>>)
      %dma_wait3A_220 = arith.constant 0 : i32
      %dma_wait3A_221 = tpu.memref_slice %arg4[%dma_wait3A_220] : memref<64000xf32, #tpu.memory_space<vmem>> -> memref<32000xf32, #tpu.memory_space<vmem>>
      %dma_wait3A_222 = arith.constant 3808000 : i32
      %dma_wait3A_223 = tpu.memref_slice %arg2[%dma_wait3A_222] : memref<5120000xf32, #tpu.memory_space<hbm>> -> memref<32000xf32, #tpu.memory_space<hbm>>
      %dma_wait3A_224 = arith.constant 0 : i32
      %dma_wait3A_225 = tpu.memref_slice %arg4[%dma_wait3A_224] : memref<64000xf32, #tpu.memory_space<vmem>> -> memref<32000xf32, #tpu.memory_space<vmem>>
      %dma_wait3A_226 = arith.constant 3808000 : i32
      %dma_wait3A_227 = tpu.memref_slice %arg2[%dma_wait3A_226] : memref<5120000xf32, #tpu.memory_space<hbm>> -> memref<32000xf32, #tpu.memory_space<hbm>>
      tpu.wait_dma2 semaphore(%arg6 : memref<!tpu.dma_semaphore, #tpu.memory_space<semaphore_mem>>) src(%dma_wait3A_227 : memref<32000xf32, #tpu.memory_space<hbm>>) dst(%dma_wait3A_225 : memref<32000xf32, #tpu.memory_space<vmem>>)
      %dma_start3A_228 = arith.constant 0 : i32
      %dma_start3A_229 = tpu.memref_slice %arg4[%dma_start3A_228] : memref<64000xf32, #tpu.memory_space<vmem>> -> memref<32000xf32, #tpu.memory_space<vmem>>
      %dma_start3A_230 = arith.constant 3808000 : i32
      %dma_start3A_231 = tpu.memref_slice %arg3[%dma_start3A_230] : memref<5120000xf32, #tpu.memory_space<hbm>> -> memref<32000xf32, #tpu.memory_space<hbm>>
      %dma_start3A_232 = arith.constant 3808000 : i32
      %dma_start3A_233 = tpu.memref_slice %arg3[%dma_start3A_232] : memref<5120000xf32, #tpu.memory_space<hbm>> -> memref<32000xf32, #tpu.memory_space<hbm>>
      %dma_start3A_234 = arith.constant 0 : i32
      %dma_start3A_235 = tpu.memref_slice %arg4[%dma_start3A_234] : memref<64000xf32, #tpu.memory_space<vmem>> -> memref<32000xf32, #tpu.memory_space<vmem>>
      tpu.enqueue_dma source(%dma_start3A_235 : memref<32000xf32, #tpu.memory_space<vmem>>) target(%dma_start3A_233 : memref<32000xf32, #tpu.memory_space<hbm>>) target_semaphore(%arg8 : memref<!tpu.dma_semaphore, #tpu.memory_space<semaphore_mem>>)
      %dma_wait3A_236 = arith.constant 0 : i32
      %dma_wait3A_237 = tpu.memref_slice %arg5[%dma_wait3A_236] : memref<64000xf32, #tpu.memory_space<vmem>> -> memref<64000xf32, #tpu.memory_space<vmem>>
      %dma_wait3A_238 = arith.constant 3744000 : i32
      %dma_wait3A_239 = tpu.memref_slice %arg3[%dma_wait3A_238] : memref<5120000xf32, #tpu.memory_space<hbm>> -> memref<64000xf32, #tpu.memory_space<hbm>>
      %dma_wait3A_240 = arith.constant 3744000 : i32
      %dma_wait3A_241 = tpu.memref_slice %arg3[%dma_wait3A_240] : memref<5120000xf32, #tpu.memory_space<hbm>> -> memref<64000xf32, #tpu.memory_space<hbm>>
      %dma_wait3A_242 = arith.constant 0 : i32
      %dma_wait3A_243 = tpu.memref_slice %arg5[%dma_wait3A_242] : memref<64000xf32, #tpu.memory_space<vmem>> -> memref<64000xf32, #tpu.memory_space<vmem>>
      tpu.wait_dma2 semaphore(%arg9 : memref<!tpu.dma_semaphore, #tpu.memory_space<semaphore_mem>>) src(%dma_wait3A_243 : memref<64000xf32, #tpu.memory_space<vmem>>) dst(%dma_wait3A_241 : memref<64000xf32, #tpu.memory_space<hbm>>)
      %dma_wait3A_244 = arith.constant 0 : i32
      %dma_wait3A_245 = tpu.memref_slice %arg4[%dma_wait3A_244] : memref<64000xf32, #tpu.memory_space<vmem>> -> memref<32000xf32, #tpu.memory_space<vmem>>
      %dma_wait3A_246 = arith.constant 3808000 : i32
      %dma_wait3A_247 = tpu.memref_slice %arg3[%dma_wait3A_246] : memref<5120000xf32, #tpu.memory_space<hbm>> -> memref<32000xf32, #tpu.memory_space<hbm>>
      %dma_wait3A_248 = arith.constant 3808000 : i32
      %dma_wait3A_249 = tpu.memref_slice %arg3[%dma_wait3A_248] : memref<5120000xf32, #tpu.memory_space<hbm>> -> memref<32000xf32, #tpu.memory_space<hbm>>
      %dma_wait3A_250 = arith.constant 0 : i32
      %dma_wait3A_251 = tpu.memref_slice %arg4[%dma_wait3A_250] : memref<64000xf32, #tpu.memory_space<vmem>> -> memref<32000xf32, #tpu.memory_space<vmem>>
      tpu.wait_dma2 semaphore(%arg8 : memref<!tpu.dma_semaphore, #tpu.memory_space<semaphore_mem>>) src(%dma_wait3A_251 : memref<32000xf32, #tpu.memory_space<vmem>>) dst(%dma_wait3A_249 : memref<32000xf32, #tpu.memory_space<hbm>>)
    } else {
    }
    %eq3A_118 = arith.constant 24 : i32
    %eq3A_119 = arith.cmpi eq, %add3A, %eq3A_118 : i32
    %convert_element_type3A_120 = arith.extui %eq3A_119 : i1 to i32
    %cond3A_121 = arith.constant 0 : i32
    %cond3A_122 = arith.cmpi ne, %convert_element_type3A_120, %cond3A_121 : i32
    scf.if %cond3A_122 {
      %dma_start3A = arith.constant 0 : i32
      %dma_start3A_158 = tpu.memref_slice %arg4[%dma_start3A] : memref<64000xf32, #tpu.memory_space<vmem>> -> memref<64000xf32, #tpu.memory_space<vmem>>
      %dma_start3A_159 = arith.constant 3840000 : i32
      %dma_start3A_160 = tpu.memref_slice %arg2[%dma_start3A_159] : memref<5120000xf32, #tpu.memory_space<hbm>> -> memref<64000xf32, #tpu.memory_space<hbm>>
      %dma_start3A_161 = arith.constant 0 : i32
      %dma_start3A_162 = tpu.memref_slice %arg4[%dma_start3A_161] : memref<64000xf32, #tpu.memory_space<vmem>> -> memref<64000xf32, #tpu.memory_space<vmem>>
      %dma_start3A_163 = arith.constant 3840000 : i32
      %dma_start3A_164 = tpu.memref_slice %arg2[%dma_start3A_163] : memref<5120000xf32, #tpu.memory_space<hbm>> -> memref<64000xf32, #tpu.memory_space<hbm>>
      tpu.enqueue_dma source(%dma_start3A_164 : memref<64000xf32, #tpu.memory_space<hbm>>) target(%dma_start3A_162 : memref<64000xf32, #tpu.memory_space<vmem>>) target_semaphore(%arg6 : memref<!tpu.dma_semaphore, #tpu.memory_space<semaphore_mem>>)
      %dma_start3A_165 = arith.constant 0 : i32
      %dma_start3A_166 = tpu.memref_slice %arg5[%dma_start3A_165] : memref<64000xf32, #tpu.memory_space<vmem>> -> memref<64000xf32, #tpu.memory_space<vmem>>
      %dma_start3A_167 = arith.constant 3904000 : i32
      %dma_start3A_168 = tpu.memref_slice %arg2[%dma_start3A_167] : memref<5120000xf32, #tpu.memory_space<hbm>> -> memref<64000xf32, #tpu.memory_space<hbm>>
      %dma_start3A_169 = arith.constant 0 : i32
      %dma_start3A_170 = tpu.memref_slice %arg5[%dma_start3A_169] : memref<64000xf32, #tpu.memory_space<vmem>> -> memref<64000xf32, #tpu.memory_space<vmem>>
      %dma_start3A_171 = arith.constant 3904000 : i32
      %dma_start3A_172 = tpu.memref_slice %arg2[%dma_start3A_171] : memref<5120000xf32, #tpu.memory_space<hbm>> -> memref<64000xf32, #tpu.memory_space<hbm>>
      tpu.enqueue_dma source(%dma_start3A_172 : memref<64000xf32, #tpu.memory_space<hbm>>) target(%dma_start3A_170 : memref<64000xf32, #tpu.memory_space<vmem>>) target_semaphore(%arg7 : memref<!tpu.dma_semaphore, #tpu.memory_space<semaphore_mem>>)
      %dma_wait3A = arith.constant 0 : i32
      %dma_wait3A_173 = tpu.memref_slice %arg4[%dma_wait3A] : memref<64000xf32, #tpu.memory_space<vmem>> -> memref<64000xf32, #tpu.memory_space<vmem>>
      %dma_wait3A_174 = arith.constant 3840000 : i32
      %dma_wait3A_175 = tpu.memref_slice %arg2[%dma_wait3A_174] : memref<5120000xf32, #tpu.memory_space<hbm>> -> memref<64000xf32, #tpu.memory_space<hbm>>
      %dma_wait3A_176 = arith.constant 0 : i32
      %dma_wait3A_177 = tpu.memref_slice %arg4[%dma_wait3A_176] : memref<64000xf32, #tpu.memory_space<vmem>> -> memref<64000xf32, #tpu.memory_space<vmem>>
      %dma_wait3A_178 = arith.constant 3840000 : i32
      %dma_wait3A_179 = tpu.memref_slice %arg2[%dma_wait3A_178] : memref<5120000xf32, #tpu.memory_space<hbm>> -> memref<64000xf32, #tpu.memory_space<hbm>>
      tpu.wait_dma2 semaphore(%arg6 : memref<!tpu.dma_semaphore, #tpu.memory_space<semaphore_mem>>) src(%dma_wait3A_179 : memref<64000xf32, #tpu.memory_space<hbm>>) dst(%dma_wait3A_177 : memref<64000xf32, #tpu.memory_space<vmem>>)
      %dma_start3A_180 = arith.constant 0 : i32
      %dma_start3A_181 = tpu.memref_slice %arg4[%dma_start3A_180] : memref<64000xf32, #tpu.memory_space<vmem>> -> memref<64000xf32, #tpu.memory_space<vmem>>
      %dma_start3A_182 = arith.constant 3840000 : i32
      %dma_start3A_183 = tpu.memref_slice %arg3[%dma_start3A_182] : memref<5120000xf32, #tpu.memory_space<hbm>> -> memref<64000xf32, #tpu.memory_space<hbm>>
      %dma_start3A_184 = arith.constant 3840000 : i32
      %dma_start3A_185 = tpu.memref_slice %arg3[%dma_start3A_184] : memref<5120000xf32, #tpu.memory_space<hbm>> -> memref<64000xf32, #tpu.memory_space<hbm>>
      %dma_start3A_186 = arith.constant 0 : i32
      %dma_start3A_187 = tpu.memref_slice %arg4[%dma_start3A_186] : memref<64000xf32, #tpu.memory_space<vmem>> -> memref<64000xf32, #tpu.memory_space<vmem>>
      tpu.enqueue_dma source(%dma_start3A_187 : memref<64000xf32, #tpu.memory_space<vmem>>) target(%dma_start3A_185 : memref<64000xf32, #tpu.memory_space<hbm>>) target_semaphore(%arg8 : memref<!tpu.dma_semaphore, #tpu.memory_space<semaphore_mem>>)
      %dma_wait3A_188 = arith.constant 0 : i32
      %dma_wait3A_189 = tpu.memref_slice %arg5[%dma_wait3A_188] : memref<64000xf32, #tpu.memory_space<vmem>> -> memref<64000xf32, #tpu.memory_space<vmem>>
      %dma_wait3A_190 = arith.constant 3904000 : i32
      %dma_wait3A_191 = tpu.memref_slice %arg2[%dma_wait3A_190] : memref<5120000xf32, #tpu.memory_space<hbm>> -> memref<64000xf32, #tpu.memory_space<hbm>>
      %dma_wait3A_192 = arith.constant 0 : i32
      %dma_wait3A_193 = tpu.memref_slice %arg5[%dma_wait3A_192] : memref<64000xf32, #tpu.memory_space<vmem>> -> memref<64000xf32, #tpu.memory_space<vmem>>
      %dma_wait3A_194 = arith.constant 3904000 : i32
      %dma_wait3A_195 = tpu.memref_slice %arg2[%dma_wait3A_194] : memref<5120000xf32, #tpu.memory_space<hbm>> -> memref<64000xf32, #tpu.memory_space<hbm>>
      tpu.wait_dma2 semaphore(%arg7 : memref<!tpu.dma_semaphore, #tpu.memory_space<semaphore_mem>>) src(%dma_wait3A_195 : memref<64000xf32, #tpu.memory_space<hbm>>) dst(%dma_wait3A_193 : memref<64000xf32, #tpu.memory_space<vmem>>)
      %dma_start3A_196 = arith.constant 0 : i32
      %dma_start3A_197 = tpu.memref_slice %arg5[%dma_start3A_196] : memref<64000xf32, #tpu.memory_space<vmem>> -> memref<64000xf32, #tpu.memory_space<vmem>>
      %dma_start3A_198 = arith.constant 3904000 : i32
      %dma_start3A_199 = tpu.memref_slice %arg3[%dma_start3A_198] : memref<5120000xf32, #tpu.memory_space<hbm>> -> memref<64000xf32, #tpu.memory_space<hbm>>
      %dma_start3A_200 = arith.constant 3904000 : i32
      %dma_start3A_201 = tpu.memref_slice %arg3[%dma_start3A_200] : memref<5120000xf32, #tpu.memory_space<hbm>> -> memref<64000xf32, #tpu.memory_space<hbm>>
      %dma_start3A_202 = arith.constant 0 : i32
      %dma_start3A_203 = tpu.memref_slice %arg5[%dma_start3A_202] : memref<64000xf32, #tpu.memory_space<vmem>> -> memref<64000xf32, #tpu.memory_space<vmem>>
      tpu.enqueue_dma source(%dma_start3A_203 : memref<64000xf32, #tpu.memory_space<vmem>>) target(%dma_start3A_201 : memref<64000xf32, #tpu.memory_space<hbm>>) target_semaphore(%arg9 : memref<!tpu.dma_semaphore, #tpu.memory_space<semaphore_mem>>)
      %dma_wait3A_204 = arith.constant 0 : i32
      %dma_wait3A_205 = tpu.memref_slice %arg4[%dma_wait3A_204] : memref<64000xf32, #tpu.memory_space<vmem>> -> memref<64000xf32, #tpu.memory_space<vmem>>
      %dma_wait3A_206 = arith.constant 3840000 : i32
      %dma_wait3A_207 = tpu.memref_slice %arg3[%dma_wait3A_206] : memref<5120000xf32, #tpu.memory_space<hbm>> -> memref<64000xf32, #tpu.memory_space<hbm>>
      %dma_wait3A_208 = arith.constant 3840000 : i32
      %dma_wait3A_209 = tpu.memref_slice %arg3[%dma_wait3A_208] : memref<5120000xf32, #tpu.memory_space<hbm>> -> memref<64000xf32, #tpu.memory_space<hbm>>
      %dma_wait3A_210 = arith.constant 0 : i32
      %dma_wait3A_211 = tpu.memref_slice %arg4[%dma_wait3A_210] : memref<64000xf32, #tpu.memory_space<vmem>> -> memref<64000xf32, #tpu.memory_space<vmem>>
      tpu.wait_dma2 semaphore(%arg8 : memref<!tpu.dma_semaphore, #tpu.memory_space<semaphore_mem>>) src(%dma_wait3A_211 : memref<64000xf32, #tpu.memory_space<vmem>>) dst(%dma_wait3A_209 : memref<64000xf32, #tpu.memory_space<hbm>>)
      %dma_start3A_212 = arith.constant 0 : i32
      %dma_start3A_213 = tpu.memref_slice %arg4[%dma_start3A_212] : memref<64000xf32, #tpu.memory_space<vmem>> -> memref<32000xf32, #tpu.memory_space<vmem>>
      %dma_start3A_214 = arith.constant 3968000 : i32
      %dma_start3A_215 = tpu.memref_slice %arg2[%dma_start3A_214] : memref<5120000xf32, #tpu.memory_space<hbm>> -> memref<32000xf32, #tpu.memory_space<hbm>>
      %dma_start3A_216 = arith.constant 0 : i32
      %dma_start3A_217 = tpu.memref_slice %arg4[%dma_start3A_216] : memref<64000xf32, #tpu.memory_space<vmem>> -> memref<32000xf32, #tpu.memory_space<vmem>>
      %dma_start3A_218 = arith.constant 3968000 : i32
      %dma_start3A_219 = tpu.memref_slice %arg2[%dma_start3A_218] : memref<5120000xf32, #tpu.memory_space<hbm>> -> memref<32000xf32, #tpu.memory_space<hbm>>
      tpu.enqueue_dma source(%dma_start3A_219 : memref<32000xf32, #tpu.memory_space<hbm>>) target(%dma_start3A_217 : memref<32000xf32, #tpu.memory_space<vmem>>) target_semaphore(%arg6 : memref<!tpu.dma_semaphore, #tpu.memory_space<semaphore_mem>>)
      %dma_wait3A_220 = arith.constant 0 : i32
      %dma_wait3A_221 = tpu.memref_slice %arg4[%dma_wait3A_220] : memref<64000xf32, #tpu.memory_space<vmem>> -> memref<32000xf32, #tpu.memory_space<vmem>>
      %dma_wait3A_222 = arith.constant 3968000 : i32
      %dma_wait3A_223 = tpu.memref_slice %arg2[%dma_wait3A_222] : memref<5120000xf32, #tpu.memory_space<hbm>> -> memref<32000xf32, #tpu.memory_space<hbm>>
      %dma_wait3A_224 = arith.constant 0 : i32
      %dma_wait3A_225 = tpu.memref_slice %arg4[%dma_wait3A_224] : memref<64000xf32, #tpu.memory_space<vmem>> -> memref<32000xf32, #tpu.memory_space<vmem>>
      %dma_wait3A_226 = arith.constant 3968000 : i32
      %dma_wait3A_227 = tpu.memref_slice %arg2[%dma_wait3A_226] : memref<5120000xf32, #tpu.memory_space<hbm>> -> memref<32000xf32, #tpu.memory_space<hbm>>
      tpu.wait_dma2 semaphore(%arg6 : memref<!tpu.dma_semaphore, #tpu.memory_space<semaphore_mem>>) src(%dma_wait3A_227 : memref<32000xf32, #tpu.memory_space<hbm>>) dst(%dma_wait3A_225 : memref<32000xf32, #tpu.memory_space<vmem>>)
      %dma_start3A_228 = arith.constant 0 : i32
      %dma_start3A_229 = tpu.memref_slice %arg4[%dma_start3A_228] : memref<64000xf32, #tpu.memory_space<vmem>> -> memref<32000xf32, #tpu.memory_space<vmem>>
      %dma_start3A_230 = arith.constant 3968000 : i32
      %dma_start3A_231 = tpu.memref_slice %arg3[%dma_start3A_230] : memref<5120000xf32, #tpu.memory_space<hbm>> -> memref<32000xf32, #tpu.memory_space<hbm>>
      %dma_start3A_232 = arith.constant 3968000 : i32
      %dma_start3A_233 = tpu.memref_slice %arg3[%dma_start3A_232] : memref<5120000xf32, #tpu.memory_space<hbm>> -> memref<32000xf32, #tpu.memory_space<hbm>>
      %dma_start3A_234 = arith.constant 0 : i32
      %dma_start3A_235 = tpu.memref_slice %arg4[%dma_start3A_234] : memref<64000xf32, #tpu.memory_space<vmem>> -> memref<32000xf32, #tpu.memory_space<vmem>>
      tpu.enqueue_dma source(%dma_start3A_235 : memref<32000xf32, #tpu.memory_space<vmem>>) target(%dma_start3A_233 : memref<32000xf32, #tpu.memory_space<hbm>>) target_semaphore(%arg8 : memref<!tpu.dma_semaphore, #tpu.memory_space<semaphore_mem>>)
      %dma_wait3A_236 = arith.constant 0 : i32
      %dma_wait3A_237 = tpu.memref_slice %arg5[%dma_wait3A_236] : memref<64000xf32, #tpu.memory_space<vmem>> -> memref<64000xf32, #tpu.memory_space<vmem>>
      %dma_wait3A_238 = arith.constant 3904000 : i32
      %dma_wait3A_239 = tpu.memref_slice %arg3[%dma_wait3A_238] : memref<5120000xf32, #tpu.memory_space<hbm>> -> memref<64000xf32, #tpu.memory_space<hbm>>
      %dma_wait3A_240 = arith.constant 3904000 : i32
      %dma_wait3A_241 = tpu.memref_slice %arg3[%dma_wait3A_240] : memref<5120000xf32, #tpu.memory_space<hbm>> -> memref<64000xf32, #tpu.memory_space<hbm>>
      %dma_wait3A_242 = arith.constant 0 : i32
      %dma_wait3A_243 = tpu.memref_slice %arg5[%dma_wait3A_242] : memref<64000xf32, #tpu.memory_space<vmem>> -> memref<64000xf32, #tpu.memory_space<vmem>>
      tpu.wait_dma2 semaphore(%arg9 : memref<!tpu.dma_semaphore, #tpu.memory_space<semaphore_mem>>) src(%dma_wait3A_243 : memref<64000xf32, #tpu.memory_space<vmem>>) dst(%dma_wait3A_241 : memref<64000xf32, #tpu.memory_space<hbm>>)
      %dma_wait3A_244 = arith.constant 0 : i32
      %dma_wait3A_245 = tpu.memref_slice %arg4[%dma_wait3A_244] : memref<64000xf32, #tpu.memory_space<vmem>> -> memref<32000xf32, #tpu.memory_space<vmem>>
      %dma_wait3A_246 = arith.constant 3968000 : i32
      %dma_wait3A_247 = tpu.memref_slice %arg3[%dma_wait3A_246] : memref<5120000xf32, #tpu.memory_space<hbm>> -> memref<32000xf32, #tpu.memory_space<hbm>>
      %dma_wait3A_248 = arith.constant 3968000 : i32
      %dma_wait3A_249 = tpu.memref_slice %arg3[%dma_wait3A_248] : memref<5120000xf32, #tpu.memory_space<hbm>> -> memref<32000xf32, #tpu.memory_space<hbm>>
      %dma_wait3A_250 = arith.constant 0 : i32
      %dma_wait3A_251 = tpu.memref_slice %arg4[%dma_wait3A_250] : memref<64000xf32, #tpu.memory_space<vmem>> -> memref<32000xf32, #tpu.memory_space<vmem>>
      tpu.wait_dma2 semaphore(%arg8 : memref<!tpu.dma_semaphore, #tpu.memory_space<semaphore_mem>>) src(%dma_wait3A_251 : memref<32000xf32, #tpu.memory_space<vmem>>) dst(%dma_wait3A_249 : memref<32000xf32, #tpu.memory_space<hbm>>)
    } else {
    }
    %eq3A_123 = arith.constant 25 : i32
    %eq3A_124 = arith.cmpi eq, %add3A, %eq3A_123 : i32
    %convert_element_type3A_125 = arith.extui %eq3A_124 : i1 to i32
    %cond3A_126 = arith.constant 0 : i32
    %cond3A_127 = arith.cmpi ne, %convert_element_type3A_125, %cond3A_126 : i32
    scf.if %cond3A_127 {
      %dma_start3A = arith.constant 0 : i32
      %dma_start3A_158 = tpu.memref_slice %arg4[%dma_start3A] : memref<64000xf32, #tpu.memory_space<vmem>> -> memref<64000xf32, #tpu.memory_space<vmem>>
      %dma_start3A_159 = arith.constant 4000000 : i32
      %dma_start3A_160 = tpu.memref_slice %arg2[%dma_start3A_159] : memref<5120000xf32, #tpu.memory_space<hbm>> -> memref<64000xf32, #tpu.memory_space<hbm>>
      %dma_start3A_161 = arith.constant 0 : i32
      %dma_start3A_162 = tpu.memref_slice %arg4[%dma_start3A_161] : memref<64000xf32, #tpu.memory_space<vmem>> -> memref<64000xf32, #tpu.memory_space<vmem>>
      %dma_start3A_163 = arith.constant 4000000 : i32
      %dma_start3A_164 = tpu.memref_slice %arg2[%dma_start3A_163] : memref<5120000xf32, #tpu.memory_space<hbm>> -> memref<64000xf32, #tpu.memory_space<hbm>>
      tpu.enqueue_dma source(%dma_start3A_164 : memref<64000xf32, #tpu.memory_space<hbm>>) target(%dma_start3A_162 : memref<64000xf32, #tpu.memory_space<vmem>>) target_semaphore(%arg6 : memref<!tpu.dma_semaphore, #tpu.memory_space<semaphore_mem>>)
      %dma_start3A_165 = arith.constant 0 : i32
      %dma_start3A_166 = tpu.memref_slice %arg5[%dma_start3A_165] : memref<64000xf32, #tpu.memory_space<vmem>> -> memref<64000xf32, #tpu.memory_space<vmem>>
      %dma_start3A_167 = arith.constant 4064000 : i32
      %dma_start3A_168 = tpu.memref_slice %arg2[%dma_start3A_167] : memref<5120000xf32, #tpu.memory_space<hbm>> -> memref<64000xf32, #tpu.memory_space<hbm>>
      %dma_start3A_169 = arith.constant 0 : i32
      %dma_start3A_170 = tpu.memref_slice %arg5[%dma_start3A_169] : memref<64000xf32, #tpu.memory_space<vmem>> -> memref<64000xf32, #tpu.memory_space<vmem>>
      %dma_start3A_171 = arith.constant 4064000 : i32
      %dma_start3A_172 = tpu.memref_slice %arg2[%dma_start3A_171] : memref<5120000xf32, #tpu.memory_space<hbm>> -> memref<64000xf32, #tpu.memory_space<hbm>>
      tpu.enqueue_dma source(%dma_start3A_172 : memref<64000xf32, #tpu.memory_space<hbm>>) target(%dma_start3A_170 : memref<64000xf32, #tpu.memory_space<vmem>>) target_semaphore(%arg7 : memref<!tpu.dma_semaphore, #tpu.memory_space<semaphore_mem>>)
      %dma_wait3A = arith.constant 0 : i32
      %dma_wait3A_173 = tpu.memref_slice %arg4[%dma_wait3A] : memref<64000xf32, #tpu.memory_space<vmem>> -> memref<64000xf32, #tpu.memory_space<vmem>>
      %dma_wait3A_174 = arith.constant 4000000 : i32
      %dma_wait3A_175 = tpu.memref_slice %arg2[%dma_wait3A_174] : memref<5120000xf32, #tpu.memory_space<hbm>> -> memref<64000xf32, #tpu.memory_space<hbm>>
      %dma_wait3A_176 = arith.constant 0 : i32
      %dma_wait3A_177 = tpu.memref_slice %arg4[%dma_wait3A_176] : memref<64000xf32, #tpu.memory_space<vmem>> -> memref<64000xf32, #tpu.memory_space<vmem>>
      %dma_wait3A_178 = arith.constant 4000000 : i32
      %dma_wait3A_179 = tpu.memref_slice %arg2[%dma_wait3A_178] : memref<5120000xf32, #tpu.memory_space<hbm>> -> memref<64000xf32, #tpu.memory_space<hbm>>
      tpu.wait_dma2 semaphore(%arg6 : memref<!tpu.dma_semaphore, #tpu.memory_space<semaphore_mem>>) src(%dma_wait3A_179 : memref<64000xf32, #tpu.memory_space<hbm>>) dst(%dma_wait3A_177 : memref<64000xf32, #tpu.memory_space<vmem>>)
      %dma_start3A_180 = arith.constant 0 : i32
      %dma_start3A_181 = tpu.memref_slice %arg4[%dma_start3A_180] : memref<64000xf32, #tpu.memory_space<vmem>> -> memref<64000xf32, #tpu.memory_space<vmem>>
      %dma_start3A_182 = arith.constant 4000000 : i32
      %dma_start3A_183 = tpu.memref_slice %arg3[%dma_start3A_182] : memref<5120000xf32, #tpu.memory_space<hbm>> -> memref<64000xf32, #tpu.memory_space<hbm>>
      %dma_start3A_184 = arith.constant 4000000 : i32
      %dma_start3A_185 = tpu.memref_slice %arg3[%dma_start3A_184] : memref<5120000xf32, #tpu.memory_space<hbm>> -> memref<64000xf32, #tpu.memory_space<hbm>>
      %dma_start3A_186 = arith.constant 0 : i32
      %dma_start3A_187 = tpu.memref_slice %arg4[%dma_start3A_186] : memref<64000xf32, #tpu.memory_space<vmem>> -> memref<64000xf32, #tpu.memory_space<vmem>>
      tpu.enqueue_dma source(%dma_start3A_187 : memref<64000xf32, #tpu.memory_space<vmem>>) target(%dma_start3A_185 : memref<64000xf32, #tpu.memory_space<hbm>>) target_semaphore(%arg8 : memref<!tpu.dma_semaphore, #tpu.memory_space<semaphore_mem>>)
      %dma_wait3A_188 = arith.constant 0 : i32
      %dma_wait3A_189 = tpu.memref_slice %arg5[%dma_wait3A_188] : memref<64000xf32, #tpu.memory_space<vmem>> -> memref<64000xf32, #tpu.memory_space<vmem>>
      %dma_wait3A_190 = arith.constant 4064000 : i32
      %dma_wait3A_191 = tpu.memref_slice %arg2[%dma_wait3A_190] : memref<5120000xf32, #tpu.memory_space<hbm>> -> memref<64000xf32, #tpu.memory_space<hbm>>
      %dma_wait3A_192 = arith.constant 0 : i32
      %dma_wait3A_193 = tpu.memref_slice %arg5[%dma_wait3A_192] : memref<64000xf32, #tpu.memory_space<vmem>> -> memref<64000xf32, #tpu.memory_space<vmem>>
      %dma_wait3A_194 = arith.constant 4064000 : i32
      %dma_wait3A_195 = tpu.memref_slice %arg2[%dma_wait3A_194] : memref<5120000xf32, #tpu.memory_space<hbm>> -> memref<64000xf32, #tpu.memory_space<hbm>>
      tpu.wait_dma2 semaphore(%arg7 : memref<!tpu.dma_semaphore, #tpu.memory_space<semaphore_mem>>) src(%dma_wait3A_195 : memref<64000xf32, #tpu.memory_space<hbm>>) dst(%dma_wait3A_193 : memref<64000xf32, #tpu.memory_space<vmem>>)
      %dma_start3A_196 = arith.constant 0 : i32
      %dma_start3A_197 = tpu.memref_slice %arg5[%dma_start3A_196] : memref<64000xf32, #tpu.memory_space<vmem>> -> memref<64000xf32, #tpu.memory_space<vmem>>
      %dma_start3A_198 = arith.constant 4064000 : i32
      %dma_start3A_199 = tpu.memref_slice %arg3[%dma_start3A_198] : memref<5120000xf32, #tpu.memory_space<hbm>> -> memref<64000xf32, #tpu.memory_space<hbm>>
      %dma_start3A_200 = arith.constant 4064000 : i32
      %dma_start3A_201 = tpu.memref_slice %arg3[%dma_start3A_200] : memref<5120000xf32, #tpu.memory_space<hbm>> -> memref<64000xf32, #tpu.memory_space<hbm>>
      %dma_start3A_202 = arith.constant 0 : i32
      %dma_start3A_203 = tpu.memref_slice %arg5[%dma_start3A_202] : memref<64000xf32, #tpu.memory_space<vmem>> -> memref<64000xf32, #tpu.memory_space<vmem>>
      tpu.enqueue_dma source(%dma_start3A_203 : memref<64000xf32, #tpu.memory_space<vmem>>) target(%dma_start3A_201 : memref<64000xf32, #tpu.memory_space<hbm>>) target_semaphore(%arg9 : memref<!tpu.dma_semaphore, #tpu.memory_space<semaphore_mem>>)
      %dma_wait3A_204 = arith.constant 0 : i32
      %dma_wait3A_205 = tpu.memref_slice %arg4[%dma_wait3A_204] : memref<64000xf32, #tpu.memory_space<vmem>> -> memref<64000xf32, #tpu.memory_space<vmem>>
      %dma_wait3A_206 = arith.constant 4000000 : i32
      %dma_wait3A_207 = tpu.memref_slice %arg3[%dma_wait3A_206] : memref<5120000xf32, #tpu.memory_space<hbm>> -> memref<64000xf32, #tpu.memory_space<hbm>>
      %dma_wait3A_208 = arith.constant 4000000 : i32
      %dma_wait3A_209 = tpu.memref_slice %arg3[%dma_wait3A_208] : memref<5120000xf32, #tpu.memory_space<hbm>> -> memref<64000xf32, #tpu.memory_space<hbm>>
      %dma_wait3A_210 = arith.constant 0 : i32
      %dma_wait3A_211 = tpu.memref_slice %arg4[%dma_wait3A_210] : memref<64000xf32, #tpu.memory_space<vmem>> -> memref<64000xf32, #tpu.memory_space<vmem>>
      tpu.wait_dma2 semaphore(%arg8 : memref<!tpu.dma_semaphore, #tpu.memory_space<semaphore_mem>>) src(%dma_wait3A_211 : memref<64000xf32, #tpu.memory_space<vmem>>) dst(%dma_wait3A_209 : memref<64000xf32, #tpu.memory_space<hbm>>)
      %dma_start3A_212 = arith.constant 0 : i32
      %dma_start3A_213 = tpu.memref_slice %arg4[%dma_start3A_212] : memref<64000xf32, #tpu.memory_space<vmem>> -> memref<32000xf32, #tpu.memory_space<vmem>>
      %dma_start3A_214 = arith.constant 4128000 : i32
      %dma_start3A_215 = tpu.memref_slice %arg2[%dma_start3A_214] : memref<5120000xf32, #tpu.memory_space<hbm>> -> memref<32000xf32, #tpu.memory_space<hbm>>
      %dma_start3A_216 = arith.constant 0 : i32
      %dma_start3A_217 = tpu.memref_slice %arg4[%dma_start3A_216] : memref<64000xf32, #tpu.memory_space<vmem>> -> memref<32000xf32, #tpu.memory_space<vmem>>
      %dma_start3A_218 = arith.constant 4128000 : i32
      %dma_start3A_219 = tpu.memref_slice %arg2[%dma_start3A_218] : memref<5120000xf32, #tpu.memory_space<hbm>> -> memref<32000xf32, #tpu.memory_space<hbm>>
      tpu.enqueue_dma source(%dma_start3A_219 : memref<32000xf32, #tpu.memory_space<hbm>>) target(%dma_start3A_217 : memref<32000xf32, #tpu.memory_space<vmem>>) target_semaphore(%arg6 : memref<!tpu.dma_semaphore, #tpu.memory_space<semaphore_mem>>)
      %dma_wait3A_220 = arith.constant 0 : i32
      %dma_wait3A_221 = tpu.memref_slice %arg4[%dma_wait3A_220] : memref<64000xf32, #tpu.memory_space<vmem>> -> memref<32000xf32, #tpu.memory_space<vmem>>
      %dma_wait3A_222 = arith.constant 4128000 : i32
      %dma_wait3A_223 = tpu.memref_slice %arg2[%dma_wait3A_222] : memref<5120000xf32, #tpu.memory_space<hbm>> -> memref<32000xf32, #tpu.memory_space<hbm>>
      %dma_wait3A_224 = arith.constant 0 : i32
      %dma_wait3A_225 = tpu.memref_slice %arg4[%dma_wait3A_224] : memref<64000xf32, #tpu.memory_space<vmem>> -> memref<32000xf32, #tpu.memory_space<vmem>>
      %dma_wait3A_226 = arith.constant 4128000 : i32
      %dma_wait3A_227 = tpu.memref_slice %arg2[%dma_wait3A_226] : memref<5120000xf32, #tpu.memory_space<hbm>> -> memref<32000xf32, #tpu.memory_space<hbm>>
      tpu.wait_dma2 semaphore(%arg6 : memref<!tpu.dma_semaphore, #tpu.memory_space<semaphore_mem>>) src(%dma_wait3A_227 : memref<32000xf32, #tpu.memory_space<hbm>>) dst(%dma_wait3A_225 : memref<32000xf32, #tpu.memory_space<vmem>>)
      %dma_start3A_228 = arith.constant 0 : i32
      %dma_start3A_229 = tpu.memref_slice %arg4[%dma_start3A_228] : memref<64000xf32, #tpu.memory_space<vmem>> -> memref<32000xf32, #tpu.memory_space<vmem>>
      %dma_start3A_230 = arith.constant 4128000 : i32
      %dma_start3A_231 = tpu.memref_slice %arg3[%dma_start3A_230] : memref<5120000xf32, #tpu.memory_space<hbm>> -> memref<32000xf32, #tpu.memory_space<hbm>>
      %dma_start3A_232 = arith.constant 4128000 : i32
      %dma_start3A_233 = tpu.memref_slice %arg3[%dma_start3A_232] : memref<5120000xf32, #tpu.memory_space<hbm>> -> memref<32000xf32, #tpu.memory_space<hbm>>
      %dma_start3A_234 = arith.constant 0 : i32
      %dma_start3A_235 = tpu.memref_slice %arg4[%dma_start3A_234] : memref<64000xf32, #tpu.memory_space<vmem>> -> memref<32000xf32, #tpu.memory_space<vmem>>
      tpu.enqueue_dma source(%dma_start3A_235 : memref<32000xf32, #tpu.memory_space<vmem>>) target(%dma_start3A_233 : memref<32000xf32, #tpu.memory_space<hbm>>) target_semaphore(%arg8 : memref<!tpu.dma_semaphore, #tpu.memory_space<semaphore_mem>>)
      %dma_wait3A_236 = arith.constant 0 : i32
      %dma_wait3A_237 = tpu.memref_slice %arg5[%dma_wait3A_236] : memref<64000xf32, #tpu.memory_space<vmem>> -> memref<64000xf32, #tpu.memory_space<vmem>>
      %dma_wait3A_238 = arith.constant 4064000 : i32
      %dma_wait3A_239 = tpu.memref_slice %arg3[%dma_wait3A_238] : memref<5120000xf32, #tpu.memory_space<hbm>> -> memref<64000xf32, #tpu.memory_space<hbm>>
      %dma_wait3A_240 = arith.constant 4064000 : i32
      %dma_wait3A_241 = tpu.memref_slice %arg3[%dma_wait3A_240] : memref<5120000xf32, #tpu.memory_space<hbm>> -> memref<64000xf32, #tpu.memory_space<hbm>>
      %dma_wait3A_242 = arith.constant 0 : i32
      %dma_wait3A_243 = tpu.memref_slice %arg5[%dma_wait3A_242] : memref<64000xf32, #tpu.memory_space<vmem>> -> memref<64000xf32, #tpu.memory_space<vmem>>
      tpu.wait_dma2 semaphore(%arg9 : memref<!tpu.dma_semaphore, #tpu.memory_space<semaphore_mem>>) src(%dma_wait3A_243 : memref<64000xf32, #tpu.memory_space<vmem>>) dst(%dma_wait3A_241 : memref<64000xf32, #tpu.memory_space<hbm>>)
      %dma_wait3A_244 = arith.constant 0 : i32
      %dma_wait3A_245 = tpu.memref_slice %arg4[%dma_wait3A_244] : memref<64000xf32, #tpu.memory_space<vmem>> -> memref<32000xf32, #tpu.memory_space<vmem>>
      %dma_wait3A_246 = arith.constant 4128000 : i32
      %dma_wait3A_247 = tpu.memref_slice %arg3[%dma_wait3A_246] : memref<5120000xf32, #tpu.memory_space<hbm>> -> memref<32000xf32, #tpu.memory_space<hbm>>
      %dma_wait3A_248 = arith.constant 4128000 : i32
      %dma_wait3A_249 = tpu.memref_slice %arg3[%dma_wait3A_248] : memref<5120000xf32, #tpu.memory_space<hbm>> -> memref<32000xf32, #tpu.memory_space<hbm>>
      %dma_wait3A_250 = arith.constant 0 : i32
      %dma_wait3A_251 = tpu.memref_slice %arg4[%dma_wait3A_250] : memref<64000xf32, #tpu.memory_space<vmem>> -> memref<32000xf32, #tpu.memory_space<vmem>>
      tpu.wait_dma2 semaphore(%arg8 : memref<!tpu.dma_semaphore, #tpu.memory_space<semaphore_mem>>) src(%dma_wait3A_251 : memref<32000xf32, #tpu.memory_space<vmem>>) dst(%dma_wait3A_249 : memref<32000xf32, #tpu.memory_space<hbm>>)
    } else {
    }
    %eq3A_128 = arith.constant 26 : i32
    %eq3A_129 = arith.cmpi eq, %add3A, %eq3A_128 : i32
    %convert_element_type3A_130 = arith.extui %eq3A_129 : i1 to i32
    %cond3A_131 = arith.constant 0 : i32
    %cond3A_132 = arith.cmpi ne, %convert_element_type3A_130, %cond3A_131 : i32
    scf.if %cond3A_132 {
      %dma_start3A = arith.constant 0 : i32
      %dma_start3A_158 = tpu.memref_slice %arg4[%dma_start3A] : memref<64000xf32, #tpu.memory_space<vmem>> -> memref<64000xf32, #tpu.memory_space<vmem>>
      %dma_start3A_159 = arith.constant 4160000 : i32
      %dma_start3A_160 = tpu.memref_slice %arg2[%dma_start3A_159] : memref<5120000xf32, #tpu.memory_space<hbm>> -> memref<64000xf32, #tpu.memory_space<hbm>>
      %dma_start3A_161 = arith.constant 0 : i32
      %dma_start3A_162 = tpu.memref_slice %arg4[%dma_start3A_161] : memref<64000xf32, #tpu.memory_space<vmem>> -> memref<64000xf32, #tpu.memory_space<vmem>>
      %dma_start3A_163 = arith.constant 4160000 : i32
      %dma_start3A_164 = tpu.memref_slice %arg2[%dma_start3A_163] : memref<5120000xf32, #tpu.memory_space<hbm>> -> memref<64000xf32, #tpu.memory_space<hbm>>
      tpu.enqueue_dma source(%dma_start3A_164 : memref<64000xf32, #tpu.memory_space<hbm>>) target(%dma_start3A_162 : memref<64000xf32, #tpu.memory_space<vmem>>) target_semaphore(%arg6 : memref<!tpu.dma_semaphore, #tpu.memory_space<semaphore_mem>>)
      %dma_start3A_165 = arith.constant 0 : i32
      %dma_start3A_166 = tpu.memref_slice %arg5[%dma_start3A_165] : memref<64000xf32, #tpu.memory_space<vmem>> -> memref<64000xf32, #tpu.memory_space<vmem>>
      %dma_start3A_167 = arith.constant 4224000 : i32
      %dma_start3A_168 = tpu.memref_slice %arg2[%dma_start3A_167] : memref<5120000xf32, #tpu.memory_space<hbm>> -> memref<64000xf32, #tpu.memory_space<hbm>>
      %dma_start3A_169 = arith.constant 0 : i32
      %dma_start3A_170 = tpu.memref_slice %arg5[%dma_start3A_169] : memref<64000xf32, #tpu.memory_space<vmem>> -> memref<64000xf32, #tpu.memory_space<vmem>>
      %dma_start3A_171 = arith.constant 4224000 : i32
      %dma_start3A_172 = tpu.memref_slice %arg2[%dma_start3A_171] : memref<5120000xf32, #tpu.memory_space<hbm>> -> memref<64000xf32, #tpu.memory_space<hbm>>
      tpu.enqueue_dma source(%dma_start3A_172 : memref<64000xf32, #tpu.memory_space<hbm>>) target(%dma_start3A_170 : memref<64000xf32, #tpu.memory_space<vmem>>) target_semaphore(%arg7 : memref<!tpu.dma_semaphore, #tpu.memory_space<semaphore_mem>>)
      %dma_wait3A = arith.constant 0 : i32
      %dma_wait3A_173 = tpu.memref_slice %arg4[%dma_wait3A] : memref<64000xf32, #tpu.memory_space<vmem>> -> memref<64000xf32, #tpu.memory_space<vmem>>
      %dma_wait3A_174 = arith.constant 4160000 : i32
      %dma_wait3A_175 = tpu.memref_slice %arg2[%dma_wait3A_174] : memref<5120000xf32, #tpu.memory_space<hbm>> -> memref<64000xf32, #tpu.memory_space<hbm>>
      %dma_wait3A_176 = arith.constant 0 : i32
      %dma_wait3A_177 = tpu.memref_slice %arg4[%dma_wait3A_176] : memref<64000xf32, #tpu.memory_space<vmem>> -> memref<64000xf32, #tpu.memory_space<vmem>>
      %dma_wait3A_178 = arith.constant 4160000 : i32
      %dma_wait3A_179 = tpu.memref_slice %arg2[%dma_wait3A_178] : memref<5120000xf32, #tpu.memory_space<hbm>> -> memref<64000xf32, #tpu.memory_space<hbm>>
      tpu.wait_dma2 semaphore(%arg6 : memref<!tpu.dma_semaphore, #tpu.memory_space<semaphore_mem>>) src(%dma_wait3A_179 : memref<64000xf32, #tpu.memory_space<hbm>>) dst(%dma_wait3A_177 : memref<64000xf32, #tpu.memory_space<vmem>>)
      %dma_start3A_180 = arith.constant 0 : i32
      %dma_start3A_181 = tpu.memref_slice %arg4[%dma_start3A_180] : memref<64000xf32, #tpu.memory_space<vmem>> -> memref<64000xf32, #tpu.memory_space<vmem>>
      %dma_start3A_182 = arith.constant 4160000 : i32
      %dma_start3A_183 = tpu.memref_slice %arg3[%dma_start3A_182] : memref<5120000xf32, #tpu.memory_space<hbm>> -> memref<64000xf32, #tpu.memory_space<hbm>>
      %dma_start3A_184 = arith.constant 4160000 : i32
      %dma_start3A_185 = tpu.memref_slice %arg3[%dma_start3A_184] : memref<5120000xf32, #tpu.memory_space<hbm>> -> memref<64000xf32, #tpu.memory_space<hbm>>
      %dma_start3A_186 = arith.constant 0 : i32
      %dma_start3A_187 = tpu.memref_slice %arg4[%dma_start3A_186] : memref<64000xf32, #tpu.memory_space<vmem>> -> memref<64000xf32, #tpu.memory_space<vmem>>
      tpu.enqueue_dma source(%dma_start3A_187 : memref<64000xf32, #tpu.memory_space<vmem>>) target(%dma_start3A_185 : memref<64000xf32, #tpu.memory_space<hbm>>) target_semaphore(%arg8 : memref<!tpu.dma_semaphore, #tpu.memory_space<semaphore_mem>>)
      %dma_wait3A_188 = arith.constant 0 : i32
      %dma_wait3A_189 = tpu.memref_slice %arg5[%dma_wait3A_188] : memref<64000xf32, #tpu.memory_space<vmem>> -> memref<64000xf32, #tpu.memory_space<vmem>>
      %dma_wait3A_190 = arith.constant 4224000 : i32
      %dma_wait3A_191 = tpu.memref_slice %arg2[%dma_wait3A_190] : memref<5120000xf32, #tpu.memory_space<hbm>> -> memref<64000xf32, #tpu.memory_space<hbm>>
      %dma_wait3A_192 = arith.constant 0 : i32
      %dma_wait3A_193 = tpu.memref_slice %arg5[%dma_wait3A_192] : memref<64000xf32, #tpu.memory_space<vmem>> -> memref<64000xf32, #tpu.memory_space<vmem>>
      %dma_wait3A_194 = arith.constant 4224000 : i32
      %dma_wait3A_195 = tpu.memref_slice %arg2[%dma_wait3A_194] : memref<5120000xf32, #tpu.memory_space<hbm>> -> memref<64000xf32, #tpu.memory_space<hbm>>
      tpu.wait_dma2 semaphore(%arg7 : memref<!tpu.dma_semaphore, #tpu.memory_space<semaphore_mem>>) src(%dma_wait3A_195 : memref<64000xf32, #tpu.memory_space<hbm>>) dst(%dma_wait3A_193 : memref<64000xf32, #tpu.memory_space<vmem>>)
      %dma_start3A_196 = arith.constant 0 : i32
      %dma_start3A_197 = tpu.memref_slice %arg5[%dma_start3A_196] : memref<64000xf32, #tpu.memory_space<vmem>> -> memref<64000xf32, #tpu.memory_space<vmem>>
      %dma_start3A_198 = arith.constant 4224000 : i32
      %dma_start3A_199 = tpu.memref_slice %arg3[%dma_start3A_198] : memref<5120000xf32, #tpu.memory_space<hbm>> -> memref<64000xf32, #tpu.memory_space<hbm>>
      %dma_start3A_200 = arith.constant 4224000 : i32
      %dma_start3A_201 = tpu.memref_slice %arg3[%dma_start3A_200] : memref<5120000xf32, #tpu.memory_space<hbm>> -> memref<64000xf32, #tpu.memory_space<hbm>>
      %dma_start3A_202 = arith.constant 0 : i32
      %dma_start3A_203 = tpu.memref_slice %arg5[%dma_start3A_202] : memref<64000xf32, #tpu.memory_space<vmem>> -> memref<64000xf32, #tpu.memory_space<vmem>>
      tpu.enqueue_dma source(%dma_start3A_203 : memref<64000xf32, #tpu.memory_space<vmem>>) target(%dma_start3A_201 : memref<64000xf32, #tpu.memory_space<hbm>>) target_semaphore(%arg9 : memref<!tpu.dma_semaphore, #tpu.memory_space<semaphore_mem>>)
      %dma_wait3A_204 = arith.constant 0 : i32
      %dma_wait3A_205 = tpu.memref_slice %arg4[%dma_wait3A_204] : memref<64000xf32, #tpu.memory_space<vmem>> -> memref<64000xf32, #tpu.memory_space<vmem>>
      %dma_wait3A_206 = arith.constant 4160000 : i32
      %dma_wait3A_207 = tpu.memref_slice %arg3[%dma_wait3A_206] : memref<5120000xf32, #tpu.memory_space<hbm>> -> memref<64000xf32, #tpu.memory_space<hbm>>
      %dma_wait3A_208 = arith.constant 4160000 : i32
      %dma_wait3A_209 = tpu.memref_slice %arg3[%dma_wait3A_208] : memref<5120000xf32, #tpu.memory_space<hbm>> -> memref<64000xf32, #tpu.memory_space<hbm>>
      %dma_wait3A_210 = arith.constant 0 : i32
      %dma_wait3A_211 = tpu.memref_slice %arg4[%dma_wait3A_210] : memref<64000xf32, #tpu.memory_space<vmem>> -> memref<64000xf32, #tpu.memory_space<vmem>>
      tpu.wait_dma2 semaphore(%arg8 : memref<!tpu.dma_semaphore, #tpu.memory_space<semaphore_mem>>) src(%dma_wait3A_211 : memref<64000xf32, #tpu.memory_space<vmem>>) dst(%dma_wait3A_209 : memref<64000xf32, #tpu.memory_space<hbm>>)
      %dma_start3A_212 = arith.constant 0 : i32
      %dma_start3A_213 = tpu.memref_slice %arg4[%dma_start3A_212] : memref<64000xf32, #tpu.memory_space<vmem>> -> memref<32000xf32, #tpu.memory_space<vmem>>
      %dma_start3A_214 = arith.constant 4288000 : i32
      %dma_start3A_215 = tpu.memref_slice %arg2[%dma_start3A_214] : memref<5120000xf32, #tpu.memory_space<hbm>> -> memref<32000xf32, #tpu.memory_space<hbm>>
      %dma_start3A_216 = arith.constant 0 : i32
      %dma_start3A_217 = tpu.memref_slice %arg4[%dma_start3A_216] : memref<64000xf32, #tpu.memory_space<vmem>> -> memref<32000xf32, #tpu.memory_space<vmem>>
      %dma_start3A_218 = arith.constant 4288000 : i32
      %dma_start3A_219 = tpu.memref_slice %arg2[%dma_start3A_218] : memref<5120000xf32, #tpu.memory_space<hbm>> -> memref<32000xf32, #tpu.memory_space<hbm>>
      tpu.enqueue_dma source(%dma_start3A_219 : memref<32000xf32, #tpu.memory_space<hbm>>) target(%dma_start3A_217 : memref<32000xf32, #tpu.memory_space<vmem>>) target_semaphore(%arg6 : memref<!tpu.dma_semaphore, #tpu.memory_space<semaphore_mem>>)
      %dma_wait3A_220 = arith.constant 0 : i32
      %dma_wait3A_221 = tpu.memref_slice %arg4[%dma_wait3A_220] : memref<64000xf32, #tpu.memory_space<vmem>> -> memref<32000xf32, #tpu.memory_space<vmem>>
      %dma_wait3A_222 = arith.constant 4288000 : i32
      %dma_wait3A_223 = tpu.memref_slice %arg2[%dma_wait3A_222] : memref<5120000xf32, #tpu.memory_space<hbm>> -> memref<32000xf32, #tpu.memory_space<hbm>>
      %dma_wait3A_224 = arith.constant 0 : i32
      %dma_wait3A_225 = tpu.memref_slice %arg4[%dma_wait3A_224] : memref<64000xf32, #tpu.memory_space<vmem>> -> memref<32000xf32, #tpu.memory_space<vmem>>
      %dma_wait3A_226 = arith.constant 4288000 : i32
      %dma_wait3A_227 = tpu.memref_slice %arg2[%dma_wait3A_226] : memref<5120000xf32, #tpu.memory_space<hbm>> -> memref<32000xf32, #tpu.memory_space<hbm>>
      tpu.wait_dma2 semaphore(%arg6 : memref<!tpu.dma_semaphore, #tpu.memory_space<semaphore_mem>>) src(%dma_wait3A_227 : memref<32000xf32, #tpu.memory_space<hbm>>) dst(%dma_wait3A_225 : memref<32000xf32, #tpu.memory_space<vmem>>)
      %dma_start3A_228 = arith.constant 0 : i32
      %dma_start3A_229 = tpu.memref_slice %arg4[%dma_start3A_228] : memref<64000xf32, #tpu.memory_space<vmem>> -> memref<32000xf32, #tpu.memory_space<vmem>>
      %dma_start3A_230 = arith.constant 4288000 : i32
      %dma_start3A_231 = tpu.memref_slice %arg3[%dma_start3A_230] : memref<5120000xf32, #tpu.memory_space<hbm>> -> memref<32000xf32, #tpu.memory_space<hbm>>
      %dma_start3A_232 = arith.constant 4288000 : i32
      %dma_start3A_233 = tpu.memref_slice %arg3[%dma_start3A_232] : memref<5120000xf32, #tpu.memory_space<hbm>> -> memref<32000xf32, #tpu.memory_space<hbm>>
      %dma_start3A_234 = arith.constant 0 : i32
      %dma_start3A_235 = tpu.memref_slice %arg4[%dma_start3A_234] : memref<64000xf32, #tpu.memory_space<vmem>> -> memref<32000xf32, #tpu.memory_space<vmem>>
      tpu.enqueue_dma source(%dma_start3A_235 : memref<32000xf32, #tpu.memory_space<vmem>>) target(%dma_start3A_233 : memref<32000xf32, #tpu.memory_space<hbm>>) target_semaphore(%arg8 : memref<!tpu.dma_semaphore, #tpu.memory_space<semaphore_mem>>)
      %dma_wait3A_236 = arith.constant 0 : i32
      %dma_wait3A_237 = tpu.memref_slice %arg5[%dma_wait3A_236] : memref<64000xf32, #tpu.memory_space<vmem>> -> memref<64000xf32, #tpu.memory_space<vmem>>
      %dma_wait3A_238 = arith.constant 4224000 : i32
      %dma_wait3A_239 = tpu.memref_slice %arg3[%dma_wait3A_238] : memref<5120000xf32, #tpu.memory_space<hbm>> -> memref<64000xf32, #tpu.memory_space<hbm>>
      %dma_wait3A_240 = arith.constant 4224000 : i32
      %dma_wait3A_241 = tpu.memref_slice %arg3[%dma_wait3A_240] : memref<5120000xf32, #tpu.memory_space<hbm>> -> memref<64000xf32, #tpu.memory_space<hbm>>
      %dma_wait3A_242 = arith.constant 0 : i32
      %dma_wait3A_243 = tpu.memref_slice %arg5[%dma_wait3A_242] : memref<64000xf32, #tpu.memory_space<vmem>> -> memref<64000xf32, #tpu.memory_space<vmem>>
      tpu.wait_dma2 semaphore(%arg9 : memref<!tpu.dma_semaphore, #tpu.memory_space<semaphore_mem>>) src(%dma_wait3A_243 : memref<64000xf32, #tpu.memory_space<vmem>>) dst(%dma_wait3A_241 : memref<64000xf32, #tpu.memory_space<hbm>>)
      %dma_wait3A_244 = arith.constant 0 : i32
      %dma_wait3A_245 = tpu.memref_slice %arg4[%dma_wait3A_244] : memref<64000xf32, #tpu.memory_space<vmem>> -> memref<32000xf32, #tpu.memory_space<vmem>>
      %dma_wait3A_246 = arith.constant 4288000 : i32
      %dma_wait3A_247 = tpu.memref_slice %arg3[%dma_wait3A_246] : memref<5120000xf32, #tpu.memory_space<hbm>> -> memref<32000xf32, #tpu.memory_space<hbm>>
      %dma_wait3A_248 = arith.constant 4288000 : i32
      %dma_wait3A_249 = tpu.memref_slice %arg3[%dma_wait3A_248] : memref<5120000xf32, #tpu.memory_space<hbm>> -> memref<32000xf32, #tpu.memory_space<hbm>>
      %dma_wait3A_250 = arith.constant 0 : i32
      %dma_wait3A_251 = tpu.memref_slice %arg4[%dma_wait3A_250] : memref<64000xf32, #tpu.memory_space<vmem>> -> memref<32000xf32, #tpu.memory_space<vmem>>
      tpu.wait_dma2 semaphore(%arg8 : memref<!tpu.dma_semaphore, #tpu.memory_space<semaphore_mem>>) src(%dma_wait3A_251 : memref<32000xf32, #tpu.memory_space<vmem>>) dst(%dma_wait3A_249 : memref<32000xf32, #tpu.memory_space<hbm>>)
    } else {
    }
    %eq3A_133 = arith.constant 27 : i32
    %eq3A_134 = arith.cmpi eq, %add3A, %eq3A_133 : i32
    %convert_element_type3A_135 = arith.extui %eq3A_134 : i1 to i32
    %cond3A_136 = arith.constant 0 : i32
    %cond3A_137 = arith.cmpi ne, %convert_element_type3A_135, %cond3A_136 : i32
    scf.if %cond3A_137 {
      %dma_start3A = arith.constant 0 : i32
      %dma_start3A_158 = tpu.memref_slice %arg4[%dma_start3A] : memref<64000xf32, #tpu.memory_space<vmem>> -> memref<64000xf32, #tpu.memory_space<vmem>>
      %dma_start3A_159 = arith.constant 4320000 : i32
      %dma_start3A_160 = tpu.memref_slice %arg2[%dma_start3A_159] : memref<5120000xf32, #tpu.memory_space<hbm>> -> memref<64000xf32, #tpu.memory_space<hbm>>
      %dma_start3A_161 = arith.constant 0 : i32
      %dma_start3A_162 = tpu.memref_slice %arg4[%dma_start3A_161] : memref<64000xf32, #tpu.memory_space<vmem>> -> memref<64000xf32, #tpu.memory_space<vmem>>
      %dma_start3A_163 = arith.constant 4320000 : i32
      %dma_start3A_164 = tpu.memref_slice %arg2[%dma_start3A_163] : memref<5120000xf32, #tpu.memory_space<hbm>> -> memref<64000xf32, #tpu.memory_space<hbm>>
      tpu.enqueue_dma source(%dma_start3A_164 : memref<64000xf32, #tpu.memory_space<hbm>>) target(%dma_start3A_162 : memref<64000xf32, #tpu.memory_space<vmem>>) target_semaphore(%arg6 : memref<!tpu.dma_semaphore, #tpu.memory_space<semaphore_mem>>)
      %dma_start3A_165 = arith.constant 0 : i32
      %dma_start3A_166 = tpu.memref_slice %arg5[%dma_start3A_165] : memref<64000xf32, #tpu.memory_space<vmem>> -> memref<64000xf32, #tpu.memory_space<vmem>>
      %dma_start3A_167 = arith.constant 4384000 : i32
      %dma_start3A_168 = tpu.memref_slice %arg2[%dma_start3A_167] : memref<5120000xf32, #tpu.memory_space<hbm>> -> memref<64000xf32, #tpu.memory_space<hbm>>
      %dma_start3A_169 = arith.constant 0 : i32
      %dma_start3A_170 = tpu.memref_slice %arg5[%dma_start3A_169] : memref<64000xf32, #tpu.memory_space<vmem>> -> memref<64000xf32, #tpu.memory_space<vmem>>
      %dma_start3A_171 = arith.constant 4384000 : i32
      %dma_start3A_172 = tpu.memref_slice %arg2[%dma_start3A_171] : memref<5120000xf32, #tpu.memory_space<hbm>> -> memref<64000xf32, #tpu.memory_space<hbm>>
      tpu.enqueue_dma source(%dma_start3A_172 : memref<64000xf32, #tpu.memory_space<hbm>>) target(%dma_start3A_170 : memref<64000xf32, #tpu.memory_space<vmem>>) target_semaphore(%arg7 : memref<!tpu.dma_semaphore, #tpu.memory_space<semaphore_mem>>)
      %dma_wait3A = arith.constant 0 : i32
      %dma_wait3A_173 = tpu.memref_slice %arg4[%dma_wait3A] : memref<64000xf32, #tpu.memory_space<vmem>> -> memref<64000xf32, #tpu.memory_space<vmem>>
      %dma_wait3A_174 = arith.constant 4320000 : i32
      %dma_wait3A_175 = tpu.memref_slice %arg2[%dma_wait3A_174] : memref<5120000xf32, #tpu.memory_space<hbm>> -> memref<64000xf32, #tpu.memory_space<hbm>>
      %dma_wait3A_176 = arith.constant 0 : i32
      %dma_wait3A_177 = tpu.memref_slice %arg4[%dma_wait3A_176] : memref<64000xf32, #tpu.memory_space<vmem>> -> memref<64000xf32, #tpu.memory_space<vmem>>
      %dma_wait3A_178 = arith.constant 4320000 : i32
      %dma_wait3A_179 = tpu.memref_slice %arg2[%dma_wait3A_178] : memref<5120000xf32, #tpu.memory_space<hbm>> -> memref<64000xf32, #tpu.memory_space<hbm>>
      tpu.wait_dma2 semaphore(%arg6 : memref<!tpu.dma_semaphore, #tpu.memory_space<semaphore_mem>>) src(%dma_wait3A_179 : memref<64000xf32, #tpu.memory_space<hbm>>) dst(%dma_wait3A_177 : memref<64000xf32, #tpu.memory_space<vmem>>)
      %dma_start3A_180 = arith.constant 0 : i32
      %dma_start3A_181 = tpu.memref_slice %arg4[%dma_start3A_180] : memref<64000xf32, #tpu.memory_space<vmem>> -> memref<64000xf32, #tpu.memory_space<vmem>>
      %dma_start3A_182 = arith.constant 4320000 : i32
      %dma_start3A_183 = tpu.memref_slice %arg3[%dma_start3A_182] : memref<5120000xf32, #tpu.memory_space<hbm>> -> memref<64000xf32, #tpu.memory_space<hbm>>
      %dma_start3A_184 = arith.constant 4320000 : i32
      %dma_start3A_185 = tpu.memref_slice %arg3[%dma_start3A_184] : memref<5120000xf32, #tpu.memory_space<hbm>> -> memref<64000xf32, #tpu.memory_space<hbm>>
      %dma_start3A_186 = arith.constant 0 : i32
      %dma_start3A_187 = tpu.memref_slice %arg4[%dma_start3A_186] : memref<64000xf32, #tpu.memory_space<vmem>> -> memref<64000xf32, #tpu.memory_space<vmem>>
      tpu.enqueue_dma source(%dma_start3A_187 : memref<64000xf32, #tpu.memory_space<vmem>>) target(%dma_start3A_185 : memref<64000xf32, #tpu.memory_space<hbm>>) target_semaphore(%arg8 : memref<!tpu.dma_semaphore, #tpu.memory_space<semaphore_mem>>)
      %dma_wait3A_188 = arith.constant 0 : i32
      %dma_wait3A_189 = tpu.memref_slice %arg5[%dma_wait3A_188] : memref<64000xf32, #tpu.memory_space<vmem>> -> memref<64000xf32, #tpu.memory_space<vmem>>
      %dma_wait3A_190 = arith.constant 4384000 : i32
      %dma_wait3A_191 = tpu.memref_slice %arg2[%dma_wait3A_190] : memref<5120000xf32, #tpu.memory_space<hbm>> -> memref<64000xf32, #tpu.memory_space<hbm>>
      %dma_wait3A_192 = arith.constant 0 : i32
      %dma_wait3A_193 = tpu.memref_slice %arg5[%dma_wait3A_192] : memref<64000xf32, #tpu.memory_space<vmem>> -> memref<64000xf32, #tpu.memory_space<vmem>>
      %dma_wait3A_194 = arith.constant 4384000 : i32
      %dma_wait3A_195 = tpu.memref_slice %arg2[%dma_wait3A_194] : memref<5120000xf32, #tpu.memory_space<hbm>> -> memref<64000xf32, #tpu.memory_space<hbm>>
      tpu.wait_dma2 semaphore(%arg7 : memref<!tpu.dma_semaphore, #tpu.memory_space<semaphore_mem>>) src(%dma_wait3A_195 : memref<64000xf32, #tpu.memory_space<hbm>>) dst(%dma_wait3A_193 : memref<64000xf32, #tpu.memory_space<vmem>>)
      %dma_start3A_196 = arith.constant 0 : i32
      %dma_start3A_197 = tpu.memref_slice %arg5[%dma_start3A_196] : memref<64000xf32, #tpu.memory_space<vmem>> -> memref<64000xf32, #tpu.memory_space<vmem>>
      %dma_start3A_198 = arith.constant 4384000 : i32
      %dma_start3A_199 = tpu.memref_slice %arg3[%dma_start3A_198] : memref<5120000xf32, #tpu.memory_space<hbm>> -> memref<64000xf32, #tpu.memory_space<hbm>>
      %dma_start3A_200 = arith.constant 4384000 : i32
      %dma_start3A_201 = tpu.memref_slice %arg3[%dma_start3A_200] : memref<5120000xf32, #tpu.memory_space<hbm>> -> memref<64000xf32, #tpu.memory_space<hbm>>
      %dma_start3A_202 = arith.constant 0 : i32
      %dma_start3A_203 = tpu.memref_slice %arg5[%dma_start3A_202] : memref<64000xf32, #tpu.memory_space<vmem>> -> memref<64000xf32, #tpu.memory_space<vmem>>
      tpu.enqueue_dma source(%dma_start3A_203 : memref<64000xf32, #tpu.memory_space<vmem>>) target(%dma_start3A_201 : memref<64000xf32, #tpu.memory_space<hbm>>) target_semaphore(%arg9 : memref<!tpu.dma_semaphore, #tpu.memory_space<semaphore_mem>>)
      %dma_wait3A_204 = arith.constant 0 : i32
      %dma_wait3A_205 = tpu.memref_slice %arg4[%dma_wait3A_204] : memref<64000xf32, #tpu.memory_space<vmem>> -> memref<64000xf32, #tpu.memory_space<vmem>>
      %dma_wait3A_206 = arith.constant 4320000 : i32
      %dma_wait3A_207 = tpu.memref_slice %arg3[%dma_wait3A_206] : memref<5120000xf32, #tpu.memory_space<hbm>> -> memref<64000xf32, #tpu.memory_space<hbm>>
      %dma_wait3A_208 = arith.constant 4320000 : i32
      %dma_wait3A_209 = tpu.memref_slice %arg3[%dma_wait3A_208] : memref<5120000xf32, #tpu.memory_space<hbm>> -> memref<64000xf32, #tpu.memory_space<hbm>>
      %dma_wait3A_210 = arith.constant 0 : i32
      %dma_wait3A_211 = tpu.memref_slice %arg4[%dma_wait3A_210] : memref<64000xf32, #tpu.memory_space<vmem>> -> memref<64000xf32, #tpu.memory_space<vmem>>
      tpu.wait_dma2 semaphore(%arg8 : memref<!tpu.dma_semaphore, #tpu.memory_space<semaphore_mem>>) src(%dma_wait3A_211 : memref<64000xf32, #tpu.memory_space<vmem>>) dst(%dma_wait3A_209 : memref<64000xf32, #tpu.memory_space<hbm>>)
      %dma_start3A_212 = arith.constant 0 : i32
      %dma_start3A_213 = tpu.memref_slice %arg4[%dma_start3A_212] : memref<64000xf32, #tpu.memory_space<vmem>> -> memref<32000xf32, #tpu.memory_space<vmem>>
      %dma_start3A_214 = arith.constant 4448000 : i32
      %dma_start3A_215 = tpu.memref_slice %arg2[%dma_start3A_214] : memref<5120000xf32, #tpu.memory_space<hbm>> -> memref<32000xf32, #tpu.memory_space<hbm>>
      %dma_start3A_216 = arith.constant 0 : i32
      %dma_start3A_217 = tpu.memref_slice %arg4[%dma_start3A_216] : memref<64000xf32, #tpu.memory_space<vmem>> -> memref<32000xf32, #tpu.memory_space<vmem>>
      %dma_start3A_218 = arith.constant 4448000 : i32
      %dma_start3A_219 = tpu.memref_slice %arg2[%dma_start3A_218] : memref<5120000xf32, #tpu.memory_space<hbm>> -> memref<32000xf32, #tpu.memory_space<hbm>>
      tpu.enqueue_dma source(%dma_start3A_219 : memref<32000xf32, #tpu.memory_space<hbm>>) target(%dma_start3A_217 : memref<32000xf32, #tpu.memory_space<vmem>>) target_semaphore(%arg6 : memref<!tpu.dma_semaphore, #tpu.memory_space<semaphore_mem>>)
      %dma_wait3A_220 = arith.constant 0 : i32
      %dma_wait3A_221 = tpu.memref_slice %arg4[%dma_wait3A_220] : memref<64000xf32, #tpu.memory_space<vmem>> -> memref<32000xf32, #tpu.memory_space<vmem>>
      %dma_wait3A_222 = arith.constant 4448000 : i32
      %dma_wait3A_223 = tpu.memref_slice %arg2[%dma_wait3A_222] : memref<5120000xf32, #tpu.memory_space<hbm>> -> memref<32000xf32, #tpu.memory_space<hbm>>
      %dma_wait3A_224 = arith.constant 0 : i32
      %dma_wait3A_225 = tpu.memref_slice %arg4[%dma_wait3A_224] : memref<64000xf32, #tpu.memory_space<vmem>> -> memref<32000xf32, #tpu.memory_space<vmem>>
      %dma_wait3A_226 = arith.constant 4448000 : i32
      %dma_wait3A_227 = tpu.memref_slice %arg2[%dma_wait3A_226] : memref<5120000xf32, #tpu.memory_space<hbm>> -> memref<32000xf32, #tpu.memory_space<hbm>>
      tpu.wait_dma2 semaphore(%arg6 : memref<!tpu.dma_semaphore, #tpu.memory_space<semaphore_mem>>) src(%dma_wait3A_227 : memref<32000xf32, #tpu.memory_space<hbm>>) dst(%dma_wait3A_225 : memref<32000xf32, #tpu.memory_space<vmem>>)
      %dma_start3A_228 = arith.constant 0 : i32
      %dma_start3A_229 = tpu.memref_slice %arg4[%dma_start3A_228] : memref<64000xf32, #tpu.memory_space<vmem>> -> memref<32000xf32, #tpu.memory_space<vmem>>
      %dma_start3A_230 = arith.constant 4448000 : i32
      %dma_start3A_231 = tpu.memref_slice %arg3[%dma_start3A_230] : memref<5120000xf32, #tpu.memory_space<hbm>> -> memref<32000xf32, #tpu.memory_space<hbm>>
      %dma_start3A_232 = arith.constant 4448000 : i32
      %dma_start3A_233 = tpu.memref_slice %arg3[%dma_start3A_232] : memref<5120000xf32, #tpu.memory_space<hbm>> -> memref<32000xf32, #tpu.memory_space<hbm>>
      %dma_start3A_234 = arith.constant 0 : i32
      %dma_start3A_235 = tpu.memref_slice %arg4[%dma_start3A_234] : memref<64000xf32, #tpu.memory_space<vmem>> -> memref<32000xf32, #tpu.memory_space<vmem>>
      tpu.enqueue_dma source(%dma_start3A_235 : memref<32000xf32, #tpu.memory_space<vmem>>) target(%dma_start3A_233 : memref<32000xf32, #tpu.memory_space<hbm>>) target_semaphore(%arg8 : memref<!tpu.dma_semaphore, #tpu.memory_space<semaphore_mem>>)
      %dma_wait3A_236 = arith.constant 0 : i32
      %dma_wait3A_237 = tpu.memref_slice %arg5[%dma_wait3A_236] : memref<64000xf32, #tpu.memory_space<vmem>> -> memref<64000xf32, #tpu.memory_space<vmem>>
      %dma_wait3A_238 = arith.constant 4384000 : i32
      %dma_wait3A_239 = tpu.memref_slice %arg3[%dma_wait3A_238] : memref<5120000xf32, #tpu.memory_space<hbm>> -> memref<64000xf32, #tpu.memory_space<hbm>>
      %dma_wait3A_240 = arith.constant 4384000 : i32
      %dma_wait3A_241 = tpu.memref_slice %arg3[%dma_wait3A_240] : memref<5120000xf32, #tpu.memory_space<hbm>> -> memref<64000xf32, #tpu.memory_space<hbm>>
      %dma_wait3A_242 = arith.constant 0 : i32
      %dma_wait3A_243 = tpu.memref_slice %arg5[%dma_wait3A_242] : memref<64000xf32, #tpu.memory_space<vmem>> -> memref<64000xf32, #tpu.memory_space<vmem>>
      tpu.wait_dma2 semaphore(%arg9 : memref<!tpu.dma_semaphore, #tpu.memory_space<semaphore_mem>>) src(%dma_wait3A_243 : memref<64000xf32, #tpu.memory_space<vmem>>) dst(%dma_wait3A_241 : memref<64000xf32, #tpu.memory_space<hbm>>)
      %dma_wait3A_244 = arith.constant 0 : i32
      %dma_wait3A_245 = tpu.memref_slice %arg4[%dma_wait3A_244] : memref<64000xf32, #tpu.memory_space<vmem>> -> memref<32000xf32, #tpu.memory_space<vmem>>
      %dma_wait3A_246 = arith.constant 4448000 : i32
      %dma_wait3A_247 = tpu.memref_slice %arg3[%dma_wait3A_246] : memref<5120000xf32, #tpu.memory_space<hbm>> -> memref<32000xf32, #tpu.memory_space<hbm>>
      %dma_wait3A_248 = arith.constant 4448000 : i32
      %dma_wait3A_249 = tpu.memref_slice %arg3[%dma_wait3A_248] : memref<5120000xf32, #tpu.memory_space<hbm>> -> memref<32000xf32, #tpu.memory_space<hbm>>
      %dma_wait3A_250 = arith.constant 0 : i32
      %dma_wait3A_251 = tpu.memref_slice %arg4[%dma_wait3A_250] : memref<64000xf32, #tpu.memory_space<vmem>> -> memref<32000xf32, #tpu.memory_space<vmem>>
      tpu.wait_dma2 semaphore(%arg8 : memref<!tpu.dma_semaphore, #tpu.memory_space<semaphore_mem>>) src(%dma_wait3A_251 : memref<32000xf32, #tpu.memory_space<vmem>>) dst(%dma_wait3A_249 : memref<32000xf32, #tpu.memory_space<hbm>>)
    } else {
    }
    %eq3A_138 = arith.constant 28 : i32
    %eq3A_139 = arith.cmpi eq, %add3A, %eq3A_138 : i32
    %convert_element_type3A_140 = arith.extui %eq3A_139 : i1 to i32
    %cond3A_141 = arith.constant 0 : i32
    %cond3A_142 = arith.cmpi ne, %convert_element_type3A_140, %cond3A_141 : i32
    scf.if %cond3A_142 {
      %dma_start3A = arith.constant 0 : i32
      %dma_start3A_158 = tpu.memref_slice %arg4[%dma_start3A] : memref<64000xf32, #tpu.memory_space<vmem>> -> memref<64000xf32, #tpu.memory_space<vmem>>
      %dma_start3A_159 = arith.constant 4480000 : i32
      %dma_start3A_160 = tpu.memref_slice %arg2[%dma_start3A_159] : memref<5120000xf32, #tpu.memory_space<hbm>> -> memref<64000xf32, #tpu.memory_space<hbm>>
      %dma_start3A_161 = arith.constant 0 : i32
      %dma_start3A_162 = tpu.memref_slice %arg4[%dma_start3A_161] : memref<64000xf32, #tpu.memory_space<vmem>> -> memref<64000xf32, #tpu.memory_space<vmem>>
      %dma_start3A_163 = arith.constant 4480000 : i32
      %dma_start3A_164 = tpu.memref_slice %arg2[%dma_start3A_163] : memref<5120000xf32, #tpu.memory_space<hbm>> -> memref<64000xf32, #tpu.memory_space<hbm>>
      tpu.enqueue_dma source(%dma_start3A_164 : memref<64000xf32, #tpu.memory_space<hbm>>) target(%dma_start3A_162 : memref<64000xf32, #tpu.memory_space<vmem>>) target_semaphore(%arg6 : memref<!tpu.dma_semaphore, #tpu.memory_space<semaphore_mem>>)
      %dma_start3A_165 = arith.constant 0 : i32
      %dma_start3A_166 = tpu.memref_slice %arg5[%dma_start3A_165] : memref<64000xf32, #tpu.memory_space<vmem>> -> memref<64000xf32, #tpu.memory_space<vmem>>
      %dma_start3A_167 = arith.constant 4544000 : i32
      %dma_start3A_168 = tpu.memref_slice %arg2[%dma_start3A_167] : memref<5120000xf32, #tpu.memory_space<hbm>> -> memref<64000xf32, #tpu.memory_space<hbm>>
      %dma_start3A_169 = arith.constant 0 : i32
      %dma_start3A_170 = tpu.memref_slice %arg5[%dma_start3A_169] : memref<64000xf32, #tpu.memory_space<vmem>> -> memref<64000xf32, #tpu.memory_space<vmem>>
      %dma_start3A_171 = arith.constant 4544000 : i32
      %dma_start3A_172 = tpu.memref_slice %arg2[%dma_start3A_171] : memref<5120000xf32, #tpu.memory_space<hbm>> -> memref<64000xf32, #tpu.memory_space<hbm>>
      tpu.enqueue_dma source(%dma_start3A_172 : memref<64000xf32, #tpu.memory_space<hbm>>) target(%dma_start3A_170 : memref<64000xf32, #tpu.memory_space<vmem>>) target_semaphore(%arg7 : memref<!tpu.dma_semaphore, #tpu.memory_space<semaphore_mem>>)
      %dma_wait3A = arith.constant 0 : i32
      %dma_wait3A_173 = tpu.memref_slice %arg4[%dma_wait3A] : memref<64000xf32, #tpu.memory_space<vmem>> -> memref<64000xf32, #tpu.memory_space<vmem>>
      %dma_wait3A_174 = arith.constant 4480000 : i32
      %dma_wait3A_175 = tpu.memref_slice %arg2[%dma_wait3A_174] : memref<5120000xf32, #tpu.memory_space<hbm>> -> memref<64000xf32, #tpu.memory_space<hbm>>
      %dma_wait3A_176 = arith.constant 0 : i32
      %dma_wait3A_177 = tpu.memref_slice %arg4[%dma_wait3A_176] : memref<64000xf32, #tpu.memory_space<vmem>> -> memref<64000xf32, #tpu.memory_space<vmem>>
      %dma_wait3A_178 = arith.constant 4480000 : i32
      %dma_wait3A_179 = tpu.memref_slice %arg2[%dma_wait3A_178] : memref<5120000xf32, #tpu.memory_space<hbm>> -> memref<64000xf32, #tpu.memory_space<hbm>>
      tpu.wait_dma2 semaphore(%arg6 : memref<!tpu.dma_semaphore, #tpu.memory_space<semaphore_mem>>) src(%dma_wait3A_179 : memref<64000xf32, #tpu.memory_space<hbm>>) dst(%dma_wait3A_177 : memref<64000xf32, #tpu.memory_space<vmem>>)
      %dma_start3A_180 = arith.constant 0 : i32
      %dma_start3A_181 = tpu.memref_slice %arg4[%dma_start3A_180] : memref<64000xf32, #tpu.memory_space<vmem>> -> memref<64000xf32, #tpu.memory_space<vmem>>
      %dma_start3A_182 = arith.constant 4480000 : i32
      %dma_start3A_183 = tpu.memref_slice %arg3[%dma_start3A_182] : memref<5120000xf32, #tpu.memory_space<hbm>> -> memref<64000xf32, #tpu.memory_space<hbm>>
      %dma_start3A_184 = arith.constant 4480000 : i32
      %dma_start3A_185 = tpu.memref_slice %arg3[%dma_start3A_184] : memref<5120000xf32, #tpu.memory_space<hbm>> -> memref<64000xf32, #tpu.memory_space<hbm>>
      %dma_start3A_186 = arith.constant 0 : i32
      %dma_start3A_187 = tpu.memref_slice %arg4[%dma_start3A_186] : memref<64000xf32, #tpu.memory_space<vmem>> -> memref<64000xf32, #tpu.memory_space<vmem>>
      tpu.enqueue_dma source(%dma_start3A_187 : memref<64000xf32, #tpu.memory_space<vmem>>) target(%dma_start3A_185 : memref<64000xf32, #tpu.memory_space<hbm>>) target_semaphore(%arg8 : memref<!tpu.dma_semaphore, #tpu.memory_space<semaphore_mem>>)
      %dma_wait3A_188 = arith.constant 0 : i32
      %dma_wait3A_189 = tpu.memref_slice %arg5[%dma_wait3A_188] : memref<64000xf32, #tpu.memory_space<vmem>> -> memref<64000xf32, #tpu.memory_space<vmem>>
      %dma_wait3A_190 = arith.constant 4544000 : i32
      %dma_wait3A_191 = tpu.memref_slice %arg2[%dma_wait3A_190] : memref<5120000xf32, #tpu.memory_space<hbm>> -> memref<64000xf32, #tpu.memory_space<hbm>>
      %dma_wait3A_192 = arith.constant 0 : i32
      %dma_wait3A_193 = tpu.memref_slice %arg5[%dma_wait3A_192] : memref<64000xf32, #tpu.memory_space<vmem>> -> memref<64000xf32, #tpu.memory_space<vmem>>
      %dma_wait3A_194 = arith.constant 4544000 : i32
      %dma_wait3A_195 = tpu.memref_slice %arg2[%dma_wait3A_194] : memref<5120000xf32, #tpu.memory_space<hbm>> -> memref<64000xf32, #tpu.memory_space<hbm>>
      tpu.wait_dma2 semaphore(%arg7 : memref<!tpu.dma_semaphore, #tpu.memory_space<semaphore_mem>>) src(%dma_wait3A_195 : memref<64000xf32, #tpu.memory_space<hbm>>) dst(%dma_wait3A_193 : memref<64000xf32, #tpu.memory_space<vmem>>)
      %dma_start3A_196 = arith.constant 0 : i32
      %dma_start3A_197 = tpu.memref_slice %arg5[%dma_start3A_196] : memref<64000xf32, #tpu.memory_space<vmem>> -> memref<64000xf32, #tpu.memory_space<vmem>>
      %dma_start3A_198 = arith.constant 4544000 : i32
      %dma_start3A_199 = tpu.memref_slice %arg3[%dma_start3A_198] : memref<5120000xf32, #tpu.memory_space<hbm>> -> memref<64000xf32, #tpu.memory_space<hbm>>
      %dma_start3A_200 = arith.constant 4544000 : i32
      %dma_start3A_201 = tpu.memref_slice %arg3[%dma_start3A_200] : memref<5120000xf32, #tpu.memory_space<hbm>> -> memref<64000xf32, #tpu.memory_space<hbm>>
      %dma_start3A_202 = arith.constant 0 : i32
      %dma_start3A_203 = tpu.memref_slice %arg5[%dma_start3A_202] : memref<64000xf32, #tpu.memory_space<vmem>> -> memref<64000xf32, #tpu.memory_space<vmem>>
      tpu.enqueue_dma source(%dma_start3A_203 : memref<64000xf32, #tpu.memory_space<vmem>>) target(%dma_start3A_201 : memref<64000xf32, #tpu.memory_space<hbm>>) target_semaphore(%arg9 : memref<!tpu.dma_semaphore, #tpu.memory_space<semaphore_mem>>)
      %dma_wait3A_204 = arith.constant 0 : i32
      %dma_wait3A_205 = tpu.memref_slice %arg4[%dma_wait3A_204] : memref<64000xf32, #tpu.memory_space<vmem>> -> memref<64000xf32, #tpu.memory_space<vmem>>
      %dma_wait3A_206 = arith.constant 4480000 : i32
      %dma_wait3A_207 = tpu.memref_slice %arg3[%dma_wait3A_206] : memref<5120000xf32, #tpu.memory_space<hbm>> -> memref<64000xf32, #tpu.memory_space<hbm>>
      %dma_wait3A_208 = arith.constant 4480000 : i32
      %dma_wait3A_209 = tpu.memref_slice %arg3[%dma_wait3A_208] : memref<5120000xf32, #tpu.memory_space<hbm>> -> memref<64000xf32, #tpu.memory_space<hbm>>
      %dma_wait3A_210 = arith.constant 0 : i32
      %dma_wait3A_211 = tpu.memref_slice %arg4[%dma_wait3A_210] : memref<64000xf32, #tpu.memory_space<vmem>> -> memref<64000xf32, #tpu.memory_space<vmem>>
      tpu.wait_dma2 semaphore(%arg8 : memref<!tpu.dma_semaphore, #tpu.memory_space<semaphore_mem>>) src(%dma_wait3A_211 : memref<64000xf32, #tpu.memory_space<vmem>>) dst(%dma_wait3A_209 : memref<64000xf32, #tpu.memory_space<hbm>>)
      %dma_start3A_212 = arith.constant 0 : i32
      %dma_start3A_213 = tpu.memref_slice %arg4[%dma_start3A_212] : memref<64000xf32, #tpu.memory_space<vmem>> -> memref<32000xf32, #tpu.memory_space<vmem>>
      %dma_start3A_214 = arith.constant 4608000 : i32
      %dma_start3A_215 = tpu.memref_slice %arg2[%dma_start3A_214] : memref<5120000xf32, #tpu.memory_space<hbm>> -> memref<32000xf32, #tpu.memory_space<hbm>>
      %dma_start3A_216 = arith.constant 0 : i32
      %dma_start3A_217 = tpu.memref_slice %arg4[%dma_start3A_216] : memref<64000xf32, #tpu.memory_space<vmem>> -> memref<32000xf32, #tpu.memory_space<vmem>>
      %dma_start3A_218 = arith.constant 4608000 : i32
      %dma_start3A_219 = tpu.memref_slice %arg2[%dma_start3A_218] : memref<5120000xf32, #tpu.memory_space<hbm>> -> memref<32000xf32, #tpu.memory_space<hbm>>
      tpu.enqueue_dma source(%dma_start3A_219 : memref<32000xf32, #tpu.memory_space<hbm>>) target(%dma_start3A_217 : memref<32000xf32, #tpu.memory_space<vmem>>) target_semaphore(%arg6 : memref<!tpu.dma_semaphore, #tpu.memory_space<semaphore_mem>>)
      %dma_wait3A_220 = arith.constant 0 : i32
      %dma_wait3A_221 = tpu.memref_slice %arg4[%dma_wait3A_220] : memref<64000xf32, #tpu.memory_space<vmem>> -> memref<32000xf32, #tpu.memory_space<vmem>>
      %dma_wait3A_222 = arith.constant 4608000 : i32
      %dma_wait3A_223 = tpu.memref_slice %arg2[%dma_wait3A_222] : memref<5120000xf32, #tpu.memory_space<hbm>> -> memref<32000xf32, #tpu.memory_space<hbm>>
      %dma_wait3A_224 = arith.constant 0 : i32
      %dma_wait3A_225 = tpu.memref_slice %arg4[%dma_wait3A_224] : memref<64000xf32, #tpu.memory_space<vmem>> -> memref<32000xf32, #tpu.memory_space<vmem>>
      %dma_wait3A_226 = arith.constant 4608000 : i32
      %dma_wait3A_227 = tpu.memref_slice %arg2[%dma_wait3A_226] : memref<5120000xf32, #tpu.memory_space<hbm>> -> memref<32000xf32, #tpu.memory_space<hbm>>
      tpu.wait_dma2 semaphore(%arg6 : memref<!tpu.dma_semaphore, #tpu.memory_space<semaphore_mem>>) src(%dma_wait3A_227 : memref<32000xf32, #tpu.memory_space<hbm>>) dst(%dma_wait3A_225 : memref<32000xf32, #tpu.memory_space<vmem>>)
      %dma_start3A_228 = arith.constant 0 : i32
      %dma_start3A_229 = tpu.memref_slice %arg4[%dma_start3A_228] : memref<64000xf32, #tpu.memory_space<vmem>> -> memref<32000xf32, #tpu.memory_space<vmem>>
      %dma_start3A_230 = arith.constant 4608000 : i32
      %dma_start3A_231 = tpu.memref_slice %arg3[%dma_start3A_230] : memref<5120000xf32, #tpu.memory_space<hbm>> -> memref<32000xf32, #tpu.memory_space<hbm>>
      %dma_start3A_232 = arith.constant 4608000 : i32
      %dma_start3A_233 = tpu.memref_slice %arg3[%dma_start3A_232] : memref<5120000xf32, #tpu.memory_space<hbm>> -> memref<32000xf32, #tpu.memory_space<hbm>>
      %dma_start3A_234 = arith.constant 0 : i32
      %dma_start3A_235 = tpu.memref_slice %arg4[%dma_start3A_234] : memref<64000xf32, #tpu.memory_space<vmem>> -> memref<32000xf32, #tpu.memory_space<vmem>>
      tpu.enqueue_dma source(%dma_start3A_235 : memref<32000xf32, #tpu.memory_space<vmem>>) target(%dma_start3A_233 : memref<32000xf32, #tpu.memory_space<hbm>>) target_semaphore(%arg8 : memref<!tpu.dma_semaphore, #tpu.memory_space<semaphore_mem>>)
      %dma_wait3A_236 = arith.constant 0 : i32
      %dma_wait3A_237 = tpu.memref_slice %arg5[%dma_wait3A_236] : memref<64000xf32, #tpu.memory_space<vmem>> -> memref<64000xf32, #tpu.memory_space<vmem>>
      %dma_wait3A_238 = arith.constant 4544000 : i32
      %dma_wait3A_239 = tpu.memref_slice %arg3[%dma_wait3A_238] : memref<5120000xf32, #tpu.memory_space<hbm>> -> memref<64000xf32, #tpu.memory_space<hbm>>
      %dma_wait3A_240 = arith.constant 4544000 : i32
      %dma_wait3A_241 = tpu.memref_slice %arg3[%dma_wait3A_240] : memref<5120000xf32, #tpu.memory_space<hbm>> -> memref<64000xf32, #tpu.memory_space<hbm>>
      %dma_wait3A_242 = arith.constant 0 : i32
      %dma_wait3A_243 = tpu.memref_slice %arg5[%dma_wait3A_242] : memref<64000xf32, #tpu.memory_space<vmem>> -> memref<64000xf32, #tpu.memory_space<vmem>>
      tpu.wait_dma2 semaphore(%arg9 : memref<!tpu.dma_semaphore, #tpu.memory_space<semaphore_mem>>) src(%dma_wait3A_243 : memref<64000xf32, #tpu.memory_space<vmem>>) dst(%dma_wait3A_241 : memref<64000xf32, #tpu.memory_space<hbm>>)
      %dma_wait3A_244 = arith.constant 0 : i32
      %dma_wait3A_245 = tpu.memref_slice %arg4[%dma_wait3A_244] : memref<64000xf32, #tpu.memory_space<vmem>> -> memref<32000xf32, #tpu.memory_space<vmem>>
      %dma_wait3A_246 = arith.constant 4608000 : i32
      %dma_wait3A_247 = tpu.memref_slice %arg3[%dma_wait3A_246] : memref<5120000xf32, #tpu.memory_space<hbm>> -> memref<32000xf32, #tpu.memory_space<hbm>>
      %dma_wait3A_248 = arith.constant 4608000 : i32
      %dma_wait3A_249 = tpu.memref_slice %arg3[%dma_wait3A_248] : memref<5120000xf32, #tpu.memory_space<hbm>> -> memref<32000xf32, #tpu.memory_space<hbm>>
      %dma_wait3A_250 = arith.constant 0 : i32
      %dma_wait3A_251 = tpu.memref_slice %arg4[%dma_wait3A_250] : memref<64000xf32, #tpu.memory_space<vmem>> -> memref<32000xf32, #tpu.memory_space<vmem>>
      tpu.wait_dma2 semaphore(%arg8 : memref<!tpu.dma_semaphore, #tpu.memory_space<semaphore_mem>>) src(%dma_wait3A_251 : memref<32000xf32, #tpu.memory_space<vmem>>) dst(%dma_wait3A_249 : memref<32000xf32, #tpu.memory_space<hbm>>)
    } else {
    }
    %eq3A_143 = arith.constant 29 : i32
    %eq3A_144 = arith.cmpi eq, %add3A, %eq3A_143 : i32
    %convert_element_type3A_145 = arith.extui %eq3A_144 : i1 to i32
    %cond3A_146 = arith.constant 0 : i32
    %cond3A_147 = arith.cmpi ne, %convert_element_type3A_145, %cond3A_146 : i32
    scf.if %cond3A_147 {
      %dma_start3A = arith.constant 0 : i32
      %dma_start3A_158 = tpu.memref_slice %arg4[%dma_start3A] : memref<64000xf32, #tpu.memory_space<vmem>> -> memref<64000xf32, #tpu.memory_space<vmem>>
      %dma_start3A_159 = arith.constant 4640000 : i32
      %dma_start3A_160 = tpu.memref_slice %arg2[%dma_start3A_159] : memref<5120000xf32, #tpu.memory_space<hbm>> -> memref<64000xf32, #tpu.memory_space<hbm>>
      %dma_start3A_161 = arith.constant 0 : i32
      %dma_start3A_162 = tpu.memref_slice %arg4[%dma_start3A_161] : memref<64000xf32, #tpu.memory_space<vmem>> -> memref<64000xf32, #tpu.memory_space<vmem>>
      %dma_start3A_163 = arith.constant 4640000 : i32
      %dma_start3A_164 = tpu.memref_slice %arg2[%dma_start3A_163] : memref<5120000xf32, #tpu.memory_space<hbm>> -> memref<64000xf32, #tpu.memory_space<hbm>>
      tpu.enqueue_dma source(%dma_start3A_164 : memref<64000xf32, #tpu.memory_space<hbm>>) target(%dma_start3A_162 : memref<64000xf32, #tpu.memory_space<vmem>>) target_semaphore(%arg6 : memref<!tpu.dma_semaphore, #tpu.memory_space<semaphore_mem>>)
      %dma_start3A_165 = arith.constant 0 : i32
      %dma_start3A_166 = tpu.memref_slice %arg5[%dma_start3A_165] : memref<64000xf32, #tpu.memory_space<vmem>> -> memref<64000xf32, #tpu.memory_space<vmem>>
      %dma_start3A_167 = arith.constant 4704000 : i32
      %dma_start3A_168 = tpu.memref_slice %arg2[%dma_start3A_167] : memref<5120000xf32, #tpu.memory_space<hbm>> -> memref<64000xf32, #tpu.memory_space<hbm>>
      %dma_start3A_169 = arith.constant 0 : i32
      %dma_start3A_170 = tpu.memref_slice %arg5[%dma_start3A_169] : memref<64000xf32, #tpu.memory_space<vmem>> -> memref<64000xf32, #tpu.memory_space<vmem>>
      %dma_start3A_171 = arith.constant 4704000 : i32
      %dma_start3A_172 = tpu.memref_slice %arg2[%dma_start3A_171] : memref<5120000xf32, #tpu.memory_space<hbm>> -> memref<64000xf32, #tpu.memory_space<hbm>>
      tpu.enqueue_dma source(%dma_start3A_172 : memref<64000xf32, #tpu.memory_space<hbm>>) target(%dma_start3A_170 : memref<64000xf32, #tpu.memory_space<vmem>>) target_semaphore(%arg7 : memref<!tpu.dma_semaphore, #tpu.memory_space<semaphore_mem>>)
      %dma_wait3A = arith.constant 0 : i32
      %dma_wait3A_173 = tpu.memref_slice %arg4[%dma_wait3A] : memref<64000xf32, #tpu.memory_space<vmem>> -> memref<64000xf32, #tpu.memory_space<vmem>>
      %dma_wait3A_174 = arith.constant 4640000 : i32
      %dma_wait3A_175 = tpu.memref_slice %arg2[%dma_wait3A_174] : memref<5120000xf32, #tpu.memory_space<hbm>> -> memref<64000xf32, #tpu.memory_space<hbm>>
      %dma_wait3A_176 = arith.constant 0 : i32
      %dma_wait3A_177 = tpu.memref_slice %arg4[%dma_wait3A_176] : memref<64000xf32, #tpu.memory_space<vmem>> -> memref<64000xf32, #tpu.memory_space<vmem>>
      %dma_wait3A_178 = arith.constant 4640000 : i32
      %dma_wait3A_179 = tpu.memref_slice %arg2[%dma_wait3A_178] : memref<5120000xf32, #tpu.memory_space<hbm>> -> memref<64000xf32, #tpu.memory_space<hbm>>
      tpu.wait_dma2 semaphore(%arg6 : memref<!tpu.dma_semaphore, #tpu.memory_space<semaphore_mem>>) src(%dma_wait3A_179 : memref<64000xf32, #tpu.memory_space<hbm>>) dst(%dma_wait3A_177 : memref<64000xf32, #tpu.memory_space<vmem>>)
      %dma_start3A_180 = arith.constant 0 : i32
      %dma_start3A_181 = tpu.memref_slice %arg4[%dma_start3A_180] : memref<64000xf32, #tpu.memory_space<vmem>> -> memref<64000xf32, #tpu.memory_space<vmem>>
      %dma_start3A_182 = arith.constant 4640000 : i32
      %dma_start3A_183 = tpu.memref_slice %arg3[%dma_start3A_182] : memref<5120000xf32, #tpu.memory_space<hbm>> -> memref<64000xf32, #tpu.memory_space<hbm>>
      %dma_start3A_184 = arith.constant 4640000 : i32
      %dma_start3A_185 = tpu.memref_slice %arg3[%dma_start3A_184] : memref<5120000xf32, #tpu.memory_space<hbm>> -> memref<64000xf32, #tpu.memory_space<hbm>>
      %dma_start3A_186 = arith.constant 0 : i32
      %dma_start3A_187 = tpu.memref_slice %arg4[%dma_start3A_186] : memref<64000xf32, #tpu.memory_space<vmem>> -> memref<64000xf32, #tpu.memory_space<vmem>>
      tpu.enqueue_dma source(%dma_start3A_187 : memref<64000xf32, #tpu.memory_space<vmem>>) target(%dma_start3A_185 : memref<64000xf32, #tpu.memory_space<hbm>>) target_semaphore(%arg8 : memref<!tpu.dma_semaphore, #tpu.memory_space<semaphore_mem>>)
      %dma_wait3A_188 = arith.constant 0 : i32
      %dma_wait3A_189 = tpu.memref_slice %arg5[%dma_wait3A_188] : memref<64000xf32, #tpu.memory_space<vmem>> -> memref<64000xf32, #tpu.memory_space<vmem>>
      %dma_wait3A_190 = arith.constant 4704000 : i32
      %dma_wait3A_191 = tpu.memref_slice %arg2[%dma_wait3A_190] : memref<5120000xf32, #tpu.memory_space<hbm>> -> memref<64000xf32, #tpu.memory_space<hbm>>
      %dma_wait3A_192 = arith.constant 0 : i32
      %dma_wait3A_193 = tpu.memref_slice %arg5[%dma_wait3A_192] : memref<64000xf32, #tpu.memory_space<vmem>> -> memref<64000xf32, #tpu.memory_space<vmem>>
      %dma_wait3A_194 = arith.constant 4704000 : i32
      %dma_wait3A_195 = tpu.memref_slice %arg2[%dma_wait3A_194] : memref<5120000xf32, #tpu.memory_space<hbm>> -> memref<64000xf32, #tpu.memory_space<hbm>>
      tpu.wait_dma2 semaphore(%arg7 : memref<!tpu.dma_semaphore, #tpu.memory_space<semaphore_mem>>) src(%dma_wait3A_195 : memref<64000xf32, #tpu.memory_space<hbm>>) dst(%dma_wait3A_193 : memref<64000xf32, #tpu.memory_space<vmem>>)
      %dma_start3A_196 = arith.constant 0 : i32
      %dma_start3A_197 = tpu.memref_slice %arg5[%dma_start3A_196] : memref<64000xf32, #tpu.memory_space<vmem>> -> memref<64000xf32, #tpu.memory_space<vmem>>
      %dma_start3A_198 = arith.constant 4704000 : i32
      %dma_start3A_199 = tpu.memref_slice %arg3[%dma_start3A_198] : memref<5120000xf32, #tpu.memory_space<hbm>> -> memref<64000xf32, #tpu.memory_space<hbm>>
      %dma_start3A_200 = arith.constant 4704000 : i32
      %dma_start3A_201 = tpu.memref_slice %arg3[%dma_start3A_200] : memref<5120000xf32, #tpu.memory_space<hbm>> -> memref<64000xf32, #tpu.memory_space<hbm>>
      %dma_start3A_202 = arith.constant 0 : i32
      %dma_start3A_203 = tpu.memref_slice %arg5[%dma_start3A_202] : memref<64000xf32, #tpu.memory_space<vmem>> -> memref<64000xf32, #tpu.memory_space<vmem>>
      tpu.enqueue_dma source(%dma_start3A_203 : memref<64000xf32, #tpu.memory_space<vmem>>) target(%dma_start3A_201 : memref<64000xf32, #tpu.memory_space<hbm>>) target_semaphore(%arg9 : memref<!tpu.dma_semaphore, #tpu.memory_space<semaphore_mem>>)
      %dma_wait3A_204 = arith.constant 0 : i32
      %dma_wait3A_205 = tpu.memref_slice %arg4[%dma_wait3A_204] : memref<64000xf32, #tpu.memory_space<vmem>> -> memref<64000xf32, #tpu.memory_space<vmem>>
      %dma_wait3A_206 = arith.constant 4640000 : i32
      %dma_wait3A_207 = tpu.memref_slice %arg3[%dma_wait3A_206] : memref<5120000xf32, #tpu.memory_space<hbm>> -> memref<64000xf32, #tpu.memory_space<hbm>>
      %dma_wait3A_208 = arith.constant 4640000 : i32
      %dma_wait3A_209 = tpu.memref_slice %arg3[%dma_wait3A_208] : memref<5120000xf32, #tpu.memory_space<hbm>> -> memref<64000xf32, #tpu.memory_space<hbm>>
      %dma_wait3A_210 = arith.constant 0 : i32
      %dma_wait3A_211 = tpu.memref_slice %arg4[%dma_wait3A_210] : memref<64000xf32, #tpu.memory_space<vmem>> -> memref<64000xf32, #tpu.memory_space<vmem>>
      tpu.wait_dma2 semaphore(%arg8 : memref<!tpu.dma_semaphore, #tpu.memory_space<semaphore_mem>>) src(%dma_wait3A_211 : memref<64000xf32, #tpu.memory_space<vmem>>) dst(%dma_wait3A_209 : memref<64000xf32, #tpu.memory_space<hbm>>)
      %dma_start3A_212 = arith.constant 0 : i32
      %dma_start3A_213 = tpu.memref_slice %arg4[%dma_start3A_212] : memref<64000xf32, #tpu.memory_space<vmem>> -> memref<32000xf32, #tpu.memory_space<vmem>>
      %dma_start3A_214 = arith.constant 4768000 : i32
      %dma_start3A_215 = tpu.memref_slice %arg2[%dma_start3A_214] : memref<5120000xf32, #tpu.memory_space<hbm>> -> memref<32000xf32, #tpu.memory_space<hbm>>
      %dma_start3A_216 = arith.constant 0 : i32
      %dma_start3A_217 = tpu.memref_slice %arg4[%dma_start3A_216] : memref<64000xf32, #tpu.memory_space<vmem>> -> memref<32000xf32, #tpu.memory_space<vmem>>
      %dma_start3A_218 = arith.constant 4768000 : i32
      %dma_start3A_219 = tpu.memref_slice %arg2[%dma_start3A_218] : memref<5120000xf32, #tpu.memory_space<hbm>> -> memref<32000xf32, #tpu.memory_space<hbm>>
      tpu.enqueue_dma source(%dma_start3A_219 : memref<32000xf32, #tpu.memory_space<hbm>>) target(%dma_start3A_217 : memref<32000xf32, #tpu.memory_space<vmem>>) target_semaphore(%arg6 : memref<!tpu.dma_semaphore, #tpu.memory_space<semaphore_mem>>)
      %dma_wait3A_220 = arith.constant 0 : i32
      %dma_wait3A_221 = tpu.memref_slice %arg4[%dma_wait3A_220] : memref<64000xf32, #tpu.memory_space<vmem>> -> memref<32000xf32, #tpu.memory_space<vmem>>
      %dma_wait3A_222 = arith.constant 4768000 : i32
      %dma_wait3A_223 = tpu.memref_slice %arg2[%dma_wait3A_222] : memref<5120000xf32, #tpu.memory_space<hbm>> -> memref<32000xf32, #tpu.memory_space<hbm>>
      %dma_wait3A_224 = arith.constant 0 : i32
      %dma_wait3A_225 = tpu.memref_slice %arg4[%dma_wait3A_224] : memref<64000xf32, #tpu.memory_space<vmem>> -> memref<32000xf32, #tpu.memory_space<vmem>>
      %dma_wait3A_226 = arith.constant 4768000 : i32
      %dma_wait3A_227 = tpu.memref_slice %arg2[%dma_wait3A_226] : memref<5120000xf32, #tpu.memory_space<hbm>> -> memref<32000xf32, #tpu.memory_space<hbm>>
      tpu.wait_dma2 semaphore(%arg6 : memref<!tpu.dma_semaphore, #tpu.memory_space<semaphore_mem>>) src(%dma_wait3A_227 : memref<32000xf32, #tpu.memory_space<hbm>>) dst(%dma_wait3A_225 : memref<32000xf32, #tpu.memory_space<vmem>>)
      %dma_start3A_228 = arith.constant 0 : i32
      %dma_start3A_229 = tpu.memref_slice %arg4[%dma_start3A_228] : memref<64000xf32, #tpu.memory_space<vmem>> -> memref<32000xf32, #tpu.memory_space<vmem>>
      %dma_start3A_230 = arith.constant 4768000 : i32
      %dma_start3A_231 = tpu.memref_slice %arg3[%dma_start3A_230] : memref<5120000xf32, #tpu.memory_space<hbm>> -> memref<32000xf32, #tpu.memory_space<hbm>>
      %dma_start3A_232 = arith.constant 4768000 : i32
      %dma_start3A_233 = tpu.memref_slice %arg3[%dma_start3A_232] : memref<5120000xf32, #tpu.memory_space<hbm>> -> memref<32000xf32, #tpu.memory_space<hbm>>
      %dma_start3A_234 = arith.constant 0 : i32
      %dma_start3A_235 = tpu.memref_slice %arg4[%dma_start3A_234] : memref<64000xf32, #tpu.memory_space<vmem>> -> memref<32000xf32, #tpu.memory_space<vmem>>
      tpu.enqueue_dma source(%dma_start3A_235 : memref<32000xf32, #tpu.memory_space<vmem>>) target(%dma_start3A_233 : memref<32000xf32, #tpu.memory_space<hbm>>) target_semaphore(%arg8 : memref<!tpu.dma_semaphore, #tpu.memory_space<semaphore_mem>>)
      %dma_wait3A_236 = arith.constant 0 : i32
      %dma_wait3A_237 = tpu.memref_slice %arg5[%dma_wait3A_236] : memref<64000xf32, #tpu.memory_space<vmem>> -> memref<64000xf32, #tpu.memory_space<vmem>>
      %dma_wait3A_238 = arith.constant 4704000 : i32
      %dma_wait3A_239 = tpu.memref_slice %arg3[%dma_wait3A_238] : memref<5120000xf32, #tpu.memory_space<hbm>> -> memref<64000xf32, #tpu.memory_space<hbm>>
      %dma_wait3A_240 = arith.constant 4704000 : i32
      %dma_wait3A_241 = tpu.memref_slice %arg3[%dma_wait3A_240] : memref<5120000xf32, #tpu.memory_space<hbm>> -> memref<64000xf32, #tpu.memory_space<hbm>>
      %dma_wait3A_242 = arith.constant 0 : i32
      %dma_wait3A_243 = tpu.memref_slice %arg5[%dma_wait3A_242] : memref<64000xf32, #tpu.memory_space<vmem>> -> memref<64000xf32, #tpu.memory_space<vmem>>
      tpu.wait_dma2 semaphore(%arg9 : memref<!tpu.dma_semaphore, #tpu.memory_space<semaphore_mem>>) src(%dma_wait3A_243 : memref<64000xf32, #tpu.memory_space<vmem>>) dst(%dma_wait3A_241 : memref<64000xf32, #tpu.memory_space<hbm>>)
      %dma_wait3A_244 = arith.constant 0 : i32
      %dma_wait3A_245 = tpu.memref_slice %arg4[%dma_wait3A_244] : memref<64000xf32, #tpu.memory_space<vmem>> -> memref<32000xf32, #tpu.memory_space<vmem>>
      %dma_wait3A_246 = arith.constant 4768000 : i32
      %dma_wait3A_247 = tpu.memref_slice %arg3[%dma_wait3A_246] : memref<5120000xf32, #tpu.memory_space<hbm>> -> memref<32000xf32, #tpu.memory_space<hbm>>
      %dma_wait3A_248 = arith.constant 4768000 : i32
      %dma_wait3A_249 = tpu.memref_slice %arg3[%dma_wait3A_248] : memref<5120000xf32, #tpu.memory_space<hbm>> -> memref<32000xf32, #tpu.memory_space<hbm>>
      %dma_wait3A_250 = arith.constant 0 : i32
      %dma_wait3A_251 = tpu.memref_slice %arg4[%dma_wait3A_250] : memref<64000xf32, #tpu.memory_space<vmem>> -> memref<32000xf32, #tpu.memory_space<vmem>>
      tpu.wait_dma2 semaphore(%arg8 : memref<!tpu.dma_semaphore, #tpu.memory_space<semaphore_mem>>) src(%dma_wait3A_251 : memref<32000xf32, #tpu.memory_space<vmem>>) dst(%dma_wait3A_249 : memref<32000xf32, #tpu.memory_space<hbm>>)
    } else {
    }
    %eq3A_148 = arith.constant 30 : i32
    %eq3A_149 = arith.cmpi eq, %add3A, %eq3A_148 : i32
    %convert_element_type3A_150 = arith.extui %eq3A_149 : i1 to i32
    %cond3A_151 = arith.constant 0 : i32
    %cond3A_152 = arith.cmpi ne, %convert_element_type3A_150, %cond3A_151 : i32
    scf.if %cond3A_152 {
      %dma_start3A = arith.constant 0 : i32
      %dma_start3A_158 = tpu.memref_slice %arg4[%dma_start3A] : memref<64000xf32, #tpu.memory_space<vmem>> -> memref<64000xf32, #tpu.memory_space<vmem>>
      %dma_start3A_159 = arith.constant 4800000 : i32
      %dma_start3A_160 = tpu.memref_slice %arg2[%dma_start3A_159] : memref<5120000xf32, #tpu.memory_space<hbm>> -> memref<64000xf32, #tpu.memory_space<hbm>>
      %dma_start3A_161 = arith.constant 0 : i32
      %dma_start3A_162 = tpu.memref_slice %arg4[%dma_start3A_161] : memref<64000xf32, #tpu.memory_space<vmem>> -> memref<64000xf32, #tpu.memory_space<vmem>>
      %dma_start3A_163 = arith.constant 4800000 : i32
      %dma_start3A_164 = tpu.memref_slice %arg2[%dma_start3A_163] : memref<5120000xf32, #tpu.memory_space<hbm>> -> memref<64000xf32, #tpu.memory_space<hbm>>
      tpu.enqueue_dma source(%dma_start3A_164 : memref<64000xf32, #tpu.memory_space<hbm>>) target(%dma_start3A_162 : memref<64000xf32, #tpu.memory_space<vmem>>) target_semaphore(%arg6 : memref<!tpu.dma_semaphore, #tpu.memory_space<semaphore_mem>>)
      %dma_start3A_165 = arith.constant 0 : i32
      %dma_start3A_166 = tpu.memref_slice %arg5[%dma_start3A_165] : memref<64000xf32, #tpu.memory_space<vmem>> -> memref<64000xf32, #tpu.memory_space<vmem>>
      %dma_start3A_167 = arith.constant 4864000 : i32
      %dma_start3A_168 = tpu.memref_slice %arg2[%dma_start3A_167] : memref<5120000xf32, #tpu.memory_space<hbm>> -> memref<64000xf32, #tpu.memory_space<hbm>>
      %dma_start3A_169 = arith.constant 0 : i32
      %dma_start3A_170 = tpu.memref_slice %arg5[%dma_start3A_169] : memref<64000xf32, #tpu.memory_space<vmem>> -> memref<64000xf32, #tpu.memory_space<vmem>>
      %dma_start3A_171 = arith.constant 4864000 : i32
      %dma_start3A_172 = tpu.memref_slice %arg2[%dma_start3A_171] : memref<5120000xf32, #tpu.memory_space<hbm>> -> memref<64000xf32, #tpu.memory_space<hbm>>
      tpu.enqueue_dma source(%dma_start3A_172 : memref<64000xf32, #tpu.memory_space<hbm>>) target(%dma_start3A_170 : memref<64000xf32, #tpu.memory_space<vmem>>) target_semaphore(%arg7 : memref<!tpu.dma_semaphore, #tpu.memory_space<semaphore_mem>>)
      %dma_wait3A = arith.constant 0 : i32
      %dma_wait3A_173 = tpu.memref_slice %arg4[%dma_wait3A] : memref<64000xf32, #tpu.memory_space<vmem>> -> memref<64000xf32, #tpu.memory_space<vmem>>
      %dma_wait3A_174 = arith.constant 4800000 : i32
      %dma_wait3A_175 = tpu.memref_slice %arg2[%dma_wait3A_174] : memref<5120000xf32, #tpu.memory_space<hbm>> -> memref<64000xf32, #tpu.memory_space<hbm>>
      %dma_wait3A_176 = arith.constant 0 : i32
      %dma_wait3A_177 = tpu.memref_slice %arg4[%dma_wait3A_176] : memref<64000xf32, #tpu.memory_space<vmem>> -> memref<64000xf32, #tpu.memory_space<vmem>>
      %dma_wait3A_178 = arith.constant 4800000 : i32
      %dma_wait3A_179 = tpu.memref_slice %arg2[%dma_wait3A_178] : memref<5120000xf32, #tpu.memory_space<hbm>> -> memref<64000xf32, #tpu.memory_space<hbm>>
      tpu.wait_dma2 semaphore(%arg6 : memref<!tpu.dma_semaphore, #tpu.memory_space<semaphore_mem>>) src(%dma_wait3A_179 : memref<64000xf32, #tpu.memory_space<hbm>>) dst(%dma_wait3A_177 : memref<64000xf32, #tpu.memory_space<vmem>>)
      %dma_start3A_180 = arith.constant 0 : i32
      %dma_start3A_181 = tpu.memref_slice %arg4[%dma_start3A_180] : memref<64000xf32, #tpu.memory_space<vmem>> -> memref<64000xf32, #tpu.memory_space<vmem>>
      %dma_start3A_182 = arith.constant 4800000 : i32
      %dma_start3A_183 = tpu.memref_slice %arg3[%dma_start3A_182] : memref<5120000xf32, #tpu.memory_space<hbm>> -> memref<64000xf32, #tpu.memory_space<hbm>>
      %dma_start3A_184 = arith.constant 4800000 : i32
      %dma_start3A_185 = tpu.memref_slice %arg3[%dma_start3A_184] : memref<5120000xf32, #tpu.memory_space<hbm>> -> memref<64000xf32, #tpu.memory_space<hbm>>
      %dma_start3A_186 = arith.constant 0 : i32
      %dma_start3A_187 = tpu.memref_slice %arg4[%dma_start3A_186] : memref<64000xf32, #tpu.memory_space<vmem>> -> memref<64000xf32, #tpu.memory_space<vmem>>
      tpu.enqueue_dma source(%dma_start3A_187 : memref<64000xf32, #tpu.memory_space<vmem>>) target(%dma_start3A_185 : memref<64000xf32, #tpu.memory_space<hbm>>) target_semaphore(%arg8 : memref<!tpu.dma_semaphore, #tpu.memory_space<semaphore_mem>>)
      %dma_wait3A_188 = arith.constant 0 : i32
      %dma_wait3A_189 = tpu.memref_slice %arg5[%dma_wait3A_188] : memref<64000xf32, #tpu.memory_space<vmem>> -> memref<64000xf32, #tpu.memory_space<vmem>>
      %dma_wait3A_190 = arith.constant 4864000 : i32
      %dma_wait3A_191 = tpu.memref_slice %arg2[%dma_wait3A_190] : memref<5120000xf32, #tpu.memory_space<hbm>> -> memref<64000xf32, #tpu.memory_space<hbm>>
      %dma_wait3A_192 = arith.constant 0 : i32
      %dma_wait3A_193 = tpu.memref_slice %arg5[%dma_wait3A_192] : memref<64000xf32, #tpu.memory_space<vmem>> -> memref<64000xf32, #tpu.memory_space<vmem>>
      %dma_wait3A_194 = arith.constant 4864000 : i32
      %dma_wait3A_195 = tpu.memref_slice %arg2[%dma_wait3A_194] : memref<5120000xf32, #tpu.memory_space<hbm>> -> memref<64000xf32, #tpu.memory_space<hbm>>
      tpu.wait_dma2 semaphore(%arg7 : memref<!tpu.dma_semaphore, #tpu.memory_space<semaphore_mem>>) src(%dma_wait3A_195 : memref<64000xf32, #tpu.memory_space<hbm>>) dst(%dma_wait3A_193 : memref<64000xf32, #tpu.memory_space<vmem>>)
      %dma_start3A_196 = arith.constant 0 : i32
      %dma_start3A_197 = tpu.memref_slice %arg5[%dma_start3A_196] : memref<64000xf32, #tpu.memory_space<vmem>> -> memref<64000xf32, #tpu.memory_space<vmem>>
      %dma_start3A_198 = arith.constant 4864000 : i32
      %dma_start3A_199 = tpu.memref_slice %arg3[%dma_start3A_198] : memref<5120000xf32, #tpu.memory_space<hbm>> -> memref<64000xf32, #tpu.memory_space<hbm>>
      %dma_start3A_200 = arith.constant 4864000 : i32
      %dma_start3A_201 = tpu.memref_slice %arg3[%dma_start3A_200] : memref<5120000xf32, #tpu.memory_space<hbm>> -> memref<64000xf32, #tpu.memory_space<hbm>>
      %dma_start3A_202 = arith.constant 0 : i32
      %dma_start3A_203 = tpu.memref_slice %arg5[%dma_start3A_202] : memref<64000xf32, #tpu.memory_space<vmem>> -> memref<64000xf32, #tpu.memory_space<vmem>>
      tpu.enqueue_dma source(%dma_start3A_203 : memref<64000xf32, #tpu.memory_space<vmem>>) target(%dma_start3A_201 : memref<64000xf32, #tpu.memory_space<hbm>>) target_semaphore(%arg9 : memref<!tpu.dma_semaphore, #tpu.memory_space<semaphore_mem>>)
      %dma_wait3A_204 = arith.constant 0 : i32
      %dma_wait3A_205 = tpu.memref_slice %arg4[%dma_wait3A_204] : memref<64000xf32, #tpu.memory_space<vmem>> -> memref<64000xf32, #tpu.memory_space<vmem>>
      %dma_wait3A_206 = arith.constant 4800000 : i32
      %dma_wait3A_207 = tpu.memref_slice %arg3[%dma_wait3A_206] : memref<5120000xf32, #tpu.memory_space<hbm>> -> memref<64000xf32, #tpu.memory_space<hbm>>
      %dma_wait3A_208 = arith.constant 4800000 : i32
      %dma_wait3A_209 = tpu.memref_slice %arg3[%dma_wait3A_208] : memref<5120000xf32, #tpu.memory_space<hbm>> -> memref<64000xf32, #tpu.memory_space<hbm>>
      %dma_wait3A_210 = arith.constant 0 : i32
      %dma_wait3A_211 = tpu.memref_slice %arg4[%dma_wait3A_210] : memref<64000xf32, #tpu.memory_space<vmem>> -> memref<64000xf32, #tpu.memory_space<vmem>>
      tpu.wait_dma2 semaphore(%arg8 : memref<!tpu.dma_semaphore, #tpu.memory_space<semaphore_mem>>) src(%dma_wait3A_211 : memref<64000xf32, #tpu.memory_space<vmem>>) dst(%dma_wait3A_209 : memref<64000xf32, #tpu.memory_space<hbm>>)
      %dma_start3A_212 = arith.constant 0 : i32
      %dma_start3A_213 = tpu.memref_slice %arg4[%dma_start3A_212] : memref<64000xf32, #tpu.memory_space<vmem>> -> memref<32000xf32, #tpu.memory_space<vmem>>
      %dma_start3A_214 = arith.constant 4928000 : i32
      %dma_start3A_215 = tpu.memref_slice %arg2[%dma_start3A_214] : memref<5120000xf32, #tpu.memory_space<hbm>> -> memref<32000xf32, #tpu.memory_space<hbm>>
      %dma_start3A_216 = arith.constant 0 : i32
      %dma_start3A_217 = tpu.memref_slice %arg4[%dma_start3A_216] : memref<64000xf32, #tpu.memory_space<vmem>> -> memref<32000xf32, #tpu.memory_space<vmem>>
      %dma_start3A_218 = arith.constant 4928000 : i32
      %dma_start3A_219 = tpu.memref_slice %arg2[%dma_start3A_218] : memref<5120000xf32, #tpu.memory_space<hbm>> -> memref<32000xf32, #tpu.memory_space<hbm>>
      tpu.enqueue_dma source(%dma_start3A_219 : memref<32000xf32, #tpu.memory_space<hbm>>) target(%dma_start3A_217 : memref<32000xf32, #tpu.memory_space<vmem>>) target_semaphore(%arg6 : memref<!tpu.dma_semaphore, #tpu.memory_space<semaphore_mem>>)
      %dma_wait3A_220 = arith.constant 0 : i32
      %dma_wait3A_221 = tpu.memref_slice %arg4[%dma_wait3A_220] : memref<64000xf32, #tpu.memory_space<vmem>> -> memref<32000xf32, #tpu.memory_space<vmem>>
      %dma_wait3A_222 = arith.constant 4928000 : i32
      %dma_wait3A_223 = tpu.memref_slice %arg2[%dma_wait3A_222] : memref<5120000xf32, #tpu.memory_space<hbm>> -> memref<32000xf32, #tpu.memory_space<hbm>>
      %dma_wait3A_224 = arith.constant 0 : i32
      %dma_wait3A_225 = tpu.memref_slice %arg4[%dma_wait3A_224] : memref<64000xf32, #tpu.memory_space<vmem>> -> memref<32000xf32, #tpu.memory_space<vmem>>
      %dma_wait3A_226 = arith.constant 4928000 : i32
      %dma_wait3A_227 = tpu.memref_slice %arg2[%dma_wait3A_226] : memref<5120000xf32, #tpu.memory_space<hbm>> -> memref<32000xf32, #tpu.memory_space<hbm>>
      tpu.wait_dma2 semaphore(%arg6 : memref<!tpu.dma_semaphore, #tpu.memory_space<semaphore_mem>>) src(%dma_wait3A_227 : memref<32000xf32, #tpu.memory_space<hbm>>) dst(%dma_wait3A_225 : memref<32000xf32, #tpu.memory_space<vmem>>)
      %dma_start3A_228 = arith.constant 0 : i32
      %dma_start3A_229 = tpu.memref_slice %arg4[%dma_start3A_228] : memref<64000xf32, #tpu.memory_space<vmem>> -> memref<32000xf32, #tpu.memory_space<vmem>>
      %dma_start3A_230 = arith.constant 4928000 : i32
      %dma_start3A_231 = tpu.memref_slice %arg3[%dma_start3A_230] : memref<5120000xf32, #tpu.memory_space<hbm>> -> memref<32000xf32, #tpu.memory_space<hbm>>
      %dma_start3A_232 = arith.constant 4928000 : i32
      %dma_start3A_233 = tpu.memref_slice %arg3[%dma_start3A_232] : memref<5120000xf32, #tpu.memory_space<hbm>> -> memref<32000xf32, #tpu.memory_space<hbm>>
      %dma_start3A_234 = arith.constant 0 : i32
      %dma_start3A_235 = tpu.memref_slice %arg4[%dma_start3A_234] : memref<64000xf32, #tpu.memory_space<vmem>> -> memref<32000xf32, #tpu.memory_space<vmem>>
      tpu.enqueue_dma source(%dma_start3A_235 : memref<32000xf32, #tpu.memory_space<vmem>>) target(%dma_start3A_233 : memref<32000xf32, #tpu.memory_space<hbm>>) target_semaphore(%arg8 : memref<!tpu.dma_semaphore, #tpu.memory_space<semaphore_mem>>)
      %dma_wait3A_236 = arith.constant 0 : i32
      %dma_wait3A_237 = tpu.memref_slice %arg5[%dma_wait3A_236] : memref<64000xf32, #tpu.memory_space<vmem>> -> memref<64000xf32, #tpu.memory_space<vmem>>
      %dma_wait3A_238 = arith.constant 4864000 : i32
      %dma_wait3A_239 = tpu.memref_slice %arg3[%dma_wait3A_238] : memref<5120000xf32, #tpu.memory_space<hbm>> -> memref<64000xf32, #tpu.memory_space<hbm>>
      %dma_wait3A_240 = arith.constant 4864000 : i32
      %dma_wait3A_241 = tpu.memref_slice %arg3[%dma_wait3A_240] : memref<5120000xf32, #tpu.memory_space<hbm>> -> memref<64000xf32, #tpu.memory_space<hbm>>
      %dma_wait3A_242 = arith.constant 0 : i32
      %dma_wait3A_243 = tpu.memref_slice %arg5[%dma_wait3A_242] : memref<64000xf32, #tpu.memory_space<vmem>> -> memref<64000xf32, #tpu.memory_space<vmem>>
      tpu.wait_dma2 semaphore(%arg9 : memref<!tpu.dma_semaphore, #tpu.memory_space<semaphore_mem>>) src(%dma_wait3A_243 : memref<64000xf32, #tpu.memory_space<vmem>>) dst(%dma_wait3A_241 : memref<64000xf32, #tpu.memory_space<hbm>>)
      %dma_wait3A_244 = arith.constant 0 : i32
      %dma_wait3A_245 = tpu.memref_slice %arg4[%dma_wait3A_244] : memref<64000xf32, #tpu.memory_space<vmem>> -> memref<32000xf32, #tpu.memory_space<vmem>>
      %dma_wait3A_246 = arith.constant 4928000 : i32
      %dma_wait3A_247 = tpu.memref_slice %arg3[%dma_wait3A_246] : memref<5120000xf32, #tpu.memory_space<hbm>> -> memref<32000xf32, #tpu.memory_space<hbm>>
      %dma_wait3A_248 = arith.constant 4928000 : i32
      %dma_wait3A_249 = tpu.memref_slice %arg3[%dma_wait3A_248] : memref<5120000xf32, #tpu.memory_space<hbm>> -> memref<32000xf32, #tpu.memory_space<hbm>>
      %dma_wait3A_250 = arith.constant 0 : i32
      %dma_wait3A_251 = tpu.memref_slice %arg4[%dma_wait3A_250] : memref<64000xf32, #tpu.memory_space<vmem>> -> memref<32000xf32, #tpu.memory_space<vmem>>
      tpu.wait_dma2 semaphore(%arg8 : memref<!tpu.dma_semaphore, #tpu.memory_space<semaphore_mem>>) src(%dma_wait3A_251 : memref<32000xf32, #tpu.memory_space<vmem>>) dst(%dma_wait3A_249 : memref<32000xf32, #tpu.memory_space<hbm>>)
    } else {
    }
    %eq3A_153 = arith.constant 31 : i32
    %eq3A_154 = arith.cmpi eq, %add3A, %eq3A_153 : i32
    %convert_element_type3A_155 = arith.extui %eq3A_154 : i1 to i32
    %cond3A_156 = arith.constant 0 : i32
    %cond3A_157 = arith.cmpi ne, %convert_element_type3A_155, %cond3A_156 : i32
    scf.if %cond3A_157 {
      %dma_start3A = arith.constant 0 : i32
      %dma_start3A_158 = tpu.memref_slice %arg4[%dma_start3A] : memref<64000xf32, #tpu.memory_space<vmem>> -> memref<64000xf32, #tpu.memory_space<vmem>>
      %dma_start3A_159 = arith.constant 4960000 : i32
      %dma_start3A_160 = tpu.memref_slice %arg2[%dma_start3A_159] : memref<5120000xf32, #tpu.memory_space<hbm>> -> memref<64000xf32, #tpu.memory_space<hbm>>
      %dma_start3A_161 = arith.constant 0 : i32
      %dma_start3A_162 = tpu.memref_slice %arg4[%dma_start3A_161] : memref<64000xf32, #tpu.memory_space<vmem>> -> memref<64000xf32, #tpu.memory_space<vmem>>
      %dma_start3A_163 = arith.constant 4960000 : i32
      %dma_start3A_164 = tpu.memref_slice %arg2[%dma_start3A_163] : memref<5120000xf32, #tpu.memory_space<hbm>> -> memref<64000xf32, #tpu.memory_space<hbm>>
      tpu.enqueue_dma source(%dma_start3A_164 : memref<64000xf32, #tpu.memory_space<hbm>>) target(%dma_start3A_162 : memref<64000xf32, #tpu.memory_space<vmem>>) target_semaphore(%arg6 : memref<!tpu.dma_semaphore, #tpu.memory_space<semaphore_mem>>)
      %dma_start3A_165 = arith.constant 0 : i32
      %dma_start3A_166 = tpu.memref_slice %arg5[%dma_start3A_165] : memref<64000xf32, #tpu.memory_space<vmem>> -> memref<64000xf32, #tpu.memory_space<vmem>>
      %dma_start3A_167 = arith.constant 5024000 : i32
      %dma_start3A_168 = tpu.memref_slice %arg2[%dma_start3A_167] : memref<5120000xf32, #tpu.memory_space<hbm>> -> memref<64000xf32, #tpu.memory_space<hbm>>
      %dma_start3A_169 = arith.constant 0 : i32
      %dma_start3A_170 = tpu.memref_slice %arg5[%dma_start3A_169] : memref<64000xf32, #tpu.memory_space<vmem>> -> memref<64000xf32, #tpu.memory_space<vmem>>
      %dma_start3A_171 = arith.constant 5024000 : i32
      %dma_start3A_172 = tpu.memref_slice %arg2[%dma_start3A_171] : memref<5120000xf32, #tpu.memory_space<hbm>> -> memref<64000xf32, #tpu.memory_space<hbm>>
      tpu.enqueue_dma source(%dma_start3A_172 : memref<64000xf32, #tpu.memory_space<hbm>>) target(%dma_start3A_170 : memref<64000xf32, #tpu.memory_space<vmem>>) target_semaphore(%arg7 : memref<!tpu.dma_semaphore, #tpu.memory_space<semaphore_mem>>)
      %dma_wait3A = arith.constant 0 : i32
      %dma_wait3A_173 = tpu.memref_slice %arg4[%dma_wait3A] : memref<64000xf32, #tpu.memory_space<vmem>> -> memref<64000xf32, #tpu.memory_space<vmem>>
      %dma_wait3A_174 = arith.constant 4960000 : i32
      %dma_wait3A_175 = tpu.memref_slice %arg2[%dma_wait3A_174] : memref<5120000xf32, #tpu.memory_space<hbm>> -> memref<64000xf32, #tpu.memory_space<hbm>>
      %dma_wait3A_176 = arith.constant 0 : i32
      %dma_wait3A_177 = tpu.memref_slice %arg4[%dma_wait3A_176] : memref<64000xf32, #tpu.memory_space<vmem>> -> memref<64000xf32, #tpu.memory_space<vmem>>
      %dma_wait3A_178 = arith.constant 4960000 : i32
      %dma_wait3A_179 = tpu.memref_slice %arg2[%dma_wait3A_178] : memref<5120000xf32, #tpu.memory_space<hbm>> -> memref<64000xf32, #tpu.memory_space<hbm>>
      tpu.wait_dma2 semaphore(%arg6 : memref<!tpu.dma_semaphore, #tpu.memory_space<semaphore_mem>>) src(%dma_wait3A_179 : memref<64000xf32, #tpu.memory_space<hbm>>) dst(%dma_wait3A_177 : memref<64000xf32, #tpu.memory_space<vmem>>)
      %dma_start3A_180 = arith.constant 0 : i32
      %dma_start3A_181 = tpu.memref_slice %arg4[%dma_start3A_180] : memref<64000xf32, #tpu.memory_space<vmem>> -> memref<64000xf32, #tpu.memory_space<vmem>>
      %dma_start3A_182 = arith.constant 4960000 : i32
      %dma_start3A_183 = tpu.memref_slice %arg3[%dma_start3A_182] : memref<5120000xf32, #tpu.memory_space<hbm>> -> memref<64000xf32, #tpu.memory_space<hbm>>
      %dma_start3A_184 = arith.constant 4960000 : i32
      %dma_start3A_185 = tpu.memref_slice %arg3[%dma_start3A_184] : memref<5120000xf32, #tpu.memory_space<hbm>> -> memref<64000xf32, #tpu.memory_space<hbm>>
      %dma_start3A_186 = arith.constant 0 : i32
      %dma_start3A_187 = tpu.memref_slice %arg4[%dma_start3A_186] : memref<64000xf32, #tpu.memory_space<vmem>> -> memref<64000xf32, #tpu.memory_space<vmem>>
      tpu.enqueue_dma source(%dma_start3A_187 : memref<64000xf32, #tpu.memory_space<vmem>>) target(%dma_start3A_185 : memref<64000xf32, #tpu.memory_space<hbm>>) target_semaphore(%arg8 : memref<!tpu.dma_semaphore, #tpu.memory_space<semaphore_mem>>)
      %dma_wait3A_188 = arith.constant 0 : i32
      %dma_wait3A_189 = tpu.memref_slice %arg5[%dma_wait3A_188] : memref<64000xf32, #tpu.memory_space<vmem>> -> memref<64000xf32, #tpu.memory_space<vmem>>
      %dma_wait3A_190 = arith.constant 5024000 : i32
      %dma_wait3A_191 = tpu.memref_slice %arg2[%dma_wait3A_190] : memref<5120000xf32, #tpu.memory_space<hbm>> -> memref<64000xf32, #tpu.memory_space<hbm>>
      %dma_wait3A_192 = arith.constant 0 : i32
      %dma_wait3A_193 = tpu.memref_slice %arg5[%dma_wait3A_192] : memref<64000xf32, #tpu.memory_space<vmem>> -> memref<64000xf32, #tpu.memory_space<vmem>>
      %dma_wait3A_194 = arith.constant 5024000 : i32
      %dma_wait3A_195 = tpu.memref_slice %arg2[%dma_wait3A_194] : memref<5120000xf32, #tpu.memory_space<hbm>> -> memref<64000xf32, #tpu.memory_space<hbm>>
      tpu.wait_dma2 semaphore(%arg7 : memref<!tpu.dma_semaphore, #tpu.memory_space<semaphore_mem>>) src(%dma_wait3A_195 : memref<64000xf32, #tpu.memory_space<hbm>>) dst(%dma_wait3A_193 : memref<64000xf32, #tpu.memory_space<vmem>>)
      %dma_start3A_196 = arith.constant 0 : i32
      %dma_start3A_197 = tpu.memref_slice %arg5[%dma_start3A_196] : memref<64000xf32, #tpu.memory_space<vmem>> -> memref<64000xf32, #tpu.memory_space<vmem>>
      %dma_start3A_198 = arith.constant 5024000 : i32
      %dma_start3A_199 = tpu.memref_slice %arg3[%dma_start3A_198] : memref<5120000xf32, #tpu.memory_space<hbm>> -> memref<64000xf32, #tpu.memory_space<hbm>>
      %dma_start3A_200 = arith.constant 5024000 : i32
      %dma_start3A_201 = tpu.memref_slice %arg3[%dma_start3A_200] : memref<5120000xf32, #tpu.memory_space<hbm>> -> memref<64000xf32, #tpu.memory_space<hbm>>
      %dma_start3A_202 = arith.constant 0 : i32
      %dma_start3A_203 = tpu.memref_slice %arg5[%dma_start3A_202] : memref<64000xf32, #tpu.memory_space<vmem>> -> memref<64000xf32, #tpu.memory_space<vmem>>
      tpu.enqueue_dma source(%dma_start3A_203 : memref<64000xf32, #tpu.memory_space<vmem>>) target(%dma_start3A_201 : memref<64000xf32, #tpu.memory_space<hbm>>) target_semaphore(%arg9 : memref<!tpu.dma_semaphore, #tpu.memory_space<semaphore_mem>>)
      %dma_wait3A_204 = arith.constant 0 : i32
      %dma_wait3A_205 = tpu.memref_slice %arg4[%dma_wait3A_204] : memref<64000xf32, #tpu.memory_space<vmem>> -> memref<64000xf32, #tpu.memory_space<vmem>>
      %dma_wait3A_206 = arith.constant 4960000 : i32
      %dma_wait3A_207 = tpu.memref_slice %arg3[%dma_wait3A_206] : memref<5120000xf32, #tpu.memory_space<hbm>> -> memref<64000xf32, #tpu.memory_space<hbm>>
      %dma_wait3A_208 = arith.constant 4960000 : i32
      %dma_wait3A_209 = tpu.memref_slice %arg3[%dma_wait3A_208] : memref<5120000xf32, #tpu.memory_space<hbm>> -> memref<64000xf32, #tpu.memory_space<hbm>>
      %dma_wait3A_210 = arith.constant 0 : i32
      %dma_wait3A_211 = tpu.memref_slice %arg4[%dma_wait3A_210] : memref<64000xf32, #tpu.memory_space<vmem>> -> memref<64000xf32, #tpu.memory_space<vmem>>
      tpu.wait_dma2 semaphore(%arg8 : memref<!tpu.dma_semaphore, #tpu.memory_space<semaphore_mem>>) src(%dma_wait3A_211 : memref<64000xf32, #tpu.memory_space<vmem>>) dst(%dma_wait3A_209 : memref<64000xf32, #tpu.memory_space<hbm>>)
      %dma_start3A_212 = arith.constant 0 : i32
      %dma_start3A_213 = tpu.memref_slice %arg4[%dma_start3A_212] : memref<64000xf32, #tpu.memory_space<vmem>> -> memref<32000xf32, #tpu.memory_space<vmem>>
      %dma_start3A_214 = arith.constant 5088000 : i32
      %dma_start3A_215 = tpu.memref_slice %arg2[%dma_start3A_214] : memref<5120000xf32, #tpu.memory_space<hbm>> -> memref<32000xf32, #tpu.memory_space<hbm>>
      %dma_start3A_216 = arith.constant 0 : i32
      %dma_start3A_217 = tpu.memref_slice %arg4[%dma_start3A_216] : memref<64000xf32, #tpu.memory_space<vmem>> -> memref<32000xf32, #tpu.memory_space<vmem>>
      %dma_start3A_218 = arith.constant 5088000 : i32
      %dma_start3A_219 = tpu.memref_slice %arg2[%dma_start3A_218] : memref<5120000xf32, #tpu.memory_space<hbm>> -> memref<32000xf32, #tpu.memory_space<hbm>>
      tpu.enqueue_dma source(%dma_start3A_219 : memref<32000xf32, #tpu.memory_space<hbm>>) target(%dma_start3A_217 : memref<32000xf32, #tpu.memory_space<vmem>>) target_semaphore(%arg6 : memref<!tpu.dma_semaphore, #tpu.memory_space<semaphore_mem>>)
      %dma_wait3A_220 = arith.constant 0 : i32
      %dma_wait3A_221 = tpu.memref_slice %arg4[%dma_wait3A_220] : memref<64000xf32, #tpu.memory_space<vmem>> -> memref<32000xf32, #tpu.memory_space<vmem>>
      %dma_wait3A_222 = arith.constant 5088000 : i32
      %dma_wait3A_223 = tpu.memref_slice %arg2[%dma_wait3A_222] : memref<5120000xf32, #tpu.memory_space<hbm>> -> memref<32000xf32, #tpu.memory_space<hbm>>
      %dma_wait3A_224 = arith.constant 0 : i32
      %dma_wait3A_225 = tpu.memref_slice %arg4[%dma_wait3A_224] : memref<64000xf32, #tpu.memory_space<vmem>> -> memref<32000xf32, #tpu.memory_space<vmem>>
      %dma_wait3A_226 = arith.constant 5088000 : i32
      %dma_wait3A_227 = tpu.memref_slice %arg2[%dma_wait3A_226] : memref<5120000xf32, #tpu.memory_space<hbm>> -> memref<32000xf32, #tpu.memory_space<hbm>>
      tpu.wait_dma2 semaphore(%arg6 : memref<!tpu.dma_semaphore, #tpu.memory_space<semaphore_mem>>) src(%dma_wait3A_227 : memref<32000xf32, #tpu.memory_space<hbm>>) dst(%dma_wait3A_225 : memref<32000xf32, #tpu.memory_space<vmem>>)
      %dma_start3A_228 = arith.constant 0 : i32
      %dma_start3A_229 = tpu.memref_slice %arg4[%dma_start3A_228] : memref<64000xf32, #tpu.memory_space<vmem>> -> memref<32000xf32, #tpu.memory_space<vmem>>
      %dma_start3A_230 = arith.constant 5088000 : i32
      %dma_start3A_231 = tpu.memref_slice %arg3[%dma_start3A_230] : memref<5120000xf32, #tpu.memory_space<hbm>> -> memref<32000xf32, #tpu.memory_space<hbm>>
      %dma_start3A_232 = arith.constant 5088000 : i32
      %dma_start3A_233 = tpu.memref_slice %arg3[%dma_start3A_232] : memref<5120000xf32, #tpu.memory_space<hbm>> -> memref<32000xf32, #tpu.memory_space<hbm>>
      %dma_start3A_234 = arith.constant 0 : i32
      %dma_start3A_235 = tpu.memref_slice %arg4[%dma_start3A_234] : memref<64000xf32, #tpu.memory_space<vmem>> -> memref<32000xf32, #tpu.memory_space<vmem>>
      tpu.enqueue_dma source(%dma_start3A_235 : memref<32000xf32, #tpu.memory_space<vmem>>) target(%dma_start3A_233 : memref<32000xf32, #tpu.memory_space<hbm>>) target_semaphore(%arg8 : memref<!tpu.dma_semaphore, #tpu.memory_space<semaphore_mem>>)
      %dma_wait3A_236 = arith.constant 0 : i32
      %dma_wait3A_237 = tpu.memref_slice %arg5[%dma_wait3A_236] : memref<64000xf32, #tpu.memory_space<vmem>> -> memref<64000xf32, #tpu.memory_space<vmem>>
      %dma_wait3A_238 = arith.constant 5024000 : i32
      %dma_wait3A_239 = tpu.memref_slice %arg3[%dma_wait3A_238] : memref<5120000xf32, #tpu.memory_space<hbm>> -> memref<64000xf32, #tpu.memory_space<hbm>>
      %dma_wait3A_240 = arith.constant 5024000 : i32
      %dma_wait3A_241 = tpu.memref_slice %arg3[%dma_wait3A_240] : memref<5120000xf32, #tpu.memory_space<hbm>> -> memref<64000xf32, #tpu.memory_space<hbm>>
      %dma_wait3A_242 = arith.constant 0 : i32
      %dma_wait3A_243 = tpu.memref_slice %arg5[%dma_wait3A_242] : memref<64000xf32, #tpu.memory_space<vmem>> -> memref<64000xf32, #tpu.memory_space<vmem>>
      tpu.wait_dma2 semaphore(%arg9 : memref<!tpu.dma_semaphore, #tpu.memory_space<semaphore_mem>>) src(%dma_wait3A_243 : memref<64000xf32, #tpu.memory_space<vmem>>) dst(%dma_wait3A_241 : memref<64000xf32, #tpu.memory_space<hbm>>)
      %dma_wait3A_244 = arith.constant 0 : i32
      %dma_wait3A_245 = tpu.memref_slice %arg4[%dma_wait3A_244] : memref<64000xf32, #tpu.memory_space<vmem>> -> memref<32000xf32, #tpu.memory_space<vmem>>
      %dma_wait3A_246 = arith.constant 5088000 : i32
      %dma_wait3A_247 = tpu.memref_slice %arg3[%dma_wait3A_246] : memref<5120000xf32, #tpu.memory_space<hbm>> -> memref<32000xf32, #tpu.memory_space<hbm>>
      %dma_wait3A_248 = arith.constant 5088000 : i32
      %dma_wait3A_249 = tpu.memref_slice %arg3[%dma_wait3A_248] : memref<5120000xf32, #tpu.memory_space<hbm>> -> memref<32000xf32, #tpu.memory_space<hbm>>
      %dma_wait3A_250 = arith.constant 0 : i32
      %dma_wait3A_251 = tpu.memref_slice %arg4[%dma_wait3A_250] : memref<64000xf32, #tpu.memory_space<vmem>> -> memref<32000xf32, #tpu.memory_space<vmem>>
      tpu.wait_dma2 semaphore(%arg8 : memref<!tpu.dma_semaphore, #tpu.memory_space<semaphore_mem>>) src(%dma_wait3A_251 : memref<32000xf32, #tpu.memory_space<vmem>>) dst(%dma_wait3A_249 : memref<32000xf32, #tpu.memory_space<hbm>>)
    } else {
    }
    return
  }
}

</mosaic_0001>

<sc_bundles>
// kernel: kernel.3.cloned.1.call-start
scs
__scs_entry_jumppad:
0x0: {  	(pc) =	sbr.rel $0x88, $3  }
0x1: {  	(tag) =	ssettag $0x0;
	lr =	simm.s32 $0x1  }
0x2: {  	[smem:$0x3FA0] =	sst lr;
	_ =	strace $0xD0000000  }
0x3: {  	_ = 	snop  }
0x4: {  	_ = 	snop  }
0x5: {  	_ = 	snop  }
0x6: {  	_ = 	snop  }
0x7: {  	_ = 	snop  }
__scs_overlays_trampoline_lowered:
0x8: {  	[smem:$0x3FAF] =	sst s0  }
0x9: {  	[smem:$0x3FB0] =	sst s1  }
0xa: {  	[smem:$0x3FB1] =	sst s2  }
0xb: {  	[smem:$0x3FB2] =	sst s3  }
0xc: {  	[smem:$0x3FB3] =	sst s4  }
0xd: {  	[smem:$0x3FB4] =	sst s5  }
0xe: {  	[smem:$0x3FB5] =	sst s6  }
0xf: {  	[smem:$0x3FB6] =	sst s7  }
0x10: {  	[smem:$0x3FB7] =	sst s8  }
0x11: {  	[smem:$0x3FB8] =	sst s9;
	s0 =	simm.s32 @!p0 $0x0  }
0x12: {  	s1 =	sld [smem:$0x3F9E];
	s0 =	simm.s32 @p0 $0x1  }
0x13: {  	[smem:$0x3FB9] =	sst s0;
	s0 =	simm.s32 @!p1 $0x0  }
0x14: {  	s2 =	sld [smem:$0x3F9D];
	s0 =	simm.s32 @p1 $0x1  }
0x15: {  	[smem:$0x3FBA] =	sst s0;
	s0 =	simm.s32 @!p2 $0x0  }
0x16: {  	s3 =	sld [smem:$0x3FDB];
	s0 =	simm.s32 @p2 $0x1  }
0x17: {  	s4 =	simm.s32 $0x1BF5;
	[smem:$0x3FBC] =	sst s0  }
0x18: {  	s0 =	sld [smem:$0x3F9F];
	_ =	swait.ge [sflag:s4], $0x0  }
0x19: {  	s7 =	sld [smem:$0x3FA0]  }
0x1a: {  	s8 =	sadd.s32 $0xFFFFE003, lr  }
0x1b: {  	s9 =	sadd.s32 $0xFFFFFEF7, lr;
	s5 =	simm.s32 $0xFFFFFFFF;
	p2 =	slt.u32 s8, $0xFFFFF086  }
0x1c: {  	p1 =	slt.u32 s9, $0xF7A;
	s5 =	simm.s32 @!p2 $0x0  }
0x1d: {  	s5 =	simm.s32 @p1 $0x1;
	p0 =	seq.s32 s7, s2  }
0x1e: {  	s7 =	smul.u32 @!p0 $0xF7A, s2;
	p2 =	seq.s32 @!p0 s5, $0x0  }
0x1f: {  	s9 =	smul.u32 $0xF7A, s1;
	s8 =	simm.s32 @!p0 $0x1BF5;
	p2 =	por !p2, p0  }
0x20: {  	[sflag:s8] =	ssyncset.s32 @!p0 $0xFFFFF086;
	s6 =	sadd.s32 @!p0 s3, s7;
	s7 =	simm.s32 @!p0 $0x108  }
0x21: {  	s3 =	sadd.s32 s3, s9;
	s6 =	sadd.s32 @!p0 $0x88, s6;
	s7 =	simm.s32 @p2 $0x1082  }
0x22: {  	[simem:s7], [sflag:s8] =	dma.local @!p0 [hbm:s6], $0xF7A  }
0x23: {  	s9 =	sor.u32 $0xD0000000, s2;
	s6 =	simm.s32 $0x108;
	_ =	swait.ge @!p0 [sflag:s8], $0x0  }
0x24: {  	s3 =	sadd.s32 $0x88, s3;
	s6 =	simm.s32 @!p1 $0x1082;
	[sflag:s4] =	ssyncset.s32 $0xFFFFF086  }
0x25: {  	[simem:s6], [sflag:s4] =	dma.local [hbm:s3], $0xF7A  }
0x26: {  	[smem:$0x3FA0] =	sst s1;
	(tag) =	ssettag s2;
	_ =	strace s9  }
0x27: {  	s1 =	sld [smem:$0x3FB0]  }
0x28: {  	s2 =	sld [smem:$0x3FB1]  }
0x29: {  	s4 =	sld [smem:$0x3FB3]  }
0x2a: {  	p0 =	seq.s32 s5, $0x0;
	s5 =	sld [smem:$0x3FB4]  }
0x2b: {  	s6 =	sld [smem:$0x3FB5]  }
0x2c: {  	s7 =	sld [smem:$0x3FB6]  }
0x2d: {  	s3 =	simm.s32 $0x108;
	s8 =	sld [smem:$0x3FB7]  }
0x2e: {  	s3 =	simm.s32 @!p0 $0x1082;
	s9 =	sld [smem:$0x3FB8]  }
0x2f: {  	lr =	sadd.s32 s0, s3;
	s0 =	sld [smem:$0x3FAF]  }
0x30: {  	s3 =	sld [smem:$0x3FB2]  }
0x31: {  	[smem:$0x3FBB] =	sst s10  }
0x32: {  	s10 =	sld [smem:$0x3FB9];
	_ =	sdelay $0x3  }
0x33: {  	p0 =	seq.s32 s10, $0x1;
	s10 =	sld [smem:$0x3FBB];
	_ =	sdelay $0x3  }
0x34: {  	[smem:$0x3FBB] =	sst s10  }
0x35: {  	s10 =	sld [smem:$0x3FBA];
	_ =	sdelay $0x3  }
0x36: {  	p1 =	seq.s32 s10, $0x1;
	s10 =	sld [smem:$0x3FBB];
	_ =	sdelay $0x3  }
0x37: {  	[smem:$0x3FBB] =	sst s10  }
0x38: {  	s10 =	sld [smem:$0x3FBC]  }
0x39: {  	_ = 	snop;
	(pc) =	sbr.ind lr, $3  }
0x3a: {  	_ = 	snop  }
0x3b: {  	_ = 	snop  }
0x3c: {  	p2 =	seq.s32 s10, $0x1;
	s10 =	sld [smem:$0x3FBB]  }
0x3d: {  	_ =	shalt  }
0x3e: {  	_ =	shalt  }
0x3f: {  	_ =	shalt  }
0x40: {  	_ =	shalt  }
0x41: {  	_ =	shalt  }
0x42: {  	_ =	shalt  }
0x43: {  	_ =	shalt  }
0x44: {  	_ =	shalt  }
0x45: {  	_ =	shalt  }
0x46: {  	_ =	shalt  }
0x47: {  	_ =	shalt  }
0x48: {  	_ =	shalt  }
0x49: {  	_ =	shalt  }
0x4a: {  	_ =	shalt  }
0x4b: {  	_ =	shalt  }
0x4c: {  	_ =	shalt  }
0x4d: {  	_ =	shalt  }
0x4e: {  	_ =	shalt  }
0x4f: {  	_ =	shalt  }
0x50: {  	_ =	shalt  }
0x51: {  	_ =	shalt  }
0x52: {  	_ =	shalt  }
0x53: {  	_ =	shalt  }
0x54: {  	_ =	shalt  }
0x55: {  	_ =	shalt  }
0x56: {  	_ =	shalt  }
0x57: {  	_ =	shalt  }
0x58: {  	_ =	shalt  }
0x59: {  	_ =	shalt  }
0x5a: {  	_ =	shalt  }
0x5b: {  	_ =	shalt  }
0x5c: {  	_ =	shalt  }
0x5d: {  	_ =	shalt  }
0x5e: {  	_ =	shalt  }
0x5f: {  	_ =	shalt  }
0x60: {  	_ =	shalt  }
0x61: {  	_ =	shalt  }
0x62: {  	_ =	shalt  }
0x63: {  	_ =	shalt  }
0x64: {  	_ =	shalt  }
0x65: {  	_ =	shalt  }
0x66: {  	_ =	shalt  }
0x67: {  	_ =	shalt  }
0x68: {  	_ =	shalt  }
0x69: {  	_ =	shalt  }
0x6a: {  	_ =	shalt  }
0x6b: {  	_ =	shalt  }
0x6c: {  	_ =	shalt  }
0x6d: {  	_ =	shalt  }
0x6e: {  	_ =	shalt  }
0x6f: {  	_ =	shalt  }
0x70: {  	_ =	shalt  }
0x71: {  	_ =	shalt  }
0x72: {  	_ =	shalt  }
0x73: {  	_ =	shalt  }
0x74: {  	_ =	shalt  }
0x75: {  	_ =	shalt  }
0x76: {  	_ =	shalt  }
0x77: {  	_ =	shalt  }
0x78: {  	_ =	shalt  }
0x79: {  	_ =	shalt  }
0x7a: {  	_ =	shalt  }
0x7b: {  	_ =	shalt  }
0x7c: {  	_ =	shalt  }
0x7d: {  	_ =	shalt  }
0x7e: {  	_ =	shalt  }
0x7f: {  	_ =	shalt  }
0x80: {  	_ =	shalt  }
0x81: {  	_ =	shalt  }
0x82: {  	_ =	shalt  }
0x83: {  	_ =	shalt  }
0x84: {  	_ =	shalt  }
0x85: {  	_ =	shalt  }
0x86: {  	_ =	shalt  }
0x87: {  	_ =	shalt  }
.Lfunc_end0:
.L_simem_size_0:
called_computation_lowered:
.L_overlay_start_0:
0x88: {  	s2 =	sld [smem:$0x3FD9]  }
0x89: {  	s3 =	sld [smem:$0x3FFE];
	_ =	sdelay $0x1  }
0x8a: {  	s1 =	srdreg.scid  }
0x8b: {  	s0 =	sand.u32 $0x1, s1  }
0x8c: {  	s18 =	sshll.u32 s0, $0xA;
	s2 =	sadd.s32 s3, s2  }
0x8d: {  	s2 =	sadd.s32 s2, s18  }
0x8e: {  	[smem:$0x3FC7] =	sst s2  }
0x8f: {  	_ = 	snop  }
0x90: {  	s2 =	sld [smem:$0x3FC9]  }
0x91: {  	s19 =	sld [smem:$0x3FD0];
	(tm) =	ssettm $0x1  }
0x92: {  	s4 =	sld [smem:$0x3FFB];
	_ =	sdelay $0x3  }
0x93: {  	_ =	strace s4  }
0x94: {  	s4 =	sld [smem:$0x3FFC];
	_ =	sdelay $0x3  }
0x95: {  	_ =	strace s4  }
0x96: {  	s4 =	sld [smem:$0x3FFD];
	_ =	sdelay $0x3  }
0x97: {  	_ =	strace s4  }
0x98: {  	_ =	strace $0x8FFFFFFF  }
0x99: {  	s20 =	sld [smem:$0x3FDB];
	_ =	sdelay $0x1  }
0x9a: {  	s5 =	simm.s32 $_scs_section_size  }
0x9b: {  	s6 =	simm.s32 $_size__tile_overlayer_lowered;
	s7 =	simm.s32 $_tile_overlayer_lowered  }
0x9c: {  	s23 =	simm.s32 $0x1BFF;
	s22 =	sshll.u32 s7, $0x1;
	s4 =	sadd.s32 s5, s20  }
0x9d: {  	s8 =	simm.s32 $0x0;
	s21 =	sshll.u32 s6, $0x1;
	s6 =	sadd.s32 s22, s4  }
0x9e: {  	[timem:s8], [sflag:s23] =	dma.local [hbm:s6], s21  }
0x9f: {  	_ =	swait.ge [sflag:s23], s21  }
0xa0: {  	s5 =	ssub.s32 $0x0, s21;
	[sflag:s23] =	ssyncset.done $0x0  }
0xa1: {  	[sflag:s23] =	ssyncadd.s32 s5;
	_ =	sdelay $0x1  }
0xa2: {  	s24 =	simm.s32 $0x1B8B  }
0xa3: {  	_ =	swait.ge [sflag:s24], $0x1  }
0xa4: {  	[sflag:s24] =	ssyncset.done $0x0  }
0xa5: {  	s25 =	simm.s32 $0x1B8E;
	[sflag:s24] =	ssyncadd.s32 $0xFFFFFFFF  }
0xa6: {  	s26 =	simm.s32 $execute0_lowered;
	[smem:$0x3FD2] =	sst s25  }
0xa7: {  	s5 =	sshll.u32 s26, $0x1;
	_ =	strace $0x80000046;
	[dreg:$0x1] =	wrdreg $0xFFFFFFFF  }
0xa8: {  	s28 =	simm.s32 $_size_execute0_lowered;
	s4 =	sadd.s32 s4, s5;
	[dreg:$0x0] =	wrdreg $0x0  }
0xa9: {  	s5 =	sshll.u32 s28, $0x1;
	[dreg:$0x2] =	wrdreg s4  }
0xaa: {  	[dreg:$0x3] =	wrdreg s5  }
0xab: {  	[dreg:$0x4] =	wrdreg $0xC0  }
0xac: {  	_ =	task [dreg:s8], $0x5FFFF  }
0xad: {  	[dreg:$0x1] =	wrdreg $0xFFFFFFFF  }
0xae: {  	[dreg:$0x0] =	wrdreg $0x60  }
0xaf: {  	[dreg:$0x2] =	wrdreg s2  }
0xb0: {  	[dreg:$0x3] =	wrdreg s19  }
0xb1: {  	[dreg:$0x4] =	wrdreg $0x9  }
0xb2: {  	_ =	task.clear_ibuf [dreg:s8], $0x5FFFF;
	_ =	strace $0x90000046  }
0xb3: {  	s29 =	simm.s32 $0x9;
	_ =	strace $0x80000048  }
0xb4: {  	_ =	swait.ge [sflag:s29], $0x1  }
0xb5: {  	[sflag:s29] =	ssyncadd.s32 $0xFFFFFFFF  }
0xb6: {  	_ =	strace $0x90000048  }
0xb7: {  	_ =	sfence  }
0xb8: {  	s30 =	sld [smem:$0x0];
	_ =	sdelay $0x2  }
0xb9: {  	s31 =	sshll.u32 s1, $0xD;
	s1 =	sshrl.u32 s1, $0x2  }
0xba: {  	s3 =	sand.u32 $0x4000, s31;
	s1 =	sadd.s32 s1, s30  }
0xbb: {  	s0 =	sor.u32 s3, s0;
	s1 =	sshll.u32 s1, $0x11  }
0xbc: {  	s0 =	sor.u32 s1, s0  }
0xbd: {  	s0 =	sadd.s32 $0x8F2B, s0  }
0xbe: {  	[sflag:s0] =	ssyncadd.remote.s32 $0x1  }
0xbf: {  	_ =	sfence.sel $0xFFFF  }
0xc0: {  	[dreg:$0x0] =	wrdreg $0xFFFFFFFF;
	(pc) =	sbr.abs _section_cstart, $3  }
0xc1: {  	[dreg:$0x1] =	wrdreg $0xFFFFFFFF  }
0xc2: {  	_ =	task.clear_ibuf [dreg:s8], $0x2FFFF;
	_ =	strace $0x9FFFFFFF  }
0xc3: {  	(tm) =	ssettm $0x7FFFFFFF  }
tec
execute0_lowered:
.L_overlay_start_1:
0x0: {  	(tag) =	ssettag $0x1  }
0x1: {  	s0 =	srdreg.scid;
	s20 =	rddreg [dreg:$0x0]  }
0x2: {  	s31 =	rddreg [dreg:$0x1];
	s1 =	sand.u32 $0x1, s0  }
0x3: {  	s4 =	sadd.s32 $0x975E0, s31;
	[smem:$0x79E] =	sst s1  }
0x4: {  	s5 =	sadd.s32 $0x99520, s31;
	[dreg:$0x3] =	wrdreg s4  }
0x5: {  	s6 =	sadd.s32 $0x9B460, s31;
	[dreg:$0x4] =	wrdreg s5  }
0x6: {  	s7 =	sadd.s32 $0x927C0, s31;
	[dreg:$0x5] =	wrdreg s6  }
0x7: {  	s8 =	sadd.s32 $0x94700, s31;
	[dreg:$0x6] =	wrdreg s7  }
0x8: {  	s9 =	sadd.s32 $0x96640, s31;
	[dreg:$0x7] =	wrdreg s8  }
0x9: {  	s10 =	sadd.s32 $0x8D9A0, s31;
	[dreg:$0x8] =	wrdreg s9  }
0xa: {  	s11 =	sadd.s32 $0x8F8E0, s31;
	[dreg:$0x9] =	wrdreg s10  }
0xb: {  	s12 =	sadd.s32 $0x91820, s31;
	[dreg:$0xa] =	wrdreg s11  }
0xc: {  	s13 =	sadd.s32 $0x88B80, s31;
	[dreg:$0xb] =	wrdreg s12  }
0xd: {  	s14 =	sadd.s32 $0x8AAC0, s31;
	[dreg:$0xc] =	wrdreg s13  }
0xe: {  	s15 =	sadd.s32 $0x8CA00, s31;
	[dreg:$0xd] =	wrdreg s14  }
0xf: {  	s16 =	sadd.s32 $0x83D60, s31;
	[dreg:$0xe] =	wrdreg s15  }
0x10: {  	s17 =	sadd.s32 $0x85CA0, s31;
	[dreg:$0xf] =	wrdreg s16  }
0x11: {  	s18 =	sadd.s32 $0x87BE0, s31;
	[dreg:$0x10] =	wrdreg s17  }
0x12: {  	s19 =	sadd.s32 $0x7EF40, s31;
	[dreg:$0x11] =	wrdreg s18  }
0x13: {  	s21 =	sadd.s32 $0x80E80, s31;
	[dreg:$0x12] =	wrdreg s19  }
0x14: {  	s22 =	sadd.s32 $0x82DC0, s31;
	[dreg:$0x13] =	wrdreg s21  }
0x15: {  	s23 =	sadd.s32 $0x7A120, s31;
	[dreg:$0x14] =	wrdreg s22  }
0x16: {  	s24 =	sadd.s32 $0x7C060, s31;
	[dreg:$0x15] =	wrdreg s23  }
0x17: {  	s2 =	stileid.u32;
	s25 =	sadd.s32 $0x7DFA0, s31;
	[dreg:$0x16] =	wrdreg s24  }
0x18: {  	s3 =	sshll.u32 s2, $0x1;
	s26 =	sadd.s32 $0x75300, s31;
	[dreg:$0x17] =	wrdreg s25  }
0x19: {  	s3 =	sor.u32 s1, s3;
	[dreg:$0x18] =	wrdreg s26;
	s1 =	sadd.s32 $0x77240, s31  }
0x1a: {  	s5 =	sadd.s32 $0x72420, s31;
	[dreg:$0x19] =	wrdreg s1  }
0x1b: {  	s6 =	sadd.s32 $0x74360, s31;
	[dreg:$0x1c] =	wrdreg s5  }
0x1c: {  	s7 =	sadd.s32 $0x6B6C0, s31;
	[dreg:$0x1d] =	wrdreg s6  }
0x1d: {  	s8 =	sadd.s32 $0x6D600, s31;
	[dreg:$0x1e] =	wrdreg s7  }
0x1e: {  	s10 =	sadd.s32 $0x6F540, s31;
	[dreg:$0x1f] =	wrdreg s8  }
0x1f: {  	s11 =	sadd.s32 $0x668A0, s31;
	[smem:$0x76B] =	sst s10  }
0x20: {  	s12 =	sadd.s32 $0x687E0, s31;
	[smem:$0x76C] =	sst s11  }
0x21: {  	s13 =	sadd.s32 $0x6A720, s31;
	[smem:$0x76D] =	sst s12  }
0x22: {  	s16 =	sadd.s32 $0x61A80, s31;
	[smem:$0x76E] =	sst s13  }
0x23: {  	s17 =	sadd.s32 $0x639C0, s31;
	[smem:$0x76F] =	sst s16  }
0x24: {  	s18 =	sadd.s32 $0x65900, s31;
	[smem:$0x770] =	sst s17  }
0x25: {  	s19 =	sadd.s32 $0x5CC60, s31;
	[smem:$0x771] =	sst s18  }
0x26: {  	s21 =	sadd.s32 $0x5EBA0, s31;
	[smem:$0x772] =	sst s19  }
0x27: {  	s22 =	sadd.s32 $0x60AE0, s31;
	[smem:$0x773] =	sst s21  }
0x28: {  	s23 =	sadd.s32 $0x57E40, s31;
	[smem:$0x774] =	sst s22  }
0x29: {  	s24 =	sadd.s32 $0x59D80, s31;
	[smem:$0x775] =	sst s23  }
0x2a: {  	s25 =	sadd.s32 $0x5BCC0, s31;
	[smem:$0x776] =	sst s24  }
0x2b: {  	s26 =	sadd.s32 $0x53020, s31;
	[smem:$0x777] =	sst s25  }
0x2c: {  	[smem:$0x778] =	sst s26;
	s1 =	sadd.s32 $0x54F60, s31  }
0x2d: {  	s5 =	sadd.s32 $0x50140, s31;
	[smem:$0x779] =	sst s1  }
0x2e: {  	s6 =	sadd.s32 $0x52080, s31;
	[smem:$0x77C] =	sst s5  }
0x2f: {  	s7 =	sadd.s32 $0x493E0, s31;
	[smem:$0x77D] =	sst s6  }
0x30: {  	s8 =	sadd.s32 $0x4B320, s31;
	[smem:$0x79C] =	sst s7  }
0x31: {  	s10 =	sadd.s32 $0x4D260, s31;
	[smem:$0x79D] =	sst s8  }
0x32: {  	s0 =	sadd.s32 $0xEA60, s31;
	s11 =	sadd.s32 $0x445C0, s31;
	[smem:$0x79F] =	sst s10  }
0x33: {  	s2 =	sadd.s32 $0x109A0, s31;
	s12 =	sadd.s32 $0x46500, s31;
	[smem:$0x78C] =	sst s11  }
0x34: {  	s29 =	sadd.s32 $0x26160, s31;
	s13 =	sadd.s32 $0x48440, s31;
	[smem:$0x786] =	sst s12  }
0x35: {  	s30 =	sadd.s32 $0xDAC0, s31;
	s16 =	sadd.s32 $0x3F7A0, s31;
	[smem:$0x78A] =	sst s13  }
0x36: {  	s28 =	sadd.s32 $0x4E20, s31;
	s17 =	sadd.s32 $0x416E0, s31;
	[smem:$0x77E] =	sst s16  }
0x37: {  	s4 =	sadd.s32 $0x128E0, s20;
	s18 =	sadd.s32 $0x43620, s31;
	[smem:$0x77F] =	sst s17  }
0x38: {  	s9 =	sadd.s32 $0x9C40, s31;
	s19 =	sadd.s32 $0x3A980, s31;
	[smem:$0x780] =	sst s18  }
0x39: {  	s14 =	sadd.s32 $0xBB80, s31;
	s21 =	sadd.s32 $0x3C8C0, s31;
	[smem:$0x781] =	sst s19  }
0x3a: {  	s15 =	sadd.s32 $0xDAC0, s20;
	s22 =	sadd.s32 $0x3E800, s31;
	[smem:$0x782] =	sst s21  }
0x3b: {  	p0 =	sgt.s32 s3, $0x1;
	s23 =	sadd.s32 $0x35B60, s31;
	[smem:$0x783] =	sst s22  }
0x3c: {  	s24 =	sadd.s32 $0x37AA0, s31;
	s25 =	sadd.s32 $0x399E0, s31;
	[smem:$0x791] =	sst s23  }
0x3d: {  	s26 =	sadd.s32 $0x2BF20, s31;
	p5 =	seq.s32 @p0 s3, $0x2;
	[smem:$0x792] =	sst s24  }
0x3e: {  	p2 =	seq.s32 @!p0 s3, $0x0;
	[smem:$0x794] =	sst s25;
	s18 =	sadd.s32 $0x30D40, s31  }
0x3f: {  	s19 =	sadd.s32 $0x32C80, s31;
	s17 =	sadd.s32 $0x34BC0, s31;
	[smem:$0x795] =	sst s26  }
0x40: {  	s1 =	sadd.s32 $0x2DE60, s31;
	s5 =	sadd.s32 $0x29040, s31;
	s6 =	sadd.s32 $0x2AF80, s31  }
0x41: {  	s12 =	sadd.s32 $0x222E0, s31;
	s25 =	sadd.s32 $0x24220, s31;
	s11 =	sadd.s32 $0x1D4C0, s31  }
0x42: {  	s7 =	sadd.s32 $0x1F400, s31;
	s8 =	sadd.s32 $0x21340, s31;
	p1 =	por !p5, !p0  }
0x43: {  	s10 =	sadd.s32 $0x186A0, s31;
	[smem:$0x796] =	sst s1;
	s9 =	smov.u32 @p1 s0  }
0x44: {  	s14 =	smov.u32 @p1 s2;
	s15 =	smov.u32 @p1 s4;
	s2 =	sadd.s32 $0x79180, s31  }
0x45: {  	s0 =	simm.s32 @!p2 $0x0;
	s4 =	sadd.s32 $0x704E0, s31;
	[dreg:$0x1a] =	wrdreg s2  }
0x46: {  	s21 =	sadd.s32 $0x1A5E0, s31;
	s0 =	simm.s32 @p2 $0x1;
	[dreg:$0x1b] =	wrdreg s4  }
0x47: {  	s22 =	sadd.s32 $0x1C520, s31;
	s2 =	sadd.s32 $0x56EA0, s31;
	[smem:$0x7A1] =	sst s0  }
0x48: {  	s23 =	sadd.s32 $0x157C0, s31;
	s4 =	sadd.s32 $0x4E200, s31;
	[smem:$0x77A] =	sst s2  }
0x49: {  	s24 =	sadd.s32 $0x17700, s31;
	[smem:$0x77B] =	sst s4;
	s2 =	sadd.s32 $0x2FDA0, s31  }
0x4a: {  	s26 =	sadd.s32 $0x128E0, s31;
	s13 =	sadd.s32 $0x1F40, s31;
	[smem:$0x798] =	sst s2  }
0x4b: {  	s16 =	sadd.s32 $0x3E80, s31;
	[smem:$0x784] =	sst s3;
	s3 =	simm.s32 @!p1 $0x0  }
0x4c: {  	s1 =	sadd.s32 $0x13880, s31;
	s30 =	smov.u32 @p1 s26;
	s3 =	simm.s32 @p1 $0x1  }
0x4d: {  	s26 =	sadd.s32 $0x3E80, s20;
	p2 =	por !p2, p0;
	[smem:$0x785] =	sst s3  }
0x4e: {  	s4 =	sadd.s32 $0x27100, s31;
	s0 =	sadd.s32 $0x6D60, s31;
	s3 =	sld [smem:$0x784]  }
0x4f: {  	s2 =	sadd.s32 $0x8CA0, s31;
	s13 =	smov.u32 @p2 s0;
	s0 =	sadd.s32 $0x8CA0, s20  }
0x50: {  	s31 =	smov.u32 @p2 s28;
	s26 =	smov.u32 @p2 s0;
	s0 =	simm.s32 @!p2 $0x0  }
0x51: {  	s16 =	smov.u32 @p2 s2;
	s0 =	simm.s32 @p2 $0x1;
	p2 =	sgt.s32 s3, $0x5  }
0x52: {  	p1 =	seq.s32 @p2 s3, $0x6  }
0x53: {  	[smem:$0x787] =	sst s0;
	s0 =	simm.s32 @!p1 $0x0  }
0x54: {  	s2 =	sadd.s32 $0x21340, s20;
	p3 =	seq.s32 @!p2 s3, $0x4;
	s0 =	simm.s32 @p1 $0x1  }
0x55: {  	p1 =	por !p1, !p2;
	[smem:$0x7A3] =	sst s0;
	s0 =	simm.s32 @!p3 $0x0  }
0x56: {  	s11 =	smov.u32 @p1 s12;
	s7 =	smov.u32 @p1 s25;
	s0 =	simm.s32 @p3 $0x1  }
0x57: {  	s8 =	smov.u32 @p1 s29;
	[smem:$0x7A5] =	sst s0;
	s0 =	sadd.s32 $0x26160, s20  }
0x58: {  	s25 =	sadd.s32 $0x17700, s20;
	s2 =	smov.u32 @p1 s0;
	s0 =	simm.s32 @!p1 $0x0  }
0x59: {  	s0 =	simm.s32 @p1 $0x1;
	p1 =	por !p3, p2;
	p3 =	sgt.s32 s3, $0x9  }
0x5a: {  	[smem:$0x78B] =	sst s0;
	s1 =	smov.u32 @p1 s10;
	s0 =	sadd.s32 $0x1C520, s20  }
0x5b: {  	s23 =	smov.u32 @p1 s21;
	s25 =	smov.u32 @p1 s0;
	s0 =	simm.s32 @!p1 $0x0  }
0x5c: {  	s24 =	smov.u32 @p1 s22;
	s0 =	simm.s32 @p1 $0x1;
	p1 =	seq.s32 @p3 s3, $0xA  }
0x5d: {  	[smem:$0x78D] =	sst s0;
	s0 =	simm.s32 @!p1 $0x0  }
0x5e: {  	s0 =	simm.s32 @p1 $0x1  }
0x5f: {  	[smem:$0x7A7] =	sst s0  }
0x60: {  	s0 =	sld [smem:$0x791]  }
0x61: {  	s13 =	smov.u32 @p0 s14  }
0x62: {  	s16 =	smov.u32 @p0 s30;
	p4 =	seq.s32 @!p3 s3, $0x8;
	p1 =	por !p1, !p3  }
0x63: {  	[smem:$0x788] =	sst s13;
	s18 =	smov.u32 @p1 s0;
	s0 =	simm.s32 @!p4 $0x0  }
0x64: {  	[smem:$0x789] =	sst s16;
	s25 =	smov.u32 @p2 s2;
	s0 =	simm.s32 @p4 $0x1  }
0x65: {  	s2 =	sadd.s32 $0x34BC0, s20;
	[smem:$0x7A9] =	sst s0;
	s0 =	sadd.s32 $0x399E0, s20  }
0x66: {  	s28 =	sld [smem:$0x786];
	s2 =	smov.u32 @p1 s0;
	s0 =	simm.s32 @!p1 $0x0  }
0x67: {  	s30 =	sld [smem:$0x78A];
	s0 =	simm.s32 @p1 $0x1  }
0x68: {  	[smem:$0x793] =	sst s0  }
0x69: {  	s0 =	sld [smem:$0x794]  }
0x6a: {  	s13 =	sld [smem:$0x78C]  }
0x6b: {  	s23 =	smov.u32 @p2 s7;
	s7 =	sld [smem:$0x7A3]  }
0x6c: {  	s17 =	smov.u32 @p1 s0;
	s0 =	sld [smem:$0x795]  }
0x6d: {  	s22 =	simm.s32 $0x0;
	s24 =	smov.u32 @p2 s8;
	s8 =	sld [smem:$0x7A5]  }
0x6e: {  	[smem:$0x7FF] =	sst s22;
	p4 =	por !p4, p3  }
0x6f: {  	s1 =	smov.u32 @p2 s11;
	s4 =	smov.u32 @p4 s0;
	s0 =	sld [smem:$0x796]  }
0x70: {  	[smem:$0x78E] =	sst s1  }
0x71: {  	s26 =	smov.u32 @p0 s15;
	s15 =	sadd.s32 $0x2AF80, s20;
	s1 =	sld [smem:$0x792]  }
0x72: {  	[smem:$0x78F] =	sst s23;
	s5 =	smov.u32 @p4 s0;
	s0 =	sadd.s32 $0x2FDA0, s20  }
0x73: {  	[smem:$0x790] =	sst s24;
	s15 =	smov.u32 @p4 s0;
	s0 =	simm.s32 @!p4 $0x0  }
0x74: {  	s19 =	smov.u32 @p1 s1;
	s1 =	sld [smem:$0x79F];
	s0 =	simm.s32 @p4 $0x1  }
0x75: {  	[smem:$0x797] =	sst s0  }
0x76: {  	s0 =	sld [smem:$0x798]  }
0x77: {  	s31 =	smov.u32 @p0 s9;
	s9 =	sld [smem:$0x7A7]  }
0x78: {  	s10 =	sld [smem:$0x7A9];
	s4 =	smov.u32 @p3 s18  }
0x79: {  	[smem:$0x799] =	sst s4;
	s6 =	smov.u32 @p4 s0  }
0x7a: {  	s4 =	sld [smem:$0x79E];
	s6 =	smov.u32 @p3 s17  }
0x7b: {  	p4 =	sgt.s32 s3, $0xD;
	[smem:$0x79B] =	sst s6  }
0x7c: {  	p1 =	seq.s32 @p4 s3, $0xE;
	s6 =	sld [smem:$0x7A1]  }
0x7d: {  	p5 =	por p5, !p0;
	s0 =	sld [smem:$0x79C];
	p6 =	por !p1, !p4  }
0x7e: {  	s5 =	smov.u32 @p3 s19;
	s30 =	smov.u32 @p6 s1;
	s1 =	simm.s32 @!p5 $0x0  }
0x7f: {  	[smem:$0x79A] =	sst s5;
	s1 =	simm.s32 @p5 $0x1;
	p5 =	seq.s32 s6, $0x1  }
0x80: {  	s13 =	smov.u32 @p6 s0;
	s0 =	sld [smem:$0x79D];
	p0 =	por p5, p0  }
0x81: {  	[smem:$0x7A0] =	sst s1;
	p5 =	seq.s32 s7, $0x1;
	s1 =	simm.s32 @!p0 $0x0  }
0x82: {  	p1 =	por p1, !p4;
	s1 =	simm.s32 @p0 $0x1;
	p0 =	por p5, !p2  }
0x83: {  	p5 =	seq.s32 s8, $0x1;
	[smem:$0x7A2] =	sst s1;
	s1 =	simm.s32 @!p0 $0x0  }
0x84: {  	s28 =	smov.u32 @p6 s0;
	s1 =	simm.s32 @p0 $0x1;
	p0 =	por p5, p2  }
0x85: {  	p2 =	seq.s32 s9, $0x1;
	[smem:$0x7A4] =	sst s1;
	s1 =	simm.s32 @!p0 $0x0  }
0x86: {  	s0 =	ssub.s32 $0x2, s4;
	s1 =	simm.s32 @p0 $0x1;
	p0 =	por p2, !p3  }
0x87: {  	p5 =	seq.s32 s10, $0x1;
	[smem:$0x7A6] =	sst s1;
	s1 =	simm.s32 @!p0 $0x0  }
0x88: {  	s5 =	sshrl.u32 s0, $0x1;
	s1 =	simm.s32 @p0 $0x1;
	p0 =	por p5, p3  }
0x89: {  	s0 =	ssub.s32 s0, s5;
	[smem:$0x7A8] =	sst s1;
	s1 =	simm.s32 @!p0 $0x0  }
0x8a: {  	s18 =	smax.u32 s0, $0x1;
	s0 =	simm.s32 @!p1 $0x0;
	s1 =	simm.s32 @p0 $0x1  }
0x8b: {  	s0 =	simm.s32 @p1 $0x1;
	[smem:$0x7AA] =	sst s1  }
0x8c: {  	s11 =	sadd.s32 $0x975E0, s20;
	_ =	strace $0x80000047;
	[smem:$0x7AB] =	sst s0  }
0x8d: {  	s12 =	sadd.s32 $0x99520, s20;
	[smem:$0x7B1] =	sst s11  }
0x8e: {  	s14 =	sadd.s32 $0x9B460, s20;
	[smem:$0x7B2] =	sst s12  }
0x8f: {  	s16 =	sadd.s32 $0x927C0, s20;
	[smem:$0x7B3] =	sst s14  }
0x90: {  	s17 =	sadd.s32 $0x94700, s20;
	[smem:$0x7B4] =	sst s16  }
0x91: {  	s21 =	sadd.s32 $0x96640, s20;
	[smem:$0x7B5] =	sst s17  }
0x92: {  	s23 =	sadd.s32 $0x8D9A0, s20;
	[smem:$0x7B6] =	sst s21  }
0x93: {  	s24 =	sadd.s32 $0x8F8E0, s20;
	s19 =	sadd.s32 $0x48440, s20;
	[smem:$0x7B7] =	sst s23  }
0x94: {  	s15 =	smov.u32 @p3 s2;
	s1 =	sadd.s32 $0x91820, s20;
	[smem:$0x7B8] =	sst s24  }
0x95: {  	s2 =	sadd.s32 $0x88B80, s20;
	s4 =	sadd.s32 $0x4D260, s20;
	[smem:$0x7B9] =	sst s1  }
0x96: {  	s19 =	smov.u32 @p6 s4;
	s4 =	sadd.s32 $0x8AAC0, s20;
	[smem:$0x7BA] =	sst s2  }
0x97: {  	s5 =	sadd.s32 $0x8CA00, s20;
	[smem:$0x7BB] =	sst s4  }
0x98: {  	s6 =	sadd.s32 $0x83D60, s20;
	[smem:$0x7BC] =	sst s5  }
0x99: {  	s7 =	sadd.s32 $0x85CA0, s20;
	[smem:$0x7BD] =	sst s6  }
0x9a: {  	s8 =	sadd.s32 $0x87BE0, s20;
	[smem:$0x7BE] =	sst s7  }
0x9b: {  	s9 =	sadd.s32 $0x7EF40, s20;
	[smem:$0x7BF] =	sst s8  }
0x9c: {  	s10 =	sadd.s32 $0x80E80, s20;
	[smem:$0x7C0] =	sst s9  }
0x9d: {  	[smem:$0x7C1] =	sst s10;
	s11 =	sadd.s32 $0x82DC0, s20  }
0x9e: {  	s12 =	sadd.s32 $0x7A120, s20;
	[smem:$0x7C2] =	sst s11  }
0x9f: {  	s14 =	sadd.s32 $0x7C060, s20;
	[smem:$0x7C3] =	sst s12  }
0xa0: {  	s16 =	sadd.s32 $0x7DFA0, s20;
	[smem:$0x7C4] =	sst s14  }
0xa1: {  	s17 =	sadd.s32 $0x75300, s20;
	[smem:$0x7C5] =	sst s16  }
0xa2: {  	s21 =	sadd.s32 $0x77240, s20;
	[smem:$0x7C6] =	sst s17  }
0xa3: {  	s23 =	sadd.s32 $0x79180, s20;
	[smem:$0x7C7] =	sst s21  }
0xa4: {  	s24 =	sadd.s32 $0x704E0, s20;
	[smem:$0x7C8] =	sst s23  }
0xa5: {  	s1 =	sadd.s32 $0x72420, s20;
	[smem:$0x7C9] =	sst s24  }
0xa6: {  	s2 =	sadd.s32 $0x74360, s20;
	[smem:$0x7CA] =	sst s1  }
0xa7: {  	s4 =	sadd.s32 $0x6B6C0, s20;
	[smem:$0x7CB] =	sst s2  }
0xa8: {  	s5 =	sadd.s32 $0x6D600, s20;
	[smem:$0x7CC] =	sst s4  }
0xa9: {  	s6 =	sadd.s32 $0x6F540, s20;
	[smem:$0x7CD] =	sst s5  }
0xaa: {  	s7 =	sadd.s32 $0x668A0, s20;
	[smem:$0x7CE] =	sst s6  }
0xab: {  	s8 =	sadd.s32 $0x687E0, s20;
	[smem:$0x7CF] =	sst s7  }
0xac: {  	s9 =	sadd.s32 $0x6A720, s20;
	[smem:$0x7D0] =	sst s8  }
0xad: {  	s0 =	simm.s32 @!p4 $0x0;
	s10 =	sadd.s32 $0x61A80, s20;
	[smem:$0x7D1] =	sst s9  }
0xae: {  	s0 =	simm.s32 @p4 $0x1;
	[smem:$0x7D2] =	sst s10  }
0xaf: {  	s11 =	sadd.s32 $0x639C0, s20;
	[smem:$0x7AC] =	sst s0  }
0xb0: {  	s12 =	sadd.s32 $0x65900, s20;
	[smem:$0x7D3] =	sst s11  }
0xb1: {  	s14 =	sadd.s32 $0x5CC60, s20;
	[smem:$0x7D4] =	sst s12  }
0xb2: {  	s16 =	sadd.s32 $0x5EBA0, s20;
	[smem:$0x7D5] =	sst s14  }
0xb3: {  	s17 =	sadd.s32 $0x60AE0, s20;
	[smem:$0x7D6] =	sst s16  }
0xb4: {  	s21 =	sadd.s32 $0x57E40, s20;
	[smem:$0x7D7] =	sst s17  }
0xb5: {  	s23 =	sadd.s32 $0x59D80, s20;
	[smem:$0x7D8] =	sst s21  }
0xb6: {  	s24 =	sadd.s32 $0x5BCC0, s20;
	[smem:$0x7D9] =	sst s23  }
0xb7: {  	s1 =	sadd.s32 $0x53020, s20;
	[smem:$0x7DA] =	sst s24  }
0xb8: {  	s2 =	sadd.s32 $0x54F60, s20;
	[smem:$0x7DB] =	sst s1  }
0xb9: {  	s4 =	sadd.s32 $0x56EA0, s20;
	[smem:$0x7DC] =	sst s2  }
0xba: {  	s5 =	sadd.s32 $0x4E200, s20;
	[smem:$0x7DD] =	sst s4  }
0xbb: {  	s6 =	sadd.s32 $0x50140, s20;
	[smem:$0x7DE] =	sst s5  }
0xbc: {  	s7 =	sadd.s32 $0x52080, s20;
	[smem:$0x7DF] =	sst s6  }
0xbd: {  	s8 =	sadd.s32 $0x493E0, s20;
	[smem:$0x7E0] =	sst s7  }
0xbe: {  	s9 =	sadd.s32 $0x4B320, s20;
	[smem:$0x7E1] =	sst s8  }
0xbf: {  	s10 =	sadd.s32 $0x445C0, s20;
	[smem:$0x7E2] =	sst s9  }
0xc0: {  	[smem:$0x7E3] =	sst s10;
	s11 =	sadd.s32 $0x46500, s20  }
0xc1: {  	s12 =	sadd.s32 $0x3F7A0, s20;
	[smem:$0x7E4] =	sst s11  }
0xc2: {  	s14 =	sadd.s32 $0x416E0, s20;
	[smem:$0x7E5] =	sst s12  }
0xc3: {  	s16 =	sadd.s32 $0x43620, s20;
	[smem:$0x7E6] =	sst s14  }
0xc4: {  	s17 =	sadd.s32 $0x3A980, s20;
	[smem:$0x7E7] =	sst s16  }
0xc5: {  	s21 =	sadd.s32 $0x3C8C0, s20;
	[smem:$0x7E8] =	sst s17  }
0xc6: {  	s23 =	sadd.s32 $0x3E800, s20;
	[smem:$0x7E9] =	sst s21  }
0xc7: {  	s24 =	sadd.s32 $0x35B60, s20;
	[smem:$0x7EA] =	sst s23  }
0xc8: {  	s1 =	sadd.s32 $0x37AA0, s20;
	[smem:$0x7EB] =	sst s24  }
0xc9: {  	s2 =	sadd.s32 $0x30D40, s20;
	[smem:$0x7EC] =	sst s1  }
0xca: {  	s4 =	sadd.s32 $0x32C80, s20;
	[smem:$0x7ED] =	sst s2  }
0xcb: {  	s5 =	sadd.s32 $0x2BF20, s20;
	[smem:$0x7EE] =	sst s4  }
0xcc: {  	s29 =	simm.s32 $0x4;
	s6 =	sadd.s32 $0x2DE60, s20;
	[smem:$0x7EF] =	sst s5  }
0xcd: {  	p0 =	seq.s32 @!p4 s3, $0xC;
	s7 =	sadd.s32 $0x27100, s20;
	[smem:$0x7F0] =	sst s6  }
0xce: {  	p1 =	por !p0, p4;
	s8 =	sadd.s32 $0x29040, s20;
	[smem:$0x7F1] =	sst s7  }
0xcf: {  	p0 =	por p0, p4;
	s9 =	sadd.s32 $0x222E0, s20;
	[smem:$0x7F2] =	sst s8  }
0xd0: {  	s0 =	simm.s32 @!p0 $0x0;
	s10 =	sadd.s32 $0x24220, s20;
	[smem:$0x7F3] =	sst s9  }
0xd1: {  	p3 =	sgt.s32 s3, $0xF;
	s0 =	simm.s32 @p0 $0x1;
	[smem:$0x7F4] =	sst s10  }
0xd2: {  	p0 =	sgt.s32 s3, $0x7;
	s11 =	sadd.s32 $0x1D4C0, s20;
	[smem:$0x7AD] =	sst s0  }
0xd3: {  	s12 =	sadd.s32 $0x1F400, s20;
	s14 =	sadd.s32 $0x186A0, s20;
	[smem:$0x7F5] =	sst s11  }
0xd4: {  	s16 =	sadd.s32 $0x1A5E0, s20;
	s17 =	sadd.s32 $0x13880, s20;
	[smem:$0x7F6] =	sst s12  }
0xd5: {  	s21 =	sadd.s32 $0x157C0, s20;
	s23 =	sadd.s32 $0xEA60, s20;
	[smem:$0x7F7] =	sst s14  }
0xd6: {  	s24 =	sadd.s32 $0x109A0, s20;
	s8 =	sadd.s32 $0xBB80, s20;
	[smem:$0x7F8] =	sst s16  }
0xd7: {  	s6 =	sadd.s32 $0x6D60, s20;
	s0 =	simm.s32 @!p0 $0x0;
	[smem:$0x7F9] =	sst s17  }
0xd8: {  	[smem:$0x7FA] =	sst s21;
	s0 =	simm.s32 @p0 $0x1;
	p0 =	sgt.s32 s3, $0x3  }
0xd9: {  	s1 =	sadd.s32 $0x1F40, s20;
	[smem:$0x7AE] =	sst s0;
	s0 =	simm.s32 @!p0 $0x0  }
0xda: {  	[smem:$0x7FB] =	sst s23;
	s0 =	simm.s32 @p0 $0x1;
	p0 =	sgt.s32 s3, $0xB  }
.Ltmp0:
0xdb: {  	[smem:$0x7AF] =	sst s0;
	s0 =	simm.s32 @!p0 $0x0;
	(pc) =	sbr.rel .LBB2_1-.Ltmp0, $4  }
0xdc: {  	s10 =	simm.s32 $0x2;
	[smem:$0x7FC] =	sst s24;
	s0 =	simm.s32 @p0 $0x1  }
0xdd: {  	s23 =	sadd.s32 $0x9C40, s20;
	[smem:$0x7B0] =	sst s0;
	s0 =	simm.s32 @!p3 $0x0  }
0xde: {  	s24 =	sadd.s32 $0x4E20, s20;
	s16 =	simm.s32 $0xFA00;
	s0 =	simm.s32 @p3 $0x1  }
0xdf: {  	s14 =	simm.s32 $0x3;
	s21 =	simm.s32 $0x1;
	[smem:$0x7FD] =	sst s0  }
.LBB2_15:
0xe0: {  	p2 =	sgt.s32 s3, $0x1D  }
0xe1: {  	s2 =	sld [smem:$0x7B4];
	p0 =	seq.s32 @p2 s3, $0x1E  }
0xe2: {  	p3 =	por !p0, !p2  }
0xe3: {  	s4 =	sld [smem:$0x7B5];
	s0 =	simm.s32 @!p3 $0x0  }
0xe4: {  	[tilespmem:s0], [sflag:$0x1] =	stream.linear.gather @!p3 [hbm4b:s2+s0], $0xFA00, $0x38;
	[tilespmem:$0x1F400] =	vst v63  }
0xe5: {  	s2 =	simm.s32 @!p3 $0xFA00  }
0xe6: {  	[tilespmem:s2], [sflag:$0x2] =	stream.linear.gather @!p3 [hbm4b:s4+s0], $0xFA00, $0x38;
	[tilespmem:$0x1F400] =	vst v63  }
0xe7: {  	s0 =	simm.s32 @!p3 $0x1  }
0xe8: {  	_ =	swait.ge @!p3 [sflag:s0], $0xFA00  }
0xe9: {  	s2 =	sld [smem:$0x7B1]  }
0xea: {  	p4 =	por p0, !p2;
	[sflag:s0] =	ssyncset.done @!p3 $0x0  }
0xeb: {  	s4 =	sld [smem:$0x7B2];
	[sflag:s0] =	ssyncadd.s32 @!p3 $0xFFFF0600;
	s0 =	simm.s32 @!p4 $0x0  }
0xec: {  	[tilespmem:s0], [sflag:$0x1] =	stream.linear.gather @!p4 [hbm4b:s2+s0], $0xFA00, $0x38;
	[tilespmem:$0x1F400] =	vst v63  }
0xed: {  	s2 =	simm.s32 @!p4 $0xFA00  }
0xee: {  	[tilespmem:s2], [sflag:$0x2] =	stream.linear.gather @!p4 [hbm4b:s4+s0], $0xFA00, $0x38;
	[tilespmem:$0x1F400] =	vst v63  }
0xef: {  	s0 =	simm.s32 @!p4 $0x1  }
0xf0: {  	_ =	swait.ge @!p4 [sflag:s0], $0xFA00  }
0xf1: {  	p5 =	seq.s32 @!p2 s3, $0x1C;
	s2 =	sld [smem:$0x7BA]  }
0xf2: {  	p0 =	por !p5, p2;
	[sflag:s0] =	ssyncset.done @!p4 $0x0  }
0xf3: {  	s4 =	sld [smem:$0x7BB];
	[sflag:s0] =	ssyncadd.s32 @!p4 $0xFFFF0600;
	s0 =	simm.s32 @!p0 $0x0  }
0xf4: {  	[tilespmem:s0], [sflag:$0x1] =	stream.linear.gather @!p0 [hbm4b:s2+s0], $0xFA00, $0x38;
	[tilespmem:$0x1F400] =	vst v63  }
0xf5: {  	s2 =	simm.s32 @!p0 $0xFA00  }
0xf6: {  	[tilespmem:s2], [sflag:$0x2] =	stream.linear.gather @!p0 [hbm4b:s4+s0], $0xFA00, $0x38;
	[tilespmem:$0x1F400] =	vst v63  }
0xf7: {  	s0 =	simm.s32 @!p0 $0x1  }
0xf8: {  	s4 =	rddreg [dreg:$0x6];
	_ =	swait.ge @!p0 [sflag:s0], $0xFA00  }
0xf9: {  	s2 =	rddreg [dreg:$0x3]  }
0xfa: {  	s5 =	rddreg [dreg:$0x7]  }
0xfb: {  	s4 =	smov.u32 @p3 s2;
	s2 =	rddreg [dreg:$0x4]  }
0xfc: {  	s5 =	smov.u32 @p3 s2;
	s2 =	sld [smem:$0x7B7]  }
0xfd: {  	p4 =	por p5, p2;
	[sflag:s0] =	ssyncset.done @!p0 $0x0  }
0xfe: {  	s9 =	sld [smem:$0x7B6];
	[sflag:s0] =	ssyncadd.s32 @!p0 $0xFFFF0600;
	s0 =	simm.s32 @!p4 $0x0  }
0xff: {  	[tilespmem:s0], [sflag:$0x1] =	stream.linear.gather @!p4 [hbm4b:s2+s0], $0xFA00, $0x38;
	[tilespmem:$0x1F400] =	vst v63  }
0x100: {  	s2 =	sld [smem:$0x7B3]  }
0x101: {  	s11 =	rddreg [dreg:$0x8]  }
0x102: {  	s7 =	sld [smem:$0x7B8]  }
0x103: {  	s9 =	smov.u32 @p3 s2;
	s2 =	rddreg [dreg:$0x5]  }
0x104: {  	s17 =	rddreg [dreg:$0xd];
	s11 =	smov.u32 @p3 s2;
	s2 =	simm.s32 @!p4 $0xFA00  }
0x105: {  	[tilespmem:s2], [sflag:$0x2] =	stream.linear.gather @!p4 [hbm4b:s7+s0], $0xFA00, $0x38;
	[tilespmem:$0x1F400] =	vst v63  }
0x106: {  	s2 =	rddreg [dreg:$0xc]  }
0x107: {  	s0 =	simm.s32 @!p4 $0x1;
	s7 =	rddreg [dreg:$0x9]  }
0x108: {  	s2 =	smov.u32 @p0 s7;
	s7 =	rddreg [dreg:$0xa];
	_ =	swait.ge @!p4 [sflag:s0], $0xFA00  }
0x109: {  	s17 =	smov.u32 @p0 s7;
	s7 =	sld [smem:$0x7BC]  }
0x10a: {  	s2 =	smov.u32 @p2 s4;
	s4 =	sld [smem:$0x7B9];
	_ =	sdelay $0x1  }
0x10b: {  	s12 =	rddreg [dreg:$0xe]  }
0x10c: {  	s7 =	smov.u32 @p0 s4;
	s4 =	rddreg [dreg:$0xb]  }
0x10d: {  	s12 =	smov.u32 @p0 s4  }
0x10e: {  	s12 =	smov.u32 @p2 s11;
	s11 =	sld [smem:$0x7FD];
	_ =	sdelay $0x1  }
0x10f: {  	[sflag:s0] =	ssyncset.done @!p4 $0x0;
	s17 =	smov.u32 @p2 s5  }
0x110: {  	[sflag:s0] =	ssyncadd.s32 @!p4 $0xFFFF0600;
	s7 =	smov.u32 @p2 s9;
	p3 =	seq.s32 s11, $0x1  }
.LBB2_16:
0x111: {  	[hbm4b:s2+s22] =	stream.linear.scatter [tilespmem:s22], [sflag:$0x3], $0xFA00, $0x38;
	[tilespmem:$0x1F400] =	vst v63  }
0x112: {  	_ =	swait.ge [sflag:s10], $0xFA00  }
0x113: {  	[sflag:s10] =	ssyncset.done $0x0  }
0x114: {  	[sflag:s10] =	ssyncadd.s32 $0xFFFF0600  }
0x115: {  	[hbm4b:s17+s22] =	stream.linear.scatter [tilespmem:s16], [sflag:$0x4], $0xFA00, $0x38;
	[tilespmem:$0x1F400] =	vst v63  }
0x116: {  	_ =	swait.ge [sflag:s14], $0xFA00  }
0x117: {  	[sflag:s14] =	ssyncset.done $0x0  }
0x118: {  	[sflag:s14] =	ssyncadd.s32 $0xFFFF0600  }
0x119: {  	[tilespmem:s22], [sflag:$0x1] =	stream.linear.gather [hbm4b:s7+s22], $0x7D00, $0x38;
	[tilespmem:$0x1F400] =	vst v63  }
0x11a: {  	_ =	swait.ge [sflag:s21], $0x7D00  }
0x11b: {  	[sflag:s21] =	ssyncset.done $0x0  }
0x11c: {  	s18 =	sadd.s32 $0xFFFFFFFF, s18;
	[sflag:s21] =	ssyncadd.s32 $0xFFFF8300  }
0x11d: {  	[hbm4b:s12+s22] =	stream.linear.scatter [tilespmem:s22], [sflag:$0x3], $0x7D00, $0x38;
	[tilespmem:$0x1F400] =	vst v63  }
0x11e: {  	p0 =	sne.s32 s18, $0x0;
	_ =	swait.ge [sflag:s29], $0xFA00  }
.Ltmp1:
0x11f: {  	[sflag:s29] =	ssyncset.done $0x0;
	(pc) =	sbr.rel @!p0 .LBB2_17-.Ltmp1, $4  }
0x120: {  	[sflag:s29] =	ssyncadd.s32 $0xFFFF0600  }
0x121: {  	_ =	swait.ge [sflag:s14], $0x7D00  }
0x122: {  	[sflag:s14] =	ssyncset.done $0x0  }
0x123: {  	[sflag:s14] =	ssyncadd.s32 $0xFFFF8300  }
.LBB2_1:
.Ltmp2:
0x124: {  	(pc) =	sbr.rel @p3 .LBB2_9-.Ltmp2, $1  }
0x125: {  	_ =	sdelay $0x3  }
0x126: {  	s0 =	sld [smem:$0x7AE];
	_ =	sdelay $0x2  }
0x127: {  	p0 =	seq.s32 s0, $0x1  }
.Ltmp3:
0x128: {  	_ = 	snop;
	(pc) =	sbr.rel @p0 .LBB2_6-.Ltmp3, $1  }
0x129: {  	_ =	sdelay $0x3  }
0x12a: {  	s0 =	sld [smem:$0x7AF];
	_ =	sdelay $0x2  }
0x12b: {  	p0 =	seq.s32 s0, $0x1  }
.Ltmp4:
0x12c: {  	_ = 	snop;
	(pc) =	sbr.rel @p0 .LBB2_5-.Ltmp4, $1  }
0x12d: {  	_ =	sdelay $0x3  }
0x12e: {  	s0 =	sld [smem:$0x785];
	_ =	sdelay $0x2  }
0x12f: {  	p0 =	seq.s32 s0, $0x1  }
0x130: {  	s0 =	simm.s32 @!p0 $0x0  }
0x131: {  	[tilespmem:s0], [sflag:$0x1] =	stream.linear.gather @!p0 [hbm4b:s23+s0], $0xFA00, $0x38;
	[tilespmem:$0x1F400] =	vst v63  }
0x132: {  	s2 =	simm.s32 @!p0 $0xFA00  }
0x133: {  	[tilespmem:s2], [sflag:$0x2] =	stream.linear.gather @!p0 [hbm4b:s8+s0], $0xFA00, $0x38;
	[tilespmem:$0x1F400] =	vst v63  }
0x134: {  	s0 =	simm.s32 @!p0 $0x1  }
0x135: {  	_ =	swait.ge @!p0 [sflag:s0], $0xFA00  }
0x136: {  	s11 =	sld [smem:$0x7A0];
	_ =	sdelay $0x1  }
0x137: {  	[sflag:s0] =	ssyncset.done @!p0 $0x0;
	s2 =	sld [smem:$0x7FB]  }
0x138: {  	[sflag:s0] =	ssyncadd.s32 @!p0 $0xFFFF0600;
	p0 =	seq.s32 s11, $0x1  }
0x139: {  	s4 =	sld [smem:$0x7FC];
	s0 =	simm.s32 @!p0 $0x0  }
0x13a: {  	[tilespmem:s0], [sflag:$0x1] =	stream.linear.gather @!p0 [hbm4b:s2+s0], $0xFA00, $0x38;
	[tilespmem:$0x1F400] =	vst v63  }
0x13b: {  	s2 =	simm.s32 @!p0 $0xFA00  }
0x13c: {  	[tilespmem:s2], [sflag:$0x2] =	stream.linear.gather @!p0 [hbm4b:s4+s0], $0xFA00, $0x38;
	[tilespmem:$0x1F400] =	vst v63  }
0x13d: {  	s0 =	simm.s32 @!p0 $0x1  }
0x13e: {  	_ =	swait.ge @!p0 [sflag:s0], $0xFA00  }
0x13f: {  	s12 =	sld [smem:$0x787];
	_ =	sdelay $0x1  }
0x140: {  	[sflag:s0] =	ssyncset.done @!p0 $0x0  }
0x141: {  	[sflag:s0] =	ssyncadd.s32 @!p0 $0xFFFF0600;
	p0 =	seq.s32 s12, $0x1  }
0x142: {  	s0 =	simm.s32 @!p0 $0x0  }
0x143: {  	[tilespmem:s0], [sflag:$0x1] =	stream.linear.gather @!p0 [hbm4b:s20+s0], $0xFA00, $0x38;
	[tilespmem:$0x1F400] =	vst v63  }
0x144: {  	s2 =	simm.s32 @!p0 $0xFA00  }
0x145: {  	[tilespmem:s2], [sflag:$0x2] =	stream.linear.gather @!p0 [hbm4b:s1+s0], $0xFA00, $0x38;
	[tilespmem:$0x1F400] =	vst v63  }
0x146: {  	s0 =	simm.s32 @!p0 $0x1  }
0x147: {  	_ =	swait.ge @!p0 [sflag:s0], $0xFA00  }
0x148: {  	s17 =	sld [smem:$0x7A2];
	_ =	sdelay $0x1  }
0x149: {  	[sflag:s0] =	ssyncset.done @!p0 $0x0  }
0x14a: {  	[sflag:s0] =	ssyncadd.s32 @!p0 $0xFFFF0600;
	p0 =	seq.s32 s17, $0x1  }
0x14b: {  	s0 =	simm.s32 @!p0 $0x0  }
0x14c: {  	[tilespmem:s0], [sflag:$0x1] =	stream.linear.gather @!p0 [hbm4b:s24+s0], $0xFA00, $0x38;
	[tilespmem:$0x1F400] =	vst v63  }
0x14d: {  	s2 =	simm.s32 @!p0 $0xFA00  }
0x14e: {  	[tilespmem:s2], [sflag:$0x2] =	stream.linear.gather @!p0 [hbm4b:s6+s0], $0xFA00, $0x38;
	[tilespmem:$0x1F400] =	vst v63  }
.Ltmp5:
0x14f: {  	_ = 	snop;
	(pc) =	sbr.rel .LBB2_16-.Ltmp5, $4  }
0x150: {  	s0 =	simm.s32 @!p0 $0x1  }
0x151: {  	_ =	swait.ge @!p0 [sflag:s0], $0xFA00  }
0x152: {  	s7 =	smov.u32 s26;
	[sflag:s0] =	ssyncset.done @!p0 $0x0;
	s17 =	sld [smem:$0x788]  }
0x153: {  	s2 =	smov.u32 s31;
	s12 =	sld [smem:$0x789];
	[sflag:s0] =	ssyncadd.s32 @!p0 $0xFFFF0600  }
.LBB2_9:
0x154: {  	p0 =	sgt.s32 s3, $0x17  }
.Ltmp6:
0x155: {  	_ = 	snop;
	(pc) =	sbr.rel @p0 .LBB2_13-.Ltmp6, $1  }
0x156: {  	_ =	sdelay $0x3  }
0x157: {  	p0 =	sgt.s32 s3, $0x13  }
.Ltmp7:
0x158: {  	_ = 	snop;
	(pc) =	sbr.rel @p0 .LBB2_12-.Ltmp7, $1  }
0x159: {  	_ =	sdelay $0x3  }
0x15a: {  	p2 =	sgt.s32 s3, $0x11  }
0x15b: {  	s2 =	sld [smem:$0x7D8];
	p0 =	seq.s32 @p2 s3, $0x12  }
0x15c: {  	p3 =	por !p0, !p2  }
0x15d: {  	s4 =	sld [smem:$0x7D9];
	s0 =	simm.s32 @!p3 $0x0  }
0x15e: {  	[tilespmem:s0], [sflag:$0x1] =	stream.linear.gather @!p3 [hbm4b:s2+s0], $0xFA00, $0x38;
	[tilespmem:$0x1F400] =	vst v63  }
0x15f: {  	s2 =	simm.s32 @!p3 $0xFA00  }
0x160: {  	[tilespmem:s2], [sflag:$0x2] =	stream.linear.gather @!p3 [hbm4b:s4+s0], $0xFA00, $0x38;
	[tilespmem:$0x1F400] =	vst v63  }
0x161: {  	s0 =	simm.s32 @!p3 $0x1  }
0x162: {  	_ =	swait.ge @!p3 [sflag:s0], $0xFA00  }
0x163: {  	s2 =	sld [smem:$0x7D5]  }
0x164: {  	p4 =	por p0, !p2;
	[sflag:s0] =	ssyncset.done @!p3 $0x0  }
0x165: {  	s4 =	sld [smem:$0x7D6];
	[sflag:s0] =	ssyncadd.s32 @!p3 $0xFFFF0600;
	s0 =	simm.s32 @!p4 $0x0  }
0x166: {  	[tilespmem:s0], [sflag:$0x1] =	stream.linear.gather @!p4 [hbm4b:s2+s0], $0xFA00, $0x38;
	[tilespmem:$0x1F400] =	vst v63  }
0x167: {  	s2 =	simm.s32 @!p4 $0xFA00  }
0x168: {  	[tilespmem:s2], [sflag:$0x2] =	stream.linear.gather @!p4 [hbm4b:s4+s0], $0xFA00, $0x38;
	[tilespmem:$0x1F400] =	vst v63  }
0x169: {  	s0 =	simm.s32 @!p4 $0x1  }
0x16a: {  	_ =	swait.ge @!p4 [sflag:s0], $0xFA00  }
0x16b: {  	p5 =	seq.s32 @!p2 s3, $0x10;
	s2 =	sld [smem:$0x7DE]  }
0x16c: {  	p0 =	por !p5, p2;
	[sflag:s0] =	ssyncset.done @!p4 $0x0  }
0x16d: {  	s4 =	sld [smem:$0x7DF];
	[sflag:s0] =	ssyncadd.s32 @!p4 $0xFFFF0600;
	s0 =	simm.s32 @!p0 $0x0  }
0x16e: {  	[tilespmem:s0], [sflag:$0x1] =	stream.linear.gather @!p0 [hbm4b:s2+s0], $0xFA00, $0x38;
	[tilespmem:$0x1F400] =	vst v63  }
0x16f: {  	s2 =	simm.s32 @!p0 $0xFA00  }
0x170: {  	[tilespmem:s2], [sflag:$0x2] =	stream.linear.gather @!p0 [hbm4b:s4+s0], $0xFA00, $0x38;
	[tilespmem:$0x1F400] =	vst v63  }
0x171: {  	s0 =	simm.s32 @!p0 $0x1  }
0x172: {  	s4 =	sld [smem:$0x775];
	_ =	swait.ge @!p0 [sflag:s0], $0xFA00  }
0x173: {  	s2 =	sld [smem:$0x772];
	_ =	sdelay $0x1  }
0x174: {  	s5 =	sld [smem:$0x776]  }
0x175: {  	s4 =	smov.u32 @p3 s2;
	s2 =	sld [smem:$0x773];
	_ =	sdelay $0x2  }
0x176: {  	s5 =	smov.u32 @p3 s2;
	s2 =	sld [smem:$0x7DB]  }
0x177: {  	p4 =	por p5, p2;
	[sflag:s0] =	ssyncset.done @!p0 $0x0  }
0x178: {  	s9 =	sld [smem:$0x7DA];
	[sflag:s0] =	ssyncadd.s32 @!p0 $0xFFFF0600;
	s0 =	simm.s32 @!p4 $0x0  }
0x179: {  	[tilespmem:s0], [sflag:$0x1] =	stream.linear.gather @!p4 [hbm4b:s2+s0], $0xFA00, $0x38;
	[tilespmem:$0x1F400] =	vst v63  }
0x17a: {  	s2 =	sld [smem:$0x7D7];
	_ =	sdelay $0x1  }
0x17b: {  	s11 =	sld [smem:$0x777]  }
0x17c: {  	s9 =	smov.u32 @p3 s2;
	s2 =	sld [smem:$0x774]  }
0x17d: {  	s7 =	sld [smem:$0x7DC];
	_ =	sdelay $0x1  }
0x17e: {  	s11 =	smov.u32 @p3 s2;
	s2 =	simm.s32 @!p4 $0xFA00  }
0x17f: {  	[tilespmem:s2], [sflag:$0x2] =	stream.linear.gather @!p4 [hbm4b:s7+s0], $0xFA00, $0x38;
	[tilespmem:$0x1F400] =	vst v63  }
0x180: {  	s2 =	sld [smem:$0x77B]  }
0x181: {  	s7 =	sld [smem:$0x778];
	_ =	sdelay $0x1  }
0x182: {  	s17 =	sld [smem:$0x77C]  }
0x183: {  	s0 =	simm.s32 @!p4 $0x1;
	s2 =	smov.u32 @p0 s7;
	s7 =	sld [smem:$0x779]  }
0x184: {  	_ =	swait.ge @!p4 [sflag:s0], $0xFA00  }
0x185: {  	s2 =	smov.u32 @p2 s4;
	s4 =	sld [smem:$0x7DD]  }
0x186: {  	s17 =	smov.u32 @p0 s7;
	s7 =	sld [smem:$0x7E0];
	_ =	sdelay $0x1  }
0x187: {  	s12 =	sld [smem:$0x77D]  }
0x188: {  	s7 =	smov.u32 @p0 s4;
	s4 =	sld [smem:$0x77A];
	_ =	sdelay $0x2  }
.Ltmp8:
0x189: {  	s12 =	smov.u32 @p0 s4;
	(pc) =	sbr.rel .LBB2_16-.Ltmp8, $4  }
0x18a: {  	s12 =	smov.u32 @p2 s11;
	s11 =	sld [smem:$0x7FD]  }
0x18b: {  	[sflag:s0] =	ssyncset.done @!p4 $0x0  }
0x18c: {  	[sflag:s0] =	ssyncadd.s32 @!p4 $0xFFFF0600  }
0x18d: {  	s17 =	smov.u32 @p2 s5;
	s7 =	smov.u32 @p2 s9;
	p3 =	seq.s32 s11, $0x1  }
.LBB2_6:
0x18e: {  	s0 =	sld [smem:$0x7B0];
	_ =	sdelay $0x2  }
0x18f: {  	p0 =	seq.s32 s0, $0x1  }
.Ltmp9:
0x190: {  	_ = 	snop;
	(pc) =	sbr.rel @p0 .LBB2_8-.Ltmp9, $1  }
0x191: {  	_ =	sdelay $0x3  }
0x192: {  	s0 =	sld [smem:$0x793];
	_ =	sdelay $0x1  }
0x193: {  	s2 =	sld [smem:$0x7ED]  }
0x194: {  	p0 =	seq.s32 s0, $0x1  }
0x195: {  	s4 =	sld [smem:$0x7EE];
	s0 =	simm.s32 @!p0 $0x0  }
0x196: {  	[tilespmem:s0], [sflag:$0x1] =	stream.linear.gather @!p0 [hbm4b:s2+s0], $0xFA00, $0x38;
	[tilespmem:$0x1F400] =	vst v63  }
0x197: {  	s2 =	simm.s32 @!p0 $0xFA00  }
0x198: {  	[tilespmem:s2], [sflag:$0x2] =	stream.linear.gather @!p0 [hbm4b:s4+s0], $0xFA00, $0x38;
	[tilespmem:$0x1F400] =	vst v63  }
0x199: {  	s0 =	simm.s32 @!p0 $0x1  }
0x19a: {  	_ =	swait.ge @!p0 [sflag:s0], $0xFA00  }
0x19b: {  	s11 =	sld [smem:$0x7A8];
	_ =	sdelay $0x1  }
0x19c: {  	[sflag:s0] =	ssyncset.done @!p0 $0x0;
	s2 =	sld [smem:$0x7EB]  }
0x19d: {  	[sflag:s0] =	ssyncadd.s32 @!p0 $0xFFFF0600;
	p0 =	seq.s32 s11, $0x1  }
0x19e: {  	s4 =	sld [smem:$0x7EC];
	s0 =	simm.s32 @!p0 $0x0  }
0x19f: {  	[tilespmem:s0], [sflag:$0x1] =	stream.linear.gather @!p0 [hbm4b:s2+s0], $0xFA00, $0x38;
	[tilespmem:$0x1F400] =	vst v63  }
0x1a0: {  	s2 =	simm.s32 @!p0 $0xFA00  }
0x1a1: {  	[tilespmem:s2], [sflag:$0x2] =	stream.linear.gather @!p0 [hbm4b:s4+s0], $0xFA00, $0x38;
	[tilespmem:$0x1F400] =	vst v63  }
0x1a2: {  	s0 =	simm.s32 @!p0 $0x1  }
0x1a3: {  	_ =	swait.ge @!p0 [sflag:s0], $0xFA00  }
0x1a4: {  	s12 =	sld [smem:$0x797];
	_ =	sdelay $0x1  }
0x1a5: {  	[sflag:s0] =	ssyncset.done @!p0 $0x0;
	s2 =	sld [smem:$0x7F1]  }
0x1a6: {  	[sflag:s0] =	ssyncadd.s32 @!p0 $0xFFFF0600;
	p0 =	seq.s32 s12, $0x1  }
0x1a7: {  	s4 =	sld [smem:$0x7F2];
	s0 =	simm.s32 @!p0 $0x0  }
0x1a8: {  	[tilespmem:s0], [sflag:$0x1] =	stream.linear.gather @!p0 [hbm4b:s2+s0], $0xFA00, $0x38;
	[tilespmem:$0x1F400] =	vst v63  }
0x1a9: {  	s2 =	simm.s32 @!p0 $0xFA00  }
0x1aa: {  	[tilespmem:s2], [sflag:$0x2] =	stream.linear.gather @!p0 [hbm4b:s4+s0], $0xFA00, $0x38;
	[tilespmem:$0x1F400] =	vst v63  }
0x1ab: {  	s0 =	simm.s32 @!p0 $0x1  }
0x1ac: {  	_ =	swait.ge @!p0 [sflag:s0], $0xFA00  }
0x1ad: {  	s17 =	sld [smem:$0x7AA];
	_ =	sdelay $0x1  }
0x1ae: {  	[sflag:s0] =	ssyncset.done @!p0 $0x0;
	s2 =	sld [smem:$0x7EF]  }
0x1af: {  	[sflag:s0] =	ssyncadd.s32 @!p0 $0xFFFF0600;
	p0 =	seq.s32 s17, $0x1  }
0x1b0: {  	s4 =	sld [smem:$0x7F0];
	s0 =	simm.s32 @!p0 $0x0  }
0x1b1: {  	[tilespmem:s0], [sflag:$0x1] =	stream.linear.gather @!p0 [hbm4b:s2+s0], $0xFA00, $0x38;
	[tilespmem:$0x1F400] =	vst v63  }
0x1b2: {  	s2 =	simm.s32 @!p0 $0xFA00  }
0x1b3: {  	[tilespmem:s2], [sflag:$0x2] =	stream.linear.gather @!p0 [hbm4b:s4+s0], $0xFA00, $0x38;
	[tilespmem:$0x1F400] =	vst v63  }
.Ltmp10:
0x1b4: {  	s0 =	simm.s32 @!p0 $0x1;
	(pc) =	sbr.rel .LBB2_16-.Ltmp10, $4  }
0x1b5: {  	_ =	swait.ge @!p0 [sflag:s0], $0xFA00  }
0x1b6: {  	s2 =	sld [smem:$0x799]  }
0x1b7: {  	[sflag:s0] =	ssyncset.done @!p0 $0x0;
	s17 =	sld [smem:$0x79A]  }
0x1b8: {  	s7 =	smov.u32 s15;
	s12 =	sld [smem:$0x79B];
	[sflag:s0] =	ssyncadd.s32 @!p0 $0xFFFF0600  }
.LBB2_13:
0x1b9: {  	p0 =	sgt.s32 s3, $0x1B  }
.Ltmp11:
0x1ba: {  	_ = 	snop;
	(pc) =	sbr.rel @p0 .LBB2_15-.Ltmp11, $1  }
0x1bb: {  	_ =	sdelay $0x3  }
0x1bc: {  	p2 =	sgt.s32 s3, $0x19  }
0x1bd: {  	s2 =	sld [smem:$0x7C0];
	p0 =	seq.s32 @p2 s3, $0x1A  }
0x1be: {  	p3 =	por !p0, !p2  }
0x1bf: {  	s4 =	sld [smem:$0x7C1];
	s0 =	simm.s32 @!p3 $0x0  }
0x1c0: {  	[tilespmem:s0], [sflag:$0x1] =	stream.linear.gather @!p3 [hbm4b:s2+s0], $0xFA00, $0x38;
	[tilespmem:$0x1F400] =	vst v63  }
0x1c1: {  	s2 =	simm.s32 @!p3 $0xFA00  }
0x1c2: {  	[tilespmem:s2], [sflag:$0x2] =	stream.linear.gather @!p3 [hbm4b:s4+s0], $0xFA00, $0x38;
	[tilespmem:$0x1F400] =	vst v63  }
0x1c3: {  	s0 =	simm.s32 @!p3 $0x1  }
0x1c4: {  	_ =	swait.ge @!p3 [sflag:s0], $0xFA00  }
0x1c5: {  	s2 =	sld [smem:$0x7BD]  }
0x1c6: {  	p4 =	por p0, !p2;
	[sflag:s0] =	ssyncset.done @!p3 $0x0  }
0x1c7: {  	s4 =	sld [smem:$0x7BE];
	[sflag:s0] =	ssyncadd.s32 @!p3 $0xFFFF0600;
	s0 =	simm.s32 @!p4 $0x0  }
0x1c8: {  	[tilespmem:s0], [sflag:$0x1] =	stream.linear.gather @!p4 [hbm4b:s2+s0], $0xFA00, $0x38;
	[tilespmem:$0x1F400] =	vst v63  }
0x1c9: {  	s2 =	simm.s32 @!p4 $0xFA00  }
0x1ca: {  	[tilespmem:s2], [sflag:$0x2] =	stream.linear.gather @!p4 [hbm4b:s4+s0], $0xFA00, $0x38;
	[tilespmem:$0x1F400] =	vst v63  }
0x1cb: {  	s0 =	simm.s32 @!p4 $0x1  }
0x1cc: {  	_ =	swait.ge @!p4 [sflag:s0], $0xFA00  }
0x1cd: {  	p5 =	seq.s32 @!p2 s3, $0x18;
	s2 =	sld [smem:$0x7C6]  }
0x1ce: {  	p0 =	por !p5, p2;
	[sflag:s0] =	ssyncset.done @!p4 $0x0  }
0x1cf: {  	s4 =	sld [smem:$0x7C7];
	[sflag:s0] =	ssyncadd.s32 @!p4 $0xFFFF0600;
	s0 =	simm.s32 @!p0 $0x0  }
0x1d0: {  	[tilespmem:s0], [sflag:$0x1] =	stream.linear.gather @!p0 [hbm4b:s2+s0], $0xFA00, $0x38;
	[tilespmem:$0x1F400] =	vst v63  }
0x1d1: {  	s2 =	simm.s32 @!p0 $0xFA00  }
0x1d2: {  	[tilespmem:s2], [sflag:$0x2] =	stream.linear.gather @!p0 [hbm4b:s4+s0], $0xFA00, $0x38;
	[tilespmem:$0x1F400] =	vst v63  }
0x1d3: {  	s0 =	simm.s32 @!p0 $0x1  }
0x1d4: {  	s4 =	rddreg [dreg:$0x12];
	_ =	swait.ge @!p0 [sflag:s0], $0xFA00  }
0x1d5: {  	s2 =	rddreg [dreg:$0xf]  }
0x1d6: {  	s5 =	rddreg [dreg:$0x13]  }
0x1d7: {  	s4 =	smov.u32 @p3 s2;
	s2 =	rddreg [dreg:$0x10]  }
0x1d8: {  	s5 =	smov.u32 @p3 s2;
	s2 =	sld [smem:$0x7C3]  }
0x1d9: {  	p4 =	por p5, p2;
	[sflag:s0] =	ssyncset.done @!p0 $0x0  }
0x1da: {  	s9 =	sld [smem:$0x7C2];
	[sflag:s0] =	ssyncadd.s32 @!p0 $0xFFFF0600;
	s0 =	simm.s32 @!p4 $0x0  }
0x1db: {  	[tilespmem:s0], [sflag:$0x1] =	stream.linear.gather @!p4 [hbm4b:s2+s0], $0xFA00, $0x38;
	[tilespmem:$0x1F400] =	vst v63  }
0x1dc: {  	s2 =	sld [smem:$0x7BF]  }
0x1dd: {  	s11 =	rddreg [dreg:$0x14]  }
0x1de: {  	s7 =	sld [smem:$0x7C4]  }
0x1df: {  	s9 =	smov.u32 @p3 s2;
	s2 =	rddreg [dreg:$0x11]  }
0x1e0: {  	s17 =	rddreg [dreg:$0x19];
	s11 =	smov.u32 @p3 s2;
	s2 =	simm.s32 @!p4 $0xFA00  }
0x1e1: {  	[tilespmem:s2], [sflag:$0x2] =	stream.linear.gather @!p4 [hbm4b:s7+s0], $0xFA00, $0x38;
	[tilespmem:$0x1F400] =	vst v63  }
0x1e2: {  	s2 =	rddreg [dreg:$0x18]  }
0x1e3: {  	s0 =	simm.s32 @!p4 $0x1;
	s7 =	rddreg [dreg:$0x15]  }
0x1e4: {  	s2 =	smov.u32 @p0 s7;
	s7 =	rddreg [dreg:$0x16];
	_ =	swait.ge @!p4 [sflag:s0], $0xFA00  }
0x1e5: {  	s17 =	smov.u32 @p0 s7;
	s7 =	sld [smem:$0x7C8]  }
0x1e6: {  	s2 =	smov.u32 @p2 s4;
	s4 =	sld [smem:$0x7C5];
	_ =	sdelay $0x1  }
0x1e7: {  	s12 =	rddreg [dreg:$0x1a]  }
0x1e8: {  	s7 =	smov.u32 @p0 s4;
	s4 =	rddreg [dreg:$0x17]  }
.Ltmp12:
0x1e9: {  	s12 =	smov.u32 @p0 s4;
	(pc) =	sbr.rel .LBB2_16-.Ltmp12, $3  }
0x1ea: {  	s12 =	smov.u32 @p2 s11;
	s11 =	sld [smem:$0x7FD];
	_ =	sdelay $0x1  }
0x1eb: {  	[sflag:s0] =	ssyncset.done @!p4 $0x0;
	s17 =	smov.u32 @p2 s5  }
0x1ec: {  	[sflag:s0] =	ssyncadd.s32 @!p4 $0xFFFF0600;
	s7 =	smov.u32 @p2 s9;
	p3 =	seq.s32 s11, $0x1  }
.LBB2_5:
0x1ed: {  	s0 =	sld [smem:$0x78B];
	_ =	sdelay $0x1  }
0x1ee: {  	s2 =	sld [smem:$0x7F5]  }
0x1ef: {  	p0 =	seq.s32 s0, $0x1  }
0x1f0: {  	s4 =	sld [smem:$0x7F6];
	s0 =	simm.s32 @!p0 $0x0  }
0x1f1: {  	[tilespmem:s0], [sflag:$0x1] =	stream.linear.gather @!p0 [hbm4b:s2+s0], $0xFA00, $0x38;
	[tilespmem:$0x1F400] =	vst v63  }
0x1f2: {  	s2 =	simm.s32 @!p0 $0xFA00  }
0x1f3: {  	[tilespmem:s2], [sflag:$0x2] =	stream.linear.gather @!p0 [hbm4b:s4+s0], $0xFA00, $0x38;
	[tilespmem:$0x1F400] =	vst v63  }
0x1f4: {  	s0 =	simm.s32 @!p0 $0x1  }
0x1f5: {  	_ =	swait.ge @!p0 [sflag:s0], $0xFA00  }
0x1f6: {  	s11 =	sld [smem:$0x7A4];
	_ =	sdelay $0x1  }
0x1f7: {  	[sflag:s0] =	ssyncset.done @!p0 $0x0;
	s2 =	sld [smem:$0x7F3]  }
0x1f8: {  	[sflag:s0] =	ssyncadd.s32 @!p0 $0xFFFF0600;
	p0 =	seq.s32 s11, $0x1  }
0x1f9: {  	s4 =	sld [smem:$0x7F4];
	s0 =	simm.s32 @!p0 $0x0  }
0x1fa: {  	[tilespmem:s0], [sflag:$0x1] =	stream.linear.gather @!p0 [hbm4b:s2+s0], $0xFA00, $0x38;
	[tilespmem:$0x1F400] =	vst v63  }
0x1fb: {  	s2 =	simm.s32 @!p0 $0xFA00  }
0x1fc: {  	[tilespmem:s2], [sflag:$0x2] =	stream.linear.gather @!p0 [hbm4b:s4+s0], $0xFA00, $0x38;
	[tilespmem:$0x1F400] =	vst v63  }
0x1fd: {  	s0 =	simm.s32 @!p0 $0x1  }
0x1fe: {  	_ =	swait.ge @!p0 [sflag:s0], $0xFA00  }
0x1ff: {  	s12 =	sld [smem:$0x78D];
	_ =	sdelay $0x1  }
0x200: {  	[sflag:s0] =	ssyncset.done @!p0 $0x0;
	s2 =	sld [smem:$0x7F9]  }
0x201: {  	[sflag:s0] =	ssyncadd.s32 @!p0 $0xFFFF0600;
	p0 =	seq.s32 s12, $0x1  }
0x202: {  	s4 =	sld [smem:$0x7FA];
	s0 =	simm.s32 @!p0 $0x0  }
0x203: {  	[tilespmem:s0], [sflag:$0x1] =	stream.linear.gather @!p0 [hbm4b:s2+s0], $0xFA00, $0x38;
	[tilespmem:$0x1F400] =	vst v63  }
0x204: {  	s2 =	simm.s32 @!p0 $0xFA00  }
0x205: {  	[tilespmem:s2], [sflag:$0x2] =	stream.linear.gather @!p0 [hbm4b:s4+s0], $0xFA00, $0x38;
	[tilespmem:$0x1F400] =	vst v63  }
0x206: {  	s0 =	simm.s32 @!p0 $0x1  }
0x207: {  	_ =	swait.ge @!p0 [sflag:s0], $0xFA00  }
0x208: {  	s17 =	sld [smem:$0x7A6];
	_ =	sdelay $0x1  }
0x209: {  	[sflag:s0] =	ssyncset.done @!p0 $0x0;
	s2 =	sld [smem:$0x7F7]  }
0x20a: {  	[sflag:s0] =	ssyncadd.s32 @!p0 $0xFFFF0600;
	p0 =	seq.s32 s17, $0x1  }
0x20b: {  	s4 =	sld [smem:$0x7F8];
	s0 =	simm.s32 @!p0 $0x0  }
0x20c: {  	[tilespmem:s0], [sflag:$0x1] =	stream.linear.gather @!p0 [hbm4b:s2+s0], $0xFA00, $0x38;
	[tilespmem:$0x1F400] =	vst v63  }
0x20d: {  	s2 =	simm.s32 @!p0 $0xFA00  }
0x20e: {  	[tilespmem:s2], [sflag:$0x2] =	stream.linear.gather @!p0 [hbm4b:s4+s0], $0xFA00, $0x38;
	[tilespmem:$0x1F400] =	vst v63  }
.Ltmp13:
0x20f: {  	s0 =	simm.s32 @!p0 $0x1;
	(pc) =	sbr.rel .LBB2_16-.Ltmp13, $4  }
0x210: {  	_ =	swait.ge @!p0 [sflag:s0], $0xFA00  }
0x211: {  	s2 =	sld [smem:$0x78E]  }
0x212: {  	[sflag:s0] =	ssyncset.done @!p0 $0x0;
	s17 =	sld [smem:$0x78F]  }
0x213: {  	s7 =	smov.u32 s25;
	s12 =	sld [smem:$0x790];
	[sflag:s0] =	ssyncadd.s32 @!p0 $0xFFFF0600  }
.LBB2_12:
0x214: {  	p2 =	sgt.s32 s3, $0x15  }
0x215: {  	s2 =	sld [smem:$0x7CC];
	p0 =	seq.s32 @p2 s3, $0x16  }
0x216: {  	p3 =	por !p0, !p2  }
0x217: {  	s4 =	sld [smem:$0x7CD];
	s0 =	simm.s32 @!p3 $0x0  }
0x218: {  	[tilespmem:s0], [sflag:$0x1] =	stream.linear.gather @!p3 [hbm4b:s2+s0], $0xFA00, $0x38;
	[tilespmem:$0x1F400] =	vst v63  }
0x219: {  	s2 =	simm.s32 @!p3 $0xFA00  }
0x21a: {  	[tilespmem:s2], [sflag:$0x2] =	stream.linear.gather @!p3 [hbm4b:s4+s0], $0xFA00, $0x38;
	[tilespmem:$0x1F400] =	vst v63  }
0x21b: {  	s0 =	simm.s32 @!p3 $0x1  }
0x21c: {  	_ =	swait.ge @!p3 [sflag:s0], $0xFA00  }
0x21d: {  	s2 =	sld [smem:$0x7C9]  }
0x21e: {  	p4 =	por p0, !p2;
	[sflag:s0] =	ssyncset.done @!p3 $0x0  }
0x21f: {  	s4 =	sld [smem:$0x7CA];
	[sflag:s0] =	ssyncadd.s32 @!p3 $0xFFFF0600;
	s0 =	simm.s32 @!p4 $0x0  }
0x220: {  	[tilespmem:s0], [sflag:$0x1] =	stream.linear.gather @!p4 [hbm4b:s2+s0], $0xFA00, $0x38;
	[tilespmem:$0x1F400] =	vst v63  }
0x221: {  	s2 =	simm.s32 @!p4 $0xFA00  }
0x222: {  	[tilespmem:s2], [sflag:$0x2] =	stream.linear.gather @!p4 [hbm4b:s4+s0], $0xFA00, $0x38;
	[tilespmem:$0x1F400] =	vst v63  }
0x223: {  	s0 =	simm.s32 @!p4 $0x1  }
0x224: {  	_ =	swait.ge @!p4 [sflag:s0], $0xFA00  }
0x225: {  	p5 =	seq.s32 @!p2 s3, $0x14;
	s2 =	sld [smem:$0x7D2]  }
0x226: {  	p0 =	por !p5, p2;
	[sflag:s0] =	ssyncset.done @!p4 $0x0  }
0x227: {  	s4 =	sld [smem:$0x7D3];
	[sflag:s0] =	ssyncadd.s32 @!p4 $0xFFFF0600;
	s0 =	simm.s32 @!p0 $0x0  }
0x228: {  	[tilespmem:s0], [sflag:$0x1] =	stream.linear.gather @!p0 [hbm4b:s2+s0], $0xFA00, $0x38;
	[tilespmem:$0x1F400] =	vst v63  }
0x229: {  	s2 =	simm.s32 @!p0 $0xFA00  }
0x22a: {  	[tilespmem:s2], [sflag:$0x2] =	stream.linear.gather @!p0 [hbm4b:s4+s0], $0xFA00, $0x38;
	[tilespmem:$0x1F400] =	vst v63  }
0x22b: {  	s0 =	simm.s32 @!p0 $0x1  }
0x22c: {  	s4 =	rddreg [dreg:$0x1e];
	_ =	swait.ge @!p0 [sflag:s0], $0xFA00  }
0x22d: {  	s2 =	rddreg [dreg:$0x1b]  }
0x22e: {  	s5 =	rddreg [dreg:$0x1f]  }
0x22f: {  	s4 =	smov.u32 @p3 s2;
	s2 =	rddreg [dreg:$0x1c]  }
0x230: {  	s5 =	smov.u32 @p3 s2;
	s2 =	sld [smem:$0x7CF]  }
0x231: {  	p4 =	por p5, p2;
	[sflag:s0] =	ssyncset.done @!p0 $0x0  }
0x232: {  	s9 =	sld [smem:$0x7CE];
	[sflag:s0] =	ssyncadd.s32 @!p0 $0xFFFF0600;
	s0 =	simm.s32 @!p4 $0x0  }
0x233: {  	[tilespmem:s0], [sflag:$0x1] =	stream.linear.gather @!p4 [hbm4b:s2+s0], $0xFA00, $0x38;
	[tilespmem:$0x1F400] =	vst v63  }
0x234: {  	s2 =	sld [smem:$0x7CB]  }
0x235: {  	s11 =	sld [smem:$0x76B]  }
0x236: {  	s7 =	sld [smem:$0x7D0]  }
0x237: {  	s9 =	smov.u32 @p3 s2;
	s2 =	rddreg [dreg:$0x1d]  }
0x238: {  	s11 =	smov.u32 @p3 s2;
	s2 =	simm.s32 @!p4 $0xFA00  }
0x239: {  	[tilespmem:s2], [sflag:$0x2] =	stream.linear.gather @!p4 [hbm4b:s7+s0], $0xFA00, $0x38;
	[tilespmem:$0x1F400] =	vst v63  }
0x23a: {  	s2 =	sld [smem:$0x76F]  }
0x23b: {  	s7 =	sld [smem:$0x76C];
	_ =	sdelay $0x1  }
0x23c: {  	s17 =	sld [smem:$0x770]  }
0x23d: {  	s0 =	simm.s32 @!p4 $0x1;
	s2 =	smov.u32 @p0 s7;
	s7 =	sld [smem:$0x76D]  }
0x23e: {  	_ =	swait.ge @!p4 [sflag:s0], $0xFA00  }
0x23f: {  	s2 =	smov.u32 @p2 s4;
	s4 =	sld [smem:$0x7D1]  }
0x240: {  	s17 =	smov.u32 @p0 s7;
	s7 =	sld [smem:$0x7D4];
	_ =	sdelay $0x1  }
0x241: {  	s12 =	sld [smem:$0x771]  }
0x242: {  	s7 =	smov.u32 @p0 s4;
	s4 =	sld [smem:$0x76E];
	_ =	sdelay $0x2  }
.Ltmp14:
0x243: {  	s12 =	smov.u32 @p0 s4;
	(pc) =	sbr.rel .LBB2_16-.Ltmp14, $4  }
0x244: {  	s12 =	smov.u32 @p2 s11;
	s11 =	sld [smem:$0x7FD]  }
0x245: {  	[sflag:s0] =	ssyncset.done @!p4 $0x0  }
0x246: {  	[sflag:s0] =	ssyncadd.s32 @!p4 $0xFFFF0600  }
0x247: {  	s17 =	smov.u32 @p2 s5;
	s7 =	smov.u32 @p2 s9;
	p3 =	seq.s32 s11, $0x1  }
.LBB2_8:
0x248: {  	s2 =	sld [smem:$0x7E3];
	_ =	sdelay $0x1  }
0x249: {  	s0 =	simm.s32 @!p6 $0x0;
	s4 =	sld [smem:$0x7E4]  }
0x24a: {  	[tilespmem:s0], [sflag:$0x1] =	stream.linear.gather @!p6 [hbm4b:s2+s0], $0xFA00, $0x38;
	[tilespmem:$0x1F400] =	vst v63  }
0x24b: {  	s2 =	simm.s32 @!p6 $0xFA00  }
0x24c: {  	[tilespmem:s2], [sflag:$0x2] =	stream.linear.gather @!p6 [hbm4b:s4+s0], $0xFA00, $0x38;
	[tilespmem:$0x1F400] =	vst v63  }
0x24d: {  	s0 =	simm.s32 @!p6 $0x1  }
0x24e: {  	_ =	swait.ge @!p6 [sflag:s0], $0xFA00  }
0x24f: {  	s7 =	sld [smem:$0x7AB];
	_ =	sdelay $0x1  }
0x250: {  	s2 =	sld [smem:$0x7E1]  }
0x251: {  	[sflag:s0] =	ssyncset.done @!p6 $0x0;
	p0 =	seq.s32 s7, $0x1  }
0x252: {  	s4 =	sld [smem:$0x7E2];
	[sflag:s0] =	ssyncadd.s32 @!p6 $0xFFFF0600;
	s0 =	simm.s32 @!p0 $0x0  }
0x253: {  	[tilespmem:s0], [sflag:$0x1] =	stream.linear.gather @!p0 [hbm4b:s2+s0], $0xFA00, $0x38;
	[tilespmem:$0x1F400] =	vst v63  }
0x254: {  	s2 =	simm.s32 @!p0 $0xFA00  }
0x255: {  	[tilespmem:s2], [sflag:$0x2] =	stream.linear.gather @!p0 [hbm4b:s4+s0], $0xFA00, $0x38;
	[tilespmem:$0x1F400] =	vst v63  }
0x256: {  	s0 =	simm.s32 @!p0 $0x1  }
0x257: {  	_ =	swait.ge @!p0 [sflag:s0], $0xFA00  }
0x258: {  	s2 =	sld [smem:$0x7E8]  }
0x259: {  	[sflag:s0] =	ssyncset.done @!p0 $0x0  }
0x25a: {  	s4 =	sld [smem:$0x7E9];
	[sflag:s0] =	ssyncadd.s32 @!p0 $0xFFFF0600;
	s0 =	simm.s32 @!p1 $0x0  }
0x25b: {  	[tilespmem:s0], [sflag:$0x1] =	stream.linear.gather @!p1 [hbm4b:s2+s0], $0xFA00, $0x38;
	[tilespmem:$0x1F400] =	vst v63  }
0x25c: {  	s2 =	simm.s32 @!p1 $0xFA00  }
0x25d: {  	[tilespmem:s2], [sflag:$0x2] =	stream.linear.gather @!p1 [hbm4b:s4+s0], $0xFA00, $0x38;
	[tilespmem:$0x1F400] =	vst v63  }
0x25e: {  	s0 =	simm.s32 @!p1 $0x1  }
0x25f: {  	_ =	swait.ge @!p1 [sflag:s0], $0xFA00  }
0x260: {  	s9 =	sld [smem:$0x7AD];
	_ =	sdelay $0x1  }
0x261: {  	s2 =	sld [smem:$0x7E5]  }
0x262: {  	[sflag:s0] =	ssyncset.done @!p1 $0x0;
	p2 =	seq.s32 s9, $0x1  }
0x263: {  	s4 =	sld [smem:$0x7E6];
	[sflag:s0] =	ssyncadd.s32 @!p1 $0xFFFF0600;
	s0 =	simm.s32 @!p2 $0x0  }
0x264: {  	[tilespmem:s0], [sflag:$0x1] =	stream.linear.gather @!p2 [hbm4b:s2+s0], $0xFA00, $0x38;
	[tilespmem:$0x1F400] =	vst v63  }
0x265: {  	s2 =	simm.s32 @!p2 $0xFA00  }
0x266: {  	[tilespmem:s2], [sflag:$0x2] =	stream.linear.gather @!p2 [hbm4b:s4+s0], $0xFA00, $0x38;
	[tilespmem:$0x1F400] =	vst v63  }
0x267: {  	s2 =	sld [smem:$0x781]  }
0x268: {  	s4 =	sld [smem:$0x77E];
	_ =	sdelay $0x1  }
0x269: {  	s17 =	sld [smem:$0x782]  }
0x26a: {  	s2 =	smov.u32 @p1 s4;
	s4 =	sld [smem:$0x77F]  }
0x26b: {  	s7 =	sld [smem:$0x7EA];
	s0 =	simm.s32 @!p2 $0x1  }
0x26c: {  	s12 =	sld [smem:$0x783];
	_ =	swait.ge @!p2 [sflag:s0], $0xFA00  }
0x26d: {  	s17 =	smov.u32 @p1 s4;
	s4 =	sld [smem:$0x7E7];
	_ =	sdelay $0x1  }
0x26e: {  	s11 =	sld [smem:$0x7AC]  }
.Ltmp15:
0x26f: {  	s7 =	smov.u32 @p1 s4;
	s4 =	sld [smem:$0x780];
	(pc) =	sbr.rel .LBB2_16-.Ltmp15, $4  }
0x270: {  	_ = 	snop  }
0x271: {  	[sflag:s0] =	ssyncset.done @!p2 $0x0;
	p0 =	seq.s32 s11, $0x1  }
0x272: {  	[sflag:s0] =	ssyncadd.s32 @!p2 $0xFFFF0600;
	s2 =	smov.u32 @p0 s13;
	s12 =	smov.u32 @p1 s4  }
0x273: {  	s17 =	smov.u32 @p0 s28;
	s7 =	smov.u32 @p0 s19;
	s12 =	smov.u32 @p0 s30  }
.LBB2_17:
0x274: {  	_ =	sfence.sel $0x180000  }
0x275: {  	[bflag:$0x0] =	sbarrier.arrive $0xFFFF  }
0x276: {  	_ =	strace $0x90000047  }
0x277: {  	s0 =	stileid.u32;
	[bflag:$0x2] =	sbarrier.arrive $0xFFFF  }
0x278: {  	p0 =	sne.s32 s0, $0x0;
	s0 =	rddreg [dreg:$0x2]  }
0x279: {  	s0 =	sadd.s32 @!p0 $0x100000, s0  }
0x27a: {  	[sflag:s0] =	ssyncadd.tile.s32 @!p0 $0x1;
	_ =	shalt  }
.Lfunc_end2:
_tile_overlayer_lowered:
.L_overlay_start_2:
0x27b: {  	(tag) =	ssettag $0x2  }
0x27c: {  	s0 =	rddreg [dreg:$0x0];
	s2 =	stileid.u32  }
0x27d: {  	s1 =	rddreg [dreg:$0x1];
	p0 =	sne.s32 s2, $0x0  }
0x27e: {  	s3 =	rddreg [dreg:$0x2];
	[bflag:$0x3] =	sbarrier.arrive $0xFFFF;
	s2 =	simm.s32 @!p0 $0x1C05  }
0x27f: {  	[timem:s3], [sflag:s2] =	dma.local @!p0 [hbm:s0], s1  }
0x280: {  	s0 =	simm.s32 @!p0 $0x5  }
0x281: {  	_ =	swait.ge @!p0 [sflag:s0], s1  }
0x282: {  	s1 =	ssub.s32 @!p0 $0x0, s1;
	[sflag:s0] =	ssyncset.done @!p0 $0x0  }
0x283: {  	[sflag:s0] =	ssyncadd.s32 @!p0 s1  }
0x284: {  	[bflag:$0x3] =	sbarrier.arrive $0xFFFF  }
0x285: {  	_ =	shalt  }

</sc_bundles>
